<compile_context>
chip_gen: v7x
topology: tpu7x:2x2x1
jax: 0.10.2.dev20260603
libtpu: 0.0.44.dev20260713+nightly
codegen_flags: <defaults>
</compile_context>

<pallas_src>
import functools

import jax
import jax.numpy as jnp
from jax import lax
from jax.experimental import pallas as pl
from jax.experimental.pallas import tpu as pltpu
from jax.experimental.pallas import tpu_sc as plsc

N = 10000
E = 320000
D = 128
H = 16
C = 40

L = 16
NC = 2
NS = 16
NW = NC * NS
K = 128
NBUF = 8
EPW = E // NW
T = NBUF * (-(-EPW // (K * NBUF)))
TAIL = T * K - EPW
ACC_ROWS = 10112
RPS = ACC_ROWS // NS


def _spmm_sc(x, edge_index, fuse_relu_combine):
    mesh = plsc.VectorSubcoreMesh(
        core_axis_name="c", subcore_axis_name="s",
        num_cores=NC, num_subcores=NS)

    @functools.partial(
        pl.kernel,
        out_type=jax.ShapeDtypeStruct((NC, ACC_ROWS, L), jnp.float32),
        mesh=mesh,
        compiler_params=pltpu.CompilerParams(use_tc_tiling_on_sc=False),
        scratch_types=[
            pltpu.VMEM((2, T * K), jnp.int32),
            pltpu.VMEM((NBUF, K, L), jnp.float32),
            pltpu.VMEM((RPS, L), jnp.float32),
            pltpu.VMEM((RPS, L), jnp.float32),
            pltpu.VMEM((RPS, L), jnp.float32),
            pltpu.VMEM_SHARED((ACC_ROWS, L), jnp.float32),
            pltpu.VMEM_SHARED((N, L), jnp.float32),
            [pltpu.SemaphoreType.DMA] * NBUF,
            [pltpu.SemaphoreType.DMA] * NBUF,
        ],
    )
    def body(x_hbm, idx_hbm, out_hbm,
             idx_v, rows, zbuf, sta, stb, acc, x_sp, gsems, ssems):
        cid = lax.axis_index("c")
        sid = lax.axis_index("s")
        wid = sid * NC + cid
        base = sid * RPS
        xrows = N // NS
        src_ss = idx_hbm.at[pl.ds(wid * EPW, EPW)]
        dst_ss = idx_hbm.at[pl.ds(E + wid * EPW, EPW)]
        pltpu.async_copy(src_ss, idx_v.at[0, pl.ds(0, EPW)], gsems[0])
        pltpu.async_copy(dst_ss, idx_v.at[1, pl.ds(0, EPW)], gsems[1])
        if fuse_relu_combine:
            xa = x_hbm.at[0, pl.ds(sid * xrows, xrows)]
            xb = x_hbm.at[1, pl.ds(sid * xrows, xrows)]
            pltpu.async_copy(xa, sta.at[pl.ds(0, xrows)], gsems[2])
            pltpu.async_copy(xb, stb.at[pl.ds(0, xrows)], gsems[3])
        else:
            xa = x_hbm.at[pl.ds(sid * xrows, xrows)]
            pltpu.async_copy(xa, x_sp.at[pl.ds(sid * xrows, xrows)], gsems[2])
        for j in range(EPW, T * K, L):
            idx_v[0, pl.ds(j, L)] = jnp.zeros((L,), jnp.int32)
            idx_v[1, pl.ds(j, L)] = jnp.full((L,), N, jnp.int32)

        def src_v(t):
            return idx_v.at[0, pl.ds(t * K, K)]

        def dst_v(t):
            return idx_v.at[1, pl.ds(t * K, K)]
        def zrow(i, carry):
            zbuf[i, :] = jnp.zeros((L,), jnp.float32)
            return carry
        lax.fori_loop(0, RPS, zrow, 0)
        pltpu.make_async_copy(src_ss, idx_v.at[0, pl.ds(0, EPW)],
                              gsems[0]).wait()
        pltpu.make_async_copy(dst_ss, idx_v.at[1, pl.ds(0, EPW)],
                              gsems[1]).wait()
        if fuse_relu_combine:
            pltpu.make_async_copy(xa, sta.at[pl.ds(0, xrows)],
                                  gsems[2]).wait()
            pltpu.make_async_copy(xb, stb.at[pl.ds(0, xrows)],
                                  gsems[3]).wait()

            def rrow(i, carry):
                sta[i, :] = jnp.maximum(sta[i, :] + stb[i, :], 0.0)
                return carry
            lax.fori_loop(0, xrows, rrow, 0)
            pltpu.sync_copy(sta.at[pl.ds(0, xrows)],
                            x_sp.at[pl.ds(sid * xrows, xrows)])
        else:
            pltpu.make_async_copy(xa, x_sp.at[pl.ds(sid * xrows, xrows)],
                                  gsems[2]).wait()
        pltpu.sync_copy(zbuf, acc.at[pl.ds(base, RPS)])
        plsc.subcore_barrier()

        for b in range(NBUF - 1):
            pltpu.async_copy(x_sp.at[src_v(b)], rows.at[b], gsems[b])

        def outer(tg, carry):
            for b in range(NBUF):
                t = tg * NBUF + b
                nxt = t + NBUF - 1
                nb = (b - 1) % NBUF

                @pl.when((nxt < T) & (t > 0))
                def _():
                    pltpu.make_async_copy(rows.at[nb],
                                          acc.at[dst_v(t - 1)],
                                          ssems[nb]).wait()

                @pl.when(nxt < T)
                def _():
                    pltpu.async_copy(x_sp.at[src_v(nxt)], rows.at[nb],
                                     gsems[nb])
                pltpu.make_async_copy(x_sp.at[src_v(t)], rows.at[b],
                                      gsems[b]).wait()
                pltpu.async_copy(rows.at[b], acc.at[dst_v(t)], ssems[b],
                                 add=True)
            return carry

        lax.fori_loop(0, T // NBUF, outer, 0)
        for b in range(NBUF):
            pltpu.make_async_copy(rows.at[b],
                                  acc.at[dst_v(T - NBUF + b)],
                                  ssems[b]).wait()
        plsc.subcore_barrier()
        pltpu.sync_copy(acc.at[pl.ds(base, RPS)],
                        out_hbm.at[cid, pl.ds(base, RPS)])

    return body(x, edge_index)


def _mm1(features, W1):
    def body(f_ref, w_ref, o_ref):
        o_ref[...] = jnp.dot(f_ref[...], w_ref[...],
                             preferred_element_type=jnp.float32)
    return pl.pallas_call(
        body, out_shape=jax.ShapeDtypeStruct((N, H), jnp.float32),
    )(features, W1)


def _out_head(z, W2):
    def body(z_ref, w_ref, o_ref):
        q = jnp.dot(z_ref[0] + z_ref[1], w_ref[...],
                    preferred_element_type=jnp.float32)
        m = jnp.max(q, axis=1, keepdims=True)
        lse = m + jnp.log(jnp.sum(jnp.exp(q - m), axis=1, keepdims=True))
        o_ref[...] = (q - lse)[:N]
    return pl.pallas_call(
        body, out_shape=jax.ShapeDtypeStruct((N, C), jnp.float32),
    )(z, W2)


def kernel(features, edge_index, W1, W2):
    edge_flat = edge_index.reshape(2 * E)
    y = _mm1(features, W1)
    z1 = _spmm_sc(y, edge_flat, False)
    z2 = _spmm_sc(z1, edge_flat, True)
    return _out_head(z2, W2)

# --- scband reference (transcript-rebuilt; emitter-appended) ---
"""Pipeline reference for scband-gcn-8057358648366 (READ-ONLY COPY).

The authoritative reference and input builder live on the scoring server;
editing this copy changes nothing except your own understanding.
"""

import jax, jax.numpy as jnp
import numpy as np

N = 10000
E = 320000
D = 128
H = 16
C = 40


def setup_inputs(seed: int = 0) -> dict:
    key = jax.random.key(seed)
    k1, k2, k3, k4 = jax.random.split(key, 4)
    features = jax.random.normal(k1, (N, D), dtype=jnp.float32)
    edge_index = jax.random.randint(k2, (2, E), 0, N, dtype=jnp.int32)
    # parameters initialized like torch.rand in the original module
    W1 = jax.random.uniform(k3, (D, H), dtype=jnp.float32)
    W2 = jax.random.uniform(k4, (H, C), dtype=jnp.float32)
    return {"features": features, "edge_index": edge_index, "W1": W1, "W2": W2}


def reference(features, edge_index, W1, W2):
    # The distributed broadcast + spmm loop over ranks collectively computes
    # z = A @ x where A is the full sparse adjacency. We replicate that as a
    # single scatter-add SpMM over the COO edge list.
    src = edge_index[0]
    dst = edge_index[1]

    def spmm(x):
        gathered = jnp.take(x, src, axis=0)
        return jnp.zeros((N, x.shape[1]), dtype=x.dtype).at[dst].add(gathered)

    # Layer 1: z = A @ x; h = relu(z @ W1)
    h = jax.nn.relu(jnp.matmul(spmm(features), W1))
    # Layer 2: z2 = A @ h; out = z2 @ W2
    out = jnp.matmul(spmm(h), W2)
    return jax.nn.log_softmax(out, axis=1)

if __name__ == "__main__":
    import jax
    _d = setup_inputs()
    print(jax.jit(kernel)(*tuple(_d.values())))

</pallas_src>

<mosaic_0001>
#map = affine_map<(d0, d1) -> (0, 0, 0)>
#map1 = affine_map<(d0, d1) -> (0)>
module attributes {stable_mosaic.version = 14 : i64} {
  func.func @body(%arg0: i32, %arg1: i32, %arg2: memref<2x10112x16xf32, #tpu.memory_space<hbm>>, %arg3: memref<640000xi32, #tpu.memory_space<hbm>>, %arg4: memref<2x10112x16xf32, #tpu.memory_space<hbm>>, %arg5: memref<2x10240xi32, #tpu.memory_space<vmem>>, %arg6: memref<8x128x16xf32, #tpu.memory_space<vmem>>, %arg7: memref<632x16xf32, #tpu.memory_space<vmem>>, %arg8: memref<632x16xf32, #tpu.memory_space<vmem>>, %arg9: memref<632x16xf32, #tpu.memory_space<vmem>>, %arg10: memref<10112x16xf32, #tpu.memory_space<vmem_shared>>, %arg11: memref<10000x16xf32, #tpu.memory_space<vmem_shared>>, %arg12: memref<!tpu.dma_semaphore, #tpu.memory_space<semaphore_mem>>, %arg13: memref<!tpu.dma_semaphore, #tpu.memory_space<semaphore_mem>>, %arg14: memref<!tpu.dma_semaphore, #tpu.memory_space<semaphore_mem>>, %arg15: memref<!tpu.dma_semaphore, #tpu.memory_space<semaphore_mem>>, %arg16: memref<!tpu.dma_semaphore, #tpu.memory_space<semaphore_mem>>, %arg17: memref<!tpu.dma_semaphore, #tpu.memory_space<semaphore_mem>>, %arg18: memref<!tpu.dma_semaphore, #tpu.memory_space<semaphore_mem>>, %arg19: memref<!tpu.dma_semaphore, #tpu.memory_space<semaphore_mem>>, %arg20: memref<!tpu.dma_semaphore, #tpu.memory_space<semaphore_mem>>, %arg21: memref<!tpu.dma_semaphore, #tpu.memory_space<semaphore_mem>>, %arg22: memref<!tpu.dma_semaphore, #tpu.memory_space<semaphore_mem>>, %arg23: memref<!tpu.dma_semaphore, #tpu.memory_space<semaphore_mem>>, %arg24: memref<!tpu.dma_semaphore, #tpu.memory_space<semaphore_mem>>, %arg25: memref<!tpu.dma_semaphore, #tpu.memory_space<semaphore_mem>>, %arg26: memref<!tpu.dma_semaphore, #tpu.memory_space<semaphore_mem>>, %arg27: memref<!tpu.dma_semaphore, #tpu.memory_space<semaphore_mem>>) attributes {dimension_semantics = [#tpu.dimension_semantics<core_parallel>, #tpu.dimension_semantics<subcore_parallel>], iteration_bounds = array<i64: 2, 16>, scalar_prefetch = 0 : i64, scratch_operands = 23 : i64, tpu.core_type = #tpu.core_type<sc_vector_subcore>, window_params = [{transform_indices = #map}, {transform_indices = #map1}, {transform_indices = #map}]} {
    %mul3A = arith.constant 2 : i32
    %mul3A_0 = arith.muli %arg1, %mul3A : i32
    %add3A = arith.addi %mul3A_0, %arg0 : i32
    %mul3A_1 = arith.constant 632 : i32
    %mul3A_2 = arith.muli %arg1, %mul3A_1 : i32
    %mul3A_3 = arith.constant 10000 : i32
    %mul3A_4 = arith.muli %add3A, %mul3A_3 : i32
    %mul3A_5 = arith.constant 10000 : i32
    %mul3A_6 = arith.muli %add3A, %mul3A_5 : i32
    %add3A_7 = arith.constant 320000 : i32
    %add3A_8 = arith.addi %add3A_7, %mul3A_6 : i32
    %dma_start3A = arith.constant 0 : i32
    %dma_start3A_9 = arith.constant 0 : i32
    %dma_start3A_10 = tpu.memref_slice %arg5[%dma_start3A, %dma_start3A_9] : memref<2x10240xi32, #tpu.memory_space<vmem>> -> memref<1x10000xi32, #tpu.memory_space<vmem>>
    %dma_start3A_11 = tpu.memref_squeeze %dma_start3A_10 : memref<1x10000xi32, #tpu.memory_space<vmem>> -> memref<10000xi32, #tpu.memory_space<vmem>>
    %dma_start3A_12 = tpu.memref_slice %arg3[%mul3A_4] : memref<640000xi32, #tpu.memory_space<hbm>> -> memref<10000xi32, #tpu.memory_space<hbm>>
    %dma_start3A_13 = arith.constant 0 : i32
    %dma_start3A_14 = tpu.memref_slice %arg5[%dma_start3A, %dma_start3A_13] : memref<2x10240xi32, #tpu.memory_space<vmem>> -> memref<1x10000xi32, #tpu.memory_space<vmem>>
    %dma_start3A_15 = tpu.memref_squeeze %dma_start3A_14 : memref<1x10000xi32, #tpu.memory_space<vmem>> -> memref<10000xi32, #tpu.memory_space<vmem>>
    %dma_start3A_16 = tpu.memref_slice %arg3[%mul3A_4] : memref<640000xi32, #tpu.memory_space<hbm>> -> memref<10000xi32, #tpu.memory_space<hbm>>
    tpu.enqueue_dma source(%dma_start3A_16 : memref<10000xi32, #tpu.memory_space<hbm>>) target(%dma_start3A_15 : memref<10000xi32, #tpu.memory_space<vmem>>) target_semaphore(%arg12 : memref<!tpu.dma_semaphore, #tpu.memory_space<semaphore_mem>>)
    %dma_start3A_17 = arith.constant 1 : i32
    %dma_start3A_18 = arith.constant 0 : i32
    %dma_start3A_19 = tpu.memref_slice %arg5[%dma_start3A_17, %dma_start3A_18] : memref<2x10240xi32, #tpu.memory_space<vmem>> -> memref<1x10000xi32, #tpu.memory_space<vmem>>
    %dma_start3A_20 = tpu.memref_squeeze %dma_start3A_19 : memref<1x10000xi32, #tpu.memory_space<vmem>> -> memref<10000xi32, #tpu.memory_space<vmem>>
    %dma_start3A_21 = tpu.memref_slice %arg3[%add3A_8] : memref<640000xi32, #tpu.memory_space<hbm>> -> memref<10000xi32, #tpu.memory_space<hbm>>
    %dma_start3A_22 = arith.constant 0 : i32
    %dma_start3A_23 = tpu.memref_slice %arg5[%dma_start3A_17, %dma_start3A_22] : memref<2x10240xi32, #tpu.memory_space<vmem>> -> memref<1x10000xi32, #tpu.memory_space<vmem>>
    %dma_start3A_24 = tpu.memref_squeeze %dma_start3A_23 : memref<1x10000xi32, #tpu.memory_space<vmem>> -> memref<10000xi32, #tpu.memory_space<vmem>>
    %dma_start3A_25 = tpu.memref_slice %arg3[%add3A_8] : memref<640000xi32, #tpu.memory_space<hbm>> -> memref<10000xi32, #tpu.memory_space<hbm>>
    tpu.enqueue_dma source(%dma_start3A_25 : memref<10000xi32, #tpu.memory_space<hbm>>) target(%dma_start3A_24 : memref<10000xi32, #tpu.memory_space<vmem>>) target_semaphore(%arg13 : memref<!tpu.dma_semaphore, #tpu.memory_space<semaphore_mem>>)
    %mul3A_26 = arith.constant 625 : i32
    %mul3A_27 = arith.muli %arg1, %mul3A_26 : i32
    %mul3A_28 = arith.constant 625 : i32
    %mul3A_29 = arith.muli %arg1, %mul3A_28 : i32
    %dma_start3A_30 = arith.constant 0 : i32
    %dma_start3A_31 = arith.constant 0 : i32
    %dma_start3A_32 = arith.constant 0 : i32
    %dma_start3A_33 = tpu.memref_slice %arg8[%dma_start3A_31, %dma_start3A_32] : memref<632x16xf32, #tpu.memory_space<vmem>> -> memref<625x16xf32, #tpu.memory_space<vmem>>
    %dma_start3A_34 = arith.constant 0 : i32
    %dma_start3A_35 = tpu.memref_slice %arg2[%dma_start3A_30, %mul3A_27, %dma_start3A_34] : memref<2x10112x16xf32, #tpu.memory_space<hbm>> -> memref<1x625x16xf32, #tpu.memory_space<hbm>>
    %dma_start3A_36 = tpu.memref_squeeze %dma_start3A_35 : memref<1x625x16xf32, #tpu.memory_space<hbm>> -> memref<625x16xf32, #tpu.memory_space<hbm>>
    %dma_start3A_37 = arith.constant 0 : i32
    %dma_start3A_38 = arith.constant 0 : i32
    %dma_start3A_39 = tpu.memref_slice %arg8[%dma_start3A_37, %dma_start3A_38] : memref<632x16xf32, #tpu.memory_space<vmem>> -> memref<625x16xf32, #tpu.memory_space<vmem>>
    %dma_start3A_40 = arith.constant 0 : i32
    %dma_start3A_41 = tpu.memref_slice %arg2[%dma_start3A_30, %mul3A_27, %dma_start3A_40] : memref<2x10112x16xf32, #tpu.memory_space<hbm>> -> memref<1x625x16xf32, #tpu.memory_space<hbm>>
    %dma_start3A_42 = tpu.memref_squeeze %dma_start3A_41 : memref<1x625x16xf32, #tpu.memory_space<hbm>> -> memref<625x16xf32, #tpu.memory_space<hbm>>
    tpu.enqueue_dma source(%dma_start3A_42 : memref<625x16xf32, #tpu.memory_space<hbm>>) target(%dma_start3A_39 : memref<625x16xf32, #tpu.memory_space<vmem>>) target_semaphore(%arg14 : memref<!tpu.dma_semaphore, #tpu.memory_space<semaphore_mem>>)
    %dma_start3A_43 = arith.constant 1 : i32
    %dma_start3A_44 = arith.constant 0 : i32
    %dma_start3A_45 = arith.constant 0 : i32
    %dma_start3A_46 = tpu.memref_slice %arg9[%dma_start3A_44, %dma_start3A_45] : memref<632x16xf32, #tpu.memory_space<vmem>> -> memref<625x16xf32, #tpu.memory_space<vmem>>
    %dma_start3A_47 = arith.constant 0 : i32
    %dma_start3A_48 = tpu.memref_slice %arg2[%dma_start3A_43, %mul3A_29, %dma_start3A_47] : memref<2x10112x16xf32, #tpu.memory_space<hbm>> -> memref<1x625x16xf32, #tpu.memory_space<hbm>>
    %dma_start3A_49 = tpu.memref_squeeze %dma_start3A_48 : memref<1x625x16xf32, #tpu.memory_space<hbm>> -> memref<625x16xf32, #tpu.memory_space<hbm>>
    %dma_start3A_50 = arith.constant 0 : i32
    %dma_start3A_51 = arith.constant 0 : i32
    %dma_start3A_52 = tpu.memref_slice %arg9[%dma_start3A_50, %dma_start3A_51] : memref<632x16xf32, #tpu.memory_space<vmem>> -> memref<625x16xf32, #tpu.memory_space<vmem>>
    %dma_start3A_53 = arith.constant 0 : i32
    %dma_start3A_54 = tpu.memref_slice %arg2[%dma_start3A_43, %mul3A_29, %dma_start3A_53] : memref<2x10112x16xf32, #tpu.memory_space<hbm>> -> memref<1x625x16xf32, #tpu.memory_space<hbm>>
    %dma_start3A_55 = tpu.memref_squeeze %dma_start3A_54 : memref<1x625x16xf32, #tpu.memory_space<hbm>> -> memref<625x16xf32, #tpu.memory_space<hbm>>
    tpu.enqueue_dma source(%dma_start3A_55 : memref<625x16xf32, #tpu.memory_space<hbm>>) target(%dma_start3A_52 : memref<625x16xf32, #tpu.memory_space<vmem>>) target_semaphore(%arg15 : memref<!tpu.dma_semaphore, #tpu.memory_space<semaphore_mem>>)
    %broadcast_in_dim3A = arith.constant 0 : i32
    %broadcast_in_dim3A_56 = vector.broadcast %broadcast_in_dim3A : i32 to vector<16xi32>
    %swap3A = arith.constant 0 : i32
    %swap3A_57 = arith.index_cast %swap3A : i32 to index
    %swap3A_58 = arith.constant 10000 : index
    %swap3A_59 = tpu.vector_load %arg5[%swap3A_57, %swap3A_58] {strides = array<i32>} : memref<2x10240xi32, #tpu.memory_space<vmem>>, vector<1x16xi32>,
    %swap3A_60 = vector.shape_cast %swap3A_59 : vector<1x16xi32> to vector<16xi32>
    %swap3A_61 = vector.shape_cast %broadcast_in_dim3A_56 : vector<16xi32> to vector<1x16xi32>
    tpu.vector_store %arg5[%swap3A_57, %swap3A_58], %swap3A_61 {strides = array<i32>} : memref<2x10240xi32, #tpu.memory_space<vmem>>, vector<1x16xi32>,
    %broadcast_in_dim3A_62 = arith.constant 10000 : i32
    %broadcast_in_dim3A_63 = vector.broadcast %broadcast_in_dim3A_62 : i32 to vector<16xi32>
    %swap3A_64 = arith.constant 1 : i32
    %swap3A_65 = arith.index_cast %swap3A_64 : i32 to index
    %swap3A_66 = arith.constant 10000 : index
    %swap3A_67 = tpu.vector_load %arg5[%swap3A_65, %swap3A_66] {strides = array<i32>} : memref<2x10240xi32, #tpu.memory_space<vmem>>, vector<1x16xi32>,
    %swap3A_68 = vector.shape_cast %swap3A_67 : vector<1x16xi32> to vector<16xi32>
    %swap3A_69 = vector.shape_cast %broadcast_in_dim3A_63 : vector<16xi32> to vector<1x16xi32>
    tpu.vector_store %arg5[%swap3A_65, %swap3A_66], %swap3A_69 {strides = array<i32>} : memref<2x10240xi32, #tpu.memory_space<vmem>>, vector<1x16xi32>,
    %broadcast_in_dim3A_70 = arith.constant 0 : i32
    %broadcast_in_dim3A_71 = vector.broadcast %broadcast_in_dim3A_70 : i32 to vector<16xi32>
    %swap3A_72 = arith.constant 0 : i32
    %swap3A_73 = arith.index_cast %swap3A_72 : i32 to index
    %swap3A_74 = arith.constant 10016 : index
    %swap3A_75 = tpu.vector_load %arg5[%swap3A_73, %swap3A_74] {strides = array<i32>} : memref<2x10240xi32, #tpu.memory_space<vmem>>, vector<1x16xi32>,
    %swap3A_76 = vector.shape_cast %swap3A_75 : vector<1x16xi32> to vector<16xi32>
    %swap3A_77 = vector.shape_cast %broadcast_in_dim3A_71 : vector<16xi32> to vector<1x16xi32>
    tpu.vector_store %arg5[%swap3A_73, %swap3A_74], %swap3A_77 {strides = array<i32>} : memref<2x10240xi32, #tpu.memory_space<vmem>>, vector<1x16xi32>,
    %broadcast_in_dim3A_78 = arith.constant 10000 : i32
    %broadcast_in_dim3A_79 = vector.broadcast %broadcast_in_dim3A_78 : i32 to vector<16xi32>
    %swap3A_80 = arith.constant 1 : i32
    %swap3A_81 = arith.index_cast %swap3A_80 : i32 to index
    %swap3A_82 = arith.constant 10016 : index
    %swap3A_83 = tpu.vector_load %arg5[%swap3A_81, %swap3A_82] {strides = array<i32>} : memref<2x10240xi32, #tpu.memory_space<vmem>>, vector<1x16xi32>,
    %swap3A_84 = vector.shape_cast %swap3A_83 : vector<1x16xi32> to vector<16xi32>
    %swap3A_85 = vector.shape_cast %broadcast_in_dim3A_79 : vector<16xi32> to vector<1x16xi32>
    tpu.vector_store %arg5[%swap3A_81, %swap3A_82], %swap3A_85 {strides = array<i32>} : memref<2x10240xi32, #tpu.memory_space<vmem>>, vector<1x16xi32>,
    %broadcast_in_dim3A_86 = arith.constant 0 : i32
    %broadcast_in_dim3A_87 = vector.broadcast %broadcast_in_dim3A_86 : i32 to vector<16xi32>
    %swap3A_88 = arith.constant 0 : i32
    %swap3A_89 = arith.index_cast %swap3A_88 : i32 to index
    %swap3A_90 = arith.constant 10032 : index
    %swap3A_91 = tpu.vector_load %arg5[%swap3A_89, %swap3A_90] {strides = array<i32>} : memref<2x10240xi32, #tpu.memory_space<vmem>>, vector<1x16xi32>,
    %swap3A_92 = vector.shape_cast %swap3A_91 : vector<1x16xi32> to vector<16xi32>
    %swap3A_93 = vector.shape_cast %broadcast_in_dim3A_87 : vector<16xi32> to vector<1x16xi32>
    tpu.vector_store %arg5[%swap3A_89, %swap3A_90], %swap3A_93 {strides = array<i32>} : memref<2x10240xi32, #tpu.memory_space<vmem>>, vector<1x16xi32>,
    %broadcast_in_dim3A_94 = arith.constant 10000 : i32
    %broadcast_in_dim3A_95 = vector.broadcast %broadcast_in_dim3A_94 : i32 to vector<16xi32>
    %swap3A_96 = arith.constant 1 : i32
    %swap3A_97 = arith.index_cast %swap3A_96 : i32 to index
    %swap3A_98 = arith.constant 10032 : index
    %swap3A_99 = tpu.vector_load %arg5[%swap3A_97, %swap3A_98] {strides = array<i32>} : memref<2x10240xi32, #tpu.memory_space<vmem>>, vector<1x16xi32>,
    %swap3A_100 = vector.shape_cast %swap3A_99 : vector<1x16xi32> to vector<16xi32>
    %swap3A_101 = vector.shape_cast %broadcast_in_dim3A_95 : vector<16xi32> to vector<1x16xi32>
    tpu.vector_store %arg5[%swap3A_97, %swap3A_98], %swap3A_101 {strides = array<i32>} : memref<2x10240xi32, #tpu.memory_space<vmem>>, vector<1x16xi32>,
    %broadcast_in_dim3A_102 = arith.constant 0 : i32
    %broadcast_in_dim3A_103 = vector.broadcast %broadcast_in_dim3A_102 : i32 to vector<16xi32>
    %swap3A_104 = arith.constant 0 : i32
    %swap3A_105 = arith.index_cast %swap3A_104 : i32 to index
    %swap3A_106 = arith.constant 10048 : index
    %swap3A_107 = tpu.vector_load %arg5[%swap3A_105, %swap3A_106] {strides = array<i32>} : memref<2x10240xi32, #tpu.memory_space<vmem>>, vector<1x16xi32>,
    %swap3A_108 = vector.shape_cast %swap3A_107 : vector<1x16xi32> to vector<16xi32>
    %swap3A_109 = vector.shape_cast %broadcast_in_dim3A_103 : vector<16xi32> to vector<1x16xi32>
    tpu.vector_store %arg5[%swap3A_105, %swap3A_106], %swap3A_109 {strides = array<i32>} : memref<2x10240xi32, #tpu.memory_space<vmem>>, vector<1x16xi32>,
    %broadcast_in_dim3A_110 = arith.constant 10000 : i32
    %broadcast_in_dim3A_111 = vector.broadcast %broadcast_in_dim3A_110 : i32 to vector<16xi32>
    %swap3A_112 = arith.constant 1 : i32
    %swap3A_113 = arith.index_cast %swap3A_112 : i32 to index
    %swap3A_114 = arith.constant 10048 : index
    %swap3A_115 = tpu.vector_load %arg5[%swap3A_113, %swap3A_114] {strides = array<i32>} : memref<2x10240xi32, #tpu.memory_space<vmem>>, vector<1x16xi32>,
    %swap3A_116 = vector.shape_cast %swap3A_115 : vector<1x16xi32> to vector<16xi32>
    %swap3A_117 = vector.shape_cast %broadcast_in_dim3A_111 : vector<16xi32> to vector<1x16xi32>
    tpu.vector_store %arg5[%swap3A_113, %swap3A_114], %swap3A_117 {strides = array<i32>} : memref<2x10240xi32, #tpu.memory_space<vmem>>, vector<1x16xi32>,
    %broadcast_in_dim3A_118 = arith.constant 0 : i32
    %broadcast_in_dim3A_119 = vector.broadcast %broadcast_in_dim3A_118 : i32 to vector<16xi32>
    %swap3A_120 = arith.constant 0 : i32
    %swap3A_121 = arith.index_cast %swap3A_120 : i32 to index
    %swap3A_122 = arith.constant 10064 : index
    %swap3A_123 = tpu.vector_load %arg5[%swap3A_121, %swap3A_122] {strides = array<i32>} : memref<2x10240xi32, #tpu.memory_space<vmem>>, vector<1x16xi32>,
    %swap3A_124 = vector.shape_cast %swap3A_123 : vector<1x16xi32> to vector<16xi32>
    %swap3A_125 = vector.shape_cast %broadcast_in_dim3A_119 : vector<16xi32> to vector<1x16xi32>
    tpu.vector_store %arg5[%swap3A_121, %swap3A_122], %swap3A_125 {strides = array<i32>} : memref<2x10240xi32, #tpu.memory_space<vmem>>, vector<1x16xi32>,
    %broadcast_in_dim3A_126 = arith.constant 10000 : i32
    %broadcast_in_dim3A_127 = vector.broadcast %broadcast_in_dim3A_126 : i32 to vector<16xi32>
    %swap3A_128 = arith.constant 1 : i32
    %swap3A_129 = arith.index_cast %swap3A_128 : i32 to index
    %swap3A_130 = arith.constant 10064 : index
    %swap3A_131 = tpu.vector_load %arg5[%swap3A_129, %swap3A_130] {strides = array<i32>} : memref<2x10240xi32, #tpu.memory_space<vmem>>, vector<1x16xi32>,
    %swap3A_132 = vector.shape_cast %swap3A_131 : vector<1x16xi32> to vector<16xi32>
    %swap3A_133 = vector.shape_cast %broadcast_in_dim3A_127 : vector<16xi32> to vector<1x16xi32>
    tpu.vector_store %arg5[%swap3A_129, %swap3A_130], %swap3A_133 {strides = array<i32>} : memref<2x10240xi32, #tpu.memory_space<vmem>>, vector<1x16xi32>,
    %broadcast_in_dim3A_134 = arith.constant 0 : i32
    %broadcast_in_dim3A_135 = vector.broadcast %broadcast_in_dim3A_134 : i32 to vector<16xi32>
    %swap3A_136 = arith.constant 0 : i32
    %swap3A_137 = arith.index_cast %swap3A_136 : i32 to index
    %swap3A_138 = arith.constant 10080 : index
    %swap3A_139 = tpu.vector_load %arg5[%swap3A_137, %swap3A_138] {strides = array<i32>} : memref<2x10240xi32, #tpu.memory_space<vmem>>, vector<1x16xi32>,
    %swap3A_140 = vector.shape_cast %swap3A_139 : vector<1x16xi32> to vector<16xi32>
    %swap3A_141 = vector.shape_cast %broadcast_in_dim3A_135 : vector<16xi32> to vector<1x16xi32>
    tpu.vector_store %arg5[%swap3A_137, %swap3A_138], %swap3A_141 {strides = array<i32>} : memref<2x10240xi32, #tpu.memory_space<vmem>>, vector<1x16xi32>,
    %broadcast_in_dim3A_142 = arith.constant 10000 : i32
    %broadcast_in_dim3A_143 = vector.broadcast %broadcast_in_dim3A_142 : i32 to vector<16xi32>
    %swap3A_144 = arith.constant 1 : i32
    %swap3A_145 = arith.index_cast %swap3A_144 : i32 to index
    %swap3A_146 = arith.constant 10080 : index
    %swap3A_147 = tpu.vector_load %arg5[%swap3A_145, %swap3A_146] {strides = array<i32>} : memref<2x10240xi32, #tpu.memory_space<vmem>>, vector<1x16xi32>,
    %swap3A_148 = vector.shape_cast %swap3A_147 : vector<1x16xi32> to vector<16xi32>
    %swap3A_149 = vector.shape_cast %broadcast_in_dim3A_143 : vector<16xi32> to vector<1x16xi32>
    tpu.vector_store %arg5[%swap3A_145, %swap3A_146], %swap3A_149 {strides = array<i32>} : memref<2x10240xi32, #tpu.memory_space<vmem>>, vector<1x16xi32>,
    %broadcast_in_dim3A_150 = arith.constant 0 : i32
    %broadcast_in_dim3A_151 = vector.broadcast %broadcast_in_dim3A_150 : i32 to vector<16xi32>
    %swap3A_152 = arith.constant 0 : i32
    %swap3A_153 = arith.index_cast %swap3A_152 : i32 to index
    %swap3A_154 = arith.constant 10096 : index
    %swap3A_155 = tpu.vector_load %arg5[%swap3A_153, %swap3A_154] {strides = array<i32>} : memref<2x10240xi32, #tpu.memory_space<vmem>>, vector<1x16xi32>,
    %swap3A_156 = vector.shape_cast %swap3A_155 : vector<1x16xi32> to vector<16xi32>
    %swap3A_157 = vector.shape_cast %broadcast_in_dim3A_151 : vector<16xi32> to vector<1x16xi32>
    tpu.vector_store %arg5[%swap3A_153, %swap3A_154], %swap3A_157 {strides = array<i32>} : memref<2x10240xi32, #tpu.memory_space<vmem>>, vector<1x16xi32>,
    %broadcast_in_dim3A_158 = arith.constant 10000 : i32
    %broadcast_in_dim3A_159 = vector.broadcast %broadcast_in_dim3A_158 : i32 to vector<16xi32>
    %swap3A_160 = arith.constant 1 : i32
    %swap3A_161 = arith.index_cast %swap3A_160 : i32 to index
    %swap3A_162 = arith.constant 10096 : index
    %swap3A_163 = tpu.vector_load %arg5[%swap3A_161, %swap3A_162] {strides = array<i32>} : memref<2x10240xi32, #tpu.memory_space<vmem>>, vector<1x16xi32>,
    %swap3A_164 = vector.shape_cast %swap3A_163 : vector<1x16xi32> to vector<16xi32>
    %swap3A_165 = vector.shape_cast %broadcast_in_dim3A_159 : vector<16xi32> to vector<1x16xi32>
    tpu.vector_store %arg5[%swap3A_161, %swap3A_162], %swap3A_165 {strides = array<i32>} : memref<2x10240xi32, #tpu.memory_space<vmem>>, vector<1x16xi32>,
    %broadcast_in_dim3A_166 = arith.constant 0 : i32
    %broadcast_in_dim3A_167 = vector.broadcast %broadcast_in_dim3A_166 : i32 to vector<16xi32>
    %swap3A_168 = arith.constant 0 : i32
    %swap3A_169 = arith.index_cast %swap3A_168 : i32 to index
    %swap3A_170 = arith.constant 10112 : index
    %swap3A_171 = tpu.vector_load %arg5[%swap3A_169, %swap3A_170] {strides = array<i32>} : memref<2x10240xi32, #tpu.memory_space<vmem>>, vector<1x16xi32>,
    %swap3A_172 = vector.shape_cast %swap3A_171 : vector<1x16xi32> to vector<16xi32>
    %swap3A_173 = vector.shape_cast %broadcast_in_dim3A_167 : vector<16xi32> to vector<1x16xi32>
    tpu.vector_store %arg5[%swap3A_169, %swap3A_170], %swap3A_173 {strides = array<i32>} : memref<2x10240xi32, #tpu.memory_space<vmem>>, vector<1x16xi32>,
    %broadcast_in_dim3A_174 = arith.constant 10000 : i32
    %broadcast_in_dim3A_175 = vector.broadcast %broadcast_in_dim3A_174 : i32 to vector<16xi32>
    %swap3A_176 = arith.constant 1 : i32
    %swap3A_177 = arith.index_cast %swap3A_176 : i32 to index
    %swap3A_178 = arith.constant 10112 : index
    %swap3A_179 = tpu.vector_load %arg5[%swap3A_177, %swap3A_178] {strides = array<i32>} : memref<2x10240xi32, #tpu.memory_space<vmem>>, vector<1x16xi32>,
    %swap3A_180 = vector.shape_cast %swap3A_179 : vector<1x16xi32> to vector<16xi32>
    %swap3A_181 = vector.shape_cast %broadcast_in_dim3A_175 : vector<16xi32> to vector<1x16xi32>
    tpu.vector_store %arg5[%swap3A_177, %swap3A_178], %swap3A_181 {strides = array<i32>} : memref<2x10240xi32, #tpu.memory_space<vmem>>, vector<1x16xi32>,
    %broadcast_in_dim3A_182 = arith.constant 0 : i32
    %broadcast_in_dim3A_183 = vector.broadcast %broadcast_in_dim3A_182 : i32 to vector<16xi32>
    %swap3A_184 = arith.constant 0 : i32
    %swap3A_185 = arith.index_cast %swap3A_184 : i32 to index
    %swap3A_186 = arith.constant 10128 : index
    %swap3A_187 = tpu.vector_load %arg5[%swap3A_185, %swap3A_186] {strides = array<i32>} : memref<2x10240xi32, #tpu.memory_space<vmem>>, vector<1x16xi32>,
    %swap3A_188 = vector.shape_cast %swap3A_187 : vector<1x16xi32> to vector<16xi32>
    %swap3A_189 = vector.shape_cast %broadcast_in_dim3A_183 : vector<16xi32> to vector<1x16xi32>
    tpu.vector_store %arg5[%swap3A_185, %swap3A_186], %swap3A_189 {strides = array<i32>} : memref<2x10240xi32, #tpu.memory_space<vmem>>, vector<1x16xi32>,
    %broadcast_in_dim3A_190 = arith.constant 10000 : i32
    %broadcast_in_dim3A_191 = vector.broadcast %broadcast_in_dim3A_190 : i32 to vector<16xi32>
    %swap3A_192 = arith.constant 1 : i32
    %swap3A_193 = arith.index_cast %swap3A_192 : i32 to index
    %swap3A_194 = arith.constant 10128 : index
    %swap3A_195 = tpu.vector_load %arg5[%swap3A_193, %swap3A_194] {strides = array<i32>} : memref<2x10240xi32, #tpu.memory_space<vmem>>, vector<1x16xi32>,
    %swap3A_196 = vector.shape_cast %swap3A_195 : vector<1x16xi32> to vector<16xi32>
    %swap3A_197 = vector.shape_cast %broadcast_in_dim3A_191 : vector<16xi32> to vector<1x16xi32>
    tpu.vector_store %arg5[%swap3A_193, %swap3A_194], %swap3A_197 {strides = array<i32>} : memref<2x10240xi32, #tpu.memory_space<vmem>>, vector<1x16xi32>,
    %broadcast_in_dim3A_198 = arith.constant 0 : i32
    %broadcast_in_dim3A_199 = vector.broadcast %broadcast_in_dim3A_198 : i32 to vector<16xi32>
    %swap3A_200 = arith.constant 0 : i32
    %swap3A_201 = arith.index_cast %swap3A_200 : i32 to index
    %swap3A_202 = arith.constant 10144 : index
    %swap3A_203 = tpu.vector_load %arg5[%swap3A_201, %swap3A_202] {strides = array<i32>} : memref<2x10240xi32, #tpu.memory_space<vmem>>, vector<1x16xi32>,
    %swap3A_204 = vector.shape_cast %swap3A_203 : vector<1x16xi32> to vector<16xi32>
    %swap3A_205 = vector.shape_cast %broadcast_in_dim3A_199 : vector<16xi32> to vector<1x16xi32>
    tpu.vector_store %arg5[%swap3A_201, %swap3A_202], %swap3A_205 {strides = array<i32>} : memref<2x10240xi32, #tpu.memory_space<vmem>>, vector<1x16xi32>,
    %broadcast_in_dim3A_206 = arith.constant 10000 : i32
    %broadcast_in_dim3A_207 = vector.broadcast %broadcast_in_dim3A_206 : i32 to vector<16xi32>
    %swap3A_208 = arith.constant 1 : i32
    %swap3A_209 = arith.index_cast %swap3A_208 : i32 to index
    %swap3A_210 = arith.constant 10144 : index
    %swap3A_211 = tpu.vector_load %arg5[%swap3A_209, %swap3A_210] {strides = array<i32>} : memref<2x10240xi32, #tpu.memory_space<vmem>>, vector<1x16xi32>,
    %swap3A_212 = vector.shape_cast %swap3A_211 : vector<1x16xi32> to vector<16xi32>
    %swap3A_213 = vector.shape_cast %broadcast_in_dim3A_207 : vector<16xi32> to vector<1x16xi32>
    tpu.vector_store %arg5[%swap3A_209, %swap3A_210], %swap3A_213 {strides = array<i32>} : memref<2x10240xi32, #tpu.memory_space<vmem>>, vector<1x16xi32>,
    %broadcast_in_dim3A_214 = arith.constant 0 : i32
    %broadcast_in_dim3A_215 = vector.broadcast %broadcast_in_dim3A_214 : i32 to vector<16xi32>
    %swap3A_216 = arith.constant 0 : i32
    %swap3A_217 = arith.index_cast %swap3A_216 : i32 to index
    %swap3A_218 = arith.constant 10160 : index
    %swap3A_219 = tpu.vector_load %arg5[%swap3A_217, %swap3A_218] {strides = array<i32>} : memref<2x10240xi32, #tpu.memory_space<vmem>>, vector<1x16xi32>,
    %swap3A_220 = vector.shape_cast %swap3A_219 : vector<1x16xi32> to vector<16xi32>
    %swap3A_221 = vector.shape_cast %broadcast_in_dim3A_215 : vector<16xi32> to vector<1x16xi32>
    tpu.vector_store %arg5[%swap3A_217, %swap3A_218], %swap3A_221 {strides = array<i32>} : memref<2x10240xi32, #tpu.memory_space<vmem>>, vector<1x16xi32>,
    %broadcast_in_dim3A_222 = arith.constant 10000 : i32
    %broadcast_in_dim3A_223 = vector.broadcast %broadcast_in_dim3A_222 : i32 to vector<16xi32>
    %swap3A_224 = arith.constant 1 : i32
    %swap3A_225 = arith.index_cast %swap3A_224 : i32 to index
    %swap3A_226 = arith.constant 10160 : index
    %swap3A_227 = tpu.vector_load %arg5[%swap3A_225, %swap3A_226] {strides = array<i32>} : memref<2x10240xi32, #tpu.memory_space<vmem>>, vector<1x16xi32>,
    %swap3A_228 = vector.shape_cast %swap3A_227 : vector<1x16xi32> to vector<16xi32>
    %swap3A_229 = vector.shape_cast %broadcast_in_dim3A_223 : vector<16xi32> to vector<1x16xi32>
    tpu.vector_store %arg5[%swap3A_225, %swap3A_226], %swap3A_229 {strides = array<i32>} : memref<2x10240xi32, #tpu.memory_space<vmem>>, vector<1x16xi32>,
    %broadcast_in_dim3A_230 = arith.constant 0 : i32
    %broadcast_in_dim3A_231 = vector.broadcast %broadcast_in_dim3A_230 : i32 to vector<16xi32>
    %swap3A_232 = arith.constant 0 : i32
    %swap3A_233 = arith.index_cast %swap3A_232 : i32 to index
    %swap3A_234 = arith.constant 10176 : index
    %swap3A_235 = tpu.vector_load %arg5[%swap3A_233, %swap3A_234] {strides = array<i32>} : memref<2x10240xi32, #tpu.memory_space<vmem>>, vector<1x16xi32>,
    %swap3A_236 = vector.shape_cast %swap3A_235 : vector<1x16xi32> to vector<16xi32>
    %swap3A_237 = vector.shape_cast %broadcast_in_dim3A_231 : vector<16xi32> to vector<1x16xi32>
    tpu.vector_store %arg5[%swap3A_233, %swap3A_234], %swap3A_237 {strides = array<i32>} : memref<2x10240xi32, #tpu.memory_space<vmem>>, vector<1x16xi32>,
    %broadcast_in_dim3A_238 = arith.constant 10000 : i32
    %broadcast_in_dim3A_239 = vector.broadcast %broadcast_in_dim3A_238 : i32 to vector<16xi32>
    %swap3A_240 = arith.constant 1 : i32
    %swap3A_241 = arith.index_cast %swap3A_240 : i32 to index
    %swap3A_242 = arith.constant 10176 : index
    %swap3A_243 = tpu.vector_load %arg5[%swap3A_241, %swap3A_242] {strides = array<i32>} : memref<2x10240xi32, #tpu.memory_space<vmem>>, vector<1x16xi32>,
    %swap3A_244 = vector.shape_cast %swap3A_243 : vector<1x16xi32> to vector<16xi32>
    %swap3A_245 = vector.shape_cast %broadcast_in_dim3A_239 : vector<16xi32> to vector<1x16xi32>
    tpu.vector_store %arg5[%swap3A_241, %swap3A_242], %swap3A_245 {strides = array<i32>} : memref<2x10240xi32, #tpu.memory_space<vmem>>, vector<1x16xi32>,
    %broadcast_in_dim3A_246 = arith.constant 0 : i32
    %broadcast_in_dim3A_247 = vector.broadcast %broadcast_in_dim3A_246 : i32 to vector<16xi32>
    %swap3A_248 = arith.constant 0 : i32
    %swap3A_249 = arith.index_cast %swap3A_248 : i32 to index
    %swap3A_250 = arith.constant 10192 : index
    %swap3A_251 = tpu.vector_load %arg5[%swap3A_249, %swap3A_250] {strides = array<i32>} : memref<2x10240xi32, #tpu.memory_space<vmem>>, vector<1x16xi32>,
    %swap3A_252 = vector.shape_cast %swap3A_251 : vector<1x16xi32> to vector<16xi32>
    %swap3A_253 = vector.shape_cast %broadcast_in_dim3A_247 : vector<16xi32> to vector<1x16xi32>
    tpu.vector_store %arg5[%swap3A_249, %swap3A_250], %swap3A_253 {strides = array<i32>} : memref<2x10240xi32, #tpu.memory_space<vmem>>, vector<1x16xi32>,
    %broadcast_in_dim3A_254 = arith.constant 10000 : i32
    %broadcast_in_dim3A_255 = vector.broadcast %broadcast_in_dim3A_254 : i32 to vector<16xi32>
    %swap3A_256 = arith.constant 1 : i32
    %swap3A_257 = arith.index_cast %swap3A_256 : i32 to index
    %swap3A_258 = arith.constant 10192 : index
    %swap3A_259 = tpu.vector_load %arg5[%swap3A_257, %swap3A_258] {strides = array<i32>} : memref<2x10240xi32, #tpu.memory_space<vmem>>, vector<1x16xi32>,
    %swap3A_260 = vector.shape_cast %swap3A_259 : vector<1x16xi32> to vector<16xi32>
    %swap3A_261 = vector.shape_cast %broadcast_in_dim3A_255 : vector<16xi32> to vector<1x16xi32>
    tpu.vector_store %arg5[%swap3A_257, %swap3A_258], %swap3A_261 {strides = array<i32>} : memref<2x10240xi32, #tpu.memory_space<vmem>>, vector<1x16xi32>,
    %broadcast_in_dim3A_262 = arith.constant 0 : i32
    %broadcast_in_dim3A_263 = vector.broadcast %broadcast_in_dim3A_262 : i32 to vector<16xi32>
    %swap3A_264 = arith.constant 0 : i32
    %swap3A_265 = arith.index_cast %swap3A_264 : i32 to index
    %swap3A_266 = arith.constant 10208 : index
    %swap3A_267 = tpu.vector_load %arg5[%swap3A_265, %swap3A_266] {strides = array<i32>} : memref<2x10240xi32, #tpu.memory_space<vmem>>, vector<1x16xi32>,
    %swap3A_268 = vector.shape_cast %swap3A_267 : vector<1x16xi32> to vector<16xi32>
    %swap3A_269 = vector.shape_cast %broadcast_in_dim3A_263 : vector<16xi32> to vector<1x16xi32>
    tpu.vector_store %arg5[%swap3A_265, %swap3A_266], %swap3A_269 {strides = array<i32>} : memref<2x10240xi32, #tpu.memory_space<vmem>>, vector<1x16xi32>,
    %broadcast_in_dim3A_270 = arith.constant 10000 : i32
    %broadcast_in_dim3A_271 = vector.broadcast %broadcast_in_dim3A_270 : i32 to vector<16xi32>
    %swap3A_272 = arith.constant 1 : i32
    %swap3A_273 = arith.index_cast %swap3A_272 : i32 to index
    %swap3A_274 = arith.constant 10208 : index
    %swap3A_275 = tpu.vector_load %arg5[%swap3A_273, %swap3A_274] {strides = array<i32>} : memref<2x10240xi32, #tpu.memory_space<vmem>>, vector<1x16xi32>,
    %swap3A_276 = vector.shape_cast %swap3A_275 : vector<1x16xi32> to vector<16xi32>
    %swap3A_277 = vector.shape_cast %broadcast_in_dim3A_271 : vector<16xi32> to vector<1x16xi32>
    tpu.vector_store %arg5[%swap3A_273, %swap3A_274], %swap3A_277 {strides = array<i32>} : memref<2x10240xi32, #tpu.memory_space<vmem>>, vector<1x16xi32>,
    %broadcast_in_dim3A_278 = arith.constant 0 : i32
    %broadcast_in_dim3A_279 = vector.broadcast %broadcast_in_dim3A_278 : i32 to vector<16xi32>
    %swap3A_280 = arith.constant 0 : i32
    %swap3A_281 = arith.index_cast %swap3A_280 : i32 to index
    %swap3A_282 = arith.constant 10224 : index
    %swap3A_283 = tpu.vector_load %arg5[%swap3A_281, %swap3A_282] {strides = array<i32>} : memref<2x10240xi32, #tpu.memory_space<vmem>>, vector<1x16xi32>,
    %swap3A_284 = vector.shape_cast %swap3A_283 : vector<1x16xi32> to vector<16xi32>
    %swap3A_285 = vector.shape_cast %broadcast_in_dim3A_279 : vector<16xi32> to vector<1x16xi32>
    tpu.vector_store %arg5[%swap3A_281, %swap3A_282], %swap3A_285 {strides = array<i32>} : memref<2x10240xi32, #tpu.memory_space<vmem>>, vector<1x16xi32>,
    %broadcast_in_dim3A_286 = arith.constant 10000 : i32
    %broadcast_in_dim3A_287 = vector.broadcast %broadcast_in_dim3A_286 : i32 to vector<16xi32>
    %swap3A_288 = arith.constant 1 : i32
    %swap3A_289 = arith.index_cast %swap3A_288 : i32 to index
    %swap3A_290 = arith.constant 10224 : index
    %swap3A_291 = tpu.vector_load %arg5[%swap3A_289, %swap3A_290] {strides = array<i32>} : memref<2x10240xi32, #tpu.memory_space<vmem>>, vector<1x16xi32>,
    %swap3A_292 = vector.shape_cast %swap3A_291 : vector<1x16xi32> to vector<16xi32>
    %swap3A_293 = vector.shape_cast %broadcast_in_dim3A_287 : vector<16xi32> to vector<1x16xi32>
    tpu.vector_store %arg5[%swap3A_289, %swap3A_290], %swap3A_293 {strides = array<i32>} : memref<2x10240xi32, #tpu.memory_space<vmem>>, vector<1x16xi32>,
    %scan3A = arith.constant 0 : i32
    %scan3A_294 = arith.constant 0 : i32
    %scan3A_295 = arith.constant 632 : i32
    %scan3A_296 = arith.addi %scan3A_294, %scan3A_295 : i32
    %scan3A_297 = arith.constant 1 : i32
    scf.for %scan3A_537 = %scan3A_294 to %scan3A_296 step %scan3A_297  : i32 {
      %broadcast_in_dim3A_538 = arith.constant 0.000000e+00 : f32
      %broadcast_in_dim3A_539 = vector.broadcast %broadcast_in_dim3A_538 : f32 to vector<16xf32>
      %swap3A_540 = arith.index_cast %scan3A_537 : i32 to index
      %swap3A_541 = arith.constant 0 : index
      %swap3A_542 = tpu.vector_load %arg7[%swap3A_540, %swap3A_541] {strides = array<i32>} : memref<632x16xf32, #tpu.memory_space<vmem>>, vector<1x16xf32>,
      %swap3A_543 = vector.shape_cast %swap3A_542 : vector<1x16xf32> to vector<16xf32>
      %swap3A_544 = vector.shape_cast %broadcast_in_dim3A_539 : vector<16xf32> to vector<1x16xf32>
      tpu.vector_store %arg7[%swap3A_540, %swap3A_541], %swap3A_544 {strides = array<i32>} : memref<632x16xf32, #tpu.memory_space<vmem>>, vector<1x16xf32>,
    }
    %scan3A_298 = arith.constant 632 : i32
    %dma_wait3A = arith.constant 0 : i32
    %dma_wait3A_299 = arith.constant 0 : i32
    %dma_wait3A_300 = tpu.memref_slice %arg5[%dma_wait3A, %dma_wait3A_299] : memref<2x10240xi32, #tpu.memory_space<vmem>> -> memref<1x10000xi32, #tpu.memory_space<vmem>>
    %dma_wait3A_301 = tpu.memref_squeeze %dma_wait3A_300 : memref<1x10000xi32, #tpu.memory_space<vmem>> -> memref<10000xi32, #tpu.memory_space<vmem>>
    %dma_wait3A_302 = tpu.memref_slice %arg3[%mul3A_4] : memref<640000xi32, #tpu.memory_space<hbm>> -> memref<10000xi32, #tpu.memory_space<hbm>>
    %dma_wait3A_303 = arith.constant 0 : i32
    %dma_wait3A_304 = tpu.memref_slice %arg5[%dma_wait3A, %dma_wait3A_303] : memref<2x10240xi32, #tpu.memory_space<vmem>> -> memref<1x10000xi32, #tpu.memory_space<vmem>>
    %dma_wait3A_305 = tpu.memref_squeeze %dma_wait3A_304 : memref<1x10000xi32, #tpu.memory_space<vmem>> -> memref<10000xi32, #tpu.memory_space<vmem>>
    %dma_wait3A_306 = tpu.memref_slice %arg3[%mul3A_4] : memref<640000xi32, #tpu.memory_space<hbm>> -> memref<10000xi32, #tpu.memory_space<hbm>>
    tpu.wait_dma2 semaphore(%arg12 : memref<!tpu.dma_semaphore, #tpu.memory_space<semaphore_mem>>) src(%dma_wait3A_306 : memref<10000xi32, #tpu.memory_space<hbm>>) dst(%dma_wait3A_305 : memref<10000xi32, #tpu.memory_space<vmem>>)
    %dma_wait3A_307 = arith.constant 1 : i32
    %dma_wait3A_308 = arith.constant 0 : i32
    %dma_wait3A_309 = tpu.memref_slice %arg5[%dma_wait3A_307, %dma_wait3A_308] : memref<2x10240xi32, #tpu.memory_space<vmem>> -> memref<1x10000xi32, #tpu.memory_space<vmem>>
    %dma_wait3A_310 = tpu.memref_squeeze %dma_wait3A_309 : memref<1x10000xi32, #tpu.memory_space<vmem>> -> memref<10000xi32, #tpu.memory_space<vmem>>
    %dma_wait3A_311 = tpu.memref_slice %arg3[%add3A_8] : memref<640000xi32, #tpu.memory_space<hbm>> -> memref<10000xi32, #tpu.memory_space<hbm>>
    %dma_wait3A_312 = arith.constant 0 : i32
    %dma_wait3A_313 = tpu.memref_slice %arg5[%dma_wait3A_307, %dma_wait3A_312] : memref<2x10240xi32, #tpu.memory_space<vmem>> -> memref<1x10000xi32, #tpu.memory_space<vmem>>
    %dma_wait3A_314 = tpu.memref_squeeze %dma_wait3A_313 : memref<1x10000xi32, #tpu.memory_space<vmem>> -> memref<10000xi32, #tpu.memory_space<vmem>>
    %dma_wait3A_315 = tpu.memref_slice %arg3[%add3A_8] : memref<640000xi32, #tpu.memory_space<hbm>> -> memref<10000xi32, #tpu.memory_space<hbm>>
    tpu.wait_dma2 semaphore(%arg13 : memref<!tpu.dma_semaphore, #tpu.memory_space<semaphore_mem>>) src(%dma_wait3A_315 : memref<10000xi32, #tpu.memory_space<hbm>>) dst(%dma_wait3A_314 : memref<10000xi32, #tpu.memory_space<vmem>>)
    %dma_wait3A_316 = arith.constant 0 : i32
    %dma_wait3A_317 = arith.constant 0 : i32
    %dma_wait3A_318 = arith.constant 0 : i32
    %dma_wait3A_319 = tpu.memref_slice %arg8[%dma_wait3A_317, %dma_wait3A_318] : memref<632x16xf32, #tpu.memory_space<vmem>> -> memref<625x16xf32, #tpu.memory_space<vmem>>
    %dma_wait3A_320 = arith.constant 0 : i32
    %dma_wait3A_321 = tpu.memref_slice %arg2[%dma_wait3A_316, %mul3A_27, %dma_wait3A_320] : memref<2x10112x16xf32, #tpu.memory_space<hbm>> -> memref<1x625x16xf32, #tpu.memory_space<hbm>>
    %dma_wait3A_322 = tpu.memref_squeeze %dma_wait3A_321 : memref<1x625x16xf32, #tpu.memory_space<hbm>> -> memref<625x16xf32, #tpu.memory_space<hbm>>
    %dma_wait3A_323 = arith.constant 0 : i32
    %dma_wait3A_324 = arith.constant 0 : i32
    %dma_wait3A_325 = tpu.memref_slice %arg8[%dma_wait3A_323, %dma_wait3A_324] : memref<632x16xf32, #tpu.memory_space<vmem>> -> memref<625x16xf32, #tpu.memory_space<vmem>>
    %dma_wait3A_326 = arith.constant 0 : i32
    %dma_wait3A_327 = tpu.memref_slice %arg2[%dma_wait3A_316, %mul3A_27, %dma_wait3A_326] : memref<2x10112x16xf32, #tpu.memory_space<hbm>> -> memref<1x625x16xf32, #tpu.memory_space<hbm>>
    %dma_wait3A_328 = tpu.memref_squeeze %dma_wait3A_327 : memref<1x625x16xf32, #tpu.memory_space<hbm>> -> memref<625x16xf32, #tpu.memory_space<hbm>>
    tpu.wait_dma2 semaphore(%arg14 : memref<!tpu.dma_semaphore, #tpu.memory_space<semaphore_mem>>) src(%dma_wait3A_328 : memref<625x16xf32, #tpu.memory_space<hbm>>) dst(%dma_wait3A_325 : memref<625x16xf32, #tpu.memory_space<vmem>>)
    %dma_wait3A_329 = arith.constant 1 : i32
    %dma_wait3A_330 = arith.constant 0 : i32
    %dma_wait3A_331 = arith.constant 0 : i32
    %dma_wait3A_332 = tpu.memref_slice %arg9[%dma_wait3A_330, %dma_wait3A_331] : memref<632x16xf32, #tpu.memory_space<vmem>> -> memref<625x16xf32, #tpu.memory_space<vmem>>
    %dma_wait3A_333 = arith.constant 0 : i32
    %dma_wait3A_334 = tpu.memref_slice %arg2[%dma_wait3A_329, %mul3A_29, %dma_wait3A_333] : memref<2x10112x16xf32, #tpu.memory_space<hbm>> -> memref<1x625x16xf32, #tpu.memory_space<hbm>>
    %dma_wait3A_335 = tpu.memref_squeeze %dma_wait3A_334 : memref<1x625x16xf32, #tpu.memory_space<hbm>> -> memref<625x16xf32, #tpu.memory_space<hbm>>
    %dma_wait3A_336 = arith.constant 0 : i32
    %dma_wait3A_337 = arith.constant 0 : i32
    %dma_wait3A_338 = tpu.memref_slice %arg9[%dma_wait3A_336, %dma_wait3A_337] : memref<632x16xf32, #tpu.memory_space<vmem>> -> memref<625x16xf32, #tpu.memory_space<vmem>>
    %dma_wait3A_339 = arith.constant 0 : i32
    %dma_wait3A_340 = tpu.memref_slice %arg2[%dma_wait3A_329, %mul3A_29, %dma_wait3A_339] : memref<2x10112x16xf32, #tpu.memory_space<hbm>> -> memref<1x625x16xf32, #tpu.memory_space<hbm>>
    %dma_wait3A_341 = tpu.memref_squeeze %dma_wait3A_340 : memref<1x625x16xf32, #tpu.memory_space<hbm>> -> memref<625x16xf32, #tpu.memory_space<hbm>>
    tpu.wait_dma2 semaphore(%arg15 : memref<!tpu.dma_semaphore, #tpu.memory_space<semaphore_mem>>) src(%dma_wait3A_341 : memref<625x16xf32, #tpu.memory_space<hbm>>) dst(%dma_wait3A_338 : memref<625x16xf32, #tpu.memory_space<vmem>>)
    %scan3A_342 = arith.constant 0 : i32
    %scan3A_343 = arith.constant 0 : i32
    %scan3A_344 = arith.constant 625 : i32
    %scan3A_345 = arith.addi %scan3A_343, %scan3A_344 : i32
    %scan3A_346 = arith.constant 1 : i32
    scf.for %scan3A_537 = %scan3A_343 to %scan3A_345 step %scan3A_346  : i32 {
      %get3A = arith.index_cast %scan3A_537 : i32 to index
      %get3A_538 = arith.constant 0 : index
      %get3A_539 = tpu.vector_load %arg8[%get3A, %get3A_538] {strides = array<i32>} : memref<632x16xf32, #tpu.memory_space<vmem>>, vector<1x16xf32>,
      %get3A_540 = vector.shape_cast %get3A_539 : vector<1x16xf32> to vector<16xf32>
      %get3A_541 = arith.index_cast %scan3A_537 : i32 to index
      %get3A_542 = arith.constant 0 : index
      %get3A_543 = tpu.vector_load %arg9[%get3A_541, %get3A_542] {strides = array<i32>} : memref<632x16xf32, #tpu.memory_space<vmem>>, vector<1x16xf32>,
      %get3A_544 = vector.shape_cast %get3A_543 : vector<1x16xf32> to vector<16xf32>
      %add3A_545 = arith.addf %get3A_540, %get3A_544 : vector<16xf32>
      %max3A = arith.constant 0.000000e+00 : f32
      %max3A_546 = vector.broadcast %max3A : f32 to vector<16xf32>
      %max3A_547 = arith.maximumf %add3A_545, %max3A_546 : vector<16xf32>
      %swap3A_548 = arith.index_cast %scan3A_537 : i32 to index
      %swap3A_549 = arith.constant 0 : index
      %swap3A_550 = tpu.vector_load %arg8[%swap3A_548, %swap3A_549] {strides = array<i32>} : memref<632x16xf32, #tpu.memory_space<vmem>>, vector<1x16xf32>,
      %swap3A_551 = vector.shape_cast %swap3A_550 : vector<1x16xf32> to vector<16xf32>
      %swap3A_552 = vector.shape_cast %max3A_547 : vector<16xf32> to vector<1x16xf32>
      tpu.vector_store %arg8[%swap3A_548, %swap3A_549], %swap3A_552 {strides = array<i32>} : memref<632x16xf32, #tpu.memory_space<vmem>>, vector<1x16xf32>,
    }
    %scan3A_347 = arith.constant 625 : i32
    %mul3A_348 = arith.constant 625 : i32
    %mul3A_349 = arith.muli %arg1, %mul3A_348 : i32
    "tpu.region"() ({
      %run_scoped3A = tpu.sem_alloc : memref<!tpu.dma_semaphore, #tpu.memory_space<semaphore_mem>>
      %dma_start3A_537 = arith.constant 0 : i32
      %dma_start3A_538 = arith.constant 0 : i32
      %dma_start3A_539 = tpu.memref_slice %arg8[%dma_start3A_537, %dma_start3A_538] : memref<632x16xf32, #tpu.memory_space<vmem>> -> memref<625x16xf32, #tpu.memory_space<vmem>>
      %dma_start3A_540 = arith.constant 0 : i32
      %dma_start3A_541 = tpu.memref_slice %arg11[%mul3A_349, %dma_start3A_540] : memref<10000x16xf32, #tpu.memory_space<vmem_shared>> -> memref<625x16xf32, #tpu.memory_space<vmem_shared>>
      %dma_start3A_542 = arith.constant 0 : i32
      %dma_start3A_543 = tpu.memref_slice %arg11[%mul3A_349, %dma_start3A_542] : memref<10000x16xf32, #tpu.memory_space<vmem_shared>> -> memref<625x16xf32, #tpu.memory_space<vmem_shared>>
      %dma_start3A_544 = arith.constant 0 : i32
      %dma_start3A_545 = arith.constant 0 : i32
      %dma_start3A_546 = tpu.memref_slice %arg8[%dma_start3A_544, %dma_start3A_545] : memref<632x16xf32, #tpu.memory_space<vmem>> -> memref<625x16xf32, #tpu.memory_space<vmem>>
      tpu.enqueue_dma source(%dma_start3A_546 : memref<625x16xf32, #tpu.memory_space<vmem>>) target(%dma_start3A_543 : memref<625x16xf32, #tpu.memory_space<vmem_shared>>) target_semaphore(%run_scoped3A : memref<!tpu.dma_semaphore, #tpu.memory_space<semaphore_mem>>)
      %dma_wait3A_547 = arith.constant 0 : i32
      %dma_wait3A_548 = arith.constant 0 : i32
      %dma_wait3A_549 = tpu.memref_slice %arg8[%dma_wait3A_547, %dma_wait3A_548] : memref<632x16xf32, #tpu.memory_space<vmem>> -> memref<625x16xf32, #tpu.memory_space<vmem>>
      %dma_wait3A_550 = arith.constant 0 : i32
      %dma_wait3A_551 = tpu.memref_slice %arg11[%mul3A_349, %dma_wait3A_550] : memref<10000x16xf32, #tpu.memory_space<vmem_shared>> -> memref<625x16xf32, #tpu.memory_space<vmem_shared>>
      %dma_wait3A_552 = arith.constant 0 : i32
      %dma_wait3A_553 = tpu.memref_slice %arg11[%mul3A_349, %dma_wait3A_552] : memref<10000x16xf32, #tpu.memory_space<vmem_shared>> -> memref<625x16xf32, #tpu.memory_space<vmem_shared>>
      %dma_wait3A_554 = arith.constant 0 : i32
      %dma_wait3A_555 = arith.constant 0 : i32
      %dma_wait3A_556 = tpu.memref_slice %arg8[%dma_wait3A_554, %dma_wait3A_555] : memref<632x16xf32, #tpu.memory_space<vmem>> -> memref<625x16xf32, #tpu.memory_space<vmem>>
      tpu.wait_dma2 semaphore(%run_scoped3A : memref<!tpu.dma_semaphore, #tpu.memory_space<semaphore_mem>>) src(%dma_wait3A_556 : memref<625x16xf32, #tpu.memory_space<vmem>>) dst(%dma_wait3A_553 : memref<625x16xf32, #tpu.memory_space<vmem_shared>>)
      tpu.yield
    }) : () -> ()
    "tpu.region"() ({
      %run_scoped3A = tpu.sem_alloc : memref<!tpu.dma_semaphore, #tpu.memory_space<semaphore_mem>>
      %dma_start3A_537 = arith.constant 0 : i32
      %dma_start3A_538 = tpu.memref_slice %arg10[%mul3A_2, %dma_start3A_537] : memref<10112x16xf32, #tpu.memory_space<vmem_shared>> -> memref<632x16xf32, #tpu.memory_space<vmem_shared>>
      %dma_start3A_539 = arith.constant 0 : i32
      %dma_start3A_540 = tpu.memref_slice %arg10[%mul3A_2, %dma_start3A_539] : memref<10112x16xf32, #tpu.memory_space<vmem_shared>> -> memref<632x16xf32, #tpu.memory_space<vmem_shared>>
      tpu.enqueue_dma source(%arg7 : memref<632x16xf32, #tpu.memory_space<vmem>>) target(%dma_start3A_540 : memref<632x16xf32, #tpu.memory_space<vmem_shared>>) target_semaphore(%run_scoped3A : memref<!tpu.dma_semaphore, #tpu.memory_space<semaphore_mem>>)
      %dma_wait3A_541 = arith.constant 0 : i32
      %dma_wait3A_542 = tpu.memref_slice %arg10[%mul3A_2, %dma_wait3A_541] : memref<10112x16xf32, #tpu.memory_space<vmem_shared>> -> memref<632x16xf32, #tpu.memory_space<vmem_shared>>
      %dma_wait3A_543 = arith.constant 0 : i32
      %dma_wait3A_544 = tpu.memref_slice %arg10[%mul3A_2, %dma_wait3A_543] : memref<10112x16xf32, #tpu.memory_space<vmem_shared>> -> memref<632x16xf32, #tpu.memory_space<vmem_shared>>
      tpu.wait_dma2 semaphore(%run_scoped3A : memref<!tpu.dma_semaphore, #tpu.memory_space<semaphore_mem>>) src(%arg7 : memref<632x16xf32, #tpu.memory_space<vmem>>) dst(%dma_wait3A_544 : memref<632x16xf32, #tpu.memory_space<vmem_shared>>)
      tpu.yield
    }) : () -> ()
    %barrier3A = arith.constant 0 : index
    tpu.barrier barrier_id(%barrier3A)
    %dma_start3A_350 = arith.constant 0 : i32
    %dma_start3A_351 = arith.constant 0 : i32
    %dma_start3A_352 = arith.constant 0 : i32
    %dma_start3A_353 = arith.constant 0 : i32
    %dma_start3A_354 = tpu.memref_slice %arg6[%dma_start3A_351, %dma_start3A_352, %dma_start3A_353] : memref<8x128x16xf32, #tpu.memory_space<vmem>> -> memref<1x128x16xf32, #tpu.memory_space<vmem>>
    %dma_start3A_355 = tpu.memref_squeeze %dma_start3A_354 : memref<1x128x16xf32, #tpu.memory_space<vmem>> -> memref<128x16xf32, #tpu.memory_space<vmem>>
    %dma_start3A_356 = arith.constant 0 : i32
    %dma_start3A_357 = tpu.memref_slice %arg5[%dma_start3A_350, %dma_start3A_356] : memref<2x10240xi32, #tpu.memory_space<vmem>> -> memref<1x128xi32, #tpu.memory_space<vmem>>
    %dma_start3A_358 = tpu.memref_squeeze %dma_start3A_357 : memref<1x128xi32, #tpu.memory_space<vmem>> -> memref<128xi32, #tpu.memory_space<vmem>>
    %dma_start3A_359 = arith.constant 0 : i32
    %dma_start3A_360 = arith.constant 0 : i32
    %dma_start3A_361 = tpu.memref_slice %arg11[%dma_start3A_359, %dma_start3A_360] : memref<10000x16xf32, #tpu.memory_space<vmem_shared>> -> memref<10000x16xf32, #tpu.memory_space<vmem_shared>>
    tpu.enqueue_indirect_dma source(%dma_start3A_361 : memref<10000x16xf32, #tpu.memory_space<vmem_shared>>) target(%dma_start3A_355 : memref<128x16xf32, #tpu.memory_space<vmem>>) offsets(%dma_start3A_358 : memref<128xi32, #tpu.memory_space<vmem>>) semaphore(%arg12 : memref<!tpu.dma_semaphore, #tpu.memory_space<semaphore_mem>>)
    %dma_start3A_362 = arith.constant 0 : i32
    %dma_start3A_363 = arith.constant 1 : i32
    %dma_start3A_364 = arith.constant 0 : i32
    %dma_start3A_365 = arith.constant 0 : i32
    %dma_start3A_366 = tpu.memref_slice %arg6[%dma_start3A_363, %dma_start3A_364, %dma_start3A_365] : memref<8x128x16xf32, #tpu.memory_space<vmem>> -> memref<1x128x16xf32, #tpu.memory_space<vmem>>
    %dma_start3A_367 = tpu.memref_squeeze %dma_start3A_366 : memref<1x128x16xf32, #tpu.memory_space<vmem>> -> memref<128x16xf32, #tpu.memory_space<vmem>>
    %dma_start3A_368 = arith.constant 128 : i32
    %dma_start3A_369 = tpu.memref_slice %arg5[%dma_start3A_362, %dma_start3A_368] : memref<2x10240xi32, #tpu.memory_space<vmem>> -> memref<1x128xi32, #tpu.memory_space<vmem>>
    %dma_start3A_370 = tpu.memref_squeeze %dma_start3A_369 : memref<1x128xi32, #tpu.memory_space<vmem>> -> memref<128xi32, #tpu.memory_space<vmem>>
    %dma_start3A_371 = arith.constant 0 : i32
    %dma_start3A_372 = arith.constant 0 : i32
    %dma_start3A_373 = tpu.memref_slice %arg11[%dma_start3A_371, %dma_start3A_372] : memref<10000x16xf32, #tpu.memory_space<vmem_shared>> -> memref<10000x16xf32, #tpu.memory_space<vmem_shared>>
    tpu.enqueue_indirect_dma source(%dma_start3A_373 : memref<10000x16xf32, #tpu.memory_space<vmem_shared>>) target(%dma_start3A_367 : memref<128x16xf32, #tpu.memory_space<vmem>>) offsets(%dma_start3A_370 : memref<128xi32, #tpu.memory_space<vmem>>) semaphore(%arg13 : memref<!tpu.dma_semaphore, #tpu.memory_space<semaphore_mem>>)
    %dma_start3A_374 = arith.constant 0 : i32
    %dma_start3A_375 = arith.constant 2 : i32
    %dma_start3A_376 = arith.constant 0 : i32
    %dma_start3A_377 = arith.constant 0 : i32
    %dma_start3A_378 = tpu.memref_slice %arg6[%dma_start3A_375, %dma_start3A_376, %dma_start3A_377] : memref<8x128x16xf32, #tpu.memory_space<vmem>> -> memref<1x128x16xf32, #tpu.memory_space<vmem>>
    %dma_start3A_379 = tpu.memref_squeeze %dma_start3A_378 : memref<1x128x16xf32, #tpu.memory_space<vmem>> -> memref<128x16xf32, #tpu.memory_space<vmem>>
    %dma_start3A_380 = arith.constant 256 : i32
    %dma_start3A_381 = tpu.memref_slice %arg5[%dma_start3A_374, %dma_start3A_380] : memref<2x10240xi32, #tpu.memory_space<vmem>> -> memref<1x128xi32, #tpu.memory_space<vmem>>
    %dma_start3A_382 = tpu.memref_squeeze %dma_start3A_381 : memref<1x128xi32, #tpu.memory_space<vmem>> -> memref<128xi32, #tpu.memory_space<vmem>>
    %dma_start3A_383 = arith.constant 0 : i32
    %dma_start3A_384 = arith.constant 0 : i32
    %dma_start3A_385 = tpu.memref_slice %arg11[%dma_start3A_383, %dma_start3A_384] : memref<10000x16xf32, #tpu.memory_space<vmem_shared>> -> memref<10000x16xf32, #tpu.memory_space<vmem_shared>>
    tpu.enqueue_indirect_dma source(%dma_start3A_385 : memref<10000x16xf32, #tpu.memory_space<vmem_shared>>) target(%dma_start3A_379 : memref<128x16xf32, #tpu.memory_space<vmem>>) offsets(%dma_start3A_382 : memref<128xi32, #tpu.memory_space<vmem>>) semaphore(%arg14 : memref<!tpu.dma_semaphore, #tpu.memory_space<semaphore_mem>>)
    %dma_start3A_386 = arith.constant 0 : i32
    %dma_start3A_387 = arith.constant 3 : i32
    %dma_start3A_388 = arith.constant 0 : i32
    %dma_start3A_389 = arith.constant 0 : i32
    %dma_start3A_390 = tpu.memref_slice %arg6[%dma_start3A_387, %dma_start3A_388, %dma_start3A_389] : memref<8x128x16xf32, #tpu.memory_space<vmem>> -> memref<1x128x16xf32, #tpu.memory_space<vmem>>
    %dma_start3A_391 = tpu.memref_squeeze %dma_start3A_390 : memref<1x128x16xf32, #tpu.memory_space<vmem>> -> memref<128x16xf32, #tpu.memory_space<vmem>>
    %dma_start3A_392 = arith.constant 384 : i32
    %dma_start3A_393 = tpu.memref_slice %arg5[%dma_start3A_386, %dma_start3A_392] : memref<2x10240xi32, #tpu.memory_space<vmem>> -> memref<1x128xi32, #tpu.memory_space<vmem>>
    %dma_start3A_394 = tpu.memref_squeeze %dma_start3A_393 : memref<1x128xi32, #tpu.memory_space<vmem>> -> memref<128xi32, #tpu.memory_space<vmem>>
    %dma_start3A_395 = arith.constant 0 : i32
    %dma_start3A_396 = arith.constant 0 : i32
    %dma_start3A_397 = tpu.memref_slice %arg11[%dma_start3A_395, %dma_start3A_396] : memref<10000x16xf32, #tpu.memory_space<vmem_shared>> -> memref<10000x16xf32, #tpu.memory_space<vmem_shared>>
    tpu.enqueue_indirect_dma source(%dma_start3A_397 : memref<10000x16xf32, #tpu.memory_space<vmem_shared>>) target(%dma_start3A_391 : memref<128x16xf32, #tpu.memory_space<vmem>>) offsets(%dma_start3A_394 : memref<128xi32, #tpu.memory_space<vmem>>) semaphore(%arg15 : memref<!tpu.dma_semaphore, #tpu.memory_space<semaphore_mem>>)
    %dma_start3A_398 = arith.constant 0 : i32
    %dma_start3A_399 = arith.constant 4 : i32
    %dma_start3A_400 = arith.constant 0 : i32
    %dma_start3A_401 = arith.constant 0 : i32
    %dma_start3A_402 = tpu.memref_slice %arg6[%dma_start3A_399, %dma_start3A_400, %dma_start3A_401] : memref<8x128x16xf32, #tpu.memory_space<vmem>> -> memref<1x128x16xf32, #tpu.memory_space<vmem>>
    %dma_start3A_403 = tpu.memref_squeeze %dma_start3A_402 : memref<1x128x16xf32, #tpu.memory_space<vmem>> -> memref<128x16xf32, #tpu.memory_space<vmem>>
    %dma_start3A_404 = arith.constant 512 : i32
    %dma_start3A_405 = tpu.memref_slice %arg5[%dma_start3A_398, %dma_start3A_404] : memref<2x10240xi32, #tpu.memory_space<vmem>> -> memref<1x128xi32, #tpu.memory_space<vmem>>
    %dma_start3A_406 = tpu.memref_squeeze %dma_start3A_405 : memref<1x128xi32, #tpu.memory_space<vmem>> -> memref<128xi32, #tpu.memory_space<vmem>>
    %dma_start3A_407 = arith.constant 0 : i32
    %dma_start3A_408 = arith.constant 0 : i32
    %dma_start3A_409 = tpu.memref_slice %arg11[%dma_start3A_407, %dma_start3A_408] : memref<10000x16xf32, #tpu.memory_space<vmem_shared>> -> memref<10000x16xf32, #tpu.memory_space<vmem_shared>>
    tpu.enqueue_indirect_dma source(%dma_start3A_409 : memref<10000x16xf32, #tpu.memory_space<vmem_shared>>) target(%dma_start3A_403 : memref<128x16xf32, #tpu.memory_space<vmem>>) offsets(%dma_start3A_406 : memref<128xi32, #tpu.memory_space<vmem>>) semaphore(%arg16 : memref<!tpu.dma_semaphore, #tpu.memory_space<semaphore_mem>>)
    %dma_start3A_410 = arith.constant 0 : i32
    %dma_start3A_411 = arith.constant 5 : i32
    %dma_start3A_412 = arith.constant 0 : i32
    %dma_start3A_413 = arith.constant 0 : i32
    %dma_start3A_414 = tpu.memref_slice %arg6[%dma_start3A_411, %dma_start3A_412, %dma_start3A_413] : memref<8x128x16xf32, #tpu.memory_space<vmem>> -> memref<1x128x16xf32, #tpu.memory_space<vmem>>
    %dma_start3A_415 = tpu.memref_squeeze %dma_start3A_414 : memref<1x128x16xf32, #tpu.memory_space<vmem>> -> memref<128x16xf32, #tpu.memory_space<vmem>>
    %dma_start3A_416 = arith.constant 640 : i32
    %dma_start3A_417 = tpu.memref_slice %arg5[%dma_start3A_410, %dma_start3A_416] : memref<2x10240xi32, #tpu.memory_space<vmem>> -> memref<1x128xi32, #tpu.memory_space<vmem>>
    %dma_start3A_418 = tpu.memref_squeeze %dma_start3A_417 : memref<1x128xi32, #tpu.memory_space<vmem>> -> memref<128xi32, #tpu.memory_space<vmem>>
    %dma_start3A_419 = arith.constant 0 : i32
    %dma_start3A_420 = arith.constant 0 : i32
    %dma_start3A_421 = tpu.memref_slice %arg11[%dma_start3A_419, %dma_start3A_420] : memref<10000x16xf32, #tpu.memory_space<vmem_shared>> -> memref<10000x16xf32, #tpu.memory_space<vmem_shared>>
    tpu.enqueue_indirect_dma source(%dma_start3A_421 : memref<10000x16xf32, #tpu.memory_space<vmem_shared>>) target(%dma_start3A_415 : memref<128x16xf32, #tpu.memory_space<vmem>>) offsets(%dma_start3A_418 : memref<128xi32, #tpu.memory_space<vmem>>) semaphore(%arg17 : memref<!tpu.dma_semaphore, #tpu.memory_space<semaphore_mem>>)
    %dma_start3A_422 = arith.constant 0 : i32
    %dma_start3A_423 = arith.constant 6 : i32
    %dma_start3A_424 = arith.constant 0 : i32
    %dma_start3A_425 = arith.constant 0 : i32
    %dma_start3A_426 = tpu.memref_slice %arg6[%dma_start3A_423, %dma_start3A_424, %dma_start3A_425] : memref<8x128x16xf32, #tpu.memory_space<vmem>> -> memref<1x128x16xf32, #tpu.memory_space<vmem>>
    %dma_start3A_427 = tpu.memref_squeeze %dma_start3A_426 : memref<1x128x16xf32, #tpu.memory_space<vmem>> -> memref<128x16xf32, #tpu.memory_space<vmem>>
    %dma_start3A_428 = arith.constant 768 : i32
    %dma_start3A_429 = tpu.memref_slice %arg5[%dma_start3A_422, %dma_start3A_428] : memref<2x10240xi32, #tpu.memory_space<vmem>> -> memref<1x128xi32, #tpu.memory_space<vmem>>
    %dma_start3A_430 = tpu.memref_squeeze %dma_start3A_429 : memref<1x128xi32, #tpu.memory_space<vmem>> -> memref<128xi32, #tpu.memory_space<vmem>>
    %dma_start3A_431 = arith.constant 0 : i32
    %dma_start3A_432 = arith.constant 0 : i32
    %dma_start3A_433 = tpu.memref_slice %arg11[%dma_start3A_431, %dma_start3A_432] : memref<10000x16xf32, #tpu.memory_space<vmem_shared>> -> memref<10000x16xf32, #tpu.memory_space<vmem_shared>>
    tpu.enqueue_indirect_dma source(%dma_start3A_433 : memref<10000x16xf32, #tpu.memory_space<vmem_shared>>) target(%dma_start3A_427 : memref<128x16xf32, #tpu.memory_space<vmem>>) offsets(%dma_start3A_430 : memref<128xi32, #tpu.memory_space<vmem>>) semaphore(%arg18 : memref<!tpu.dma_semaphore, #tpu.memory_space<semaphore_mem>>)
    %scan3A_434 = arith.constant 0 : i32
    %scan3A_435 = arith.constant 0 : i32
    %scan3A_436 = arith.constant 10 : i32
    %scan3A_437 = arith.addi %scan3A_435, %scan3A_436 : i32
    %scan3A_438 = arith.constant 1 : i32
    scf.for %scan3A_537 = %scan3A_435 to %scan3A_437 step %scan3A_438  : i32 {
      %mul3A_538 = arith.constant 8 : i32
      %mul3A_539 = arith.muli %scan3A_537, %mul3A_538 : i32
      %add3A_540 = arith.constant 0 : i32
      %add3A_541 = arith.addi %mul3A_539, %add3A_540 : i32
      %add3A_542 = arith.constant 8 : i32
      %add3A_543 = arith.addi %add3A_541, %add3A_542 : i32
      %sub3A = arith.constant 1 : i32
      %sub3A_544 = arith.subi %add3A_543, %sub3A : i32
      %lt3A = arith.constant 80 : i32
      %lt3A_545 = arith.cmpi slt, %sub3A_544, %lt3A : i32
      %gt3A = arith.constant 0 : i32
      %gt3A_546 = arith.cmpi sgt, %add3A_541, %gt3A : i32
      %and3A = arith.andi %lt3A_545, %gt3A_546 : i1
      %convert_element_type3A = arith.extui %and3A : i1 to i32
      %cond3A = arith.constant 0 : i32
      %cond3A_547 = arith.cmpi ne, %convert_element_type3A, %cond3A : i32
      scf.if %cond3A_547 {
        %sub3A_908 = arith.constant 1 : i32
        %sub3A_909 = arith.subi %add3A_541, %sub3A_908 : i32
        %mul3A_910 = arith.constant 128 : i32
        %mul3A_911 = arith.muli %sub3A_909, %mul3A_910 : i32
        %dma_wait3A_912 = arith.constant 7 : i32
        %dma_wait3A_913 = arith.constant 1 : i32
        %dma_wait3A_914 = arith.constant 0 : i32
        %dma_wait3A_915 = arith.constant 0 : i32
        %dma_wait3A_916 = tpu.memref_slice %arg6[%dma_wait3A_912, %dma_wait3A_914, %dma_wait3A_915] : memref<8x128x16xf32, #tpu.memory_space<vmem>> -> memref<1x128x16xf32, #tpu.memory_space<vmem>>
        %dma_wait3A_917 = tpu.memref_squeeze %dma_wait3A_916 : memref<1x128x16xf32, #tpu.memory_space<vmem>> -> memref<128x16xf32, #tpu.memory_space<vmem>>
        %dma_wait3A_918 = tpu.memref_slice %arg5[%dma_wait3A_913, %mul3A_911] : memref<2x10240xi32, #tpu.memory_space<vmem>> -> memref<1x128xi32, #tpu.memory_space<vmem>>
        %dma_wait3A_919 = tpu.memref_squeeze %dma_wait3A_918 : memref<1x128xi32, #tpu.memory_space<vmem>> -> memref<128xi32, #tpu.memory_space<vmem>>
        %dma_wait3A_920 = arith.constant 0 : i32
        %dma_wait3A_921 = arith.constant 0 : i32
        %dma_wait3A_922 = tpu.memref_slice %arg10[%dma_wait3A_920, %dma_wait3A_921] : memref<10112x16xf32, #tpu.memory_space<vmem_shared>> -> memref<10112x16xf32, #tpu.memory_space<vmem_shared>>
        tpu.wait_indirect_dma semaphore(%arg27 : memref<!tpu.dma_semaphore, #tpu.memory_space<semaphore_mem>>) src(%dma_wait3A_917 : memref<128x16xf32, #tpu.memory_space<vmem>>) dst(%dma_wait3A_922 : memref<10112x16xf32, #tpu.memory_space<vmem_shared>>)
      } else {
      }
      %lt3A_548 = arith.constant 80 : i32
      %lt3A_549 = arith.cmpi slt, %sub3A_544, %lt3A_548 : i32
      %convert_element_type3A_550 = arith.extui %lt3A_549 : i1 to i32
      %cond3A_551 = arith.constant 0 : i32
      %cond3A_552 = arith.cmpi ne, %convert_element_type3A_550, %cond3A_551 : i32
      scf.if %cond3A_552 {
        %mul3A_908 = arith.constant 128 : i32
        %mul3A_909 = arith.muli %sub3A_544, %mul3A_908 : i32
        %dma_start3A_910 = arith.constant 0 : i32
        %dma_start3A_911 = arith.constant 7 : i32
        %dma_start3A_912 = arith.constant 0 : i32
        %dma_start3A_913 = arith.constant 0 : i32
        %dma_start3A_914 = tpu.memref_slice %arg6[%dma_start3A_911, %dma_start3A_912, %dma_start3A_913] : memref<8x128x16xf32, #tpu.memory_space<vmem>> -> memref<1x128x16xf32, #tpu.memory_space<vmem>>
        %dma_start3A_915 = tpu.memref_squeeze %dma_start3A_914 : memref<1x128x16xf32, #tpu.memory_space<vmem>> -> memref<128x16xf32, #tpu.memory_space<vmem>>
        %dma_start3A_916 = tpu.memref_slice %arg5[%dma_start3A_910, %mul3A_909] : memref<2x10240xi32, #tpu.memory_space<vmem>> -> memref<1x128xi32, #tpu.memory_space<vmem>>
        %dma_start3A_917 = tpu.memref_squeeze %dma_start3A_916 : memref<1x128xi32, #tpu.memory_space<vmem>> -> memref<128xi32, #tpu.memory_space<vmem>>
        %dma_start3A_918 = arith.constant 0 : i32
        %dma_start3A_919 = arith.constant 0 : i32
        %dma_start3A_920 = tpu.memref_slice %arg11[%dma_start3A_918, %dma_start3A_919] : memref<10000x16xf32, #tpu.memory_space<vmem_shared>> -> memref<10000x16xf32, #tpu.memory_space<vmem_shared>>
        tpu.enqueue_indirect_dma source(%dma_start3A_920 : memref<10000x16xf32, #tpu.memory_space<vmem_shared>>) target(%dma_start3A_915 : memref<128x16xf32, #tpu.memory_space<vmem>>) offsets(%dma_start3A_917 : memref<128xi32, #tpu.memory_space<vmem>>) semaphore(%arg19 : memref<!tpu.dma_semaphore, #tpu.memory_space<semaphore_mem>>)
      } else {
      }
      %mul3A_553 = arith.constant 128 : i32
      %mul3A_554 = arith.muli %add3A_541, %mul3A_553 : i32
      %dma_wait3A_555 = arith.constant 0 : i32
      %dma_wait3A_556 = arith.constant 0 : i32
      %dma_wait3A_557 = arith.constant 0 : i32
      %dma_wait3A_558 = arith.constant 0 : i32
      %dma_wait3A_559 = tpu.memref_slice %arg6[%dma_wait3A_556, %dma_wait3A_557, %dma_wait3A_558] : memref<8x128x16xf32, #tpu.memory_space<vmem>> -> memref<1x128x16xf32, #tpu.memory_space<vmem>>
      %dma_wait3A_560 = tpu.memref_squeeze %dma_wait3A_559 : memref<1x128x16xf32, #tpu.memory_space<vmem>> -> memref<128x16xf32, #tpu.memory_space<vmem>>
      %dma_wait3A_561 = tpu.memref_slice %arg5[%dma_wait3A_555, %mul3A_554] : memref<2x10240xi32, #tpu.memory_space<vmem>> -> memref<1x128xi32, #tpu.memory_space<vmem>>
      %dma_wait3A_562 = tpu.memref_squeeze %dma_wait3A_561 : memref<1x128xi32, #tpu.memory_space<vmem>> -> memref<128xi32, #tpu.memory_space<vmem>>
      %dma_wait3A_563 = arith.constant 0 : i32
      %dma_wait3A_564 = arith.constant 0 : i32
      %dma_wait3A_565 = tpu.memref_slice %arg11[%dma_wait3A_563, %dma_wait3A_564] : memref<10000x16xf32, #tpu.memory_space<vmem_shared>> -> memref<10000x16xf32, #tpu.memory_space<vmem_shared>>
      tpu.wait_indirect_dma semaphore(%arg12 : memref<!tpu.dma_semaphore, #tpu.memory_space<semaphore_mem>>) src(%dma_wait3A_565 : memref<10000x16xf32, #tpu.memory_space<vmem_shared>>) dst(%dma_wait3A_560 : memref<128x16xf32, #tpu.memory_space<vmem>>)
      %mul3A_566 = arith.constant 128 : i32
      %mul3A_567 = arith.muli %add3A_541, %mul3A_566 : i32
      %dma_start3A_568 = arith.constant 0 : i32
      %dma_start3A_569 = arith.constant 1 : i32
      %dma_start3A_570 = arith.constant 0 : i32
      %dma_start3A_571 = arith.constant 0 : i32
      %dma_start3A_572 = tpu.memref_slice %arg6[%dma_start3A_568, %dma_start3A_570, %dma_start3A_571] : memref<8x128x16xf32, #tpu.memory_space<vmem>> -> memref<1x128x16xf32, #tpu.memory_space<vmem>>
      %dma_start3A_573 = tpu.memref_squeeze %dma_start3A_572 : memref<1x128x16xf32, #tpu.memory_space<vmem>> -> memref<128x16xf32, #tpu.memory_space<vmem>>
      %dma_start3A_574 = tpu.memref_slice %arg5[%dma_start3A_569, %mul3A_567] : memref<2x10240xi32, #tpu.memory_space<vmem>> -> memref<1x128xi32, #tpu.memory_space<vmem>>
      %dma_start3A_575 = tpu.memref_squeeze %dma_start3A_574 : memref<1x128xi32, #tpu.memory_space<vmem>> -> memref<128xi32, #tpu.memory_space<vmem>>
      %dma_start3A_576 = arith.constant 0 : i32
      %dma_start3A_577 = arith.constant 0 : i32
      %dma_start3A_578 = tpu.memref_slice %arg10[%dma_start3A_576, %dma_start3A_577] : memref<10112x16xf32, #tpu.memory_space<vmem_shared>> -> memref<10112x16xf32, #tpu.memory_space<vmem_shared>>
      tpu.enqueue_indirect_dma source(%dma_start3A_573 : memref<128x16xf32, #tpu.memory_space<vmem>>) target(%dma_start3A_578 : memref<10112x16xf32, #tpu.memory_space<vmem_shared>>) offsets(%dma_start3A_575 : memref<128xi32, #tpu.memory_space<vmem>>) semaphore(%arg20 : memref<!tpu.dma_semaphore, #tpu.memory_space<semaphore_mem>>) {add = true}
      %mul3A_579 = arith.constant 8 : i32
      %mul3A_580 = arith.muli %scan3A_537, %mul3A_579 : i32
      %add3A_581 = arith.constant 1 : i32
      %add3A_582 = arith.addi %mul3A_580, %add3A_581 : i32
      %add3A_583 = arith.constant 8 : i32
      %add3A_584 = arith.addi %add3A_582, %add3A_583 : i32
      %sub3A_585 = arith.constant 1 : i32
      %sub3A_586 = arith.subi %add3A_584, %sub3A_585 : i32
      %lt3A_587 = arith.constant 80 : i32
      %lt3A_588 = arith.cmpi slt, %sub3A_586, %lt3A_587 : i32
      %gt3A_589 = arith.constant 0 : i32
      %gt3A_590 = arith.cmpi sgt, %add3A_582, %gt3A_589 : i32
      %and3A_591 = arith.andi %lt3A_588, %gt3A_590 : i1
      %convert_element_type3A_592 = arith.extui %and3A_591 : i1 to i32
      %cond3A_593 = arith.constant 0 : i32
      %cond3A_594 = arith.cmpi ne, %convert_element_type3A_592, %cond3A_593 : i32
      scf.if %cond3A_594 {
        %sub3A_908 = arith.constant 1 : i32
        %sub3A_909 = arith.subi %add3A_582, %sub3A_908 : i32
        %mul3A_910 = arith.constant 128 : i32
        %mul3A_911 = arith.muli %sub3A_909, %mul3A_910 : i32
        %dma_wait3A_912 = arith.constant 0 : i32
        %dma_wait3A_913 = arith.constant 1 : i32
        %dma_wait3A_914 = arith.constant 0 : i32
        %dma_wait3A_915 = arith.constant 0 : i32
        %dma_wait3A_916 = tpu.memref_slice %arg6[%dma_wait3A_912, %dma_wait3A_914, %dma_wait3A_915] : memref<8x128x16xf32, #tpu.memory_space<vmem>> -> memref<1x128x16xf32, #tpu.memory_space<vmem>>
        %dma_wait3A_917 = tpu.memref_squeeze %dma_wait3A_916 : memref<1x128x16xf32, #tpu.memory_space<vmem>> -> memref<128x16xf32, #tpu.memory_space<vmem>>
        %dma_wait3A_918 = tpu.memref_slice %arg5[%dma_wait3A_913, %mul3A_911] : memref<2x10240xi32, #tpu.memory_space<vmem>> -> memref<1x128xi32, #tpu.memory_space<vmem>>
        %dma_wait3A_919 = tpu.memref_squeeze %dma_wait3A_918 : memref<1x128xi32, #tpu.memory_space<vmem>> -> memref<128xi32, #tpu.memory_space<vmem>>
        %dma_wait3A_920 = arith.constant 0 : i32
        %dma_wait3A_921 = arith.constant 0 : i32
        %dma_wait3A_922 = tpu.memref_slice %arg10[%dma_wait3A_920, %dma_wait3A_921] : memref<10112x16xf32, #tpu.memory_space<vmem_shared>> -> memref<10112x16xf32, #tpu.memory_space<vmem_shared>>
        tpu.wait_indirect_dma semaphore(%arg20 : memref<!tpu.dma_semaphore, #tpu.memory_space<semaphore_mem>>) src(%dma_wait3A_917 : memref<128x16xf32, #tpu.memory_space<vmem>>) dst(%dma_wait3A_922 : memref<10112x16xf32, #tpu.memory_space<vmem_shared>>)
      } else {
      }
      %lt3A_595 = arith.constant 80 : i32
      %lt3A_596 = arith.cmpi slt, %sub3A_586, %lt3A_595 : i32
      %convert_element_type3A_597 = arith.extui %lt3A_596 : i1 to i32
      %cond3A_598 = arith.constant 0 : i32
      %cond3A_599 = arith.cmpi ne, %convert_element_type3A_597, %cond3A_598 : i32
      scf.if %cond3A_599 {
        %mul3A_908 = arith.constant 128 : i32
        %mul3A_909 = arith.muli %sub3A_586, %mul3A_908 : i32
        %dma_start3A_910 = arith.constant 0 : i32
        %dma_start3A_911 = arith.constant 0 : i32
        %dma_start3A_912 = arith.constant 0 : i32
        %dma_start3A_913 = arith.constant 0 : i32
        %dma_start3A_914 = tpu.memref_slice %arg6[%dma_start3A_911, %dma_start3A_912, %dma_start3A_913] : memref<8x128x16xf32, #tpu.memory_space<vmem>> -> memref<1x128x16xf32, #tpu.memory_space<vmem>>
        %dma_start3A_915 = tpu.memref_squeeze %dma_start3A_914 : memref<1x128x16xf32, #tpu.memory_space<vmem>> -> memref<128x16xf32, #tpu.memory_space<vmem>>
        %dma_start3A_916 = tpu.memref_slice %arg5[%dma_start3A_910, %mul3A_909] : memref<2x10240xi32, #tpu.memory_space<vmem>> -> memref<1x128xi32, #tpu.memory_space<vmem>>
        %dma_start3A_917 = tpu.memref_squeeze %dma_start3A_916 : memref<1x128xi32, #tpu.memory_space<vmem>> -> memref<128xi32, #tpu.memory_space<vmem>>
        %dma_start3A_918 = arith.constant 0 : i32
        %dma_start3A_919 = arith.constant 0 : i32
        %dma_start3A_920 = tpu.memref_slice %arg11[%dma_start3A_918, %dma_start3A_919] : memref<10000x16xf32, #tpu.memory_space<vmem_shared>> -> memref<10000x16xf32, #tpu.memory_space<vmem_shared>>
        tpu.enqueue_indirect_dma source(%dma_start3A_920 : memref<10000x16xf32, #tpu.memory_space<vmem_shared>>) target(%dma_start3A_915 : memref<128x16xf32, #tpu.memory_space<vmem>>) offsets(%dma_start3A_917 : memref<128xi32, #tpu.memory_space<vmem>>) semaphore(%arg12 : memref<!tpu.dma_semaphore, #tpu.memory_space<semaphore_mem>>)
      } else {
      }
      %mul3A_600 = arith.constant 128 : i32
      %mul3A_601 = arith.muli %add3A_582, %mul3A_600 : i32
      %dma_wait3A_602 = arith.constant 0 : i32
      %dma_wait3A_603 = arith.constant 1 : i32
      %dma_wait3A_604 = arith.constant 0 : i32
      %dma_wait3A_605 = arith.constant 0 : i32
      %dma_wait3A_606 = tpu.memref_slice %arg6[%dma_wait3A_603, %dma_wait3A_604, %dma_wait3A_605] : memref<8x128x16xf32, #tpu.memory_space<vmem>> -> memref<1x128x16xf32, #tpu.memory_space<vmem>>
      %dma_wait3A_607 = tpu.memref_squeeze %dma_wait3A_606 : memref<1x128x16xf32, #tpu.memory_space<vmem>> -> memref<128x16xf32, #tpu.memory_space<vmem>>
      %dma_wait3A_608 = tpu.memref_slice %arg5[%dma_wait3A_602, %mul3A_601] : memref<2x10240xi32, #tpu.memory_space<vmem>> -> memref<1x128xi32, #tpu.memory_space<vmem>>
      %dma_wait3A_609 = tpu.memref_squeeze %dma_wait3A_608 : memref<1x128xi32, #tpu.memory_space<vmem>> -> memref<128xi32, #tpu.memory_space<vmem>>
      %dma_wait3A_610 = arith.constant 0 : i32
      %dma_wait3A_611 = arith.constant 0 : i32
      %dma_wait3A_612 = tpu.memref_slice %arg11[%dma_wait3A_610, %dma_wait3A_611] : memref<10000x16xf32, #tpu.memory_space<vmem_shared>> -> memref<10000x16xf32, #tpu.memory_space<vmem_shared>>
      tpu.wait_indirect_dma semaphore(%arg13 : memref<!tpu.dma_semaphore, #tpu.memory_space<semaphore_mem>>) src(%dma_wait3A_612 : memref<10000x16xf32, #tpu.memory_space<vmem_shared>>) dst(%dma_wait3A_607 : memref<128x16xf32, #tpu.memory_space<vmem>>)
      %mul3A_613 = arith.constant 128 : i32
      %mul3A_614 = arith.muli %add3A_582, %mul3A_613 : i32
      %dma_start3A_615 = arith.constant 1 : i32
      %dma_start3A_616 = arith.constant 1 : i32
      %dma_start3A_617 = arith.constant 0 : i32
      %dma_start3A_618 = arith.constant 0 : i32
      %dma_start3A_619 = tpu.memref_slice %arg6[%dma_start3A_615, %dma_start3A_617, %dma_start3A_618] : memref<8x128x16xf32, #tpu.memory_space<vmem>> -> memref<1x128x16xf32, #tpu.memory_space<vmem>>
      %dma_start3A_620 = tpu.memref_squeeze %dma_start3A_619 : memref<1x128x16xf32, #tpu.memory_space<vmem>> -> memref<128x16xf32, #tpu.memory_space<vmem>>
      %dma_start3A_621 = tpu.memref_slice %arg5[%dma_start3A_616, %mul3A_614] : memref<2x10240xi32, #tpu.memory_space<vmem>> -> memref<1x128xi32, #tpu.memory_space<vmem>>
      %dma_start3A_622 = tpu.memref_squeeze %dma_start3A_621 : memref<1x128xi32, #tpu.memory_space<vmem>> -> memref<128xi32, #tpu.memory_space<vmem>>
      %dma_start3A_623 = arith.constant 0 : i32
      %dma_start3A_624 = arith.constant 0 : i32
      %dma_start3A_625 = tpu.memref_slice %arg10[%dma_start3A_623, %dma_start3A_624] : memref<10112x16xf32, #tpu.memory_space<vmem_shared>> -> memref<10112x16xf32, #tpu.memory_space<vmem_shared>>
      tpu.enqueue_indirect_dma source(%dma_start3A_620 : memref<128x16xf32, #tpu.memory_space<vmem>>) target(%dma_start3A_625 : memref<10112x16xf32, #tpu.memory_space<vmem_shared>>) offsets(%dma_start3A_622 : memref<128xi32, #tpu.memory_space<vmem>>) semaphore(%arg21 : memref<!tpu.dma_semaphore, #tpu.memory_space<semaphore_mem>>) {add = true}
      %mul3A_626 = arith.constant 8 : i32
      %mul3A_627 = arith.muli %scan3A_537, %mul3A_626 : i32
      %add3A_628 = arith.constant 2 : i32
      %add3A_629 = arith.addi %mul3A_627, %add3A_628 : i32
      %add3A_630 = arith.constant 8 : i32
      %add3A_631 = arith.addi %add3A_629, %add3A_630 : i32
      %sub3A_632 = arith.constant 1 : i32
      %sub3A_633 = arith.subi %add3A_631, %sub3A_632 : i32
      %lt3A_634 = arith.constant 80 : i32
      %lt3A_635 = arith.cmpi slt, %sub3A_633, %lt3A_634 : i32
      %gt3A_636 = arith.constant 0 : i32
      %gt3A_637 = arith.cmpi sgt, %add3A_629, %gt3A_636 : i32
      %and3A_638 = arith.andi %lt3A_635, %gt3A_637 : i1
      %convert_element_type3A_639 = arith.extui %and3A_638 : i1 to i32
      %cond3A_640 = arith.constant 0 : i32
      %cond3A_641 = arith.cmpi ne, %convert_element_type3A_639, %cond3A_640 : i32
      scf.if %cond3A_641 {
        %sub3A_908 = arith.constant 1 : i32
        %sub3A_909 = arith.subi %add3A_629, %sub3A_908 : i32
        %mul3A_910 = arith.constant 128 : i32
        %mul3A_911 = arith.muli %sub3A_909, %mul3A_910 : i32
        %dma_wait3A_912 = arith.constant 1 : i32
        %dma_wait3A_913 = arith.constant 1 : i32
        %dma_wait3A_914 = arith.constant 0 : i32
        %dma_wait3A_915 = arith.constant 0 : i32
        %dma_wait3A_916 = tpu.memref_slice %arg6[%dma_wait3A_912, %dma_wait3A_914, %dma_wait3A_915] : memref<8x128x16xf32, #tpu.memory_space<vmem>> -> memref<1x128x16xf32, #tpu.memory_space<vmem>>
        %dma_wait3A_917 = tpu.memref_squeeze %dma_wait3A_916 : memref<1x128x16xf32, #tpu.memory_space<vmem>> -> memref<128x16xf32, #tpu.memory_space<vmem>>
        %dma_wait3A_918 = tpu.memref_slice %arg5[%dma_wait3A_913, %mul3A_911] : memref<2x10240xi32, #tpu.memory_space<vmem>> -> memref<1x128xi32, #tpu.memory_space<vmem>>
        %dma_wait3A_919 = tpu.memref_squeeze %dma_wait3A_918 : memref<1x128xi32, #tpu.memory_space<vmem>> -> memref<128xi32, #tpu.memory_space<vmem>>
        %dma_wait3A_920 = arith.constant 0 : i32
        %dma_wait3A_921 = arith.constant 0 : i32
        %dma_wait3A_922 = tpu.memref_slice %arg10[%dma_wait3A_920, %dma_wait3A_921] : memref<10112x16xf32, #tpu.memory_space<vmem_shared>> -> memref<10112x16xf32, #tpu.memory_space<vmem_shared>>
        tpu.wait_indirect_dma semaphore(%arg21 : memref<!tpu.dma_semaphore, #tpu.memory_space<semaphore_mem>>) src(%dma_wait3A_917 : memref<128x16xf32, #tpu.memory_space<vmem>>) dst(%dma_wait3A_922 : memref<10112x16xf32, #tpu.memory_space<vmem_shared>>)
      } else {
      }
      %lt3A_642 = arith.constant 80 : i32
      %lt3A_643 = arith.cmpi slt, %sub3A_633, %lt3A_642 : i32
      %convert_element_type3A_644 = arith.extui %lt3A_643 : i1 to i32
      %cond3A_645 = arith.constant 0 : i32
      %cond3A_646 = arith.cmpi ne, %convert_element_type3A_644, %cond3A_645 : i32
      scf.if %cond3A_646 {
        %mul3A_908 = arith.constant 128 : i32
        %mul3A_909 = arith.muli %sub3A_633, %mul3A_908 : i32
        %dma_start3A_910 = arith.constant 0 : i32
        %dma_start3A_911 = arith.constant 1 : i32
        %dma_start3A_912 = arith.constant 0 : i32
        %dma_start3A_913 = arith.constant 0 : i32
        %dma_start3A_914 = tpu.memref_slice %arg6[%dma_start3A_911, %dma_start3A_912, %dma_start3A_913] : memref<8x128x16xf32, #tpu.memory_space<vmem>> -> memref<1x128x16xf32, #tpu.memory_space<vmem>>
        %dma_start3A_915 = tpu.memref_squeeze %dma_start3A_914 : memref<1x128x16xf32, #tpu.memory_space<vmem>> -> memref<128x16xf32, #tpu.memory_space<vmem>>
        %dma_start3A_916 = tpu.memref_slice %arg5[%dma_start3A_910, %mul3A_909] : memref<2x10240xi32, #tpu.memory_space<vmem>> -> memref<1x128xi32, #tpu.memory_space<vmem>>
        %dma_start3A_917 = tpu.memref_squeeze %dma_start3A_916 : memref<1x128xi32, #tpu.memory_space<vmem>> -> memref<128xi32, #tpu.memory_space<vmem>>
        %dma_start3A_918 = arith.constant 0 : i32
        %dma_start3A_919 = arith.constant 0 : i32
        %dma_start3A_920 = tpu.memref_slice %arg11[%dma_start3A_918, %dma_start3A_919] : memref<10000x16xf32, #tpu.memory_space<vmem_shared>> -> memref<10000x16xf32, #tpu.memory_space<vmem_shared>>
        tpu.enqueue_indirect_dma source(%dma_start3A_920 : memref<10000x16xf32, #tpu.memory_space<vmem_shared>>) target(%dma_start3A_915 : memref<128x16xf32, #tpu.memory_space<vmem>>) offsets(%dma_start3A_917 : memref<128xi32, #tpu.memory_space<vmem>>) semaphore(%arg13 : memref<!tpu.dma_semaphore, #tpu.memory_space<semaphore_mem>>)
      } else {
      }
      %mul3A_647 = arith.constant 128 : i32
      %mul3A_648 = arith.muli %add3A_629, %mul3A_647 : i32
      %dma_wait3A_649 = arith.constant 0 : i32
      %dma_wait3A_650 = arith.constant 2 : i32
      %dma_wait3A_651 = arith.constant 0 : i32
      %dma_wait3A_652 = arith.constant 0 : i32
      %dma_wait3A_653 = tpu.memref_slice %arg6[%dma_wait3A_650, %dma_wait3A_651, %dma_wait3A_652] : memref<8x128x16xf32, #tpu.memory_space<vmem>> -> memref<1x128x16xf32, #tpu.memory_space<vmem>>
      %dma_wait3A_654 = tpu.memref_squeeze %dma_wait3A_653 : memref<1x128x16xf32, #tpu.memory_space<vmem>> -> memref<128x16xf32, #tpu.memory_space<vmem>>
      %dma_wait3A_655 = tpu.memref_slice %arg5[%dma_wait3A_649, %mul3A_648] : memref<2x10240xi32, #tpu.memory_space<vmem>> -> memref<1x128xi32, #tpu.memory_space<vmem>>
      %dma_wait3A_656 = tpu.memref_squeeze %dma_wait3A_655 : memref<1x128xi32, #tpu.memory_space<vmem>> -> memref<128xi32, #tpu.memory_space<vmem>>
      %dma_wait3A_657 = arith.constant 0 : i32
      %dma_wait3A_658 = arith.constant 0 : i32
      %dma_wait3A_659 = tpu.memref_slice %arg11[%dma_wait3A_657, %dma_wait3A_658] : memref<10000x16xf32, #tpu.memory_space<vmem_shared>> -> memref<10000x16xf32, #tpu.memory_space<vmem_shared>>
      tpu.wait_indirect_dma semaphore(%arg14 : memref<!tpu.dma_semaphore, #tpu.memory_space<semaphore_mem>>) src(%dma_wait3A_659 : memref<10000x16xf32, #tpu.memory_space<vmem_shared>>) dst(%dma_wait3A_654 : memref<128x16xf32, #tpu.memory_space<vmem>>)
      %mul3A_660 = arith.constant 128 : i32
      %mul3A_661 = arith.muli %add3A_629, %mul3A_660 : i32
      %dma_start3A_662 = arith.constant 2 : i32
      %dma_start3A_663 = arith.constant 1 : i32
      %dma_start3A_664 = arith.constant 0 : i32
      %dma_start3A_665 = arith.constant 0 : i32
      %dma_start3A_666 = tpu.memref_slice %arg6[%dma_start3A_662, %dma_start3A_664, %dma_start3A_665] : memref<8x128x16xf32, #tpu.memory_space<vmem>> -> memref<1x128x16xf32, #tpu.memory_space<vmem>>
      %dma_start3A_667 = tpu.memref_squeeze %dma_start3A_666 : memref<1x128x16xf32, #tpu.memory_space<vmem>> -> memref<128x16xf32, #tpu.memory_space<vmem>>
      %dma_start3A_668 = tpu.memref_slice %arg5[%dma_start3A_663, %mul3A_661] : memref<2x10240xi32, #tpu.memory_space<vmem>> -> memref<1x128xi32, #tpu.memory_space<vmem>>
      %dma_start3A_669 = tpu.memref_squeeze %dma_start3A_668 : memref<1x128xi32, #tpu.memory_space<vmem>> -> memref<128xi32, #tpu.memory_space<vmem>>
      %dma_start3A_670 = arith.constant 0 : i32
      %dma_start3A_671 = arith.constant 0 : i32
      %dma_start3A_672 = tpu.memref_slice %arg10[%dma_start3A_670, %dma_start3A_671] : memref<10112x16xf32, #tpu.memory_space<vmem_shared>> -> memref<10112x16xf32, #tpu.memory_space<vmem_shared>>
      tpu.enqueue_indirect_dma source(%dma_start3A_667 : memref<128x16xf32, #tpu.memory_space<vmem>>) target(%dma_start3A_672 : memref<10112x16xf32, #tpu.memory_space<vmem_shared>>) offsets(%dma_start3A_669 : memref<128xi32, #tpu.memory_space<vmem>>) semaphore(%arg22 : memref<!tpu.dma_semaphore, #tpu.memory_space<semaphore_mem>>) {add = true}
      %mul3A_673 = arith.constant 8 : i32
      %mul3A_674 = arith.muli %scan3A_537, %mul3A_673 : i32
      %add3A_675 = arith.constant 3 : i32
      %add3A_676 = arith.addi %mul3A_674, %add3A_675 : i32
      %add3A_677 = arith.constant 8 : i32
      %add3A_678 = arith.addi %add3A_676, %add3A_677 : i32
      %sub3A_679 = arith.constant 1 : i32
      %sub3A_680 = arith.subi %add3A_678, %sub3A_679 : i32
      %lt3A_681 = arith.constant 80 : i32
      %lt3A_682 = arith.cmpi slt, %sub3A_680, %lt3A_681 : i32
      %gt3A_683 = arith.constant 0 : i32
      %gt3A_684 = arith.cmpi sgt, %add3A_676, %gt3A_683 : i32
      %and3A_685 = arith.andi %lt3A_682, %gt3A_684 : i1
      %convert_element_type3A_686 = arith.extui %and3A_685 : i1 to i32
      %cond3A_687 = arith.constant 0 : i32
      %cond3A_688 = arith.cmpi ne, %convert_element_type3A_686, %cond3A_687 : i32
      scf.if %cond3A_688 {
        %sub3A_908 = arith.constant 1 : i32
        %sub3A_909 = arith.subi %add3A_676, %sub3A_908 : i32
        %mul3A_910 = arith.constant 128 : i32
        %mul3A_911 = arith.muli %sub3A_909, %mul3A_910 : i32
        %dma_wait3A_912 = arith.constant 2 : i32
        %dma_wait3A_913 = arith.constant 1 : i32
        %dma_wait3A_914 = arith.constant 0 : i32
        %dma_wait3A_915 = arith.constant 0 : i32
        %dma_wait3A_916 = tpu.memref_slice %arg6[%dma_wait3A_912, %dma_wait3A_914, %dma_wait3A_915] : memref<8x128x16xf32, #tpu.memory_space<vmem>> -> memref<1x128x16xf32, #tpu.memory_space<vmem>>
        %dma_wait3A_917 = tpu.memref_squeeze %dma_wait3A_916 : memref<1x128x16xf32, #tpu.memory_space<vmem>> -> memref<128x16xf32, #tpu.memory_space<vmem>>
        %dma_wait3A_918 = tpu.memref_slice %arg5[%dma_wait3A_913, %mul3A_911] : memref<2x10240xi32, #tpu.memory_space<vmem>> -> memref<1x128xi32, #tpu.memory_space<vmem>>
        %dma_wait3A_919 = tpu.memref_squeeze %dma_wait3A_918 : memref<1x128xi32, #tpu.memory_space<vmem>> -> memref<128xi32, #tpu.memory_space<vmem>>
        %dma_wait3A_920 = arith.constant 0 : i32
        %dma_wait3A_921 = arith.constant 0 : i32
        %dma_wait3A_922 = tpu.memref_slice %arg10[%dma_wait3A_920, %dma_wait3A_921] : memref<10112x16xf32, #tpu.memory_space<vmem_shared>> -> memref<10112x16xf32, #tpu.memory_space<vmem_shared>>
        tpu.wait_indirect_dma semaphore(%arg22 : memref<!tpu.dma_semaphore, #tpu.memory_space<semaphore_mem>>) src(%dma_wait3A_917 : memref<128x16xf32, #tpu.memory_space<vmem>>) dst(%dma_wait3A_922 : memref<10112x16xf32, #tpu.memory_space<vmem_shared>>)
      } else {
      }
      %lt3A_689 = arith.constant 80 : i32
      %lt3A_690 = arith.cmpi slt, %sub3A_680, %lt3A_689 : i32
      %convert_element_type3A_691 = arith.extui %lt3A_690 : i1 to i32
      %cond3A_692 = arith.constant 0 : i32
      %cond3A_693 = arith.cmpi ne, %convert_element_type3A_691, %cond3A_692 : i32
      scf.if %cond3A_693 {
        %mul3A_908 = arith.constant 128 : i32
        %mul3A_909 = arith.muli %sub3A_680, %mul3A_908 : i32
        %dma_start3A_910 = arith.constant 0 : i32
        %dma_start3A_911 = arith.constant 2 : i32
        %dma_start3A_912 = arith.constant 0 : i32
        %dma_start3A_913 = arith.constant 0 : i32
        %dma_start3A_914 = tpu.memref_slice %arg6[%dma_start3A_911, %dma_start3A_912, %dma_start3A_913] : memref<8x128x16xf32, #tpu.memory_space<vmem>> -> memref<1x128x16xf32, #tpu.memory_space<vmem>>
        %dma_start3A_915 = tpu.memref_squeeze %dma_start3A_914 : memref<1x128x16xf32, #tpu.memory_space<vmem>> -> memref<128x16xf32, #tpu.memory_space<vmem>>
        %dma_start3A_916 = tpu.memref_slice %arg5[%dma_start3A_910, %mul3A_909] : memref<2x10240xi32, #tpu.memory_space<vmem>> -> memref<1x128xi32, #tpu.memory_space<vmem>>
        %dma_start3A_917 = tpu.memref_squeeze %dma_start3A_916 : memref<1x128xi32, #tpu.memory_space<vmem>> -> memref<128xi32, #tpu.memory_space<vmem>>
        %dma_start3A_918 = arith.constant 0 : i32
        %dma_start3A_919 = arith.constant 0 : i32
        %dma_start3A_920 = tpu.memref_slice %arg11[%dma_start3A_918, %dma_start3A_919] : memref<10000x16xf32, #tpu.memory_space<vmem_shared>> -> memref<10000x16xf32, #tpu.memory_space<vmem_shared>>
        tpu.enqueue_indirect_dma source(%dma_start3A_920 : memref<10000x16xf32, #tpu.memory_space<vmem_shared>>) target(%dma_start3A_915 : memref<128x16xf32, #tpu.memory_space<vmem>>) offsets(%dma_start3A_917 : memref<128xi32, #tpu.memory_space<vmem>>) semaphore(%arg14 : memref<!tpu.dma_semaphore, #tpu.memory_space<semaphore_mem>>)
      } else {
      }
      %mul3A_694 = arith.constant 128 : i32
      %mul3A_695 = arith.muli %add3A_676, %mul3A_694 : i32
      %dma_wait3A_696 = arith.constant 0 : i32
      %dma_wait3A_697 = arith.constant 3 : i32
      %dma_wait3A_698 = arith.constant 0 : i32
      %dma_wait3A_699 = arith.constant 0 : i32
      %dma_wait3A_700 = tpu.memref_slice %arg6[%dma_wait3A_697, %dma_wait3A_698, %dma_wait3A_699] : memref<8x128x16xf32, #tpu.memory_space<vmem>> -> memref<1x128x16xf32, #tpu.memory_space<vmem>>
      %dma_wait3A_701 = tpu.memref_squeeze %dma_wait3A_700 : memref<1x128x16xf32, #tpu.memory_space<vmem>> -> memref<128x16xf32, #tpu.memory_space<vmem>>
      %dma_wait3A_702 = tpu.memref_slice %arg5[%dma_wait3A_696, %mul3A_695] : memref<2x10240xi32, #tpu.memory_space<vmem>> -> memref<1x128xi32, #tpu.memory_space<vmem>>
      %dma_wait3A_703 = tpu.memref_squeeze %dma_wait3A_702 : memref<1x128xi32, #tpu.memory_space<vmem>> -> memref<128xi32, #tpu.memory_space<vmem>>
      %dma_wait3A_704 = arith.constant 0 : i32
      %dma_wait3A_705 = arith.constant 0 : i32
      %dma_wait3A_706 = tpu.memref_slice %arg11[%dma_wait3A_704, %dma_wait3A_705] : memref<10000x16xf32, #tpu.memory_space<vmem_shared>> -> memref<10000x16xf32, #tpu.memory_space<vmem_shared>>
      tpu.wait_indirect_dma semaphore(%arg15 : memref<!tpu.dma_semaphore, #tpu.memory_space<semaphore_mem>>) src(%dma_wait3A_706 : memref<10000x16xf32, #tpu.memory_space<vmem_shared>>) dst(%dma_wait3A_701 : memref<128x16xf32, #tpu.memory_space<vmem>>)
      %mul3A_707 = arith.constant 128 : i32
      %mul3A_708 = arith.muli %add3A_676, %mul3A_707 : i32
      %dma_start3A_709 = arith.constant 3 : i32
      %dma_start3A_710 = arith.constant 1 : i32
      %dma_start3A_711 = arith.constant 0 : i32
      %dma_start3A_712 = arith.constant 0 : i32
      %dma_start3A_713 = tpu.memref_slice %arg6[%dma_start3A_709, %dma_start3A_711, %dma_start3A_712] : memref<8x128x16xf32, #tpu.memory_space<vmem>> -> memref<1x128x16xf32, #tpu.memory_space<vmem>>
      %dma_start3A_714 = tpu.memref_squeeze %dma_start3A_713 : memref<1x128x16xf32, #tpu.memory_space<vmem>> -> memref<128x16xf32, #tpu.memory_space<vmem>>
      %dma_start3A_715 = tpu.memref_slice %arg5[%dma_start3A_710, %mul3A_708] : memref<2x10240xi32, #tpu.memory_space<vmem>> -> memref<1x128xi32, #tpu.memory_space<vmem>>
      %dma_start3A_716 = tpu.memref_squeeze %dma_start3A_715 : memref<1x128xi32, #tpu.memory_space<vmem>> -> memref<128xi32, #tpu.memory_space<vmem>>
      %dma_start3A_717 = arith.constant 0 : i32
      %dma_start3A_718 = arith.constant 0 : i32
      %dma_start3A_719 = tpu.memref_slice %arg10[%dma_start3A_717, %dma_start3A_718] : memref<10112x16xf32, #tpu.memory_space<vmem_shared>> -> memref<10112x16xf32, #tpu.memory_space<vmem_shared>>
      tpu.enqueue_indirect_dma source(%dma_start3A_714 : memref<128x16xf32, #tpu.memory_space<vmem>>) target(%dma_start3A_719 : memref<10112x16xf32, #tpu.memory_space<vmem_shared>>) offsets(%dma_start3A_716 : memref<128xi32, #tpu.memory_space<vmem>>) semaphore(%arg23 : memref<!tpu.dma_semaphore, #tpu.memory_space<semaphore_mem>>) {add = true}
      %mul3A_720 = arith.constant 8 : i32
      %mul3A_721 = arith.muli %scan3A_537, %mul3A_720 : i32
      %add3A_722 = arith.constant 4 : i32
      %add3A_723 = arith.addi %mul3A_721, %add3A_722 : i32
      %add3A_724 = arith.constant 8 : i32
      %add3A_725 = arith.addi %add3A_723, %add3A_724 : i32
      %sub3A_726 = arith.constant 1 : i32
      %sub3A_727 = arith.subi %add3A_725, %sub3A_726 : i32
      %lt3A_728 = arith.constant 80 : i32
      %lt3A_729 = arith.cmpi slt, %sub3A_727, %lt3A_728 : i32
      %gt3A_730 = arith.constant 0 : i32
      %gt3A_731 = arith.cmpi sgt, %add3A_723, %gt3A_730 : i32
      %and3A_732 = arith.andi %lt3A_729, %gt3A_731 : i1
      %convert_element_type3A_733 = arith.extui %and3A_732 : i1 to i32
      %cond3A_734 = arith.constant 0 : i32
      %cond3A_735 = arith.cmpi ne, %convert_element_type3A_733, %cond3A_734 : i32
      scf.if %cond3A_735 {
        %sub3A_908 = arith.constant 1 : i32
        %sub3A_909 = arith.subi %add3A_723, %sub3A_908 : i32
        %mul3A_910 = arith.constant 128 : i32
        %mul3A_911 = arith.muli %sub3A_909, %mul3A_910 : i32
        %dma_wait3A_912 = arith.constant 3 : i32
        %dma_wait3A_913 = arith.constant 1 : i32
        %dma_wait3A_914 = arith.constant 0 : i32
        %dma_wait3A_915 = arith.constant 0 : i32
        %dma_wait3A_916 = tpu.memref_slice %arg6[%dma_wait3A_912, %dma_wait3A_914, %dma_wait3A_915] : memref<8x128x16xf32, #tpu.memory_space<vmem>> -> memref<1x128x16xf32, #tpu.memory_space<vmem>>
        %dma_wait3A_917 = tpu.memref_squeeze %dma_wait3A_916 : memref<1x128x16xf32, #tpu.memory_space<vmem>> -> memref<128x16xf32, #tpu.memory_space<vmem>>
        %dma_wait3A_918 = tpu.memref_slice %arg5[%dma_wait3A_913, %mul3A_911] : memref<2x10240xi32, #tpu.memory_space<vmem>> -> memref<1x128xi32, #tpu.memory_space<vmem>>
        %dma_wait3A_919 = tpu.memref_squeeze %dma_wait3A_918 : memref<1x128xi32, #tpu.memory_space<vmem>> -> memref<128xi32, #tpu.memory_space<vmem>>
        %dma_wait3A_920 = arith.constant 0 : i32
        %dma_wait3A_921 = arith.constant 0 : i32
        %dma_wait3A_922 = tpu.memref_slice %arg10[%dma_wait3A_920, %dma_wait3A_921] : memref<10112x16xf32, #tpu.memory_space<vmem_shared>> -> memref<10112x16xf32, #tpu.memory_space<vmem_shared>>
        tpu.wait_indirect_dma semaphore(%arg23 : memref<!tpu.dma_semaphore, #tpu.memory_space<semaphore_mem>>) src(%dma_wait3A_917 : memref<128x16xf32, #tpu.memory_space<vmem>>) dst(%dma_wait3A_922 : memref<10112x16xf32, #tpu.memory_space<vmem_shared>>)
      } else {
      }
      %lt3A_736 = arith.constant 80 : i32
      %lt3A_737 = arith.cmpi slt, %sub3A_727, %lt3A_736 : i32
      %convert_element_type3A_738 = arith.extui %lt3A_737 : i1 to i32
      %cond3A_739 = arith.constant 0 : i32
      %cond3A_740 = arith.cmpi ne, %convert_element_type3A_738, %cond3A_739 : i32
      scf.if %cond3A_740 {
        %mul3A_908 = arith.constant 128 : i32
        %mul3A_909 = arith.muli %sub3A_727, %mul3A_908 : i32
        %dma_start3A_910 = arith.constant 0 : i32
        %dma_start3A_911 = arith.constant 3 : i32
        %dma_start3A_912 = arith.constant 0 : i32
        %dma_start3A_913 = arith.constant 0 : i32
        %dma_start3A_914 = tpu.memref_slice %arg6[%dma_start3A_911, %dma_start3A_912, %dma_start3A_913] : memref<8x128x16xf32, #tpu.memory_space<vmem>> -> memref<1x128x16xf32, #tpu.memory_space<vmem>>
        %dma_start3A_915 = tpu.memref_squeeze %dma_start3A_914 : memref<1x128x16xf32, #tpu.memory_space<vmem>> -> memref<128x16xf32, #tpu.memory_space<vmem>>
        %dma_start3A_916 = tpu.memref_slice %arg5[%dma_start3A_910, %mul3A_909] : memref<2x10240xi32, #tpu.memory_space<vmem>> -> memref<1x128xi32, #tpu.memory_space<vmem>>
        %dma_start3A_917 = tpu.memref_squeeze %dma_start3A_916 : memref<1x128xi32, #tpu.memory_space<vmem>> -> memref<128xi32, #tpu.memory_space<vmem>>
        %dma_start3A_918 = arith.constant 0 : i32
        %dma_start3A_919 = arith.constant 0 : i32
        %dma_start3A_920 = tpu.memref_slice %arg11[%dma_start3A_918, %dma_start3A_919] : memref<10000x16xf32, #tpu.memory_space<vmem_shared>> -> memref<10000x16xf32, #tpu.memory_space<vmem_shared>>
        tpu.enqueue_indirect_dma source(%dma_start3A_920 : memref<10000x16xf32, #tpu.memory_space<vmem_shared>>) target(%dma_start3A_915 : memref<128x16xf32, #tpu.memory_space<vmem>>) offsets(%dma_start3A_917 : memref<128xi32, #tpu.memory_space<vmem>>) semaphore(%arg15 : memref<!tpu.dma_semaphore, #tpu.memory_space<semaphore_mem>>)
      } else {
      }
      %mul3A_741 = arith.constant 128 : i32
      %mul3A_742 = arith.muli %add3A_723, %mul3A_741 : i32
      %dma_wait3A_743 = arith.constant 0 : i32
      %dma_wait3A_744 = arith.constant 4 : i32
      %dma_wait3A_745 = arith.constant 0 : i32
      %dma_wait3A_746 = arith.constant 0 : i32
      %dma_wait3A_747 = tpu.memref_slice %arg6[%dma_wait3A_744, %dma_wait3A_745, %dma_wait3A_746] : memref<8x128x16xf32, #tpu.memory_space<vmem>> -> memref<1x128x16xf32, #tpu.memory_space<vmem>>
      %dma_wait3A_748 = tpu.memref_squeeze %dma_wait3A_747 : memref<1x128x16xf32, #tpu.memory_space<vmem>> -> memref<128x16xf32, #tpu.memory_space<vmem>>
      %dma_wait3A_749 = tpu.memref_slice %arg5[%dma_wait3A_743, %mul3A_742] : memref<2x10240xi32, #tpu.memory_space<vmem>> -> memref<1x128xi32, #tpu.memory_space<vmem>>
      %dma_wait3A_750 = tpu.memref_squeeze %dma_wait3A_749 : memref<1x128xi32, #tpu.memory_space<vmem>> -> memref<128xi32, #tpu.memory_space<vmem>>
      %dma_wait3A_751 = arith.constant 0 : i32
      %dma_wait3A_752 = arith.constant 0 : i32
      %dma_wait3A_753 = tpu.memref_slice %arg11[%dma_wait3A_751, %dma_wait3A_752] : memref<10000x16xf32, #tpu.memory_space<vmem_shared>> -> memref<10000x16xf32, #tpu.memory_space<vmem_shared>>
      tpu.wait_indirect_dma semaphore(%arg16 : memref<!tpu.dma_semaphore, #tpu.memory_space<semaphore_mem>>) src(%dma_wait3A_753 : memref<10000x16xf32, #tpu.memory_space<vmem_shared>>) dst(%dma_wait3A_748 : memref<128x16xf32, #tpu.memory_space<vmem>>)
      %mul3A_754 = arith.constant 128 : i32
      %mul3A_755 = arith.muli %add3A_723, %mul3A_754 : i32
      %dma_start3A_756 = arith.constant 4 : i32
      %dma_start3A_757 = arith.constant 1 : i32
      %dma_start3A_758 = arith.constant 0 : i32
      %dma_start3A_759 = arith.constant 0 : i32
      %dma_start3A_760 = tpu.memref_slice %arg6[%dma_start3A_756, %dma_start3A_758, %dma_start3A_759] : memref<8x128x16xf32, #tpu.memory_space<vmem>> -> memref<1x128x16xf32, #tpu.memory_space<vmem>>
      %dma_start3A_761 = tpu.memref_squeeze %dma_start3A_760 : memref<1x128x16xf32, #tpu.memory_space<vmem>> -> memref<128x16xf32, #tpu.memory_space<vmem>>
      %dma_start3A_762 = tpu.memref_slice %arg5[%dma_start3A_757, %mul3A_755] : memref<2x10240xi32, #tpu.memory_space<vmem>> -> memref<1x128xi32, #tpu.memory_space<vmem>>
      %dma_start3A_763 = tpu.memref_squeeze %dma_start3A_762 : memref<1x128xi32, #tpu.memory_space<vmem>> -> memref<128xi32, #tpu.memory_space<vmem>>
      %dma_start3A_764 = arith.constant 0 : i32
      %dma_start3A_765 = arith.constant 0 : i32
      %dma_start3A_766 = tpu.memref_slice %arg10[%dma_start3A_764, %dma_start3A_765] : memref<10112x16xf32, #tpu.memory_space<vmem_shared>> -> memref<10112x16xf32, #tpu.memory_space<vmem_shared>>
      tpu.enqueue_indirect_dma source(%dma_start3A_761 : memref<128x16xf32, #tpu.memory_space<vmem>>) target(%dma_start3A_766 : memref<10112x16xf32, #tpu.memory_space<vmem_shared>>) offsets(%dma_start3A_763 : memref<128xi32, #tpu.memory_space<vmem>>) semaphore(%arg24 : memref<!tpu.dma_semaphore, #tpu.memory_space<semaphore_mem>>) {add = true}
      %mul3A_767 = arith.constant 8 : i32
      %mul3A_768 = arith.muli %scan3A_537, %mul3A_767 : i32
      %add3A_769 = arith.constant 5 : i32
      %add3A_770 = arith.addi %mul3A_768, %add3A_769 : i32
      %add3A_771 = arith.constant 8 : i32
      %add3A_772 = arith.addi %add3A_770, %add3A_771 : i32
      %sub3A_773 = arith.constant 1 : i32
      %sub3A_774 = arith.subi %add3A_772, %sub3A_773 : i32
      %lt3A_775 = arith.constant 80 : i32
      %lt3A_776 = arith.cmpi slt, %sub3A_774, %lt3A_775 : i32
      %gt3A_777 = arith.constant 0 : i32
      %gt3A_778 = arith.cmpi sgt, %add3A_770, %gt3A_777 : i32
      %and3A_779 = arith.andi %lt3A_776, %gt3A_778 : i1
      %convert_element_type3A_780 = arith.extui %and3A_779 : i1 to i32
      %cond3A_781 = arith.constant 0 : i32
      %cond3A_782 = arith.cmpi ne, %convert_element_type3A_780, %cond3A_781 : i32
      scf.if %cond3A_782 {
        %sub3A_908 = arith.constant 1 : i32
        %sub3A_909 = arith.subi %add3A_770, %sub3A_908 : i32
        %mul3A_910 = arith.constant 128 : i32
        %mul3A_911 = arith.muli %sub3A_909, %mul3A_910 : i32
        %dma_wait3A_912 = arith.constant 4 : i32
        %dma_wait3A_913 = arith.constant 1 : i32
        %dma_wait3A_914 = arith.constant 0 : i32
        %dma_wait3A_915 = arith.constant 0 : i32
        %dma_wait3A_916 = tpu.memref_slice %arg6[%dma_wait3A_912, %dma_wait3A_914, %dma_wait3A_915] : memref<8x128x16xf32, #tpu.memory_space<vmem>> -> memref<1x128x16xf32, #tpu.memory_space<vmem>>
        %dma_wait3A_917 = tpu.memref_squeeze %dma_wait3A_916 : memref<1x128x16xf32, #tpu.memory_space<vmem>> -> memref<128x16xf32, #tpu.memory_space<vmem>>
        %dma_wait3A_918 = tpu.memref_slice %arg5[%dma_wait3A_913, %mul3A_911] : memref<2x10240xi32, #tpu.memory_space<vmem>> -> memref<1x128xi32, #tpu.memory_space<vmem>>
        %dma_wait3A_919 = tpu.memref_squeeze %dma_wait3A_918 : memref<1x128xi32, #tpu.memory_space<vmem>> -> memref<128xi32, #tpu.memory_space<vmem>>
        %dma_wait3A_920 = arith.constant 0 : i32
        %dma_wait3A_921 = arith.constant 0 : i32
        %dma_wait3A_922 = tpu.memref_slice %arg10[%dma_wait3A_920, %dma_wait3A_921] : memref<10112x16xf32, #tpu.memory_space<vmem_shared>> -> memref<10112x16xf32, #tpu.memory_space<vmem_shared>>
        tpu.wait_indirect_dma semaphore(%arg24 : memref<!tpu.dma_semaphore, #tpu.memory_space<semaphore_mem>>) src(%dma_wait3A_917 : memref<128x16xf32, #tpu.memory_space<vmem>>) dst(%dma_wait3A_922 : memref<10112x16xf32, #tpu.memory_space<vmem_shared>>)
      } else {
      }
      %lt3A_783 = arith.constant 80 : i32
      %lt3A_784 = arith.cmpi slt, %sub3A_774, %lt3A_783 : i32
      %convert_element_type3A_785 = arith.extui %lt3A_784 : i1 to i32
      %cond3A_786 = arith.constant 0 : i32
      %cond3A_787 = arith.cmpi ne, %convert_element_type3A_785, %cond3A_786 : i32
      scf.if %cond3A_787 {
        %mul3A_908 = arith.constant 128 : i32
        %mul3A_909 = arith.muli %sub3A_774, %mul3A_908 : i32
        %dma_start3A_910 = arith.constant 0 : i32
        %dma_start3A_911 = arith.constant 4 : i32
        %dma_start3A_912 = arith.constant 0 : i32
        %dma_start3A_913 = arith.constant 0 : i32
        %dma_start3A_914 = tpu.memref_slice %arg6[%dma_start3A_911, %dma_start3A_912, %dma_start3A_913] : memref<8x128x16xf32, #tpu.memory_space<vmem>> -> memref<1x128x16xf32, #tpu.memory_space<vmem>>
        %dma_start3A_915 = tpu.memref_squeeze %dma_start3A_914 : memref<1x128x16xf32, #tpu.memory_space<vmem>> -> memref<128x16xf32, #tpu.memory_space<vmem>>
        %dma_start3A_916 = tpu.memref_slice %arg5[%dma_start3A_910, %mul3A_909] : memref<2x10240xi32, #tpu.memory_space<vmem>> -> memref<1x128xi32, #tpu.memory_space<vmem>>
        %dma_start3A_917 = tpu.memref_squeeze %dma_start3A_916 : memref<1x128xi32, #tpu.memory_space<vmem>> -> memref<128xi32, #tpu.memory_space<vmem>>
        %dma_start3A_918 = arith.constant 0 : i32
        %dma_start3A_919 = arith.constant 0 : i32
        %dma_start3A_920 = tpu.memref_slice %arg11[%dma_start3A_918, %dma_start3A_919] : memref<10000x16xf32, #tpu.memory_space<vmem_shared>> -> memref<10000x16xf32, #tpu.memory_space<vmem_shared>>
        tpu.enqueue_indirect_dma source(%dma_start3A_920 : memref<10000x16xf32, #tpu.memory_space<vmem_shared>>) target(%dma_start3A_915 : memref<128x16xf32, #tpu.memory_space<vmem>>) offsets(%dma_start3A_917 : memref<128xi32, #tpu.memory_space<vmem>>) semaphore(%arg16 : memref<!tpu.dma_semaphore, #tpu.memory_space<semaphore_mem>>)
      } else {
      }
      %mul3A_788 = arith.constant 128 : i32
      %mul3A_789 = arith.muli %add3A_770, %mul3A_788 : i32
      %dma_wait3A_790 = arith.constant 0 : i32
      %dma_wait3A_791 = arith.constant 5 : i32
      %dma_wait3A_792 = arith.constant 0 : i32
      %dma_wait3A_793 = arith.constant 0 : i32
      %dma_wait3A_794 = tpu.memref_slice %arg6[%dma_wait3A_791, %dma_wait3A_792, %dma_wait3A_793] : memref<8x128x16xf32, #tpu.memory_space<vmem>> -> memref<1x128x16xf32, #tpu.memory_space<vmem>>
      %dma_wait3A_795 = tpu.memref_squeeze %dma_wait3A_794 : memref<1x128x16xf32, #tpu.memory_space<vmem>> -> memref<128x16xf32, #tpu.memory_space<vmem>>
      %dma_wait3A_796 = tpu.memref_slice %arg5[%dma_wait3A_790, %mul3A_789] : memref<2x10240xi32, #tpu.memory_space<vmem>> -> memref<1x128xi32, #tpu.memory_space<vmem>>
      %dma_wait3A_797 = tpu.memref_squeeze %dma_wait3A_796 : memref<1x128xi32, #tpu.memory_space<vmem>> -> memref<128xi32, #tpu.memory_space<vmem>>
      %dma_wait3A_798 = arith.constant 0 : i32
      %dma_wait3A_799 = arith.constant 0 : i32
      %dma_wait3A_800 = tpu.memref_slice %arg11[%dma_wait3A_798, %dma_wait3A_799] : memref<10000x16xf32, #tpu.memory_space<vmem_shared>> -> memref<10000x16xf32, #tpu.memory_space<vmem_shared>>
      tpu.wait_indirect_dma semaphore(%arg17 : memref<!tpu.dma_semaphore, #tpu.memory_space<semaphore_mem>>) src(%dma_wait3A_800 : memref<10000x16xf32, #tpu.memory_space<vmem_shared>>) dst(%dma_wait3A_795 : memref<128x16xf32, #tpu.memory_space<vmem>>)
      %mul3A_801 = arith.constant 128 : i32
      %mul3A_802 = arith.muli %add3A_770, %mul3A_801 : i32
      %dma_start3A_803 = arith.constant 5 : i32
      %dma_start3A_804 = arith.constant 1 : i32
      %dma_start3A_805 = arith.constant 0 : i32
      %dma_start3A_806 = arith.constant 0 : i32
      %dma_start3A_807 = tpu.memref_slice %arg6[%dma_start3A_803, %dma_start3A_805, %dma_start3A_806] : memref<8x128x16xf32, #tpu.memory_space<vmem>> -> memref<1x128x16xf32, #tpu.memory_space<vmem>>
      %dma_start3A_808 = tpu.memref_squeeze %dma_start3A_807 : memref<1x128x16xf32, #tpu.memory_space<vmem>> -> memref<128x16xf32, #tpu.memory_space<vmem>>
      %dma_start3A_809 = tpu.memref_slice %arg5[%dma_start3A_804, %mul3A_802] : memref<2x10240xi32, #tpu.memory_space<vmem>> -> memref<1x128xi32, #tpu.memory_space<vmem>>
      %dma_start3A_810 = tpu.memref_squeeze %dma_start3A_809 : memref<1x128xi32, #tpu.memory_space<vmem>> -> memref<128xi32, #tpu.memory_space<vmem>>
      %dma_start3A_811 = arith.constant 0 : i32
      %dma_start3A_812 = arith.constant 0 : i32
      %dma_start3A_813 = tpu.memref_slice %arg10[%dma_start3A_811, %dma_start3A_812] : memref<10112x16xf32, #tpu.memory_space<vmem_shared>> -> memref<10112x16xf32, #tpu.memory_space<vmem_shared>>
      tpu.enqueue_indirect_dma source(%dma_start3A_808 : memref<128x16xf32, #tpu.memory_space<vmem>>) target(%dma_start3A_813 : memref<10112x16xf32, #tpu.memory_space<vmem_shared>>) offsets(%dma_start3A_810 : memref<128xi32, #tpu.memory_space<vmem>>) semaphore(%arg25 : memref<!tpu.dma_semaphore, #tpu.memory_space<semaphore_mem>>) {add = true}
      %mul3A_814 = arith.constant 8 : i32
      %mul3A_815 = arith.muli %scan3A_537, %mul3A_814 : i32
      %add3A_816 = arith.constant 6 : i32
      %add3A_817 = arith.addi %mul3A_815, %add3A_816 : i32
      %add3A_818 = arith.constant 8 : i32
      %add3A_819 = arith.addi %add3A_817, %add3A_818 : i32
      %sub3A_820 = arith.constant 1 : i32
      %sub3A_821 = arith.subi %add3A_819, %sub3A_820 : i32
      %lt3A_822 = arith.constant 80 : i32
      %lt3A_823 = arith.cmpi slt, %sub3A_821, %lt3A_822 : i32
      %gt3A_824 = arith.constant 0 : i32
      %gt3A_825 = arith.cmpi sgt, %add3A_817, %gt3A_824 : i32
      %and3A_826 = arith.andi %lt3A_823, %gt3A_825 : i1
      %convert_element_type3A_827 = arith.extui %and3A_826 : i1 to i32
      %cond3A_828 = arith.constant 0 : i32
      %cond3A_829 = arith.cmpi ne, %convert_element_type3A_827, %cond3A_828 : i32
      scf.if %cond3A_829 {
        %sub3A_908 = arith.constant 1 : i32
        %sub3A_909 = arith.subi %add3A_817, %sub3A_908 : i32
        %mul3A_910 = arith.constant 128 : i32
        %mul3A_911 = arith.muli %sub3A_909, %mul3A_910 : i32
        %dma_wait3A_912 = arith.constant 5 : i32
        %dma_wait3A_913 = arith.constant 1 : i32
        %dma_wait3A_914 = arith.constant 0 : i32
        %dma_wait3A_915 = arith.constant 0 : i32
        %dma_wait3A_916 = tpu.memref_slice %arg6[%dma_wait3A_912, %dma_wait3A_914, %dma_wait3A_915] : memref<8x128x16xf32, #tpu.memory_space<vmem>> -> memref<1x128x16xf32, #tpu.memory_space<vmem>>
        %dma_wait3A_917 = tpu.memref_squeeze %dma_wait3A_916 : memref<1x128x16xf32, #tpu.memory_space<vmem>> -> memref<128x16xf32, #tpu.memory_space<vmem>>
        %dma_wait3A_918 = tpu.memref_slice %arg5[%dma_wait3A_913, %mul3A_911] : memref<2x10240xi32, #tpu.memory_space<vmem>> -> memref<1x128xi32, #tpu.memory_space<vmem>>
        %dma_wait3A_919 = tpu.memref_squeeze %dma_wait3A_918 : memref<1x128xi32, #tpu.memory_space<vmem>> -> memref<128xi32, #tpu.memory_space<vmem>>
        %dma_wait3A_920 = arith.constant 0 : i32
        %dma_wait3A_921 = arith.constant 0 : i32
        %dma_wait3A_922 = tpu.memref_slice %arg10[%dma_wait3A_920, %dma_wait3A_921] : memref<10112x16xf32, #tpu.memory_space<vmem_shared>> -> memref<10112x16xf32, #tpu.memory_space<vmem_shared>>
        tpu.wait_indirect_dma semaphore(%arg25 : memref<!tpu.dma_semaphore, #tpu.memory_space<semaphore_mem>>) src(%dma_wait3A_917 : memref<128x16xf32, #tpu.memory_space<vmem>>) dst(%dma_wait3A_922 : memref<10112x16xf32, #tpu.memory_space<vmem_shared>>)
      } else {
      }
      %lt3A_830 = arith.constant 80 : i32
      %lt3A_831 = arith.cmpi slt, %sub3A_821, %lt3A_830 : i32
      %convert_element_type3A_832 = arith.extui %lt3A_831 : i1 to i32
      %cond3A_833 = arith.constant 0 : i32
      %cond3A_834 = arith.cmpi ne, %convert_element_type3A_832, %cond3A_833 : i32
      scf.if %cond3A_834 {
        %mul3A_908 = arith.constant 128 : i32
        %mul3A_909 = arith.muli %sub3A_821, %mul3A_908 : i32
        %dma_start3A_910 = arith.constant 0 : i32
        %dma_start3A_911 = arith.constant 5 : i32
        %dma_start3A_912 = arith.constant 0 : i32
        %dma_start3A_913 = arith.constant 0 : i32
        %dma_start3A_914 = tpu.memref_slice %arg6[%dma_start3A_911, %dma_start3A_912, %dma_start3A_913] : memref<8x128x16xf32, #tpu.memory_space<vmem>> -> memref<1x128x16xf32, #tpu.memory_space<vmem>>
        %dma_start3A_915 = tpu.memref_squeeze %dma_start3A_914 : memref<1x128x16xf32, #tpu.memory_space<vmem>> -> memref<128x16xf32, #tpu.memory_space<vmem>>
        %dma_start3A_916 = tpu.memref_slice %arg5[%dma_start3A_910, %mul3A_909] : memref<2x10240xi32, #tpu.memory_space<vmem>> -> memref<1x128xi32, #tpu.memory_space<vmem>>
        %dma_start3A_917 = tpu.memref_squeeze %dma_start3A_916 : memref<1x128xi32, #tpu.memory_space<vmem>> -> memref<128xi32, #tpu.memory_space<vmem>>
        %dma_start3A_918 = arith.constant 0 : i32
        %dma_start3A_919 = arith.constant 0 : i32
        %dma_start3A_920 = tpu.memref_slice %arg11[%dma_start3A_918, %dma_start3A_919] : memref<10000x16xf32, #tpu.memory_space<vmem_shared>> -> memref<10000x16xf32, #tpu.memory_space<vmem_shared>>
        tpu.enqueue_indirect_dma source(%dma_start3A_920 : memref<10000x16xf32, #tpu.memory_space<vmem_shared>>) target(%dma_start3A_915 : memref<128x16xf32, #tpu.memory_space<vmem>>) offsets(%dma_start3A_917 : memref<128xi32, #tpu.memory_space<vmem>>) semaphore(%arg17 : memref<!tpu.dma_semaphore, #tpu.memory_space<semaphore_mem>>)
      } else {
      }
      %mul3A_835 = arith.constant 128 : i32
      %mul3A_836 = arith.muli %add3A_817, %mul3A_835 : i32
      %dma_wait3A_837 = arith.constant 0 : i32
      %dma_wait3A_838 = arith.constant 6 : i32
      %dma_wait3A_839 = arith.constant 0 : i32
      %dma_wait3A_840 = arith.constant 0 : i32
      %dma_wait3A_841 = tpu.memref_slice %arg6[%dma_wait3A_838, %dma_wait3A_839, %dma_wait3A_840] : memref<8x128x16xf32, #tpu.memory_space<vmem>> -> memref<1x128x16xf32, #tpu.memory_space<vmem>>
      %dma_wait3A_842 = tpu.memref_squeeze %dma_wait3A_841 : memref<1x128x16xf32, #tpu.memory_space<vmem>> -> memref<128x16xf32, #tpu.memory_space<vmem>>
      %dma_wait3A_843 = tpu.memref_slice %arg5[%dma_wait3A_837, %mul3A_836] : memref<2x10240xi32, #tpu.memory_space<vmem>> -> memref<1x128xi32, #tpu.memory_space<vmem>>
      %dma_wait3A_844 = tpu.memref_squeeze %dma_wait3A_843 : memref<1x128xi32, #tpu.memory_space<vmem>> -> memref<128xi32, #tpu.memory_space<vmem>>
      %dma_wait3A_845 = arith.constant 0 : i32
      %dma_wait3A_846 = arith.constant 0 : i32
      %dma_wait3A_847 = tpu.memref_slice %arg11[%dma_wait3A_845, %dma_wait3A_846] : memref<10000x16xf32, #tpu.memory_space<vmem_shared>> -> memref<10000x16xf32, #tpu.memory_space<vmem_shared>>
      tpu.wait_indirect_dma semaphore(%arg18 : memref<!tpu.dma_semaphore, #tpu.memory_space<semaphore_mem>>) src(%dma_wait3A_847 : memref<10000x16xf32, #tpu.memory_space<vmem_shared>>) dst(%dma_wait3A_842 : memref<128x16xf32, #tpu.memory_space<vmem>>)
      %mul3A_848 = arith.constant 128 : i32
      %mul3A_849 = arith.muli %add3A_817, %mul3A_848 : i32
      %dma_start3A_850 = arith.constant 6 : i32
      %dma_start3A_851 = arith.constant 1 : i32
      %dma_start3A_852 = arith.constant 0 : i32
      %dma_start3A_853 = arith.constant 0 : i32
      %dma_start3A_854 = tpu.memref_slice %arg6[%dma_start3A_850, %dma_start3A_852, %dma_start3A_853] : memref<8x128x16xf32, #tpu.memory_space<vmem>> -> memref<1x128x16xf32, #tpu.memory_space<vmem>>
      %dma_start3A_855 = tpu.memref_squeeze %dma_start3A_854 : memref<1x128x16xf32, #tpu.memory_space<vmem>> -> memref<128x16xf32, #tpu.memory_space<vmem>>
      %dma_start3A_856 = tpu.memref_slice %arg5[%dma_start3A_851, %mul3A_849] : memref<2x10240xi32, #tpu.memory_space<vmem>> -> memref<1x128xi32, #tpu.memory_space<vmem>>
      %dma_start3A_857 = tpu.memref_squeeze %dma_start3A_856 : memref<1x128xi32, #tpu.memory_space<vmem>> -> memref<128xi32, #tpu.memory_space<vmem>>
      %dma_start3A_858 = arith.constant 0 : i32
      %dma_start3A_859 = arith.constant 0 : i32
      %dma_start3A_860 = tpu.memref_slice %arg10[%dma_start3A_858, %dma_start3A_859] : memref<10112x16xf32, #tpu.memory_space<vmem_shared>> -> memref<10112x16xf32, #tpu.memory_space<vmem_shared>>
      tpu.enqueue_indirect_dma source(%dma_start3A_855 : memref<128x16xf32, #tpu.memory_space<vmem>>) target(%dma_start3A_860 : memref<10112x16xf32, #tpu.memory_space<vmem_shared>>) offsets(%dma_start3A_857 : memref<128xi32, #tpu.memory_space<vmem>>) semaphore(%arg26 : memref<!tpu.dma_semaphore, #tpu.memory_space<semaphore_mem>>) {add = true}
      %mul3A_861 = arith.constant 8 : i32
      %mul3A_862 = arith.muli %scan3A_537, %mul3A_861 : i32
      %add3A_863 = arith.constant 7 : i32
      %add3A_864 = arith.addi %mul3A_862, %add3A_863 : i32
      %add3A_865 = arith.constant 8 : i32
      %add3A_866 = arith.addi %add3A_864, %add3A_865 : i32
      %sub3A_867 = arith.constant 1 : i32
      %sub3A_868 = arith.subi %add3A_866, %sub3A_867 : i32
      %lt3A_869 = arith.constant 80 : i32
      %lt3A_870 = arith.cmpi slt, %sub3A_868, %lt3A_869 : i32
      %gt3A_871 = arith.constant 0 : i32
      %gt3A_872 = arith.cmpi sgt, %add3A_864, %gt3A_871 : i32
      %and3A_873 = arith.andi %lt3A_870, %gt3A_872 : i1
      %convert_element_type3A_874 = arith.extui %and3A_873 : i1 to i32
      %cond3A_875 = arith.constant 0 : i32
      %cond3A_876 = arith.cmpi ne, %convert_element_type3A_874, %cond3A_875 : i32
      scf.if %cond3A_876 {
        %sub3A_908 = arith.constant 1 : i32
        %sub3A_909 = arith.subi %add3A_864, %sub3A_908 : i32
        %mul3A_910 = arith.constant 128 : i32
        %mul3A_911 = arith.muli %sub3A_909, %mul3A_910 : i32
        %dma_wait3A_912 = arith.constant 6 : i32
        %dma_wait3A_913 = arith.constant 1 : i32
        %dma_wait3A_914 = arith.constant 0 : i32
        %dma_wait3A_915 = arith.constant 0 : i32
        %dma_wait3A_916 = tpu.memref_slice %arg6[%dma_wait3A_912, %dma_wait3A_914, %dma_wait3A_915] : memref<8x128x16xf32, #tpu.memory_space<vmem>> -> memref<1x128x16xf32, #tpu.memory_space<vmem>>
        %dma_wait3A_917 = tpu.memref_squeeze %dma_wait3A_916 : memref<1x128x16xf32, #tpu.memory_space<vmem>> -> memref<128x16xf32, #tpu.memory_space<vmem>>
        %dma_wait3A_918 = tpu.memref_slice %arg5[%dma_wait3A_913, %mul3A_911] : memref<2x10240xi32, #tpu.memory_space<vmem>> -> memref<1x128xi32, #tpu.memory_space<vmem>>
        %dma_wait3A_919 = tpu.memref_squeeze %dma_wait3A_918 : memref<1x128xi32, #tpu.memory_space<vmem>> -> memref<128xi32, #tpu.memory_space<vmem>>
        %dma_wait3A_920 = arith.constant 0 : i32
        %dma_wait3A_921 = arith.constant 0 : i32
        %dma_wait3A_922 = tpu.memref_slice %arg10[%dma_wait3A_920, %dma_wait3A_921] : memref<10112x16xf32, #tpu.memory_space<vmem_shared>> -> memref<10112x16xf32, #tpu.memory_space<vmem_shared>>
        tpu.wait_indirect_dma semaphore(%arg26 : memref<!tpu.dma_semaphore, #tpu.memory_space<semaphore_mem>>) src(%dma_wait3A_917 : memref<128x16xf32, #tpu.memory_space<vmem>>) dst(%dma_wait3A_922 : memref<10112x16xf32, #tpu.memory_space<vmem_shared>>)
      } else {
      }
      %lt3A_877 = arith.constant 80 : i32
      %lt3A_878 = arith.cmpi slt, %sub3A_868, %lt3A_877 : i32
      %convert_element_type3A_879 = arith.extui %lt3A_878 : i1 to i32
      %cond3A_880 = arith.constant 0 : i32
      %cond3A_881 = arith.cmpi ne, %convert_element_type3A_879, %cond3A_880 : i32
      scf.if %cond3A_881 {
        %mul3A_908 = arith.constant 128 : i32
        %mul3A_909 = arith.muli %sub3A_868, %mul3A_908 : i32
        %dma_start3A_910 = arith.constant 0 : i32
        %dma_start3A_911 = arith.constant 6 : i32
        %dma_start3A_912 = arith.constant 0 : i32
        %dma_start3A_913 = arith.constant 0 : i32
        %dma_start3A_914 = tpu.memref_slice %arg6[%dma_start3A_911, %dma_start3A_912, %dma_start3A_913] : memref<8x128x16xf32, #tpu.memory_space<vmem>> -> memref<1x128x16xf32, #tpu.memory_space<vmem>>
        %dma_start3A_915 = tpu.memref_squeeze %dma_start3A_914 : memref<1x128x16xf32, #tpu.memory_space<vmem>> -> memref<128x16xf32, #tpu.memory_space<vmem>>
        %dma_start3A_916 = tpu.memref_slice %arg5[%dma_start3A_910, %mul3A_909] : memref<2x10240xi32, #tpu.memory_space<vmem>> -> memref<1x128xi32, #tpu.memory_space<vmem>>
        %dma_start3A_917 = tpu.memref_squeeze %dma_start3A_916 : memref<1x128xi32, #tpu.memory_space<vmem>> -> memref<128xi32, #tpu.memory_space<vmem>>
        %dma_start3A_918 = arith.constant 0 : i32
        %dma_start3A_919 = arith.constant 0 : i32
        %dma_start3A_920 = tpu.memref_slice %arg11[%dma_start3A_918, %dma_start3A_919] : memref<10000x16xf32, #tpu.memory_space<vmem_shared>> -> memref<10000x16xf32, #tpu.memory_space<vmem_shared>>
        tpu.enqueue_indirect_dma source(%dma_start3A_920 : memref<10000x16xf32, #tpu.memory_space<vmem_shared>>) target(%dma_start3A_915 : memref<128x16xf32, #tpu.memory_space<vmem>>) offsets(%dma_start3A_917 : memref<128xi32, #tpu.memory_space<vmem>>) semaphore(%arg18 : memref<!tpu.dma_semaphore, #tpu.memory_space<semaphore_mem>>)
      } else {
      }
      %mul3A_882 = arith.constant 128 : i32
      %mul3A_883 = arith.muli %add3A_864, %mul3A_882 : i32
      %dma_wait3A_884 = arith.constant 0 : i32
      %dma_wait3A_885 = arith.constant 7 : i32
      %dma_wait3A_886 = arith.constant 0 : i32
      %dma_wait3A_887 = arith.constant 0 : i32
      %dma_wait3A_888 = tpu.memref_slice %arg6[%dma_wait3A_885, %dma_wait3A_886, %dma_wait3A_887] : memref<8x128x16xf32, #tpu.memory_space<vmem>> -> memref<1x128x16xf32, #tpu.memory_space<vmem>>
      %dma_wait3A_889 = tpu.memref_squeeze %dma_wait3A_888 : memref<1x128x16xf32, #tpu.memory_space<vmem>> -> memref<128x16xf32, #tpu.memory_space<vmem>>
      %dma_wait3A_890 = tpu.memref_slice %arg5[%dma_wait3A_884, %mul3A_883] : memref<2x10240xi32, #tpu.memory_space<vmem>> -> memref<1x128xi32, #tpu.memory_space<vmem>>
      %dma_wait3A_891 = tpu.memref_squeeze %dma_wait3A_890 : memref<1x128xi32, #tpu.memory_space<vmem>> -> memref<128xi32, #tpu.memory_space<vmem>>
      %dma_wait3A_892 = arith.constant 0 : i32
      %dma_wait3A_893 = arith.constant 0 : i32
      %dma_wait3A_894 = tpu.memref_slice %arg11[%dma_wait3A_892, %dma_wait3A_893] : memref<10000x16xf32, #tpu.memory_space<vmem_shared>> -> memref<10000x16xf32, #tpu.memory_space<vmem_shared>>
      tpu.wait_indirect_dma semaphore(%arg19 : memref<!tpu.dma_semaphore, #tpu.memory_space<semaphore_mem>>) src(%dma_wait3A_894 : memref<10000x16xf32, #tpu.memory_space<vmem_shared>>) dst(%dma_wait3A_889 : memref<128x16xf32, #tpu.memory_space<vmem>>)
      %mul3A_895 = arith.constant 128 : i32
      %mul3A_896 = arith.muli %add3A_864, %mul3A_895 : i32
      %dma_start3A_897 = arith.constant 7 : i32
      %dma_start3A_898 = arith.constant 1 : i32
      %dma_start3A_899 = arith.constant 0 : i32
      %dma_start3A_900 = arith.constant 0 : i32
      %dma_start3A_901 = tpu.memref_slice %arg6[%dma_start3A_897, %dma_start3A_899, %dma_start3A_900] : memref<8x128x16xf32, #tpu.memory_space<vmem>> -> memref<1x128x16xf32, #tpu.memory_space<vmem>>
      %dma_start3A_902 = tpu.memref_squeeze %dma_start3A_901 : memref<1x128x16xf32, #tpu.memory_space<vmem>> -> memref<128x16xf32, #tpu.memory_space<vmem>>
      %dma_start3A_903 = tpu.memref_slice %arg5[%dma_start3A_898, %mul3A_896] : memref<2x10240xi32, #tpu.memory_space<vmem>> -> memref<1x128xi32, #tpu.memory_space<vmem>>
      %dma_start3A_904 = tpu.memref_squeeze %dma_start3A_903 : memref<1x128xi32, #tpu.memory_space<vmem>> -> memref<128xi32, #tpu.memory_space<vmem>>
      %dma_start3A_905 = arith.constant 0 : i32
      %dma_start3A_906 = arith.constant 0 : i32
      %dma_start3A_907 = tpu.memref_slice %arg10[%dma_start3A_905, %dma_start3A_906] : memref<10112x16xf32, #tpu.memory_space<vmem_shared>> -> memref<10112x16xf32, #tpu.memory_space<vmem_shared>>
      tpu.enqueue_indirect_dma source(%dma_start3A_902 : memref<128x16xf32, #tpu.memory_space<vmem>>) target(%dma_start3A_907 : memref<10112x16xf32, #tpu.memory_space<vmem_shared>>) offsets(%dma_start3A_904 : memref<128xi32, #tpu.memory_space<vmem>>) semaphore(%arg27 : memref<!tpu.dma_semaphore, #tpu.memory_space<semaphore_mem>>) {add = true}
    }
    %scan3A_439 = arith.constant 10 : i32
    %dma_wait3A_440 = arith.constant 0 : i32
    %dma_wait3A_441 = arith.constant 1 : i32
    %dma_wait3A_442 = arith.constant 0 : i32
    %dma_wait3A_443 = arith.constant 0 : i32
    %dma_wait3A_444 = tpu.memref_slice %arg6[%dma_wait3A_440, %dma_wait3A_442, %dma_wait3A_443] : memref<8x128x16xf32, #tpu.memory_space<vmem>> -> memref<1x128x16xf32, #tpu.memory_space<vmem>>
    %dma_wait3A_445 = tpu.memref_squeeze %dma_wait3A_444 : memref<1x128x16xf32, #tpu.memory_space<vmem>> -> memref<128x16xf32, #tpu.memory_space<vmem>>
    %dma_wait3A_446 = arith.constant 9216 : i32
    %dma_wait3A_447 = tpu.memref_slice %arg5[%dma_wait3A_441, %dma_wait3A_446] : memref<2x10240xi32, #tpu.memory_space<vmem>> -> memref<1x128xi32, #tpu.memory_space<vmem>>
    %dma_wait3A_448 = tpu.memref_squeeze %dma_wait3A_447 : memref<1x128xi32, #tpu.memory_space<vmem>> -> memref<128xi32, #tpu.memory_space<vmem>>
    %dma_wait3A_449 = arith.constant 0 : i32
    %dma_wait3A_450 = arith.constant 0 : i32
    %dma_wait3A_451 = tpu.memref_slice %arg10[%dma_wait3A_449, %dma_wait3A_450] : memref<10112x16xf32, #tpu.memory_space<vmem_shared>> -> memref<10112x16xf32, #tpu.memory_space<vmem_shared>>
    tpu.wait_indirect_dma semaphore(%arg20 : memref<!tpu.dma_semaphore, #tpu.memory_space<semaphore_mem>>) src(%dma_wait3A_445 : memref<128x16xf32, #tpu.memory_space<vmem>>) dst(%dma_wait3A_451 : memref<10112x16xf32, #tpu.memory_space<vmem_shared>>)
    %dma_wait3A_452 = arith.constant 1 : i32
    %dma_wait3A_453 = arith.constant 1 : i32
    %dma_wait3A_454 = arith.constant 0 : i32
    %dma_wait3A_455 = arith.constant 0 : i32
    %dma_wait3A_456 = tpu.memref_slice %arg6[%dma_wait3A_452, %dma_wait3A_454, %dma_wait3A_455] : memref<8x128x16xf32, #tpu.memory_space<vmem>> -> memref<1x128x16xf32, #tpu.memory_space<vmem>>
    %dma_wait3A_457 = tpu.memref_squeeze %dma_wait3A_456 : memref<1x128x16xf32, #tpu.memory_space<vmem>> -> memref<128x16xf32, #tpu.memory_space<vmem>>
    %dma_wait3A_458 = arith.constant 9344 : i32
    %dma_wait3A_459 = tpu.memref_slice %arg5[%dma_wait3A_453, %dma_wait3A_458] : memref<2x10240xi32, #tpu.memory_space<vmem>> -> memref<1x128xi32, #tpu.memory_space<vmem>>
    %dma_wait3A_460 = tpu.memref_squeeze %dma_wait3A_459 : memref<1x128xi32, #tpu.memory_space<vmem>> -> memref<128xi32, #tpu.memory_space<vmem>>
    %dma_wait3A_461 = arith.constant 0 : i32
    %dma_wait3A_462 = arith.constant 0 : i32
    %dma_wait3A_463 = tpu.memref_slice %arg10[%dma_wait3A_461, %dma_wait3A_462] : memref<10112x16xf32, #tpu.memory_space<vmem_shared>> -> memref<10112x16xf32, #tpu.memory_space<vmem_shared>>
    tpu.wait_indirect_dma semaphore(%arg21 : memref<!tpu.dma_semaphore, #tpu.memory_space<semaphore_mem>>) src(%dma_wait3A_457 : memref<128x16xf32, #tpu.memory_space<vmem>>) dst(%dma_wait3A_463 : memref<10112x16xf32, #tpu.memory_space<vmem_shared>>)
    %dma_wait3A_464 = arith.constant 2 : i32
    %dma_wait3A_465 = arith.constant 1 : i32
    %dma_wait3A_466 = arith.constant 0 : i32
    %dma_wait3A_467 = arith.constant 0 : i32
    %dma_wait3A_468 = tpu.memref_slice %arg6[%dma_wait3A_464, %dma_wait3A_466, %dma_wait3A_467] : memref<8x128x16xf32, #tpu.memory_space<vmem>> -> memref<1x128x16xf32, #tpu.memory_space<vmem>>
    %dma_wait3A_469 = tpu.memref_squeeze %dma_wait3A_468 : memref<1x128x16xf32, #tpu.memory_space<vmem>> -> memref<128x16xf32, #tpu.memory_space<vmem>>
    %dma_wait3A_470 = arith.constant 9472 : i32
    %dma_wait3A_471 = tpu.memref_slice %arg5[%dma_wait3A_465, %dma_wait3A_470] : memref<2x10240xi32, #tpu.memory_space<vmem>> -> memref<1x128xi32, #tpu.memory_space<vmem>>
    %dma_wait3A_472 = tpu.memref_squeeze %dma_wait3A_471 : memref<1x128xi32, #tpu.memory_space<vmem>> -> memref<128xi32, #tpu.memory_space<vmem>>
    %dma_wait3A_473 = arith.constant 0 : i32
    %dma_wait3A_474 = arith.constant 0 : i32
    %dma_wait3A_475 = tpu.memref_slice %arg10[%dma_wait3A_473, %dma_wait3A_474] : memref<10112x16xf32, #tpu.memory_space<vmem_shared>> -> memref<10112x16xf32, #tpu.memory_space<vmem_shared>>
    tpu.wait_indirect_dma semaphore(%arg22 : memref<!tpu.dma_semaphore, #tpu.memory_space<semaphore_mem>>) src(%dma_wait3A_469 : memref<128x16xf32, #tpu.memory_space<vmem>>) dst(%dma_wait3A_475 : memref<10112x16xf32, #tpu.memory_space<vmem_shared>>)
    %dma_wait3A_476 = arith.constant 3 : i32
    %dma_wait3A_477 = arith.constant 1 : i32
    %dma_wait3A_478 = arith.constant 0 : i32
    %dma_wait3A_479 = arith.constant 0 : i32
    %dma_wait3A_480 = tpu.memref_slice %arg6[%dma_wait3A_476, %dma_wait3A_478, %dma_wait3A_479] : memref<8x128x16xf32, #tpu.memory_space<vmem>> -> memref<1x128x16xf32, #tpu.memory_space<vmem>>
    %dma_wait3A_481 = tpu.memref_squeeze %dma_wait3A_480 : memref<1x128x16xf32, #tpu.memory_space<vmem>> -> memref<128x16xf32, #tpu.memory_space<vmem>>
    %dma_wait3A_482 = arith.constant 9600 : i32
    %dma_wait3A_483 = tpu.memref_slice %arg5[%dma_wait3A_477, %dma_wait3A_482] : memref<2x10240xi32, #tpu.memory_space<vmem>> -> memref<1x128xi32, #tpu.memory_space<vmem>>
    %dma_wait3A_484 = tpu.memref_squeeze %dma_wait3A_483 : memref<1x128xi32, #tpu.memory_space<vmem>> -> memref<128xi32, #tpu.memory_space<vmem>>
    %dma_wait3A_485 = arith.constant 0 : i32
    %dma_wait3A_486 = arith.constant 0 : i32
    %dma_wait3A_487 = tpu.memref_slice %arg10[%dma_wait3A_485, %dma_wait3A_486] : memref<10112x16xf32, #tpu.memory_space<vmem_shared>> -> memref<10112x16xf32, #tpu.memory_space<vmem_shared>>
    tpu.wait_indirect_dma semaphore(%arg23 : memref<!tpu.dma_semaphore, #tpu.memory_space<semaphore_mem>>) src(%dma_wait3A_481 : memref<128x16xf32, #tpu.memory_space<vmem>>) dst(%dma_wait3A_487 : memref<10112x16xf32, #tpu.memory_space<vmem_shared>>)
    %dma_wait3A_488 = arith.constant 4 : i32
    %dma_wait3A_489 = arith.constant 1 : i32
    %dma_wait3A_490 = arith.constant 0 : i32
    %dma_wait3A_491 = arith.constant 0 : i32
    %dma_wait3A_492 = tpu.memref_slice %arg6[%dma_wait3A_488, %dma_wait3A_490, %dma_wait3A_491] : memref<8x128x16xf32, #tpu.memory_space<vmem>> -> memref<1x128x16xf32, #tpu.memory_space<vmem>>
    %dma_wait3A_493 = tpu.memref_squeeze %dma_wait3A_492 : memref<1x128x16xf32, #tpu.memory_space<vmem>> -> memref<128x16xf32, #tpu.memory_space<vmem>>
    %dma_wait3A_494 = arith.constant 9728 : i32
    %dma_wait3A_495 = tpu.memref_slice %arg5[%dma_wait3A_489, %dma_wait3A_494] : memref<2x10240xi32, #tpu.memory_space<vmem>> -> memref<1x128xi32, #tpu.memory_space<vmem>>
    %dma_wait3A_496 = tpu.memref_squeeze %dma_wait3A_495 : memref<1x128xi32, #tpu.memory_space<vmem>> -> memref<128xi32, #tpu.memory_space<vmem>>
    %dma_wait3A_497 = arith.constant 0 : i32
    %dma_wait3A_498 = arith.constant 0 : i32
    %dma_wait3A_499 = tpu.memref_slice %arg10[%dma_wait3A_497, %dma_wait3A_498] : memref<10112x16xf32, #tpu.memory_space<vmem_shared>> -> memref<10112x16xf32, #tpu.memory_space<vmem_shared>>
    tpu.wait_indirect_dma semaphore(%arg24 : memref<!tpu.dma_semaphore, #tpu.memory_space<semaphore_mem>>) src(%dma_wait3A_493 : memref<128x16xf32, #tpu.memory_space<vmem>>) dst(%dma_wait3A_499 : memref<10112x16xf32, #tpu.memory_space<vmem_shared>>)
    %dma_wait3A_500 = arith.constant 5 : i32
    %dma_wait3A_501 = arith.constant 1 : i32
    %dma_wait3A_502 = arith.constant 0 : i32
    %dma_wait3A_503 = arith.constant 0 : i32
    %dma_wait3A_504 = tpu.memref_slice %arg6[%dma_wait3A_500, %dma_wait3A_502, %dma_wait3A_503] : memref<8x128x16xf32, #tpu.memory_space<vmem>> -> memref<1x128x16xf32, #tpu.memory_space<vmem>>
    %dma_wait3A_505 = tpu.memref_squeeze %dma_wait3A_504 : memref<1x128x16xf32, #tpu.memory_space<vmem>> -> memref<128x16xf32, #tpu.memory_space<vmem>>
    %dma_wait3A_506 = arith.constant 9856 : i32
    %dma_wait3A_507 = tpu.memref_slice %arg5[%dma_wait3A_501, %dma_wait3A_506] : memref<2x10240xi32, #tpu.memory_space<vmem>> -> memref<1x128xi32, #tpu.memory_space<vmem>>
    %dma_wait3A_508 = tpu.memref_squeeze %dma_wait3A_507 : memref<1x128xi32, #tpu.memory_space<vmem>> -> memref<128xi32, #tpu.memory_space<vmem>>
    %dma_wait3A_509 = arith.constant 0 : i32
    %dma_wait3A_510 = arith.constant 0 : i32
    %dma_wait3A_511 = tpu.memref_slice %arg10[%dma_wait3A_509, %dma_wait3A_510] : memref<10112x16xf32, #tpu.memory_space<vmem_shared>> -> memref<10112x16xf32, #tpu.memory_space<vmem_shared>>
    tpu.wait_indirect_dma semaphore(%arg25 : memref<!tpu.dma_semaphore, #tpu.memory_space<semaphore_mem>>) src(%dma_wait3A_505 : memref<128x16xf32, #tpu.memory_space<vmem>>) dst(%dma_wait3A_511 : memref<10112x16xf32, #tpu.memory_space<vmem_shared>>)
    %dma_wait3A_512 = arith.constant 6 : i32
    %dma_wait3A_513 = arith.constant 1 : i32
    %dma_wait3A_514 = arith.constant 0 : i32
    %dma_wait3A_515 = arith.constant 0 : i32
    %dma_wait3A_516 = tpu.memref_slice %arg6[%dma_wait3A_512, %dma_wait3A_514, %dma_wait3A_515] : memref<8x128x16xf32, #tpu.memory_space<vmem>> -> memref<1x128x16xf32, #tpu.memory_space<vmem>>
    %dma_wait3A_517 = tpu.memref_squeeze %dma_wait3A_516 : memref<1x128x16xf32, #tpu.memory_space<vmem>> -> memref<128x16xf32, #tpu.memory_space<vmem>>
    %dma_wait3A_518 = arith.constant 9984 : i32
    %dma_wait3A_519 = tpu.memref_slice %arg5[%dma_wait3A_513, %dma_wait3A_518] : memref<2x10240xi32, #tpu.memory_space<vmem>> -> memref<1x128xi32, #tpu.memory_space<vmem>>
    %dma_wait3A_520 = tpu.memref_squeeze %dma_wait3A_519 : memref<1x128xi32, #tpu.memory_space<vmem>> -> memref<128xi32, #tpu.memory_space<vmem>>
    %dma_wait3A_521 = arith.constant 0 : i32
    %dma_wait3A_522 = arith.constant 0 : i32
    %dma_wait3A_523 = tpu.memref_slice %arg10[%dma_wait3A_521, %dma_wait3A_522] : memref<10112x16xf32, #tpu.memory_space<vmem_shared>> -> memref<10112x16xf32, #tpu.memory_space<vmem_shared>>
    tpu.wait_indirect_dma semaphore(%arg26 : memref<!tpu.dma_semaphore, #tpu.memory_space<semaphore_mem>>) src(%dma_wait3A_517 : memref<128x16xf32, #tpu.memory_space<vmem>>) dst(%dma_wait3A_523 : memref<10112x16xf32, #tpu.memory_space<vmem_shared>>)
    %dma_wait3A_524 = arith.constant 7 : i32
    %dma_wait3A_525 = arith.constant 1 : i32
    %dma_wait3A_526 = arith.constant 0 : i32
    %dma_wait3A_527 = arith.constant 0 : i32
    %dma_wait3A_528 = tpu.memref_slice %arg6[%dma_wait3A_524, %dma_wait3A_526, %dma_wait3A_527] : memref<8x128x16xf32, #tpu.memory_space<vmem>> -> memref<1x128x16xf32, #tpu.memory_space<vmem>>
    %dma_wait3A_529 = tpu.memref_squeeze %dma_wait3A_528 : memref<1x128x16xf32, #tpu.memory_space<vmem>> -> memref<128x16xf32, #tpu.memory_space<vmem>>
    %dma_wait3A_530 = arith.constant 10112 : i32
    %dma_wait3A_531 = tpu.memref_slice %arg5[%dma_wait3A_525, %dma_wait3A_530] : memref<2x10240xi32, #tpu.memory_space<vmem>> -> memref<1x128xi32, #tpu.memory_space<vmem>>
    %dma_wait3A_532 = tpu.memref_squeeze %dma_wait3A_531 : memref<1x128xi32, #tpu.memory_space<vmem>> -> memref<128xi32, #tpu.memory_space<vmem>>
    %dma_wait3A_533 = arith.constant 0 : i32
    %dma_wait3A_534 = arith.constant 0 : i32
    %dma_wait3A_535 = tpu.memref_slice %arg10[%dma_wait3A_533, %dma_wait3A_534] : memref<10112x16xf32, #tpu.memory_space<vmem_shared>> -> memref<10112x16xf32, #tpu.memory_space<vmem_shared>>
    tpu.wait_indirect_dma semaphore(%arg27 : memref<!tpu.dma_semaphore, #tpu.memory_space<semaphore_mem>>) src(%dma_wait3A_529 : memref<128x16xf32, #tpu.memory_space<vmem>>) dst(%dma_wait3A_535 : memref<10112x16xf32, #tpu.memory_space<vmem_shared>>)
    %barrier3A_536 = arith.constant 0 : index
    tpu.barrier barrier_id(%barrier3A_536)
    "tpu.region"() ({
      %run_scoped3A = tpu.sem_alloc : memref<!tpu.dma_semaphore, #tpu.memory_space<semaphore_mem>>
      %dma_start3A_537 = arith.constant 0 : i32
      %dma_start3A_538 = tpu.memref_slice %arg4[%arg0, %mul3A_2, %dma_start3A_537] : memref<2x10112x16xf32, #tpu.memory_space<hbm>> -> memref<1x632x16xf32, #tpu.memory_space<hbm>>
      %dma_start3A_539 = tpu.memref_squeeze %dma_start3A_538 : memref<1x632x16xf32, #tpu.memory_space<hbm>> -> memref<632x16xf32, #tpu.memory_space<hbm>>
      %dma_start3A_540 = arith.constant 0 : i32
      %dma_start3A_541 = tpu.memref_slice %arg10[%mul3A_2, %dma_start3A_540] : memref<10112x16xf32, #tpu.memory_space<vmem_shared>> -> memref<632x16xf32, #tpu.memory_space<vmem_shared>>
      tpu.enqueue_dma source(%dma_start3A_541 : memref<632x16xf32, #tpu.memory_space<vmem_shared>>) target(%dma_start3A_539 : memref<632x16xf32, #tpu.memory_space<hbm>>) target_semaphore(%run_scoped3A : memref<!tpu.dma_semaphore, #tpu.memory_space<semaphore_mem>>)
      %dma_wait3A_542 = arith.constant 0 : i32
      %dma_wait3A_543 = tpu.memref_slice %arg4[%arg0, %mul3A_2, %dma_wait3A_542] : memref<2x10112x16xf32, #tpu.memory_space<hbm>> -> memref<1x632x16xf32, #tpu.memory_space<hbm>>
      %dma_wait3A_544 = tpu.memref_squeeze %dma_wait3A_543 : memref<1x632x16xf32, #tpu.memory_space<hbm>> -> memref<632x16xf32, #tpu.memory_space<hbm>>
      %dma_wait3A_545 = arith.constant 0 : i32
      %dma_wait3A_546 = tpu.memref_slice %arg10[%mul3A_2, %dma_wait3A_545] : memref<10112x16xf32, #tpu.memory_space<vmem_shared>> -> memref<632x16xf32, #tpu.memory_space<vmem_shared>>
      tpu.wait_dma2 semaphore(%run_scoped3A : memref<!tpu.dma_semaphore, #tpu.memory_space<semaphore_mem>>) src(%dma_wait3A_546 : memref<632x16xf32, #tpu.memory_space<vmem_shared>>) dst(%dma_wait3A_544 : memref<632x16xf32, #tpu.memory_space<hbm>>)
      tpu.yield
    }) : () -> ()
    return
  }
}

#map = affine_map<(d0, d1) -> (0, 0)>
#map1 = affine_map<(d0, d1) -> (0)>
#map2 = affine_map<(d0, d1) -> (0, 0, 0)>
module attributes {stable_mosaic.version = 14 : i64} {
  func.func @body(%arg0: i32, %arg1: i32, %arg2: memref<10000x16xf32, #tpu.memory_space<hbm>>, %arg3: memref<640000xi32, #tpu.memory_space<hbm>>, %arg4: memref<2x10112x16xf32, #tpu.memory_space<hbm>>, %arg5: memref<2x10240xi32, #tpu.memory_space<vmem>>, %arg6: memref<8x128x16xf32, #tpu.memory_space<vmem>>, %arg7: memref<632x16xf32, #tpu.memory_space<vmem>>, %arg8: memref<632x16xf32, #tpu.memory_space<vmem>>, %arg9: memref<632x16xf32, #tpu.memory_space<vmem>>, %arg10: memref<10112x16xf32, #tpu.memory_space<vmem_shared>>, %arg11: memref<10000x16xf32, #tpu.memory_space<vmem_shared>>, %arg12: memref<!tpu.dma_semaphore, #tpu.memory_space<semaphore_mem>>, %arg13: memref<!tpu.dma_semaphore, #tpu.memory_space<semaphore_mem>>, %arg14: memref<!tpu.dma_semaphore, #tpu.memory_space<semaphore_mem>>, %arg15: memref<!tpu.dma_semaphore, #tpu.memory_space<semaphore_mem>>, %arg16: memref<!tpu.dma_semaphore, #tpu.memory_space<semaphore_mem>>, %arg17: memref<!tpu.dma_semaphore, #tpu.memory_space<semaphore_mem>>, %arg18: memref<!tpu.dma_semaphore, #tpu.memory_space<semaphore_mem>>, %arg19: memref<!tpu.dma_semaphore, #tpu.memory_space<semaphore_mem>>, %arg20: memref<!tpu.dma_semaphore, #tpu.memory_space<semaphore_mem>>, %arg21: memref<!tpu.dma_semaphore, #tpu.memory_space<semaphore_mem>>, %arg22: memref<!tpu.dma_semaphore, #tpu.memory_space<semaphore_mem>>, %arg23: memref<!tpu.dma_semaphore, #tpu.memory_space<semaphore_mem>>, %arg24: memref<!tpu.dma_semaphore, #tpu.memory_space<semaphore_mem>>, %arg25: memref<!tpu.dma_semaphore, #tpu.memory_space<semaphore_mem>>, %arg26: memref<!tpu.dma_semaphore, #tpu.memory_space<semaphore_mem>>, %arg27: memref<!tpu.dma_semaphore, #tpu.memory_space<semaphore_mem>>) attributes {dimension_semantics = [#tpu.dimension_semantics<core_parallel>, #tpu.dimension_semantics<subcore_parallel>], iteration_bounds = array<i64: 2, 16>, scalar_prefetch = 0 : i64, scratch_operands = 23 : i64, tpu.core_type = #tpu.core_type<sc_vector_subcore>, window_params = [{transform_indices = #map}, {transform_indices = #map1}, {transform_indices = #map2}]} {
    %mul3A = arith.constant 2 : i32
    %mul3A_0 = arith.muli %arg1, %mul3A : i32
    %add3A = arith.addi %mul3A_0, %arg0 : i32
    %mul3A_1 = arith.constant 632 : i32
    %mul3A_2 = arith.muli %arg1, %mul3A_1 : i32
    %mul3A_3 = arith.constant 10000 : i32
    %mul3A_4 = arith.muli %add3A, %mul3A_3 : i32
    %mul3A_5 = arith.constant 10000 : i32
    %mul3A_6 = arith.muli %add3A, %mul3A_5 : i32
    %add3A_7 = arith.constant 320000 : i32
    %add3A_8 = arith.addi %add3A_7, %mul3A_6 : i32
    %dma_start3A = arith.constant 0 : i32
    %dma_start3A_9 = arith.constant 0 : i32
    %dma_start3A_10 = tpu.memref_slice %arg5[%dma_start3A, %dma_start3A_9] : memref<2x10240xi32, #tpu.memory_space<vmem>> -> memref<1x10000xi32, #tpu.memory_space<vmem>>
    %dma_start3A_11 = tpu.memref_squeeze %dma_start3A_10 : memref<1x10000xi32, #tpu.memory_space<vmem>> -> memref<10000xi32, #tpu.memory_space<vmem>>
    %dma_start3A_12 = tpu.memref_slice %arg3[%mul3A_4] : memref<640000xi32, #tpu.memory_space<hbm>> -> memref<10000xi32, #tpu.memory_space<hbm>>
    %dma_start3A_13 = arith.constant 0 : i32
    %dma_start3A_14 = tpu.memref_slice %arg5[%dma_start3A, %dma_start3A_13] : memref<2x10240xi32, #tpu.memory_space<vmem>> -> memref<1x10000xi32, #tpu.memory_space<vmem>>
    %dma_start3A_15 = tpu.memref_squeeze %dma_start3A_14 : memref<1x10000xi32, #tpu.memory_space<vmem>> -> memref<10000xi32, #tpu.memory_space<vmem>>
    %dma_start3A_16 = tpu.memref_slice %arg3[%mul3A_4] : memref<640000xi32, #tpu.memory_space<hbm>> -> memref<10000xi32, #tpu.memory_space<hbm>>
    tpu.enqueue_dma source(%dma_start3A_16 : memref<10000xi32, #tpu.memory_space<hbm>>) target(%dma_start3A_15 : memref<10000xi32, #tpu.memory_space<vmem>>) target_semaphore(%arg12 : memref<!tpu.dma_semaphore, #tpu.memory_space<semaphore_mem>>)
    %dma_start3A_17 = arith.constant 1 : i32
    %dma_start3A_18 = arith.constant 0 : i32
    %dma_start3A_19 = tpu.memref_slice %arg5[%dma_start3A_17, %dma_start3A_18] : memref<2x10240xi32, #tpu.memory_space<vmem>> -> memref<1x10000xi32, #tpu.memory_space<vmem>>
    %dma_start3A_20 = tpu.memref_squeeze %dma_start3A_19 : memref<1x10000xi32, #tpu.memory_space<vmem>> -> memref<10000xi32, #tpu.memory_space<vmem>>
    %dma_start3A_21 = tpu.memref_slice %arg3[%add3A_8] : memref<640000xi32, #tpu.memory_space<hbm>> -> memref<10000xi32, #tpu.memory_space<hbm>>
    %dma_start3A_22 = arith.constant 0 : i32
    %dma_start3A_23 = tpu.memref_slice %arg5[%dma_start3A_17, %dma_start3A_22] : memref<2x10240xi32, #tpu.memory_space<vmem>> -> memref<1x10000xi32, #tpu.memory_space<vmem>>
    %dma_start3A_24 = tpu.memref_squeeze %dma_start3A_23 : memref<1x10000xi32, #tpu.memory_space<vmem>> -> memref<10000xi32, #tpu.memory_space<vmem>>
    %dma_start3A_25 = tpu.memref_slice %arg3[%add3A_8] : memref<640000xi32, #tpu.memory_space<hbm>> -> memref<10000xi32, #tpu.memory_space<hbm>>
    tpu.enqueue_dma source(%dma_start3A_25 : memref<10000xi32, #tpu.memory_space<hbm>>) target(%dma_start3A_24 : memref<10000xi32, #tpu.memory_space<vmem>>) target_semaphore(%arg13 : memref<!tpu.dma_semaphore, #tpu.memory_space<semaphore_mem>>)
    %mul3A_26 = arith.constant 625 : i32
    %mul3A_27 = arith.muli %arg1, %mul3A_26 : i32
    %mul3A_28 = arith.constant 625 : i32
    %mul3A_29 = arith.muli %arg1, %mul3A_28 : i32
    %dma_start3A_30 = arith.constant 0 : i32
    %dma_start3A_31 = tpu.memref_slice %arg11[%mul3A_29, %dma_start3A_30] : memref<10000x16xf32, #tpu.memory_space<vmem_shared>> -> memref<625x16xf32, #tpu.memory_space<vmem_shared>>
    %dma_start3A_32 = arith.constant 0 : i32
    %dma_start3A_33 = tpu.memref_slice %arg2[%mul3A_27, %dma_start3A_32] : memref<10000x16xf32, #tpu.memory_space<hbm>> -> memref<625x16xf32, #tpu.memory_space<hbm>>
    tpu.enqueue_dma source(%dma_start3A_33 : memref<625x16xf32, #tpu.memory_space<hbm>>) target(%dma_start3A_31 : memref<625x16xf32, #tpu.memory_space<vmem_shared>>) target_semaphore(%arg14 : memref<!tpu.dma_semaphore, #tpu.memory_space<semaphore_mem>>)
    %broadcast_in_dim3A = arith.constant 0 : i32
    %broadcast_in_dim3A_34 = vector.broadcast %broadcast_in_dim3A : i32 to vector<16xi32>
    %swap3A = arith.constant 0 : i32
    %swap3A_35 = arith.index_cast %swap3A : i32 to index
    %swap3A_36 = arith.constant 10000 : index
    %swap3A_37 = tpu.vector_load %arg5[%swap3A_35, %swap3A_36] {strides = array<i32>} : memref<2x10240xi32, #tpu.memory_space<vmem>>, vector<1x16xi32>,
    %swap3A_38 = vector.shape_cast %swap3A_37 : vector<1x16xi32> to vector<16xi32>
    %swap3A_39 = vector.shape_cast %broadcast_in_dim3A_34 : vector<16xi32> to vector<1x16xi32>
    tpu.vector_store %arg5[%swap3A_35, %swap3A_36], %swap3A_39 {strides = array<i32>} : memref<2x10240xi32, #tpu.memory_space<vmem>>, vector<1x16xi32>,
    %broadcast_in_dim3A_40 = arith.constant 10000 : i32
    %broadcast_in_dim3A_41 = vector.broadcast %broadcast_in_dim3A_40 : i32 to vector<16xi32>
    %swap3A_42 = arith.constant 1 : i32
    %swap3A_43 = arith.index_cast %swap3A_42 : i32 to index
    %swap3A_44 = arith.constant 10000 : index
    %swap3A_45 = tpu.vector_load %arg5[%swap3A_43, %swap3A_44] {strides = array<i32>} : memref<2x10240xi32, #tpu.memory_space<vmem>>, vector<1x16xi32>,
    %swap3A_46 = vector.shape_cast %swap3A_45 : vector<1x16xi32> to vector<16xi32>
    %swap3A_47 = vector.shape_cast %broadcast_in_dim3A_41 : vector<16xi32> to vector<1x16xi32>
    tpu.vector_store %arg5[%swap3A_43, %swap3A_44], %swap3A_47 {strides = array<i32>} : memref<2x10240xi32, #tpu.memory_space<vmem>>, vector<1x16xi32>,
    %broadcast_in_dim3A_48 = arith.constant 0 : i32
    %broadcast_in_dim3A_49 = vector.broadcast %broadcast_in_dim3A_48 : i32 to vector<16xi32>
    %swap3A_50 = arith.constant 0 : i32
    %swap3A_51 = arith.index_cast %swap3A_50 : i32 to index
    %swap3A_52 = arith.constant 10016 : index
    %swap3A_53 = tpu.vector_load %arg5[%swap3A_51, %swap3A_52] {strides = array<i32>} : memref<2x10240xi32, #tpu.memory_space<vmem>>, vector<1x16xi32>,
    %swap3A_54 = vector.shape_cast %swap3A_53 : vector<1x16xi32> to vector<16xi32>
    %swap3A_55 = vector.shape_cast %broadcast_in_dim3A_49 : vector<16xi32> to vector<1x16xi32>
    tpu.vector_store %arg5[%swap3A_51, %swap3A_52], %swap3A_55 {strides = array<i32>} : memref<2x10240xi32, #tpu.memory_space<vmem>>, vector<1x16xi32>,
    %broadcast_in_dim3A_56 = arith.constant 10000 : i32
    %broadcast_in_dim3A_57 = vector.broadcast %broadcast_in_dim3A_56 : i32 to vector<16xi32>
    %swap3A_58 = arith.constant 1 : i32
    %swap3A_59 = arith.index_cast %swap3A_58 : i32 to index
    %swap3A_60 = arith.constant 10016 : index
    %swap3A_61 = tpu.vector_load %arg5[%swap3A_59, %swap3A_60] {strides = array<i32>} : memref<2x10240xi32, #tpu.memory_space<vmem>>, vector<1x16xi32>,
    %swap3A_62 = vector.shape_cast %swap3A_61 : vector<1x16xi32> to vector<16xi32>
    %swap3A_63 = vector.shape_cast %broadcast_in_dim3A_57 : vector<16xi32> to vector<1x16xi32>
    tpu.vector_store %arg5[%swap3A_59, %swap3A_60], %swap3A_63 {strides = array<i32>} : memref<2x10240xi32, #tpu.memory_space<vmem>>, vector<1x16xi32>,
    %broadcast_in_dim3A_64 = arith.constant 0 : i32
    %broadcast_in_dim3A_65 = vector.broadcast %broadcast_in_dim3A_64 : i32 to vector<16xi32>
    %swap3A_66 = arith.constant 0 : i32
    %swap3A_67 = arith.index_cast %swap3A_66 : i32 to index
    %swap3A_68 = arith.constant 10032 : index
    %swap3A_69 = tpu.vector_load %arg5[%swap3A_67, %swap3A_68] {strides = array<i32>} : memref<2x10240xi32, #tpu.memory_space<vmem>>, vector<1x16xi32>,
    %swap3A_70 = vector.shape_cast %swap3A_69 : vector<1x16xi32> to vector<16xi32>
    %swap3A_71 = vector.shape_cast %broadcast_in_dim3A_65 : vector<16xi32> to vector<1x16xi32>
    tpu.vector_store %arg5[%swap3A_67, %swap3A_68], %swap3A_71 {strides = array<i32>} : memref<2x10240xi32, #tpu.memory_space<vmem>>, vector<1x16xi32>,
    %broadcast_in_dim3A_72 = arith.constant 10000 : i32
    %broadcast_in_dim3A_73 = vector.broadcast %broadcast_in_dim3A_72 : i32 to vector<16xi32>
    %swap3A_74 = arith.constant 1 : i32
    %swap3A_75 = arith.index_cast %swap3A_74 : i32 to index
    %swap3A_76 = arith.constant 10032 : index
    %swap3A_77 = tpu.vector_load %arg5[%swap3A_75, %swap3A_76] {strides = array<i32>} : memref<2x10240xi32, #tpu.memory_space<vmem>>, vector<1x16xi32>,
    %swap3A_78 = vector.shape_cast %swap3A_77 : vector<1x16xi32> to vector<16xi32>
    %swap3A_79 = vector.shape_cast %broadcast_in_dim3A_73 : vector<16xi32> to vector<1x16xi32>
    tpu.vector_store %arg5[%swap3A_75, %swap3A_76], %swap3A_79 {strides = array<i32>} : memref<2x10240xi32, #tpu.memory_space<vmem>>, vector<1x16xi32>,
    %broadcast_in_dim3A_80 = arith.constant 0 : i32
    %broadcast_in_dim3A_81 = vector.broadcast %broadcast_in_dim3A_80 : i32 to vector<16xi32>
    %swap3A_82 = arith.constant 0 : i32
    %swap3A_83 = arith.index_cast %swap3A_82 : i32 to index
    %swap3A_84 = arith.constant 10048 : index
    %swap3A_85 = tpu.vector_load %arg5[%swap3A_83, %swap3A_84] {strides = array<i32>} : memref<2x10240xi32, #tpu.memory_space<vmem>>, vector<1x16xi32>,
    %swap3A_86 = vector.shape_cast %swap3A_85 : vector<1x16xi32> to vector<16xi32>
    %swap3A_87 = vector.shape_cast %broadcast_in_dim3A_81 : vector<16xi32> to vector<1x16xi32>
    tpu.vector_store %arg5[%swap3A_83, %swap3A_84], %swap3A_87 {strides = array<i32>} : memref<2x10240xi32, #tpu.memory_space<vmem>>, vector<1x16xi32>,
    %broadcast_in_dim3A_88 = arith.constant 10000 : i32
    %broadcast_in_dim3A_89 = vector.broadcast %broadcast_in_dim3A_88 : i32 to vector<16xi32>
    %swap3A_90 = arith.constant 1 : i32
    %swap3A_91 = arith.index_cast %swap3A_90 : i32 to index
    %swap3A_92 = arith.constant 10048 : index
    %swap3A_93 = tpu.vector_load %arg5[%swap3A_91, %swap3A_92] {strides = array<i32>} : memref<2x10240xi32, #tpu.memory_space<vmem>>, vector<1x16xi32>,
    %swap3A_94 = vector.shape_cast %swap3A_93 : vector<1x16xi32> to vector<16xi32>
    %swap3A_95 = vector.shape_cast %broadcast_in_dim3A_89 : vector<16xi32> to vector<1x16xi32>
    tpu.vector_store %arg5[%swap3A_91, %swap3A_92], %swap3A_95 {strides = array<i32>} : memref<2x10240xi32, #tpu.memory_space<vmem>>, vector<1x16xi32>,
    %broadcast_in_dim3A_96 = arith.constant 0 : i32
    %broadcast_in_dim3A_97 = vector.broadcast %broadcast_in_dim3A_96 : i32 to vector<16xi32>
    %swap3A_98 = arith.constant 0 : i32
    %swap3A_99 = arith.index_cast %swap3A_98 : i32 to index
    %swap3A_100 = arith.constant 10064 : index
    %swap3A_101 = tpu.vector_load %arg5[%swap3A_99, %swap3A_100] {strides = array<i32>} : memref<2x10240xi32, #tpu.memory_space<vmem>>, vector<1x16xi32>,
    %swap3A_102 = vector.shape_cast %swap3A_101 : vector<1x16xi32> to vector<16xi32>
    %swap3A_103 = vector.shape_cast %broadcast_in_dim3A_97 : vector<16xi32> to vector<1x16xi32>
    tpu.vector_store %arg5[%swap3A_99, %swap3A_100], %swap3A_103 {strides = array<i32>} : memref<2x10240xi32, #tpu.memory_space<vmem>>, vector<1x16xi32>,
    %broadcast_in_dim3A_104 = arith.constant 10000 : i32
    %broadcast_in_dim3A_105 = vector.broadcast %broadcast_in_dim3A_104 : i32 to vector<16xi32>
    %swap3A_106 = arith.constant 1 : i32
    %swap3A_107 = arith.index_cast %swap3A_106 : i32 to index
    %swap3A_108 = arith.constant 10064 : index
    %swap3A_109 = tpu.vector_load %arg5[%swap3A_107, %swap3A_108] {strides = array<i32>} : memref<2x10240xi32, #tpu.memory_space<vmem>>, vector<1x16xi32>,
    %swap3A_110 = vector.shape_cast %swap3A_109 : vector<1x16xi32> to vector<16xi32>
    %swap3A_111 = vector.shape_cast %broadcast_in_dim3A_105 : vector<16xi32> to vector<1x16xi32>
    tpu.vector_store %arg5[%swap3A_107, %swap3A_108], %swap3A_111 {strides = array<i32>} : memref<2x10240xi32, #tpu.memory_space<vmem>>, vector<1x16xi32>,
    %broadcast_in_dim3A_112 = arith.constant 0 : i32
    %broadcast_in_dim3A_113 = vector.broadcast %broadcast_in_dim3A_112 : i32 to vector<16xi32>
    %swap3A_114 = arith.constant 0 : i32
    %swap3A_115 = arith.index_cast %swap3A_114 : i32 to index
    %swap3A_116 = arith.constant 10080 : index
    %swap3A_117 = tpu.vector_load %arg5[%swap3A_115, %swap3A_116] {strides = array<i32>} : memref<2x10240xi32, #tpu.memory_space<vmem>>, vector<1x16xi32>,
    %swap3A_118 = vector.shape_cast %swap3A_117 : vector<1x16xi32> to vector<16xi32>
    %swap3A_119 = vector.shape_cast %broadcast_in_dim3A_113 : vector<16xi32> to vector<1x16xi32>
    tpu.vector_store %arg5[%swap3A_115, %swap3A_116], %swap3A_119 {strides = array<i32>} : memref<2x10240xi32, #tpu.memory_space<vmem>>, vector<1x16xi32>,
    %broadcast_in_dim3A_120 = arith.constant 10000 : i32
    %broadcast_in_dim3A_121 = vector.broadcast %broadcast_in_dim3A_120 : i32 to vector<16xi32>
    %swap3A_122 = arith.constant 1 : i32
    %swap3A_123 = arith.index_cast %swap3A_122 : i32 to index
    %swap3A_124 = arith.constant 10080 : index
    %swap3A_125 = tpu.vector_load %arg5[%swap3A_123, %swap3A_124] {strides = array<i32>} : memref<2x10240xi32, #tpu.memory_space<vmem>>, vector<1x16xi32>,
    %swap3A_126 = vector.shape_cast %swap3A_125 : vector<1x16xi32> to vector<16xi32>
    %swap3A_127 = vector.shape_cast %broadcast_in_dim3A_121 : vector<16xi32> to vector<1x16xi32>
    tpu.vector_store %arg5[%swap3A_123, %swap3A_124], %swap3A_127 {strides = array<i32>} : memref<2x10240xi32, #tpu.memory_space<vmem>>, vector<1x16xi32>,
    %broadcast_in_dim3A_128 = arith.constant 0 : i32
    %broadcast_in_dim3A_129 = vector.broadcast %broadcast_in_dim3A_128 : i32 to vector<16xi32>
    %swap3A_130 = arith.constant 0 : i32
    %swap3A_131 = arith.index_cast %swap3A_130 : i32 to index
    %swap3A_132 = arith.constant 10096 : index
    %swap3A_133 = tpu.vector_load %arg5[%swap3A_131, %swap3A_132] {strides = array<i32>} : memref<2x10240xi32, #tpu.memory_space<vmem>>, vector<1x16xi32>,
    %swap3A_134 = vector.shape_cast %swap3A_133 : vector<1x16xi32> to vector<16xi32>
    %swap3A_135 = vector.shape_cast %broadcast_in_dim3A_129 : vector<16xi32> to vector<1x16xi32>
    tpu.vector_store %arg5[%swap3A_131, %swap3A_132], %swap3A_135 {strides = array<i32>} : memref<2x10240xi32, #tpu.memory_space<vmem>>, vector<1x16xi32>,
    %broadcast_in_dim3A_136 = arith.constant 10000 : i32
    %broadcast_in_dim3A_137 = vector.broadcast %broadcast_in_dim3A_136 : i32 to vector<16xi32>
    %swap3A_138 = arith.constant 1 : i32
    %swap3A_139 = arith.index_cast %swap3A_138 : i32 to index
    %swap3A_140 = arith.constant 10096 : index
    %swap3A_141 = tpu.vector_load %arg5[%swap3A_139, %swap3A_140] {strides = array<i32>} : memref<2x10240xi32, #tpu.memory_space<vmem>>, vector<1x16xi32>,
    %swap3A_142 = vector.shape_cast %swap3A_141 : vector<1x16xi32> to vector<16xi32>
    %swap3A_143 = vector.shape_cast %broadcast_in_dim3A_137 : vector<16xi32> to vector<1x16xi32>
    tpu.vector_store %arg5[%swap3A_139, %swap3A_140], %swap3A_143 {strides = array<i32>} : memref<2x10240xi32, #tpu.memory_space<vmem>>, vector<1x16xi32>,
    %broadcast_in_dim3A_144 = arith.constant 0 : i32
    %broadcast_in_dim3A_145 = vector.broadcast %broadcast_in_dim3A_144 : i32 to vector<16xi32>
    %swap3A_146 = arith.constant 0 : i32
    %swap3A_147 = arith.index_cast %swap3A_146 : i32 to index
    %swap3A_148 = arith.constant 10112 : index
    %swap3A_149 = tpu.vector_load %arg5[%swap3A_147, %swap3A_148] {strides = array<i32>} : memref<2x10240xi32, #tpu.memory_space<vmem>>, vector<1x16xi32>,
    %swap3A_150 = vector.shape_cast %swap3A_149 : vector<1x16xi32> to vector<16xi32>
    %swap3A_151 = vector.shape_cast %broadcast_in_dim3A_145 : vector<16xi32> to vector<1x16xi32>
    tpu.vector_store %arg5[%swap3A_147, %swap3A_148], %swap3A_151 {strides = array<i32>} : memref<2x10240xi32, #tpu.memory_space<vmem>>, vector<1x16xi32>,
    %broadcast_in_dim3A_152 = arith.constant 10000 : i32
    %broadcast_in_dim3A_153 = vector.broadcast %broadcast_in_dim3A_152 : i32 to vector<16xi32>
    %swap3A_154 = arith.constant 1 : i32
    %swap3A_155 = arith.index_cast %swap3A_154 : i32 to index
    %swap3A_156 = arith.constant 10112 : index
    %swap3A_157 = tpu.vector_load %arg5[%swap3A_155, %swap3A_156] {strides = array<i32>} : memref<2x10240xi32, #tpu.memory_space<vmem>>, vector<1x16xi32>,
    %swap3A_158 = vector.shape_cast %swap3A_157 : vector<1x16xi32> to vector<16xi32>
    %swap3A_159 = vector.shape_cast %broadcast_in_dim3A_153 : vector<16xi32> to vector<1x16xi32>
    tpu.vector_store %arg5[%swap3A_155, %swap3A_156], %swap3A_159 {strides = array<i32>} : memref<2x10240xi32, #tpu.memory_space<vmem>>, vector<1x16xi32>,
    %broadcast_in_dim3A_160 = arith.constant 0 : i32
    %broadcast_in_dim3A_161 = vector.broadcast %broadcast_in_dim3A_160 : i32 to vector<16xi32>
    %swap3A_162 = arith.constant 0 : i32
    %swap3A_163 = arith.index_cast %swap3A_162 : i32 to index
    %swap3A_164 = arith.constant 10128 : index
    %swap3A_165 = tpu.vector_load %arg5[%swap3A_163, %swap3A_164] {strides = array<i32>} : memref<2x10240xi32, #tpu.memory_space<vmem>>, vector<1x16xi32>,
    %swap3A_166 = vector.shape_cast %swap3A_165 : vector<1x16xi32> to vector<16xi32>
    %swap3A_167 = vector.shape_cast %broadcast_in_dim3A_161 : vector<16xi32> to vector<1x16xi32>
    tpu.vector_store %arg5[%swap3A_163, %swap3A_164], %swap3A_167 {strides = array<i32>} : memref<2x10240xi32, #tpu.memory_space<vmem>>, vector<1x16xi32>,
    %broadcast_in_dim3A_168 = arith.constant 10000 : i32
    %broadcast_in_dim3A_169 = vector.broadcast %broadcast_in_dim3A_168 : i32 to vector<16xi32>
    %swap3A_170 = arith.constant 1 : i32
    %swap3A_171 = arith.index_cast %swap3A_170 : i32 to index
    %swap3A_172 = arith.constant 10128 : index
    %swap3A_173 = tpu.vector_load %arg5[%swap3A_171, %swap3A_172] {strides = array<i32>} : memref<2x10240xi32, #tpu.memory_space<vmem>>, vector<1x16xi32>,
    %swap3A_174 = vector.shape_cast %swap3A_173 : vector<1x16xi32> to vector<16xi32>
    %swap3A_175 = vector.shape_cast %broadcast_in_dim3A_169 : vector<16xi32> to vector<1x16xi32>
    tpu.vector_store %arg5[%swap3A_171, %swap3A_172], %swap3A_175 {strides = array<i32>} : memref<2x10240xi32, #tpu.memory_space<vmem>>, vector<1x16xi32>,
    %broadcast_in_dim3A_176 = arith.constant 0 : i32
    %broadcast_in_dim3A_177 = vector.broadcast %broadcast_in_dim3A_176 : i32 to vector<16xi32>
    %swap3A_178 = arith.constant 0 : i32
    %swap3A_179 = arith.index_cast %swap3A_178 : i32 to index
    %swap3A_180 = arith.constant 10144 : index
    %swap3A_181 = tpu.vector_load %arg5[%swap3A_179, %swap3A_180] {strides = array<i32>} : memref<2x10240xi32, #tpu.memory_space<vmem>>, vector<1x16xi32>,
    %swap3A_182 = vector.shape_cast %swap3A_181 : vector<1x16xi32> to vector<16xi32>
    %swap3A_183 = vector.shape_cast %broadcast_in_dim3A_177 : vector<16xi32> to vector<1x16xi32>
    tpu.vector_store %arg5[%swap3A_179, %swap3A_180], %swap3A_183 {strides = array<i32>} : memref<2x10240xi32, #tpu.memory_space<vmem>>, vector<1x16xi32>,
    %broadcast_in_dim3A_184 = arith.constant 10000 : i32
    %broadcast_in_dim3A_185 = vector.broadcast %broadcast_in_dim3A_184 : i32 to vector<16xi32>
    %swap3A_186 = arith.constant 1 : i32
    %swap3A_187 = arith.index_cast %swap3A_186 : i32 to index
    %swap3A_188 = arith.constant 10144 : index
    %swap3A_189 = tpu.vector_load %arg5[%swap3A_187, %swap3A_188] {strides = array<i32>} : memref<2x10240xi32, #tpu.memory_space<vmem>>, vector<1x16xi32>,
    %swap3A_190 = vector.shape_cast %swap3A_189 : vector<1x16xi32> to vector<16xi32>
    %swap3A_191 = vector.shape_cast %broadcast_in_dim3A_185 : vector<16xi32> to vector<1x16xi32>
    tpu.vector_store %arg5[%swap3A_187, %swap3A_188], %swap3A_191 {strides = array<i32>} : memref<2x10240xi32, #tpu.memory_space<vmem>>, vector<1x16xi32>,
    %broadcast_in_dim3A_192 = arith.constant 0 : i32
    %broadcast_in_dim3A_193 = vector.broadcast %broadcast_in_dim3A_192 : i32 to vector<16xi32>
    %swap3A_194 = arith.constant 0 : i32
    %swap3A_195 = arith.index_cast %swap3A_194 : i32 to index
    %swap3A_196 = arith.constant 10160 : index
    %swap3A_197 = tpu.vector_load %arg5[%swap3A_195, %swap3A_196] {strides = array<i32>} : memref<2x10240xi32, #tpu.memory_space<vmem>>, vector<1x16xi32>,
    %swap3A_198 = vector.shape_cast %swap3A_197 : vector<1x16xi32> to vector<16xi32>
    %swap3A_199 = vector.shape_cast %broadcast_in_dim3A_193 : vector<16xi32> to vector<1x16xi32>
    tpu.vector_store %arg5[%swap3A_195, %swap3A_196], %swap3A_199 {strides = array<i32>} : memref<2x10240xi32, #tpu.memory_space<vmem>>, vector<1x16xi32>,
    %broadcast_in_dim3A_200 = arith.constant 10000 : i32
    %broadcast_in_dim3A_201 = vector.broadcast %broadcast_in_dim3A_200 : i32 to vector<16xi32>
    %swap3A_202 = arith.constant 1 : i32
    %swap3A_203 = arith.index_cast %swap3A_202 : i32 to index
    %swap3A_204 = arith.constant 10160 : index
    %swap3A_205 = tpu.vector_load %arg5[%swap3A_203, %swap3A_204] {strides = array<i32>} : memref<2x10240xi32, #tpu.memory_space<vmem>>, vector<1x16xi32>,
    %swap3A_206 = vector.shape_cast %swap3A_205 : vector<1x16xi32> to vector<16xi32>
    %swap3A_207 = vector.shape_cast %broadcast_in_dim3A_201 : vector<16xi32> to vector<1x16xi32>
    tpu.vector_store %arg5[%swap3A_203, %swap3A_204], %swap3A_207 {strides = array<i32>} : memref<2x10240xi32, #tpu.memory_space<vmem>>, vector<1x16xi32>,
    %broadcast_in_dim3A_208 = arith.constant 0 : i32
    %broadcast_in_dim3A_209 = vector.broadcast %broadcast_in_dim3A_208 : i32 to vector<16xi32>
    %swap3A_210 = arith.constant 0 : i32
    %swap3A_211 = arith.index_cast %swap3A_210 : i32 to index
    %swap3A_212 = arith.constant 10176 : index
    %swap3A_213 = tpu.vector_load %arg5[%swap3A_211, %swap3A_212] {strides = array<i32>} : memref<2x10240xi32, #tpu.memory_space<vmem>>, vector<1x16xi32>,
    %swap3A_214 = vector.shape_cast %swap3A_213 : vector<1x16xi32> to vector<16xi32>
    %swap3A_215 = vector.shape_cast %broadcast_in_dim3A_209 : vector<16xi32> to vector<1x16xi32>
    tpu.vector_store %arg5[%swap3A_211, %swap3A_212], %swap3A_215 {strides = array<i32>} : memref<2x10240xi32, #tpu.memory_space<vmem>>, vector<1x16xi32>,
    %broadcast_in_dim3A_216 = arith.constant 10000 : i32
    %broadcast_in_dim3A_217 = vector.broadcast %broadcast_in_dim3A_216 : i32 to vector<16xi32>
    %swap3A_218 = arith.constant 1 : i32
    %swap3A_219 = arith.index_cast %swap3A_218 : i32 to index
    %swap3A_220 = arith.constant 10176 : index
    %swap3A_221 = tpu.vector_load %arg5[%swap3A_219, %swap3A_220] {strides = array<i32>} : memref<2x10240xi32, #tpu.memory_space<vmem>>, vector<1x16xi32>,
    %swap3A_222 = vector.shape_cast %swap3A_221 : vector<1x16xi32> to vector<16xi32>
    %swap3A_223 = vector.shape_cast %broadcast_in_dim3A_217 : vector<16xi32> to vector<1x16xi32>
    tpu.vector_store %arg5[%swap3A_219, %swap3A_220], %swap3A_223 {strides = array<i32>} : memref<2x10240xi32, #tpu.memory_space<vmem>>, vector<1x16xi32>,
    %broadcast_in_dim3A_224 = arith.constant 0 : i32
    %broadcast_in_dim3A_225 = vector.broadcast %broadcast_in_dim3A_224 : i32 to vector<16xi32>
    %swap3A_226 = arith.constant 0 : i32
    %swap3A_227 = arith.index_cast %swap3A_226 : i32 to index
    %swap3A_228 = arith.constant 10192 : index
    %swap3A_229 = tpu.vector_load %arg5[%swap3A_227, %swap3A_228] {strides = array<i32>} : memref<2x10240xi32, #tpu.memory_space<vmem>>, vector<1x16xi32>,
    %swap3A_230 = vector.shape_cast %swap3A_229 : vector<1x16xi32> to vector<16xi32>
    %swap3A_231 = vector.shape_cast %broadcast_in_dim3A_225 : vector<16xi32> to vector<1x16xi32>
    tpu.vector_store %arg5[%swap3A_227, %swap3A_228], %swap3A_231 {strides = array<i32>} : memref<2x10240xi32, #tpu.memory_space<vmem>>, vector<1x16xi32>,
    %broadcast_in_dim3A_232 = arith.constant 10000 : i32
    %broadcast_in_dim3A_233 = vector.broadcast %broadcast_in_dim3A_232 : i32 to vector<16xi32>
    %swap3A_234 = arith.constant 1 : i32
    %swap3A_235 = arith.index_cast %swap3A_234 : i32 to index
    %swap3A_236 = arith.constant 10192 : index
    %swap3A_237 = tpu.vector_load %arg5[%swap3A_235, %swap3A_236] {strides = array<i32>} : memref<2x10240xi32, #tpu.memory_space<vmem>>, vector<1x16xi32>,
    %swap3A_238 = vector.shape_cast %swap3A_237 : vector<1x16xi32> to vector<16xi32>
    %swap3A_239 = vector.shape_cast %broadcast_in_dim3A_233 : vector<16xi32> to vector<1x16xi32>
    tpu.vector_store %arg5[%swap3A_235, %swap3A_236], %swap3A_239 {strides = array<i32>} : memref<2x10240xi32, #tpu.memory_space<vmem>>, vector<1x16xi32>,
    %broadcast_in_dim3A_240 = arith.constant 0 : i32
    %broadcast_in_dim3A_241 = vector.broadcast %broadcast_in_dim3A_240 : i32 to vector<16xi32>
    %swap3A_242 = arith.constant 0 : i32
    %swap3A_243 = arith.index_cast %swap3A_242 : i32 to index
    %swap3A_244 = arith.constant 10208 : index
    %swap3A_245 = tpu.vector_load %arg5[%swap3A_243, %swap3A_244] {strides = array<i32>} : memref<2x10240xi32, #tpu.memory_space<vmem>>, vector<1x16xi32>,
    %swap3A_246 = vector.shape_cast %swap3A_245 : vector<1x16xi32> to vector<16xi32>
    %swap3A_247 = vector.shape_cast %broadcast_in_dim3A_241 : vector<16xi32> to vector<1x16xi32>
    tpu.vector_store %arg5[%swap3A_243, %swap3A_244], %swap3A_247 {strides = array<i32>} : memref<2x10240xi32, #tpu.memory_space<vmem>>, vector<1x16xi32>,
    %broadcast_in_dim3A_248 = arith.constant 10000 : i32
    %broadcast_in_dim3A_249 = vector.broadcast %broadcast_in_dim3A_248 : i32 to vector<16xi32>
    %swap3A_250 = arith.constant 1 : i32
    %swap3A_251 = arith.index_cast %swap3A_250 : i32 to index
    %swap3A_252 = arith.constant 10208 : index
    %swap3A_253 = tpu.vector_load %arg5[%swap3A_251, %swap3A_252] {strides = array<i32>} : memref<2x10240xi32, #tpu.memory_space<vmem>>, vector<1x16xi32>,
    %swap3A_254 = vector.shape_cast %swap3A_253 : vector<1x16xi32> to vector<16xi32>
    %swap3A_255 = vector.shape_cast %broadcast_in_dim3A_249 : vector<16xi32> to vector<1x16xi32>
    tpu.vector_store %arg5[%swap3A_251, %swap3A_252], %swap3A_255 {strides = array<i32>} : memref<2x10240xi32, #tpu.memory_space<vmem>>, vector<1x16xi32>,
    %broadcast_in_dim3A_256 = arith.constant 0 : i32
    %broadcast_in_dim3A_257 = vector.broadcast %broadcast_in_dim3A_256 : i32 to vector<16xi32>
    %swap3A_258 = arith.constant 0 : i32
    %swap3A_259 = arith.index_cast %swap3A_258 : i32 to index
    %swap3A_260 = arith.constant 10224 : index
    %swap3A_261 = tpu.vector_load %arg5[%swap3A_259, %swap3A_260] {strides = array<i32>} : memref<2x10240xi32, #tpu.memory_space<vmem>>, vector<1x16xi32>,
    %swap3A_262 = vector.shape_cast %swap3A_261 : vector<1x16xi32> to vector<16xi32>
    %swap3A_263 = vector.shape_cast %broadcast_in_dim3A_257 : vector<16xi32> to vector<1x16xi32>
    tpu.vector_store %arg5[%swap3A_259, %swap3A_260], %swap3A_263 {strides = array<i32>} : memref<2x10240xi32, #tpu.memory_space<vmem>>, vector<1x16xi32>,
    %broadcast_in_dim3A_264 = arith.constant 10000 : i32
    %broadcast_in_dim3A_265 = vector.broadcast %broadcast_in_dim3A_264 : i32 to vector<16xi32>
    %swap3A_266 = arith.constant 1 : i32
    %swap3A_267 = arith.index_cast %swap3A_266 : i32 to index
    %swap3A_268 = arith.constant 10224 : index
    %swap3A_269 = tpu.vector_load %arg5[%swap3A_267, %swap3A_268] {strides = array<i32>} : memref<2x10240xi32, #tpu.memory_space<vmem>>, vector<1x16xi32>,
    %swap3A_270 = vector.shape_cast %swap3A_269 : vector<1x16xi32> to vector<16xi32>
    %swap3A_271 = vector.shape_cast %broadcast_in_dim3A_265 : vector<16xi32> to vector<1x16xi32>
    tpu.vector_store %arg5[%swap3A_267, %swap3A_268], %swap3A_271 {strides = array<i32>} : memref<2x10240xi32, #tpu.memory_space<vmem>>, vector<1x16xi32>,
    %scan3A = arith.constant 0 : i32
    %scan3A_272 = arith.constant 0 : i32
    %scan3A_273 = arith.constant 632 : i32
    %scan3A_274 = arith.addi %scan3A_272, %scan3A_273 : i32
    %scan3A_275 = arith.constant 1 : i32
    scf.for %scan3A_487 = %scan3A_272 to %scan3A_274 step %scan3A_275  : i32 {
      %broadcast_in_dim3A_488 = arith.constant 0.000000e+00 : f32
      %broadcast_in_dim3A_489 = vector.broadcast %broadcast_in_dim3A_488 : f32 to vector<16xf32>
      %swap3A_490 = arith.index_cast %scan3A_487 : i32 to index
      %swap3A_491 = arith.constant 0 : index
      %swap3A_492 = tpu.vector_load %arg7[%swap3A_490, %swap3A_491] {strides = array<i32>} : memref<632x16xf32, #tpu.memory_space<vmem>>, vector<1x16xf32>,
      %swap3A_493 = vector.shape_cast %swap3A_492 : vector<1x16xf32> to vector<16xf32>
      %swap3A_494 = vector.shape_cast %broadcast_in_dim3A_489 : vector<16xf32> to vector<1x16xf32>
      tpu.vector_store %arg7[%swap3A_490, %swap3A_491], %swap3A_494 {strides = array<i32>} : memref<632x16xf32, #tpu.memory_space<vmem>>, vector<1x16xf32>,
    }
    %scan3A_276 = arith.constant 632 : i32
    %dma_wait3A = arith.constant 0 : i32
    %dma_wait3A_277 = arith.constant 0 : i32
    %dma_wait3A_278 = tpu.memref_slice %arg5[%dma_wait3A, %dma_wait3A_277] : memref<2x10240xi32, #tpu.memory_space<vmem>> -> memref<1x10000xi32, #tpu.memory_space<vmem>>
    %dma_wait3A_279 = tpu.memref_squeeze %dma_wait3A_278 : memref<1x10000xi32, #tpu.memory_space<vmem>> -> memref<10000xi32, #tpu.memory_space<vmem>>
    %dma_wait3A_280 = tpu.memref_slice %arg3[%mul3A_4] : memref<640000xi32, #tpu.memory_space<hbm>> -> memref<10000xi32, #tpu.memory_space<hbm>>
    %dma_wait3A_281 = arith.constant 0 : i32
    %dma_wait3A_282 = tpu.memref_slice %arg5[%dma_wait3A, %dma_wait3A_281] : memref<2x10240xi32, #tpu.memory_space<vmem>> -> memref<1x10000xi32, #tpu.memory_space<vmem>>
    %dma_wait3A_283 = tpu.memref_squeeze %dma_wait3A_282 : memref<1x10000xi32, #tpu.memory_space<vmem>> -> memref<10000xi32, #tpu.memory_space<vmem>>
    %dma_wait3A_284 = tpu.memref_slice %arg3[%mul3A_4] : memref<640000xi32, #tpu.memory_space<hbm>> -> memref<10000xi32, #tpu.memory_space<hbm>>
    tpu.wait_dma2 semaphore(%arg12 : memref<!tpu.dma_semaphore, #tpu.memory_space<semaphore_mem>>) src(%dma_wait3A_284 : memref<10000xi32, #tpu.memory_space<hbm>>) dst(%dma_wait3A_283 : memref<10000xi32, #tpu.memory_space<vmem>>)
    %dma_wait3A_285 = arith.constant 1 : i32
    %dma_wait3A_286 = arith.constant 0 : i32
    %dma_wait3A_287 = tpu.memref_slice %arg5[%dma_wait3A_285, %dma_wait3A_286] : memref<2x10240xi32, #tpu.memory_space<vmem>> -> memref<1x10000xi32, #tpu.memory_space<vmem>>
    %dma_wait3A_288 = tpu.memref_squeeze %dma_wait3A_287 : memref<1x10000xi32, #tpu.memory_space<vmem>> -> memref<10000xi32, #tpu.memory_space<vmem>>
    %dma_wait3A_289 = tpu.memref_slice %arg3[%add3A_8] : memref<640000xi32, #tpu.memory_space<hbm>> -> memref<10000xi32, #tpu.memory_space<hbm>>
    %dma_wait3A_290 = arith.constant 0 : i32
    %dma_wait3A_291 = tpu.memref_slice %arg5[%dma_wait3A_285, %dma_wait3A_290] : memref<2x10240xi32, #tpu.memory_space<vmem>> -> memref<1x10000xi32, #tpu.memory_space<vmem>>
    %dma_wait3A_292 = tpu.memref_squeeze %dma_wait3A_291 : memref<1x10000xi32, #tpu.memory_space<vmem>> -> memref<10000xi32, #tpu.memory_space<vmem>>
    %dma_wait3A_293 = tpu.memref_slice %arg3[%add3A_8] : memref<640000xi32, #tpu.memory_space<hbm>> -> memref<10000xi32, #tpu.memory_space<hbm>>
    tpu.wait_dma2 semaphore(%arg13 : memref<!tpu.dma_semaphore, #tpu.memory_space<semaphore_mem>>) src(%dma_wait3A_293 : memref<10000xi32, #tpu.memory_space<hbm>>) dst(%dma_wait3A_292 : memref<10000xi32, #tpu.memory_space<vmem>>)
    %mul3A_294 = arith.constant 625 : i32
    %mul3A_295 = arith.muli %arg1, %mul3A_294 : i32
    %dma_wait3A_296 = arith.constant 0 : i32
    %dma_wait3A_297 = tpu.memref_slice %arg11[%mul3A_295, %dma_wait3A_296] : memref<10000x16xf32, #tpu.memory_space<vmem_shared>> -> memref<625x16xf32, #tpu.memory_space<vmem_shared>>
    %dma_wait3A_298 = arith.constant 0 : i32
    %dma_wait3A_299 = tpu.memref_slice %arg2[%mul3A_27, %dma_wait3A_298] : memref<10000x16xf32, #tpu.memory_space<hbm>> -> memref<625x16xf32, #tpu.memory_space<hbm>>
    tpu.wait_dma2 semaphore(%arg14 : memref<!tpu.dma_semaphore, #tpu.memory_space<semaphore_mem>>) src(%dma_wait3A_299 : memref<625x16xf32, #tpu.memory_space<hbm>>) dst(%dma_wait3A_297 : memref<625x16xf32, #tpu.memory_space<vmem_shared>>)
    "tpu.region"() ({
      %run_scoped3A = tpu.sem_alloc : memref<!tpu.dma_semaphore, #tpu.memory_space<semaphore_mem>>
      %dma_start3A_487 = arith.constant 0 : i32
      %dma_start3A_488 = tpu.memref_slice %arg10[%mul3A_2, %dma_start3A_487] : memref<10112x16xf32, #tpu.memory_space<vmem_shared>> -> memref<632x16xf32, #tpu.memory_space<vmem_shared>>
      %dma_start3A_489 = arith.constant 0 : i32
      %dma_start3A_490 = tpu.memref_slice %arg10[%mul3A_2, %dma_start3A_489] : memref<10112x16xf32, #tpu.memory_space<vmem_shared>> -> memref<632x16xf32, #tpu.memory_space<vmem_shared>>
      tpu.enqueue_dma source(%arg7 : memref<632x16xf32, #tpu.memory_space<vmem>>) target(%dma_start3A_490 : memref<632x16xf32, #tpu.memory_space<vmem_shared>>) target_semaphore(%run_scoped3A : memref<!tpu.dma_semaphore, #tpu.memory_space<semaphore_mem>>)
      %dma_wait3A_491 = arith.constant 0 : i32
      %dma_wait3A_492 = tpu.memref_slice %arg10[%mul3A_2, %dma_wait3A_491] : memref<10112x16xf32, #tpu.memory_space<vmem_shared>> -> memref<632x16xf32, #tpu.memory_space<vmem_shared>>
      %dma_wait3A_493 = arith.constant 0 : i32
      %dma_wait3A_494 = tpu.memref_slice %arg10[%mul3A_2, %dma_wait3A_493] : memref<10112x16xf32, #tpu.memory_space<vmem_shared>> -> memref<632x16xf32, #tpu.memory_space<vmem_shared>>
      tpu.wait_dma2 semaphore(%run_scoped3A : memref<!tpu.dma_semaphore, #tpu.memory_space<semaphore_mem>>) src(%arg7 : memref<632x16xf32, #tpu.memory_space<vmem>>) dst(%dma_wait3A_494 : memref<632x16xf32, #tpu.memory_space<vmem_shared>>)
      tpu.yield
    }) : () -> ()
    %barrier3A = arith.constant 0 : index
    tpu.barrier barrier_id(%barrier3A)
    %dma_start3A_300 = arith.constant 0 : i32
    %dma_start3A_301 = arith.constant 0 : i32
    %dma_start3A_302 = arith.constant 0 : i32
    %dma_start3A_303 = arith.constant 0 : i32
    %dma_start3A_304 = tpu.memref_slice %arg6[%dma_start3A_301, %dma_start3A_302, %dma_start3A_303] : memref<8x128x16xf32, #tpu.memory_space<vmem>> -> memref<1x128x16xf32, #tpu.memory_space<vmem>>
    %dma_start3A_305 = tpu.memref_squeeze %dma_start3A_304 : memref<1x128x16xf32, #tpu.memory_space<vmem>> -> memref<128x16xf32, #tpu.memory_space<vmem>>
    %dma_start3A_306 = arith.constant 0 : i32
    %dma_start3A_307 = tpu.memref_slice %arg5[%dma_start3A_300, %dma_start3A_306] : memref<2x10240xi32, #tpu.memory_space<vmem>> -> memref<1x128xi32, #tpu.memory_space<vmem>>
    %dma_start3A_308 = tpu.memref_squeeze %dma_start3A_307 : memref<1x128xi32, #tpu.memory_space<vmem>> -> memref<128xi32, #tpu.memory_space<vmem>>
    %dma_start3A_309 = arith.constant 0 : i32
    %dma_start3A_310 = arith.constant 0 : i32
    %dma_start3A_311 = tpu.memref_slice %arg11[%dma_start3A_309, %dma_start3A_310] : memref<10000x16xf32, #tpu.memory_space<vmem_shared>> -> memref<10000x16xf32, #tpu.memory_space<vmem_shared>>
    tpu.enqueue_indirect_dma source(%dma_start3A_311 : memref<10000x16xf32, #tpu.memory_space<vmem_shared>>) target(%dma_start3A_305 : memref<128x16xf32, #tpu.memory_space<vmem>>) offsets(%dma_start3A_308 : memref<128xi32, #tpu.memory_space<vmem>>) semaphore(%arg12 : memref<!tpu.dma_semaphore, #tpu.memory_space<semaphore_mem>>)
    %dma_start3A_312 = arith.constant 0 : i32
    %dma_start3A_313 = arith.constant 1 : i32
    %dma_start3A_314 = arith.constant 0 : i32
    %dma_start3A_315 = arith.constant 0 : i32
    %dma_start3A_316 = tpu.memref_slice %arg6[%dma_start3A_313, %dma_start3A_314, %dma_start3A_315] : memref<8x128x16xf32, #tpu.memory_space<vmem>> -> memref<1x128x16xf32, #tpu.memory_space<vmem>>
    %dma_start3A_317 = tpu.memref_squeeze %dma_start3A_316 : memref<1x128x16xf32, #tpu.memory_space<vmem>> -> memref<128x16xf32, #tpu.memory_space<vmem>>
    %dma_start3A_318 = arith.constant 128 : i32
    %dma_start3A_319 = tpu.memref_slice %arg5[%dma_start3A_312, %dma_start3A_318] : memref<2x10240xi32, #tpu.memory_space<vmem>> -> memref<1x128xi32, #tpu.memory_space<vmem>>
    %dma_start3A_320 = tpu.memref_squeeze %dma_start3A_319 : memref<1x128xi32, #tpu.memory_space<vmem>> -> memref<128xi32, #tpu.memory_space<vmem>>
    %dma_start3A_321 = arith.constant 0 : i32
    %dma_start3A_322 = arith.constant 0 : i32
    %dma_start3A_323 = tpu.memref_slice %arg11[%dma_start3A_321, %dma_start3A_322] : memref<10000x16xf32, #tpu.memory_space<vmem_shared>> -> memref<10000x16xf32, #tpu.memory_space<vmem_shared>>
    tpu.enqueue_indirect_dma source(%dma_start3A_323 : memref<10000x16xf32, #tpu.memory_space<vmem_shared>>) target(%dma_start3A_317 : memref<128x16xf32, #tpu.memory_space<vmem>>) offsets(%dma_start3A_320 : memref<128xi32, #tpu.memory_space<vmem>>) semaphore(%arg13 : memref<!tpu.dma_semaphore, #tpu.memory_space<semaphore_mem>>)
    %dma_start3A_324 = arith.constant 0 : i32
    %dma_start3A_325 = arith.constant 2 : i32
    %dma_start3A_326 = arith.constant 0 : i32
    %dma_start3A_327 = arith.constant 0 : i32
    %dma_start3A_328 = tpu.memref_slice %arg6[%dma_start3A_325, %dma_start3A_326, %dma_start3A_327] : memref<8x128x16xf32, #tpu.memory_space<vmem>> -> memref<1x128x16xf32, #tpu.memory_space<vmem>>
    %dma_start3A_329 = tpu.memref_squeeze %dma_start3A_328 : memref<1x128x16xf32, #tpu.memory_space<vmem>> -> memref<128x16xf32, #tpu.memory_space<vmem>>
    %dma_start3A_330 = arith.constant 256 : i32
    %dma_start3A_331 = tpu.memref_slice %arg5[%dma_start3A_324, %dma_start3A_330] : memref<2x10240xi32, #tpu.memory_space<vmem>> -> memref<1x128xi32, #tpu.memory_space<vmem>>
    %dma_start3A_332 = tpu.memref_squeeze %dma_start3A_331 : memref<1x128xi32, #tpu.memory_space<vmem>> -> memref<128xi32, #tpu.memory_space<vmem>>
    %dma_start3A_333 = arith.constant 0 : i32
    %dma_start3A_334 = arith.constant 0 : i32
    %dma_start3A_335 = tpu.memref_slice %arg11[%dma_start3A_333, %dma_start3A_334] : memref<10000x16xf32, #tpu.memory_space<vmem_shared>> -> memref<10000x16xf32, #tpu.memory_space<vmem_shared>>
    tpu.enqueue_indirect_dma source(%dma_start3A_335 : memref<10000x16xf32, #tpu.memory_space<vmem_shared>>) target(%dma_start3A_329 : memref<128x16xf32, #tpu.memory_space<vmem>>) offsets(%dma_start3A_332 : memref<128xi32, #tpu.memory_space<vmem>>) semaphore(%arg14 : memref<!tpu.dma_semaphore, #tpu.memory_space<semaphore_mem>>)
    %dma_start3A_336 = arith.constant 0 : i32
    %dma_start3A_337 = arith.constant 3 : i32
    %dma_start3A_338 = arith.constant 0 : i32
    %dma_start3A_339 = arith.constant 0 : i32
    %dma_start3A_340 = tpu.memref_slice %arg6[%dma_start3A_337, %dma_start3A_338, %dma_start3A_339] : memref<8x128x16xf32, #tpu.memory_space<vmem>> -> memref<1x128x16xf32, #tpu.memory_space<vmem>>
    %dma_start3A_341 = tpu.memref_squeeze %dma_start3A_340 : memref<1x128x16xf32, #tpu.memory_space<vmem>> -> memref<128x16xf32, #tpu.memory_space<vmem>>
    %dma_start3A_342 = arith.constant 384 : i32
    %dma_start3A_343 = tpu.memref_slice %arg5[%dma_start3A_336, %dma_start3A_342] : memref<2x10240xi32, #tpu.memory_space<vmem>> -> memref<1x128xi32, #tpu.memory_space<vmem>>
    %dma_start3A_344 = tpu.memref_squeeze %dma_start3A_343 : memref<1x128xi32, #tpu.memory_space<vmem>> -> memref<128xi32, #tpu.memory_space<vmem>>
    %dma_start3A_345 = arith.constant 0 : i32
    %dma_start3A_346 = arith.constant 0 : i32
    %dma_start3A_347 = tpu.memref_slice %arg11[%dma_start3A_345, %dma_start3A_346] : memref<10000x16xf32, #tpu.memory_space<vmem_shared>> -> memref<10000x16xf32, #tpu.memory_space<vmem_shared>>
    tpu.enqueue_indirect_dma source(%dma_start3A_347 : memref<10000x16xf32, #tpu.memory_space<vmem_shared>>) target(%dma_start3A_341 : memref<128x16xf32, #tpu.memory_space<vmem>>) offsets(%dma_start3A_344 : memref<128xi32, #tpu.memory_space<vmem>>) semaphore(%arg15 : memref<!tpu.dma_semaphore, #tpu.memory_space<semaphore_mem>>)
    %dma_start3A_348 = arith.constant 0 : i32
    %dma_start3A_349 = arith.constant 4 : i32
    %dma_start3A_350 = arith.constant 0 : i32
    %dma_start3A_351 = arith.constant 0 : i32
    %dma_start3A_352 = tpu.memref_slice %arg6[%dma_start3A_349, %dma_start3A_350, %dma_start3A_351] : memref<8x128x16xf32, #tpu.memory_space<vmem>> -> memref<1x128x16xf32, #tpu.memory_space<vmem>>
    %dma_start3A_353 = tpu.memref_squeeze %dma_start3A_352 : memref<1x128x16xf32, #tpu.memory_space<vmem>> -> memref<128x16xf32, #tpu.memory_space<vmem>>
    %dma_start3A_354 = arith.constant 512 : i32
    %dma_start3A_355 = tpu.memref_slice %arg5[%dma_start3A_348, %dma_start3A_354] : memref<2x10240xi32, #tpu.memory_space<vmem>> -> memref<1x128xi32, #tpu.memory_space<vmem>>
    %dma_start3A_356 = tpu.memref_squeeze %dma_start3A_355 : memref<1x128xi32, #tpu.memory_space<vmem>> -> memref<128xi32, #tpu.memory_space<vmem>>
    %dma_start3A_357 = arith.constant 0 : i32
    %dma_start3A_358 = arith.constant 0 : i32
    %dma_start3A_359 = tpu.memref_slice %arg11[%dma_start3A_357, %dma_start3A_358] : memref<10000x16xf32, #tpu.memory_space<vmem_shared>> -> memref<10000x16xf32, #tpu.memory_space<vmem_shared>>
    tpu.enqueue_indirect_dma source(%dma_start3A_359 : memref<10000x16xf32, #tpu.memory_space<vmem_shared>>) target(%dma_start3A_353 : memref<128x16xf32, #tpu.memory_space<vmem>>) offsets(%dma_start3A_356 : memref<128xi32, #tpu.memory_space<vmem>>) semaphore(%arg16 : memref<!tpu.dma_semaphore, #tpu.memory_space<semaphore_mem>>)
    %dma_start3A_360 = arith.constant 0 : i32
    %dma_start3A_361 = arith.constant 5 : i32
    %dma_start3A_362 = arith.constant 0 : i32
    %dma_start3A_363 = arith.constant 0 : i32
    %dma_start3A_364 = tpu.memref_slice %arg6[%dma_start3A_361, %dma_start3A_362, %dma_start3A_363] : memref<8x128x16xf32, #tpu.memory_space<vmem>> -> memref<1x128x16xf32, #tpu.memory_space<vmem>>
    %dma_start3A_365 = tpu.memref_squeeze %dma_start3A_364 : memref<1x128x16xf32, #tpu.memory_space<vmem>> -> memref<128x16xf32, #tpu.memory_space<vmem>>
    %dma_start3A_366 = arith.constant 640 : i32
    %dma_start3A_367 = tpu.memref_slice %arg5[%dma_start3A_360, %dma_start3A_366] : memref<2x10240xi32, #tpu.memory_space<vmem>> -> memref<1x128xi32, #tpu.memory_space<vmem>>
    %dma_start3A_368 = tpu.memref_squeeze %dma_start3A_367 : memref<1x128xi32, #tpu.memory_space<vmem>> -> memref<128xi32, #tpu.memory_space<vmem>>
    %dma_start3A_369 = arith.constant 0 : i32
    %dma_start3A_370 = arith.constant 0 : i32
    %dma_start3A_371 = tpu.memref_slice %arg11[%dma_start3A_369, %dma_start3A_370] : memref<10000x16xf32, #tpu.memory_space<vmem_shared>> -> memref<10000x16xf32, #tpu.memory_space<vmem_shared>>
    tpu.enqueue_indirect_dma source(%dma_start3A_371 : memref<10000x16xf32, #tpu.memory_space<vmem_shared>>) target(%dma_start3A_365 : memref<128x16xf32, #tpu.memory_space<vmem>>) offsets(%dma_start3A_368 : memref<128xi32, #tpu.memory_space<vmem>>) semaphore(%arg17 : memref<!tpu.dma_semaphore, #tpu.memory_space<semaphore_mem>>)
    %dma_start3A_372 = arith.constant 0 : i32
    %dma_start3A_373 = arith.constant 6 : i32
    %dma_start3A_374 = arith.constant 0 : i32
    %dma_start3A_375 = arith.constant 0 : i32
    %dma_start3A_376 = tpu.memref_slice %arg6[%dma_start3A_373, %dma_start3A_374, %dma_start3A_375] : memref<8x128x16xf32, #tpu.memory_space<vmem>> -> memref<1x128x16xf32, #tpu.memory_space<vmem>>
    %dma_start3A_377 = tpu.memref_squeeze %dma_start3A_376 : memref<1x128x16xf32, #tpu.memory_space<vmem>> -> memref<128x16xf32, #tpu.memory_space<vmem>>
    %dma_start3A_378 = arith.constant 768 : i32
    %dma_start3A_379 = tpu.memref_slice %arg5[%dma_start3A_372, %dma_start3A_378] : memref<2x10240xi32, #tpu.memory_space<vmem>> -> memref<1x128xi32, #tpu.memory_space<vmem>>
    %dma_start3A_380 = tpu.memref_squeeze %dma_start3A_379 : memref<1x128xi32, #tpu.memory_space<vmem>> -> memref<128xi32, #tpu.memory_space<vmem>>
    %dma_start3A_381 = arith.constant 0 : i32
    %dma_start3A_382 = arith.constant 0 : i32
    %dma_start3A_383 = tpu.memref_slice %arg11[%dma_start3A_381, %dma_start3A_382] : memref<10000x16xf32, #tpu.memory_space<vmem_shared>> -> memref<10000x16xf32, #tpu.memory_space<vmem_shared>>
    tpu.enqueue_indirect_dma source(%dma_start3A_383 : memref<10000x16xf32, #tpu.memory_space<vmem_shared>>) target(%dma_start3A_377 : memref<128x16xf32, #tpu.memory_space<vmem>>) offsets(%dma_start3A_380 : memref<128xi32, #tpu.memory_space<vmem>>) semaphore(%arg18 : memref<!tpu.dma_semaphore, #tpu.memory_space<semaphore_mem>>)
    %scan3A_384 = arith.constant 0 : i32
    %scan3A_385 = arith.constant 0 : i32
    %scan3A_386 = arith.constant 10 : i32
    %scan3A_387 = arith.addi %scan3A_385, %scan3A_386 : i32
    %scan3A_388 = arith.constant 1 : i32
    scf.for %scan3A_487 = %scan3A_385 to %scan3A_387 step %scan3A_388  : i32 {
      %mul3A_488 = arith.constant 8 : i32
      %mul3A_489 = arith.muli %scan3A_487, %mul3A_488 : i32
      %add3A_490 = arith.constant 0 : i32
      %add3A_491 = arith.addi %mul3A_489, %add3A_490 : i32
      %add3A_492 = arith.constant 8 : i32
      %add3A_493 = arith.addi %add3A_491, %add3A_492 : i32
      %sub3A = arith.constant 1 : i32
      %sub3A_494 = arith.subi %add3A_493, %sub3A : i32
      %lt3A = arith.constant 80 : i32
      %lt3A_495 = arith.cmpi slt, %sub3A_494, %lt3A : i32
      %gt3A = arith.constant 0 : i32
      %gt3A_496 = arith.cmpi sgt, %add3A_491, %gt3A : i32
      %and3A = arith.andi %lt3A_495, %gt3A_496 : i1
      %convert_element_type3A = arith.extui %and3A : i1 to i32
      %cond3A = arith.constant 0 : i32
      %cond3A_497 = arith.cmpi ne, %convert_element_type3A, %cond3A : i32
      scf.if %cond3A_497 {
        %sub3A_858 = arith.constant 1 : i32
        %sub3A_859 = arith.subi %add3A_491, %sub3A_858 : i32
        %mul3A_860 = arith.constant 128 : i32
        %mul3A_861 = arith.muli %sub3A_859, %mul3A_860 : i32
        %dma_wait3A_862 = arith.constant 7 : i32
        %dma_wait3A_863 = arith.constant 1 : i32
        %dma_wait3A_864 = arith.constant 0 : i32
        %dma_wait3A_865 = arith.constant 0 : i32
        %dma_wait3A_866 = tpu.memref_slice %arg6[%dma_wait3A_862, %dma_wait3A_864, %dma_wait3A_865] : memref<8x128x16xf32, #tpu.memory_space<vmem>> -> memref<1x128x16xf32, #tpu.memory_space<vmem>>
        %dma_wait3A_867 = tpu.memref_squeeze %dma_wait3A_866 : memref<1x128x16xf32, #tpu.memory_space<vmem>> -> memref<128x16xf32, #tpu.memory_space<vmem>>
        %dma_wait3A_868 = tpu.memref_slice %arg5[%dma_wait3A_863, %mul3A_861] : memref<2x10240xi32, #tpu.memory_space<vmem>> -> memref<1x128xi32, #tpu.memory_space<vmem>>
        %dma_wait3A_869 = tpu.memref_squeeze %dma_wait3A_868 : memref<1x128xi32, #tpu.memory_space<vmem>> -> memref<128xi32, #tpu.memory_space<vmem>>
        %dma_wait3A_870 = arith.constant 0 : i32
        %dma_wait3A_871 = arith.constant 0 : i32
        %dma_wait3A_872 = tpu.memref_slice %arg10[%dma_wait3A_870, %dma_wait3A_871] : memref<10112x16xf32, #tpu.memory_space<vmem_shared>> -> memref<10112x16xf32, #tpu.memory_space<vmem_shared>>
        tpu.wait_indirect_dma semaphore(%arg27 : memref<!tpu.dma_semaphore, #tpu.memory_space<semaphore_mem>>) src(%dma_wait3A_867 : memref<128x16xf32, #tpu.memory_space<vmem>>) dst(%dma_wait3A_872 : memref<10112x16xf32, #tpu.memory_space<vmem_shared>>)
      } else {
      }
      %lt3A_498 = arith.constant 80 : i32
      %lt3A_499 = arith.cmpi slt, %sub3A_494, %lt3A_498 : i32
      %convert_element_type3A_500 = arith.extui %lt3A_499 : i1 to i32
      %cond3A_501 = arith.constant 0 : i32
      %cond3A_502 = arith.cmpi ne, %convert_element_type3A_500, %cond3A_501 : i32
      scf.if %cond3A_502 {
        %mul3A_858 = arith.constant 128 : i32
        %mul3A_859 = arith.muli %sub3A_494, %mul3A_858 : i32
        %dma_start3A_860 = arith.constant 0 : i32
        %dma_start3A_861 = arith.constant 7 : i32
        %dma_start3A_862 = arith.constant 0 : i32
        %dma_start3A_863 = arith.constant 0 : i32
        %dma_start3A_864 = tpu.memref_slice %arg6[%dma_start3A_861, %dma_start3A_862, %dma_start3A_863] : memref<8x128x16xf32, #tpu.memory_space<vmem>> -> memref<1x128x16xf32, #tpu.memory_space<vmem>>
        %dma_start3A_865 = tpu.memref_squeeze %dma_start3A_864 : memref<1x128x16xf32, #tpu.memory_space<vmem>> -> memref<128x16xf32, #tpu.memory_space<vmem>>
        %dma_start3A_866 = tpu.memref_slice %arg5[%dma_start3A_860, %mul3A_859] : memref<2x10240xi32, #tpu.memory_space<vmem>> -> memref<1x128xi32, #tpu.memory_space<vmem>>
        %dma_start3A_867 = tpu.memref_squeeze %dma_start3A_866 : memref<1x128xi32, #tpu.memory_space<vmem>> -> memref<128xi32, #tpu.memory_space<vmem>>
        %dma_start3A_868 = arith.constant 0 : i32
        %dma_start3A_869 = arith.constant 0 : i32
        %dma_start3A_870 = tpu.memref_slice %arg11[%dma_start3A_868, %dma_start3A_869] : memref<10000x16xf32, #tpu.memory_space<vmem_shared>> -> memref<10000x16xf32, #tpu.memory_space<vmem_shared>>
        tpu.enqueue_indirect_dma source(%dma_start3A_870 : memref<10000x16xf32, #tpu.memory_space<vmem_shared>>) target(%dma_start3A_865 : memref<128x16xf32, #tpu.memory_space<vmem>>) offsets(%dma_start3A_867 : memref<128xi32, #tpu.memory_space<vmem>>) semaphore(%arg19 : memref<!tpu.dma_semaphore, #tpu.memory_space<semaphore_mem>>)
      } else {
      }
      %mul3A_503 = arith.constant 128 : i32
      %mul3A_504 = arith.muli %add3A_491, %mul3A_503 : i32
      %dma_wait3A_505 = arith.constant 0 : i32
      %dma_wait3A_506 = arith.constant 0 : i32
      %dma_wait3A_507 = arith.constant 0 : i32
      %dma_wait3A_508 = arith.constant 0 : i32
      %dma_wait3A_509 = tpu.memref_slice %arg6[%dma_wait3A_506, %dma_wait3A_507, %dma_wait3A_508] : memref<8x128x16xf32, #tpu.memory_space<vmem>> -> memref<1x128x16xf32, #tpu.memory_space<vmem>>
      %dma_wait3A_510 = tpu.memref_squeeze %dma_wait3A_509 : memref<1x128x16xf32, #tpu.memory_space<vmem>> -> memref<128x16xf32, #tpu.memory_space<vmem>>
      %dma_wait3A_511 = tpu.memref_slice %arg5[%dma_wait3A_505, %mul3A_504] : memref<2x10240xi32, #tpu.memory_space<vmem>> -> memref<1x128xi32, #tpu.memory_space<vmem>>
      %dma_wait3A_512 = tpu.memref_squeeze %dma_wait3A_511 : memref<1x128xi32, #tpu.memory_space<vmem>> -> memref<128xi32, #tpu.memory_space<vmem>>
      %dma_wait3A_513 = arith.constant 0 : i32
      %dma_wait3A_514 = arith.constant 0 : i32
      %dma_wait3A_515 = tpu.memref_slice %arg11[%dma_wait3A_513, %dma_wait3A_514] : memref<10000x16xf32, #tpu.memory_space<vmem_shared>> -> memref<10000x16xf32, #tpu.memory_space<vmem_shared>>
      tpu.wait_indirect_dma semaphore(%arg12 : memref<!tpu.dma_semaphore, #tpu.memory_space<semaphore_mem>>) src(%dma_wait3A_515 : memref<10000x16xf32, #tpu.memory_space<vmem_shared>>) dst(%dma_wait3A_510 : memref<128x16xf32, #tpu.memory_space<vmem>>)
      %mul3A_516 = arith.constant 128 : i32
      %mul3A_517 = arith.muli %add3A_491, %mul3A_516 : i32
      %dma_start3A_518 = arith.constant 0 : i32
      %dma_start3A_519 = arith.constant 1 : i32
      %dma_start3A_520 = arith.constant 0 : i32
      %dma_start3A_521 = arith.constant 0 : i32
      %dma_start3A_522 = tpu.memref_slice %arg6[%dma_start3A_518, %dma_start3A_520, %dma_start3A_521] : memref<8x128x16xf32, #tpu.memory_space<vmem>> -> memref<1x128x16xf32, #tpu.memory_space<vmem>>
      %dma_start3A_523 = tpu.memref_squeeze %dma_start3A_522 : memref<1x128x16xf32, #tpu.memory_space<vmem>> -> memref<128x16xf32, #tpu.memory_space<vmem>>
      %dma_start3A_524 = tpu.memref_slice %arg5[%dma_start3A_519, %mul3A_517] : memref<2x10240xi32, #tpu.memory_space<vmem>> -> memref<1x128xi32, #tpu.memory_space<vmem>>
      %dma_start3A_525 = tpu.memref_squeeze %dma_start3A_524 : memref<1x128xi32, #tpu.memory_space<vmem>> -> memref<128xi32, #tpu.memory_space<vmem>>
      %dma_start3A_526 = arith.constant 0 : i32
      %dma_start3A_527 = arith.constant 0 : i32
      %dma_start3A_528 = tpu.memref_slice %arg10[%dma_start3A_526, %dma_start3A_527] : memref<10112x16xf32, #tpu.memory_space<vmem_shared>> -> memref<10112x16xf32, #tpu.memory_space<vmem_shared>>
      tpu.enqueue_indirect_dma source(%dma_start3A_523 : memref<128x16xf32, #tpu.memory_space<vmem>>) target(%dma_start3A_528 : memref<10112x16xf32, #tpu.memory_space<vmem_shared>>) offsets(%dma_start3A_525 : memref<128xi32, #tpu.memory_space<vmem>>) semaphore(%arg20 : memref<!tpu.dma_semaphore, #tpu.memory_space<semaphore_mem>>) {add = true}
      %mul3A_529 = arith.constant 8 : i32
      %mul3A_530 = arith.muli %scan3A_487, %mul3A_529 : i32
      %add3A_531 = arith.constant 1 : i32
      %add3A_532 = arith.addi %mul3A_530, %add3A_531 : i32
      %add3A_533 = arith.constant 8 : i32
      %add3A_534 = arith.addi %add3A_532, %add3A_533 : i32
      %sub3A_535 = arith.constant 1 : i32
      %sub3A_536 = arith.subi %add3A_534, %sub3A_535 : i32
      %lt3A_537 = arith.constant 80 : i32
      %lt3A_538 = arith.cmpi slt, %sub3A_536, %lt3A_537 : i32
      %gt3A_539 = arith.constant 0 : i32
      %gt3A_540 = arith.cmpi sgt, %add3A_532, %gt3A_539 : i32
      %and3A_541 = arith.andi %lt3A_538, %gt3A_540 : i1
      %convert_element_type3A_542 = arith.extui %and3A_541 : i1 to i32
      %cond3A_543 = arith.constant 0 : i32
      %cond3A_544 = arith.cmpi ne, %convert_element_type3A_542, %cond3A_543 : i32
      scf.if %cond3A_544 {
        %sub3A_858 = arith.constant 1 : i32
        %sub3A_859 = arith.subi %add3A_532, %sub3A_858 : i32
        %mul3A_860 = arith.constant 128 : i32
        %mul3A_861 = arith.muli %sub3A_859, %mul3A_860 : i32
        %dma_wait3A_862 = arith.constant 0 : i32
        %dma_wait3A_863 = arith.constant 1 : i32
        %dma_wait3A_864 = arith.constant 0 : i32
        %dma_wait3A_865 = arith.constant 0 : i32
        %dma_wait3A_866 = tpu.memref_slice %arg6[%dma_wait3A_862, %dma_wait3A_864, %dma_wait3A_865] : memref<8x128x16xf32, #tpu.memory_space<vmem>> -> memref<1x128x16xf32, #tpu.memory_space<vmem>>
        %dma_wait3A_867 = tpu.memref_squeeze %dma_wait3A_866 : memref<1x128x16xf32, #tpu.memory_space<vmem>> -> memref<128x16xf32, #tpu.memory_space<vmem>>
        %dma_wait3A_868 = tpu.memref_slice %arg5[%dma_wait3A_863, %mul3A_861] : memref<2x10240xi32, #tpu.memory_space<vmem>> -> memref<1x128xi32, #tpu.memory_space<vmem>>
        %dma_wait3A_869 = tpu.memref_squeeze %dma_wait3A_868 : memref<1x128xi32, #tpu.memory_space<vmem>> -> memref<128xi32, #tpu.memory_space<vmem>>
        %dma_wait3A_870 = arith.constant 0 : i32
        %dma_wait3A_871 = arith.constant 0 : i32
        %dma_wait3A_872 = tpu.memref_slice %arg10[%dma_wait3A_870, %dma_wait3A_871] : memref<10112x16xf32, #tpu.memory_space<vmem_shared>> -> memref<10112x16xf32, #tpu.memory_space<vmem_shared>>
        tpu.wait_indirect_dma semaphore(%arg20 : memref<!tpu.dma_semaphore, #tpu.memory_space<semaphore_mem>>) src(%dma_wait3A_867 : memref<128x16xf32, #tpu.memory_space<vmem>>) dst(%dma_wait3A_872 : memref<10112x16xf32, #tpu.memory_space<vmem_shared>>)
      } else {
      }
      %lt3A_545 = arith.constant 80 : i32
      %lt3A_546 = arith.cmpi slt, %sub3A_536, %lt3A_545 : i32
      %convert_element_type3A_547 = arith.extui %lt3A_546 : i1 to i32
      %cond3A_548 = arith.constant 0 : i32
      %cond3A_549 = arith.cmpi ne, %convert_element_type3A_547, %cond3A_548 : i32
      scf.if %cond3A_549 {
        %mul3A_858 = arith.constant 128 : i32
        %mul3A_859 = arith.muli %sub3A_536, %mul3A_858 : i32
        %dma_start3A_860 = arith.constant 0 : i32
        %dma_start3A_861 = arith.constant 0 : i32
        %dma_start3A_862 = arith.constant 0 : i32
        %dma_start3A_863 = arith.constant 0 : i32
        %dma_start3A_864 = tpu.memref_slice %arg6[%dma_start3A_861, %dma_start3A_862, %dma_start3A_863] : memref<8x128x16xf32, #tpu.memory_space<vmem>> -> memref<1x128x16xf32, #tpu.memory_space<vmem>>
        %dma_start3A_865 = tpu.memref_squeeze %dma_start3A_864 : memref<1x128x16xf32, #tpu.memory_space<vmem>> -> memref<128x16xf32, #tpu.memory_space<vmem>>
        %dma_start3A_866 = tpu.memref_slice %arg5[%dma_start3A_860, %mul3A_859] : memref<2x10240xi32, #tpu.memory_space<vmem>> -> memref<1x128xi32, #tpu.memory_space<vmem>>
        %dma_start3A_867 = tpu.memref_squeeze %dma_start3A_866 : memref<1x128xi32, #tpu.memory_space<vmem>> -> memref<128xi32, #tpu.memory_space<vmem>>
        %dma_start3A_868 = arith.constant 0 : i32
        %dma_start3A_869 = arith.constant 0 : i32
        %dma_start3A_870 = tpu.memref_slice %arg11[%dma_start3A_868, %dma_start3A_869] : memref<10000x16xf32, #tpu.memory_space<vmem_shared>> -> memref<10000x16xf32, #tpu.memory_space<vmem_shared>>
        tpu.enqueue_indirect_dma source(%dma_start3A_870 : memref<10000x16xf32, #tpu.memory_space<vmem_shared>>) target(%dma_start3A_865 : memref<128x16xf32, #tpu.memory_space<vmem>>) offsets(%dma_start3A_867 : memref<128xi32, #tpu.memory_space<vmem>>) semaphore(%arg12 : memref<!tpu.dma_semaphore, #tpu.memory_space<semaphore_mem>>)
      } else {
      }
      %mul3A_550 = arith.constant 128 : i32
      %mul3A_551 = arith.muli %add3A_532, %mul3A_550 : i32
      %dma_wait3A_552 = arith.constant 0 : i32
      %dma_wait3A_553 = arith.constant 1 : i32
      %dma_wait3A_554 = arith.constant 0 : i32
      %dma_wait3A_555 = arith.constant 0 : i32
      %dma_wait3A_556 = tpu.memref_slice %arg6[%dma_wait3A_553, %dma_wait3A_554, %dma_wait3A_555] : memref<8x128x16xf32, #tpu.memory_space<vmem>> -> memref<1x128x16xf32, #tpu.memory_space<vmem>>
      %dma_wait3A_557 = tpu.memref_squeeze %dma_wait3A_556 : memref<1x128x16xf32, #tpu.memory_space<vmem>> -> memref<128x16xf32, #tpu.memory_space<vmem>>
      %dma_wait3A_558 = tpu.memref_slice %arg5[%dma_wait3A_552, %mul3A_551] : memref<2x10240xi32, #tpu.memory_space<vmem>> -> memref<1x128xi32, #tpu.memory_space<vmem>>
      %dma_wait3A_559 = tpu.memref_squeeze %dma_wait3A_558 : memref<1x128xi32, #tpu.memory_space<vmem>> -> memref<128xi32, #tpu.memory_space<vmem>>
      %dma_wait3A_560 = arith.constant 0 : i32
      %dma_wait3A_561 = arith.constant 0 : i32
      %dma_wait3A_562 = tpu.memref_slice %arg11[%dma_wait3A_560, %dma_wait3A_561] : memref<10000x16xf32, #tpu.memory_space<vmem_shared>> -> memref<10000x16xf32, #tpu.memory_space<vmem_shared>>
      tpu.wait_indirect_dma semaphore(%arg13 : memref<!tpu.dma_semaphore, #tpu.memory_space<semaphore_mem>>) src(%dma_wait3A_562 : memref<10000x16xf32, #tpu.memory_space<vmem_shared>>) dst(%dma_wait3A_557 : memref<128x16xf32, #tpu.memory_space<vmem>>)
      %mul3A_563 = arith.constant 128 : i32
      %mul3A_564 = arith.muli %add3A_532, %mul3A_563 : i32
      %dma_start3A_565 = arith.constant 1 : i32
      %dma_start3A_566 = arith.constant 1 : i32
      %dma_start3A_567 = arith.constant 0 : i32
      %dma_start3A_568 = arith.constant 0 : i32
      %dma_start3A_569 = tpu.memref_slice %arg6[%dma_start3A_565, %dma_start3A_567, %dma_start3A_568] : memref<8x128x16xf32, #tpu.memory_space<vmem>> -> memref<1x128x16xf32, #tpu.memory_space<vmem>>
      %dma_start3A_570 = tpu.memref_squeeze %dma_start3A_569 : memref<1x128x16xf32, #tpu.memory_space<vmem>> -> memref<128x16xf32, #tpu.memory_space<vmem>>
      %dma_start3A_571 = tpu.memref_slice %arg5[%dma_start3A_566, %mul3A_564] : memref<2x10240xi32, #tpu.memory_space<vmem>> -> memref<1x128xi32, #tpu.memory_space<vmem>>
      %dma_start3A_572 = tpu.memref_squeeze %dma_start3A_571 : memref<1x128xi32, #tpu.memory_space<vmem>> -> memref<128xi32, #tpu.memory_space<vmem>>
      %dma_start3A_573 = arith.constant 0 : i32
      %dma_start3A_574 = arith.constant 0 : i32
      %dma_start3A_575 = tpu.memref_slice %arg10[%dma_start3A_573, %dma_start3A_574] : memref<10112x16xf32, #tpu.memory_space<vmem_shared>> -> memref<10112x16xf32, #tpu.memory_space<vmem_shared>>
      tpu.enqueue_indirect_dma source(%dma_start3A_570 : memref<128x16xf32, #tpu.memory_space<vmem>>) target(%dma_start3A_575 : memref<10112x16xf32, #tpu.memory_space<vmem_shared>>) offsets(%dma_start3A_572 : memref<128xi32, #tpu.memory_space<vmem>>) semaphore(%arg21 : memref<!tpu.dma_semaphore, #tpu.memory_space<semaphore_mem>>) {add = true}
      %mul3A_576 = arith.constant 8 : i32
      %mul3A_577 = arith.muli %scan3A_487, %mul3A_576 : i32
      %add3A_578 = arith.constant 2 : i32
      %add3A_579 = arith.addi %mul3A_577, %add3A_578 : i32
      %add3A_580 = arith.constant 8 : i32
      %add3A_581 = arith.addi %add3A_579, %add3A_580 : i32
      %sub3A_582 = arith.constant 1 : i32
      %sub3A_583 = arith.subi %add3A_581, %sub3A_582 : i32
      %lt3A_584 = arith.constant 80 : i32
      %lt3A_585 = arith.cmpi slt, %sub3A_583, %lt3A_584 : i32
      %gt3A_586 = arith.constant 0 : i32
      %gt3A_587 = arith.cmpi sgt, %add3A_579, %gt3A_586 : i32
      %and3A_588 = arith.andi %lt3A_585, %gt3A_587 : i1
      %convert_element_type3A_589 = arith.extui %and3A_588 : i1 to i32
      %cond3A_590 = arith.constant 0 : i32
      %cond3A_591 = arith.cmpi ne, %convert_element_type3A_589, %cond3A_590 : i32
      scf.if %cond3A_591 {
        %sub3A_858 = arith.constant 1 : i32
        %sub3A_859 = arith.subi %add3A_579, %sub3A_858 : i32
        %mul3A_860 = arith.constant 128 : i32
        %mul3A_861 = arith.muli %sub3A_859, %mul3A_860 : i32
        %dma_wait3A_862 = arith.constant 1 : i32
        %dma_wait3A_863 = arith.constant 1 : i32
        %dma_wait3A_864 = arith.constant 0 : i32
        %dma_wait3A_865 = arith.constant 0 : i32
        %dma_wait3A_866 = tpu.memref_slice %arg6[%dma_wait3A_862, %dma_wait3A_864, %dma_wait3A_865] : memref<8x128x16xf32, #tpu.memory_space<vmem>> -> memref<1x128x16xf32, #tpu.memory_space<vmem>>
        %dma_wait3A_867 = tpu.memref_squeeze %dma_wait3A_866 : memref<1x128x16xf32, #tpu.memory_space<vmem>> -> memref<128x16xf32, #tpu.memory_space<vmem>>
        %dma_wait3A_868 = tpu.memref_slice %arg5[%dma_wait3A_863, %mul3A_861] : memref<2x10240xi32, #tpu.memory_space<vmem>> -> memref<1x128xi32, #tpu.memory_space<vmem>>
        %dma_wait3A_869 = tpu.memref_squeeze %dma_wait3A_868 : memref<1x128xi32, #tpu.memory_space<vmem>> -> memref<128xi32, #tpu.memory_space<vmem>>
        %dma_wait3A_870 = arith.constant 0 : i32
        %dma_wait3A_871 = arith.constant 0 : i32
        %dma_wait3A_872 = tpu.memref_slice %arg10[%dma_wait3A_870, %dma_wait3A_871] : memref<10112x16xf32, #tpu.memory_space<vmem_shared>> -> memref<10112x16xf32, #tpu.memory_space<vmem_shared>>
        tpu.wait_indirect_dma semaphore(%arg21 : memref<!tpu.dma_semaphore, #tpu.memory_space<semaphore_mem>>) src(%dma_wait3A_867 : memref<128x16xf32, #tpu.memory_space<vmem>>) dst(%dma_wait3A_872 : memref<10112x16xf32, #tpu.memory_space<vmem_shared>>)
      } else {
      }
      %lt3A_592 = arith.constant 80 : i32
      %lt3A_593 = arith.cmpi slt, %sub3A_583, %lt3A_592 : i32
      %convert_element_type3A_594 = arith.extui %lt3A_593 : i1 to i32
      %cond3A_595 = arith.constant 0 : i32
      %cond3A_596 = arith.cmpi ne, %convert_element_type3A_594, %cond3A_595 : i32
      scf.if %cond3A_596 {
        %mul3A_858 = arith.constant 128 : i32
        %mul3A_859 = arith.muli %sub3A_583, %mul3A_858 : i32
        %dma_start3A_860 = arith.constant 0 : i32
        %dma_start3A_861 = arith.constant 1 : i32
        %dma_start3A_862 = arith.constant 0 : i32
        %dma_start3A_863 = arith.constant 0 : i32
        %dma_start3A_864 = tpu.memref_slice %arg6[%dma_start3A_861, %dma_start3A_862, %dma_start3A_863] : memref<8x128x16xf32, #tpu.memory_space<vmem>> -> memref<1x128x16xf32, #tpu.memory_space<vmem>>
        %dma_start3A_865 = tpu.memref_squeeze %dma_start3A_864 : memref<1x128x16xf32, #tpu.memory_space<vmem>> -> memref<128x16xf32, #tpu.memory_space<vmem>>
        %dma_start3A_866 = tpu.memref_slice %arg5[%dma_start3A_860, %mul3A_859] : memref<2x10240xi32, #tpu.memory_space<vmem>> -> memref<1x128xi32, #tpu.memory_space<vmem>>
        %dma_start3A_867 = tpu.memref_squeeze %dma_start3A_866 : memref<1x128xi32, #tpu.memory_space<vmem>> -> memref<128xi32, #tpu.memory_space<vmem>>
        %dma_start3A_868 = arith.constant 0 : i32
        %dma_start3A_869 = arith.constant 0 : i32
        %dma_start3A_870 = tpu.memref_slice %arg11[%dma_start3A_868, %dma_start3A_869] : memref<10000x16xf32, #tpu.memory_space<vmem_shared>> -> memref<10000x16xf32, #tpu.memory_space<vmem_shared>>
        tpu.enqueue_indirect_dma source(%dma_start3A_870 : memref<10000x16xf32, #tpu.memory_space<vmem_shared>>) target(%dma_start3A_865 : memref<128x16xf32, #tpu.memory_space<vmem>>) offsets(%dma_start3A_867 : memref<128xi32, #tpu.memory_space<vmem>>) semaphore(%arg13 : memref<!tpu.dma_semaphore, #tpu.memory_space<semaphore_mem>>)
      } else {
      }
      %mul3A_597 = arith.constant 128 : i32
      %mul3A_598 = arith.muli %add3A_579, %mul3A_597 : i32
      %dma_wait3A_599 = arith.constant 0 : i32
      %dma_wait3A_600 = arith.constant 2 : i32
      %dma_wait3A_601 = arith.constant 0 : i32
      %dma_wait3A_602 = arith.constant 0 : i32
      %dma_wait3A_603 = tpu.memref_slice %arg6[%dma_wait3A_600, %dma_wait3A_601, %dma_wait3A_602] : memref<8x128x16xf32, #tpu.memory_space<vmem>> -> memref<1x128x16xf32, #tpu.memory_space<vmem>>
      %dma_wait3A_604 = tpu.memref_squeeze %dma_wait3A_603 : memref<1x128x16xf32, #tpu.memory_space<vmem>> -> memref<128x16xf32, #tpu.memory_space<vmem>>
      %dma_wait3A_605 = tpu.memref_slice %arg5[%dma_wait3A_599, %mul3A_598] : memref<2x10240xi32, #tpu.memory_space<vmem>> -> memref<1x128xi32, #tpu.memory_space<vmem>>
      %dma_wait3A_606 = tpu.memref_squeeze %dma_wait3A_605 : memref<1x128xi32, #tpu.memory_space<vmem>> -> memref<128xi32, #tpu.memory_space<vmem>>
      %dma_wait3A_607 = arith.constant 0 : i32
      %dma_wait3A_608 = arith.constant 0 : i32
      %dma_wait3A_609 = tpu.memref_slice %arg11[%dma_wait3A_607, %dma_wait3A_608] : memref<10000x16xf32, #tpu.memory_space<vmem_shared>> -> memref<10000x16xf32, #tpu.memory_space<vmem_shared>>
      tpu.wait_indirect_dma semaphore(%arg14 : memref<!tpu.dma_semaphore, #tpu.memory_space<semaphore_mem>>) src(%dma_wait3A_609 : memref<10000x16xf32, #tpu.memory_space<vmem_shared>>) dst(%dma_wait3A_604 : memref<128x16xf32, #tpu.memory_space<vmem>>)
      %mul3A_610 = arith.constant 128 : i32
      %mul3A_611 = arith.muli %add3A_579, %mul3A_610 : i32
      %dma_start3A_612 = arith.constant 2 : i32
      %dma_start3A_613 = arith.constant 1 : i32
      %dma_start3A_614 = arith.constant 0 : i32
      %dma_start3A_615 = arith.constant 0 : i32
      %dma_start3A_616 = tpu.memref_slice %arg6[%dma_start3A_612, %dma_start3A_614, %dma_start3A_615] : memref<8x128x16xf32, #tpu.memory_space<vmem>> -> memref<1x128x16xf32, #tpu.memory_space<vmem>>
      %dma_start3A_617 = tpu.memref_squeeze %dma_start3A_616 : memref<1x128x16xf32, #tpu.memory_space<vmem>> -> memref<128x16xf32, #tpu.memory_space<vmem>>
      %dma_start3A_618 = tpu.memref_slice %arg5[%dma_start3A_613, %mul3A_611] : memref<2x10240xi32, #tpu.memory_space<vmem>> -> memref<1x128xi32, #tpu.memory_space<vmem>>
      %dma_start3A_619 = tpu.memref_squeeze %dma_start3A_618 : memref<1x128xi32, #tpu.memory_space<vmem>> -> memref<128xi32, #tpu.memory_space<vmem>>
      %dma_start3A_620 = arith.constant 0 : i32
      %dma_start3A_621 = arith.constant 0 : i32
      %dma_start3A_622 = tpu.memref_slice %arg10[%dma_start3A_620, %dma_start3A_621] : memref<10112x16xf32, #tpu.memory_space<vmem_shared>> -> memref<10112x16xf32, #tpu.memory_space<vmem_shared>>
      tpu.enqueue_indirect_dma source(%dma_start3A_617 : memref<128x16xf32, #tpu.memory_space<vmem>>) target(%dma_start3A_622 : memref<10112x16xf32, #tpu.memory_space<vmem_shared>>) offsets(%dma_start3A_619 : memref<128xi32, #tpu.memory_space<vmem>>) semaphore(%arg22 : memref<!tpu.dma_semaphore, #tpu.memory_space<semaphore_mem>>) {add = true}
      %mul3A_623 = arith.constant 8 : i32
      %mul3A_624 = arith.muli %scan3A_487, %mul3A_623 : i32
      %add3A_625 = arith.constant 3 : i32
      %add3A_626 = arith.addi %mul3A_624, %add3A_625 : i32
      %add3A_627 = arith.constant 8 : i32
      %add3A_628 = arith.addi %add3A_626, %add3A_627 : i32
      %sub3A_629 = arith.constant 1 : i32
      %sub3A_630 = arith.subi %add3A_628, %sub3A_629 : i32
      %lt3A_631 = arith.constant 80 : i32
      %lt3A_632 = arith.cmpi slt, %sub3A_630, %lt3A_631 : i32
      %gt3A_633 = arith.constant 0 : i32
      %gt3A_634 = arith.cmpi sgt, %add3A_626, %gt3A_633 : i32
      %and3A_635 = arith.andi %lt3A_632, %gt3A_634 : i1
      %convert_element_type3A_636 = arith.extui %and3A_635 : i1 to i32
      %cond3A_637 = arith.constant 0 : i32
      %cond3A_638 = arith.cmpi ne, %convert_element_type3A_636, %cond3A_637 : i32
      scf.if %cond3A_638 {
        %sub3A_858 = arith.constant 1 : i32
        %sub3A_859 = arith.subi %add3A_626, %sub3A_858 : i32
        %mul3A_860 = arith.constant 128 : i32
        %mul3A_861 = arith.muli %sub3A_859, %mul3A_860 : i32
        %dma_wait3A_862 = arith.constant 2 : i32
        %dma_wait3A_863 = arith.constant 1 : i32
        %dma_wait3A_864 = arith.constant 0 : i32
        %dma_wait3A_865 = arith.constant 0 : i32
        %dma_wait3A_866 = tpu.memref_slice %arg6[%dma_wait3A_862, %dma_wait3A_864, %dma_wait3A_865] : memref<8x128x16xf32, #tpu.memory_space<vmem>> -> memref<1x128x16xf32, #tpu.memory_space<vmem>>
        %dma_wait3A_867 = tpu.memref_squeeze %dma_wait3A_866 : memref<1x128x16xf32, #tpu.memory_space<vmem>> -> memref<128x16xf32, #tpu.memory_space<vmem>>
        %dma_wait3A_868 = tpu.memref_slice %arg5[%dma_wait3A_863, %mul3A_861] : memref<2x10240xi32, #tpu.memory_space<vmem>> -> memref<1x128xi32, #tpu.memory_space<vmem>>
        %dma_wait3A_869 = tpu.memref_squeeze %dma_wait3A_868 : memref<1x128xi32, #tpu.memory_space<vmem>> -> memref<128xi32, #tpu.memory_space<vmem>>
        %dma_wait3A_870 = arith.constant 0 : i32
        %dma_wait3A_871 = arith.constant 0 : i32
        %dma_wait3A_872 = tpu.memref_slice %arg10[%dma_wait3A_870, %dma_wait3A_871] : memref<10112x16xf32, #tpu.memory_space<vmem_shared>> -> memref<10112x16xf32, #tpu.memory_space<vmem_shared>>
        tpu.wait_indirect_dma semaphore(%arg22 : memref<!tpu.dma_semaphore, #tpu.memory_space<semaphore_mem>>) src(%dma_wait3A_867 : memref<128x16xf32, #tpu.memory_space<vmem>>) dst(%dma_wait3A_872 : memref<10112x16xf32, #tpu.memory_space<vmem_shared>>)
      } else {
      }
      %lt3A_639 = arith.constant 80 : i32
      %lt3A_640 = arith.cmpi slt, %sub3A_630, %lt3A_639 : i32
      %convert_element_type3A_641 = arith.extui %lt3A_640 : i1 to i32
      %cond3A_642 = arith.constant 0 : i32
      %cond3A_643 = arith.cmpi ne, %convert_element_type3A_641, %cond3A_642 : i32
      scf.if %cond3A_643 {
        %mul3A_858 = arith.constant 128 : i32
        %mul3A_859 = arith.muli %sub3A_630, %mul3A_858 : i32
        %dma_start3A_860 = arith.constant 0 : i32
        %dma_start3A_861 = arith.constant 2 : i32
        %dma_start3A_862 = arith.constant 0 : i32
        %dma_start3A_863 = arith.constant 0 : i32
        %dma_start3A_864 = tpu.memref_slice %arg6[%dma_start3A_861, %dma_start3A_862, %dma_start3A_863] : memref<8x128x16xf32, #tpu.memory_space<vmem>> -> memref<1x128x16xf32, #tpu.memory_space<vmem>>
        %dma_start3A_865 = tpu.memref_squeeze %dma_start3A_864 : memref<1x128x16xf32, #tpu.memory_space<vmem>> -> memref<128x16xf32, #tpu.memory_space<vmem>>
        %dma_start3A_866 = tpu.memref_slice %arg5[%dma_start3A_860, %mul3A_859] : memref<2x10240xi32, #tpu.memory_space<vmem>> -> memref<1x128xi32, #tpu.memory_space<vmem>>
        %dma_start3A_867 = tpu.memref_squeeze %dma_start3A_866 : memref<1x128xi32, #tpu.memory_space<vmem>> -> memref<128xi32, #tpu.memory_space<vmem>>
        %dma_start3A_868 = arith.constant 0 : i32
        %dma_start3A_869 = arith.constant 0 : i32
        %dma_start3A_870 = tpu.memref_slice %arg11[%dma_start3A_868, %dma_start3A_869] : memref<10000x16xf32, #tpu.memory_space<vmem_shared>> -> memref<10000x16xf32, #tpu.memory_space<vmem_shared>>
        tpu.enqueue_indirect_dma source(%dma_start3A_870 : memref<10000x16xf32, #tpu.memory_space<vmem_shared>>) target(%dma_start3A_865 : memref<128x16xf32, #tpu.memory_space<vmem>>) offsets(%dma_start3A_867 : memref<128xi32, #tpu.memory_space<vmem>>) semaphore(%arg14 : memref<!tpu.dma_semaphore, #tpu.memory_space<semaphore_mem>>)
      } else {
      }
      %mul3A_644 = arith.constant 128 : i32
      %mul3A_645 = arith.muli %add3A_626, %mul3A_644 : i32
      %dma_wait3A_646 = arith.constant 0 : i32
      %dma_wait3A_647 = arith.constant 3 : i32
      %dma_wait3A_648 = arith.constant 0 : i32
      %dma_wait3A_649 = arith.constant 0 : i32
      %dma_wait3A_650 = tpu.memref_slice %arg6[%dma_wait3A_647, %dma_wait3A_648, %dma_wait3A_649] : memref<8x128x16xf32, #tpu.memory_space<vmem>> -> memref<1x128x16xf32, #tpu.memory_space<vmem>>
      %dma_wait3A_651 = tpu.memref_squeeze %dma_wait3A_650 : memref<1x128x16xf32, #tpu.memory_space<vmem>> -> memref<128x16xf32, #tpu.memory_space<vmem>>
      %dma_wait3A_652 = tpu.memref_slice %arg5[%dma_wait3A_646, %mul3A_645] : memref<2x10240xi32, #tpu.memory_space<vmem>> -> memref<1x128xi32, #tpu.memory_space<vmem>>
      %dma_wait3A_653 = tpu.memref_squeeze %dma_wait3A_652 : memref<1x128xi32, #tpu.memory_space<vmem>> -> memref<128xi32, #tpu.memory_space<vmem>>
      %dma_wait3A_654 = arith.constant 0 : i32
      %dma_wait3A_655 = arith.constant 0 : i32
      %dma_wait3A_656 = tpu.memref_slice %arg11[%dma_wait3A_654, %dma_wait3A_655] : memref<10000x16xf32, #tpu.memory_space<vmem_shared>> -> memref<10000x16xf32, #tpu.memory_space<vmem_shared>>
      tpu.wait_indirect_dma semaphore(%arg15 : memref<!tpu.dma_semaphore, #tpu.memory_space<semaphore_mem>>) src(%dma_wait3A_656 : memref<10000x16xf32, #tpu.memory_space<vmem_shared>>) dst(%dma_wait3A_651 : memref<128x16xf32, #tpu.memory_space<vmem>>)
      %mul3A_657 = arith.constant 128 : i32
      %mul3A_658 = arith.muli %add3A_626, %mul3A_657 : i32
      %dma_start3A_659 = arith.constant 3 : i32
      %dma_start3A_660 = arith.constant 1 : i32
      %dma_start3A_661 = arith.constant 0 : i32
      %dma_start3A_662 = arith.constant 0 : i32
      %dma_start3A_663 = tpu.memref_slice %arg6[%dma_start3A_659, %dma_start3A_661, %dma_start3A_662] : memref<8x128x16xf32, #tpu.memory_space<vmem>> -> memref<1x128x16xf32, #tpu.memory_space<vmem>>
      %dma_start3A_664 = tpu.memref_squeeze %dma_start3A_663 : memref<1x128x16xf32, #tpu.memory_space<vmem>> -> memref<128x16xf32, #tpu.memory_space<vmem>>
      %dma_start3A_665 = tpu.memref_slice %arg5[%dma_start3A_660, %mul3A_658] : memref<2x10240xi32, #tpu.memory_space<vmem>> -> memref<1x128xi32, #tpu.memory_space<vmem>>
      %dma_start3A_666 = tpu.memref_squeeze %dma_start3A_665 : memref<1x128xi32, #tpu.memory_space<vmem>> -> memref<128xi32, #tpu.memory_space<vmem>>
      %dma_start3A_667 = arith.constant 0 : i32
      %dma_start3A_668 = arith.constant 0 : i32
      %dma_start3A_669 = tpu.memref_slice %arg10[%dma_start3A_667, %dma_start3A_668] : memref<10112x16xf32, #tpu.memory_space<vmem_shared>> -> memref<10112x16xf32, #tpu.memory_space<vmem_shared>>
      tpu.enqueue_indirect_dma source(%dma_start3A_664 : memref<128x16xf32, #tpu.memory_space<vmem>>) target(%dma_start3A_669 : memref<10112x16xf32, #tpu.memory_space<vmem_shared>>) offsets(%dma_start3A_666 : memref<128xi32, #tpu.memory_space<vmem>>) semaphore(%arg23 : memref<!tpu.dma_semaphore, #tpu.memory_space<semaphore_mem>>) {add = true}
      %mul3A_670 = arith.constant 8 : i32
      %mul3A_671 = arith.muli %scan3A_487, %mul3A_670 : i32
      %add3A_672 = arith.constant 4 : i32
      %add3A_673 = arith.addi %mul3A_671, %add3A_672 : i32
      %add3A_674 = arith.constant 8 : i32
      %add3A_675 = arith.addi %add3A_673, %add3A_674 : i32
      %sub3A_676 = arith.constant 1 : i32
      %sub3A_677 = arith.subi %add3A_675, %sub3A_676 : i32
      %lt3A_678 = arith.constant 80 : i32
      %lt3A_679 = arith.cmpi slt, %sub3A_677, %lt3A_678 : i32
      %gt3A_680 = arith.constant 0 : i32
      %gt3A_681 = arith.cmpi sgt, %add3A_673, %gt3A_680 : i32
      %and3A_682 = arith.andi %lt3A_679, %gt3A_681 : i1
      %convert_element_type3A_683 = arith.extui %and3A_682 : i1 to i32
      %cond3A_684 = arith.constant 0 : i32
      %cond3A_685 = arith.cmpi ne, %convert_element_type3A_683, %cond3A_684 : i32
      scf.if %cond3A_685 {
        %sub3A_858 = arith.constant 1 : i32
        %sub3A_859 = arith.subi %add3A_673, %sub3A_858 : i32
        %mul3A_860 = arith.constant 128 : i32
        %mul3A_861 = arith.muli %sub3A_859, %mul3A_860 : i32
        %dma_wait3A_862 = arith.constant 3 : i32
        %dma_wait3A_863 = arith.constant 1 : i32
        %dma_wait3A_864 = arith.constant 0 : i32
        %dma_wait3A_865 = arith.constant 0 : i32
        %dma_wait3A_866 = tpu.memref_slice %arg6[%dma_wait3A_862, %dma_wait3A_864, %dma_wait3A_865] : memref<8x128x16xf32, #tpu.memory_space<vmem>> -> memref<1x128x16xf32, #tpu.memory_space<vmem>>
        %dma_wait3A_867 = tpu.memref_squeeze %dma_wait3A_866 : memref<1x128x16xf32, #tpu.memory_space<vmem>> -> memref<128x16xf32, #tpu.memory_space<vmem>>
        %dma_wait3A_868 = tpu.memref_slice %arg5[%dma_wait3A_863, %mul3A_861] : memref<2x10240xi32, #tpu.memory_space<vmem>> -> memref<1x128xi32, #tpu.memory_space<vmem>>
        %dma_wait3A_869 = tpu.memref_squeeze %dma_wait3A_868 : memref<1x128xi32, #tpu.memory_space<vmem>> -> memref<128xi32, #tpu.memory_space<vmem>>
        %dma_wait3A_870 = arith.constant 0 : i32
        %dma_wait3A_871 = arith.constant 0 : i32
        %dma_wait3A_872 = tpu.memref_slice %arg10[%dma_wait3A_870, %dma_wait3A_871] : memref<10112x16xf32, #tpu.memory_space<vmem_shared>> -> memref<10112x16xf32, #tpu.memory_space<vmem_shared>>
        tpu.wait_indirect_dma semaphore(%arg23 : memref<!tpu.dma_semaphore, #tpu.memory_space<semaphore_mem>>) src(%dma_wait3A_867 : memref<128x16xf32, #tpu.memory_space<vmem>>) dst(%dma_wait3A_872 : memref<10112x16xf32, #tpu.memory_space<vmem_shared>>)
      } else {
      }
      %lt3A_686 = arith.constant 80 : i32
      %lt3A_687 = arith.cmpi slt, %sub3A_677, %lt3A_686 : i32
      %convert_element_type3A_688 = arith.extui %lt3A_687 : i1 to i32
      %cond3A_689 = arith.constant 0 : i32
      %cond3A_690 = arith.cmpi ne, %convert_element_type3A_688, %cond3A_689 : i32
      scf.if %cond3A_690 {
        %mul3A_858 = arith.constant 128 : i32
        %mul3A_859 = arith.muli %sub3A_677, %mul3A_858 : i32
        %dma_start3A_860 = arith.constant 0 : i32
        %dma_start3A_861 = arith.constant 3 : i32
        %dma_start3A_862 = arith.constant 0 : i32
        %dma_start3A_863 = arith.constant 0 : i32
        %dma_start3A_864 = tpu.memref_slice %arg6[%dma_start3A_861, %dma_start3A_862, %dma_start3A_863] : memref<8x128x16xf32, #tpu.memory_space<vmem>> -> memref<1x128x16xf32, #tpu.memory_space<vmem>>
        %dma_start3A_865 = tpu.memref_squeeze %dma_start3A_864 : memref<1x128x16xf32, #tpu.memory_space<vmem>> -> memref<128x16xf32, #tpu.memory_space<vmem>>
        %dma_start3A_866 = tpu.memref_slice %arg5[%dma_start3A_860, %mul3A_859] : memref<2x10240xi32, #tpu.memory_space<vmem>> -> memref<1x128xi32, #tpu.memory_space<vmem>>
        %dma_start3A_867 = tpu.memref_squeeze %dma_start3A_866 : memref<1x128xi32, #tpu.memory_space<vmem>> -> memref<128xi32, #tpu.memory_space<vmem>>
        %dma_start3A_868 = arith.constant 0 : i32
        %dma_start3A_869 = arith.constant 0 : i32
        %dma_start3A_870 = tpu.memref_slice %arg11[%dma_start3A_868, %dma_start3A_869] : memref<10000x16xf32, #tpu.memory_space<vmem_shared>> -> memref<10000x16xf32, #tpu.memory_space<vmem_shared>>
        tpu.enqueue_indirect_dma source(%dma_start3A_870 : memref<10000x16xf32, #tpu.memory_space<vmem_shared>>) target(%dma_start3A_865 : memref<128x16xf32, #tpu.memory_space<vmem>>) offsets(%dma_start3A_867 : memref<128xi32, #tpu.memory_space<vmem>>) semaphore(%arg15 : memref<!tpu.dma_semaphore, #tpu.memory_space<semaphore_mem>>)
      } else {
      }
      %mul3A_691 = arith.constant 128 : i32
      %mul3A_692 = arith.muli %add3A_673, %mul3A_691 : i32
      %dma_wait3A_693 = arith.constant 0 : i32
      %dma_wait3A_694 = arith.constant 4 : i32
      %dma_wait3A_695 = arith.constant 0 : i32
      %dma_wait3A_696 = arith.constant 0 : i32
      %dma_wait3A_697 = tpu.memref_slice %arg6[%dma_wait3A_694, %dma_wait3A_695, %dma_wait3A_696] : memref<8x128x16xf32, #tpu.memory_space<vmem>> -> memref<1x128x16xf32, #tpu.memory_space<vmem>>
      %dma_wait3A_698 = tpu.memref_squeeze %dma_wait3A_697 : memref<1x128x16xf32, #tpu.memory_space<vmem>> -> memref<128x16xf32, #tpu.memory_space<vmem>>
      %dma_wait3A_699 = tpu.memref_slice %arg5[%dma_wait3A_693, %mul3A_692] : memref<2x10240xi32, #tpu.memory_space<vmem>> -> memref<1x128xi32, #tpu.memory_space<vmem>>
      %dma_wait3A_700 = tpu.memref_squeeze %dma_wait3A_699 : memref<1x128xi32, #tpu.memory_space<vmem>> -> memref<128xi32, #tpu.memory_space<vmem>>
      %dma_wait3A_701 = arith.constant 0 : i32
      %dma_wait3A_702 = arith.constant 0 : i32
      %dma_wait3A_703 = tpu.memref_slice %arg11[%dma_wait3A_701, %dma_wait3A_702] : memref<10000x16xf32, #tpu.memory_space<vmem_shared>> -> memref<10000x16xf32, #tpu.memory_space<vmem_shared>>
      tpu.wait_indirect_dma semaphore(%arg16 : memref<!tpu.dma_semaphore, #tpu.memory_space<semaphore_mem>>) src(%dma_wait3A_703 : memref<10000x16xf32, #tpu.memory_space<vmem_shared>>) dst(%dma_wait3A_698 : memref<128x16xf32, #tpu.memory_space<vmem>>)
      %mul3A_704 = arith.constant 128 : i32
      %mul3A_705 = arith.muli %add3A_673, %mul3A_704 : i32
      %dma_start3A_706 = arith.constant 4 : i32
      %dma_start3A_707 = arith.constant 1 : i32
      %dma_start3A_708 = arith.constant 0 : i32
      %dma_start3A_709 = arith.constant 0 : i32
      %dma_start3A_710 = tpu.memref_slice %arg6[%dma_start3A_706, %dma_start3A_708, %dma_start3A_709] : memref<8x128x16xf32, #tpu.memory_space<vmem>> -> memref<1x128x16xf32, #tpu.memory_space<vmem>>
      %dma_start3A_711 = tpu.memref_squeeze %dma_start3A_710 : memref<1x128x16xf32, #tpu.memory_space<vmem>> -> memref<128x16xf32, #tpu.memory_space<vmem>>
      %dma_start3A_712 = tpu.memref_slice %arg5[%dma_start3A_707, %mul3A_705] : memref<2x10240xi32, #tpu.memory_space<vmem>> -> memref<1x128xi32, #tpu.memory_space<vmem>>
      %dma_start3A_713 = tpu.memref_squeeze %dma_start3A_712 : memref<1x128xi32, #tpu.memory_space<vmem>> -> memref<128xi32, #tpu.memory_space<vmem>>
      %dma_start3A_714 = arith.constant 0 : i32
      %dma_start3A_715 = arith.constant 0 : i32
      %dma_start3A_716 = tpu.memref_slice %arg10[%dma_start3A_714, %dma_start3A_715] : memref<10112x16xf32, #tpu.memory_space<vmem_shared>> -> memref<10112x16xf32, #tpu.memory_space<vmem_shared>>
      tpu.enqueue_indirect_dma source(%dma_start3A_711 : memref<128x16xf32, #tpu.memory_space<vmem>>) target(%dma_start3A_716 : memref<10112x16xf32, #tpu.memory_space<vmem_shared>>) offsets(%dma_start3A_713 : memref<128xi32, #tpu.memory_space<vmem>>) semaphore(%arg24 : memref<!tpu.dma_semaphore, #tpu.memory_space<semaphore_mem>>) {add = true}
      %mul3A_717 = arith.constant 8 : i32
      %mul3A_718 = arith.muli %scan3A_487, %mul3A_717 : i32
      %add3A_719 = arith.constant 5 : i32
      %add3A_720 = arith.addi %mul3A_718, %add3A_719 : i32
      %add3A_721 = arith.constant 8 : i32
      %add3A_722 = arith.addi %add3A_720, %add3A_721 : i32
      %sub3A_723 = arith.constant 1 : i32
      %sub3A_724 = arith.subi %add3A_722, %sub3A_723 : i32
      %lt3A_725 = arith.constant 80 : i32
      %lt3A_726 = arith.cmpi slt, %sub3A_724, %lt3A_725 : i32
      %gt3A_727 = arith.constant 0 : i32
      %gt3A_728 = arith.cmpi sgt, %add3A_720, %gt3A_727 : i32
      %and3A_729 = arith.andi %lt3A_726, %gt3A_728 : i1
      %convert_element_type3A_730 = arith.extui %and3A_729 : i1 to i32
      %cond3A_731 = arith.constant 0 : i32
      %cond3A_732 = arith.cmpi ne, %convert_element_type3A_730, %cond3A_731 : i32
      scf.if %cond3A_732 {
        %sub3A_858 = arith.constant 1 : i32
        %sub3A_859 = arith.subi %add3A_720, %sub3A_858 : i32
        %mul3A_860 = arith.constant 128 : i32
        %mul3A_861 = arith.muli %sub3A_859, %mul3A_860 : i32
        %dma_wait3A_862 = arith.constant 4 : i32
        %dma_wait3A_863 = arith.constant 1 : i32
        %dma_wait3A_864 = arith.constant 0 : i32
        %dma_wait3A_865 = arith.constant 0 : i32
        %dma_wait3A_866 = tpu.memref_slice %arg6[%dma_wait3A_862, %dma_wait3A_864, %dma_wait3A_865] : memref<8x128x16xf32, #tpu.memory_space<vmem>> -> memref<1x128x16xf32, #tpu.memory_space<vmem>>
        %dma_wait3A_867 = tpu.memref_squeeze %dma_wait3A_866 : memref<1x128x16xf32, #tpu.memory_space<vmem>> -> memref<128x16xf32, #tpu.memory_space<vmem>>
        %dma_wait3A_868 = tpu.memref_slice %arg5[%dma_wait3A_863, %mul3A_861] : memref<2x10240xi32, #tpu.memory_space<vmem>> -> memref<1x128xi32, #tpu.memory_space<vmem>>
        %dma_wait3A_869 = tpu.memref_squeeze %dma_wait3A_868 : memref<1x128xi32, #tpu.memory_space<vmem>> -> memref<128xi32, #tpu.memory_space<vmem>>
        %dma_wait3A_870 = arith.constant 0 : i32
        %dma_wait3A_871 = arith.constant 0 : i32
        %dma_wait3A_872 = tpu.memref_slice %arg10[%dma_wait3A_870, %dma_wait3A_871] : memref<10112x16xf32, #tpu.memory_space<vmem_shared>> -> memref<10112x16xf32, #tpu.memory_space<vmem_shared>>
        tpu.wait_indirect_dma semaphore(%arg24 : memref<!tpu.dma_semaphore, #tpu.memory_space<semaphore_mem>>) src(%dma_wait3A_867 : memref<128x16xf32, #tpu.memory_space<vmem>>) dst(%dma_wait3A_872 : memref<10112x16xf32, #tpu.memory_space<vmem_shared>>)
      } else {
      }
      %lt3A_733 = arith.constant 80 : i32
      %lt3A_734 = arith.cmpi slt, %sub3A_724, %lt3A_733 : i32
      %convert_element_type3A_735 = arith.extui %lt3A_734 : i1 to i32
      %cond3A_736 = arith.constant 0 : i32
      %cond3A_737 = arith.cmpi ne, %convert_element_type3A_735, %cond3A_736 : i32
      scf.if %cond3A_737 {
        %mul3A_858 = arith.constant 128 : i32
        %mul3A_859 = arith.muli %sub3A_724, %mul3A_858 : i32
        %dma_start3A_860 = arith.constant 0 : i32
        %dma_start3A_861 = arith.constant 4 : i32
        %dma_start3A_862 = arith.constant 0 : i32
        %dma_start3A_863 = arith.constant 0 : i32
        %dma_start3A_864 = tpu.memref_slice %arg6[%dma_start3A_861, %dma_start3A_862, %dma_start3A_863] : memref<8x128x16xf32, #tpu.memory_space<vmem>> -> memref<1x128x16xf32, #tpu.memory_space<vmem>>
        %dma_start3A_865 = tpu.memref_squeeze %dma_start3A_864 : memref<1x128x16xf32, #tpu.memory_space<vmem>> -> memref<128x16xf32, #tpu.memory_space<vmem>>
        %dma_start3A_866 = tpu.memref_slice %arg5[%dma_start3A_860, %mul3A_859] : memref<2x10240xi32, #tpu.memory_space<vmem>> -> memref<1x128xi32, #tpu.memory_space<vmem>>
        %dma_start3A_867 = tpu.memref_squeeze %dma_start3A_866 : memref<1x128xi32, #tpu.memory_space<vmem>> -> memref<128xi32, #tpu.memory_space<vmem>>
        %dma_start3A_868 = arith.constant 0 : i32
        %dma_start3A_869 = arith.constant 0 : i32
        %dma_start3A_870 = tpu.memref_slice %arg11[%dma_start3A_868, %dma_start3A_869] : memref<10000x16xf32, #tpu.memory_space<vmem_shared>> -> memref<10000x16xf32, #tpu.memory_space<vmem_shared>>
        tpu.enqueue_indirect_dma source(%dma_start3A_870 : memref<10000x16xf32, #tpu.memory_space<vmem_shared>>) target(%dma_start3A_865 : memref<128x16xf32, #tpu.memory_space<vmem>>) offsets(%dma_start3A_867 : memref<128xi32, #tpu.memory_space<vmem>>) semaphore(%arg16 : memref<!tpu.dma_semaphore, #tpu.memory_space<semaphore_mem>>)
      } else {
      }
      %mul3A_738 = arith.constant 128 : i32
      %mul3A_739 = arith.muli %add3A_720, %mul3A_738 : i32
      %dma_wait3A_740 = arith.constant 0 : i32
      %dma_wait3A_741 = arith.constant 5 : i32
      %dma_wait3A_742 = arith.constant 0 : i32
      %dma_wait3A_743 = arith.constant 0 : i32
      %dma_wait3A_744 = tpu.memref_slice %arg6[%dma_wait3A_741, %dma_wait3A_742, %dma_wait3A_743] : memref<8x128x16xf32, #tpu.memory_space<vmem>> -> memref<1x128x16xf32, #tpu.memory_space<vmem>>
      %dma_wait3A_745 = tpu.memref_squeeze %dma_wait3A_744 : memref<1x128x16xf32, #tpu.memory_space<vmem>> -> memref<128x16xf32, #tpu.memory_space<vmem>>
      %dma_wait3A_746 = tpu.memref_slice %arg5[%dma_wait3A_740, %mul3A_739] : memref<2x10240xi32, #tpu.memory_space<vmem>> -> memref<1x128xi32, #tpu.memory_space<vmem>>
      %dma_wait3A_747 = tpu.memref_squeeze %dma_wait3A_746 : memref<1x128xi32, #tpu.memory_space<vmem>> -> memref<128xi32, #tpu.memory_space<vmem>>
      %dma_wait3A_748 = arith.constant 0 : i32
      %dma_wait3A_749 = arith.constant 0 : i32
      %dma_wait3A_750 = tpu.memref_slice %arg11[%dma_wait3A_748, %dma_wait3A_749] : memref<10000x16xf32, #tpu.memory_space<vmem_shared>> -> memref<10000x16xf32, #tpu.memory_space<vmem_shared>>
      tpu.wait_indirect_dma semaphore(%arg17 : memref<!tpu.dma_semaphore, #tpu.memory_space<semaphore_mem>>) src(%dma_wait3A_750 : memref<10000x16xf32, #tpu.memory_space<vmem_shared>>) dst(%dma_wait3A_745 : memref<128x16xf32, #tpu.memory_space<vmem>>)
      %mul3A_751 = arith.constant 128 : i32
      %mul3A_752 = arith.muli %add3A_720, %mul3A_751 : i32
      %dma_start3A_753 = arith.constant 5 : i32
      %dma_start3A_754 = arith.constant 1 : i32
      %dma_start3A_755 = arith.constant 0 : i32
      %dma_start3A_756 = arith.constant 0 : i32
      %dma_start3A_757 = tpu.memref_slice %arg6[%dma_start3A_753, %dma_start3A_755, %dma_start3A_756] : memref<8x128x16xf32, #tpu.memory_space<vmem>> -> memref<1x128x16xf32, #tpu.memory_space<vmem>>
      %dma_start3A_758 = tpu.memref_squeeze %dma_start3A_757 : memref<1x128x16xf32, #tpu.memory_space<vmem>> -> memref<128x16xf32, #tpu.memory_space<vmem>>
      %dma_start3A_759 = tpu.memref_slice %arg5[%dma_start3A_754, %mul3A_752] : memref<2x10240xi32, #tpu.memory_space<vmem>> -> memref<1x128xi32, #tpu.memory_space<vmem>>
      %dma_start3A_760 = tpu.memref_squeeze %dma_start3A_759 : memref<1x128xi32, #tpu.memory_space<vmem>> -> memref<128xi32, #tpu.memory_space<vmem>>
      %dma_start3A_761 = arith.constant 0 : i32
      %dma_start3A_762 = arith.constant 0 : i32
      %dma_start3A_763 = tpu.memref_slice %arg10[%dma_start3A_761, %dma_start3A_762] : memref<10112x16xf32, #tpu.memory_space<vmem_shared>> -> memref<10112x16xf32, #tpu.memory_space<vmem_shared>>
      tpu.enqueue_indirect_dma source(%dma_start3A_758 : memref<128x16xf32, #tpu.memory_space<vmem>>) target(%dma_start3A_763 : memref<10112x16xf32, #tpu.memory_space<vmem_shared>>) offsets(%dma_start3A_760 : memref<128xi32, #tpu.memory_space<vmem>>) semaphore(%arg25 : memref<!tpu.dma_semaphore, #tpu.memory_space<semaphore_mem>>) {add = true}
      %mul3A_764 = arith.constant 8 : i32
      %mul3A_765 = arith.muli %scan3A_487, %mul3A_764 : i32
      %add3A_766 = arith.constant 6 : i32
      %add3A_767 = arith.addi %mul3A_765, %add3A_766 : i32
      %add3A_768 = arith.constant 8 : i32
      %add3A_769 = arith.addi %add3A_767, %add3A_768 : i32
      %sub3A_770 = arith.constant 1 : i32
      %sub3A_771 = arith.subi %add3A_769, %sub3A_770 : i32
      %lt3A_772 = arith.constant 80 : i32
      %lt3A_773 = arith.cmpi slt, %sub3A_771, %lt3A_772 : i32
      %gt3A_774 = arith.constant 0 : i32
      %gt3A_775 = arith.cmpi sgt, %add3A_767, %gt3A_774 : i32
      %and3A_776 = arith.andi %lt3A_773, %gt3A_775 : i1
      %convert_element_type3A_777 = arith.extui %and3A_776 : i1 to i32
      %cond3A_778 = arith.constant 0 : i32
      %cond3A_779 = arith.cmpi ne, %convert_element_type3A_777, %cond3A_778 : i32
      scf.if %cond3A_779 {
        %sub3A_858 = arith.constant 1 : i32
        %sub3A_859 = arith.subi %add3A_767, %sub3A_858 : i32
        %mul3A_860 = arith.constant 128 : i32
        %mul3A_861 = arith.muli %sub3A_859, %mul3A_860 : i32
        %dma_wait3A_862 = arith.constant 5 : i32
        %dma_wait3A_863 = arith.constant 1 : i32
        %dma_wait3A_864 = arith.constant 0 : i32
        %dma_wait3A_865 = arith.constant 0 : i32
        %dma_wait3A_866 = tpu.memref_slice %arg6[%dma_wait3A_862, %dma_wait3A_864, %dma_wait3A_865] : memref<8x128x16xf32, #tpu.memory_space<vmem>> -> memref<1x128x16xf32, #tpu.memory_space<vmem>>
        %dma_wait3A_867 = tpu.memref_squeeze %dma_wait3A_866 : memref<1x128x16xf32, #tpu.memory_space<vmem>> -> memref<128x16xf32, #tpu.memory_space<vmem>>
        %dma_wait3A_868 = tpu.memref_slice %arg5[%dma_wait3A_863, %mul3A_861] : memref<2x10240xi32, #tpu.memory_space<vmem>> -> memref<1x128xi32, #tpu.memory_space<vmem>>
        %dma_wait3A_869 = tpu.memref_squeeze %dma_wait3A_868 : memref<1x128xi32, #tpu.memory_space<vmem>> -> memref<128xi32, #tpu.memory_space<vmem>>
        %dma_wait3A_870 = arith.constant 0 : i32
        %dma_wait3A_871 = arith.constant 0 : i32
        %dma_wait3A_872 = tpu.memref_slice %arg10[%dma_wait3A_870, %dma_wait3A_871] : memref<10112x16xf32, #tpu.memory_space<vmem_shared>> -> memref<10112x16xf32, #tpu.memory_space<vmem_shared>>
        tpu.wait_indirect_dma semaphore(%arg25 : memref<!tpu.dma_semaphore, #tpu.memory_space<semaphore_mem>>) src(%dma_wait3A_867 : memref<128x16xf32, #tpu.memory_space<vmem>>) dst(%dma_wait3A_872 : memref<10112x16xf32, #tpu.memory_space<vmem_shared>>)
      } else {
      }
      %lt3A_780 = arith.constant 80 : i32
      %lt3A_781 = arith.cmpi slt, %sub3A_771, %lt3A_780 : i32
      %convert_element_type3A_782 = arith.extui %lt3A_781 : i1 to i32
      %cond3A_783 = arith.constant 0 : i32
      %cond3A_784 = arith.cmpi ne, %convert_element_type3A_782, %cond3A_783 : i32
      scf.if %cond3A_784 {
        %mul3A_858 = arith.constant 128 : i32
        %mul3A_859 = arith.muli %sub3A_771, %mul3A_858 : i32
        %dma_start3A_860 = arith.constant 0 : i32
        %dma_start3A_861 = arith.constant 5 : i32
        %dma_start3A_862 = arith.constant 0 : i32
        %dma_start3A_863 = arith.constant 0 : i32
        %dma_start3A_864 = tpu.memref_slice %arg6[%dma_start3A_861, %dma_start3A_862, %dma_start3A_863] : memref<8x128x16xf32, #tpu.memory_space<vmem>> -> memref<1x128x16xf32, #tpu.memory_space<vmem>>
        %dma_start3A_865 = tpu.memref_squeeze %dma_start3A_864 : memref<1x128x16xf32, #tpu.memory_space<vmem>> -> memref<128x16xf32, #tpu.memory_space<vmem>>
        %dma_start3A_866 = tpu.memref_slice %arg5[%dma_start3A_860, %mul3A_859] : memref<2x10240xi32, #tpu.memory_space<vmem>> -> memref<1x128xi32, #tpu.memory_space<vmem>>
        %dma_start3A_867 = tpu.memref_squeeze %dma_start3A_866 : memref<1x128xi32, #tpu.memory_space<vmem>> -> memref<128xi32, #tpu.memory_space<vmem>>
        %dma_start3A_868 = arith.constant 0 : i32
        %dma_start3A_869 = arith.constant 0 : i32
        %dma_start3A_870 = tpu.memref_slice %arg11[%dma_start3A_868, %dma_start3A_869] : memref<10000x16xf32, #tpu.memory_space<vmem_shared>> -> memref<10000x16xf32, #tpu.memory_space<vmem_shared>>
        tpu.enqueue_indirect_dma source(%dma_start3A_870 : memref<10000x16xf32, #tpu.memory_space<vmem_shared>>) target(%dma_start3A_865 : memref<128x16xf32, #tpu.memory_space<vmem>>) offsets(%dma_start3A_867 : memref<128xi32, #tpu.memory_space<vmem>>) semaphore(%arg17 : memref<!tpu.dma_semaphore, #tpu.memory_space<semaphore_mem>>)
      } else {
      }
      %mul3A_785 = arith.constant 128 : i32
      %mul3A_786 = arith.muli %add3A_767, %mul3A_785 : i32
      %dma_wait3A_787 = arith.constant 0 : i32
      %dma_wait3A_788 = arith.constant 6 : i32
      %dma_wait3A_789 = arith.constant 0 : i32
      %dma_wait3A_790 = arith.constant 0 : i32
      %dma_wait3A_791 = tpu.memref_slice %arg6[%dma_wait3A_788, %dma_wait3A_789, %dma_wait3A_790] : memref<8x128x16xf32, #tpu.memory_space<vmem>> -> memref<1x128x16xf32, #tpu.memory_space<vmem>>
      %dma_wait3A_792 = tpu.memref_squeeze %dma_wait3A_791 : memref<1x128x16xf32, #tpu.memory_space<vmem>> -> memref<128x16xf32, #tpu.memory_space<vmem>>
      %dma_wait3A_793 = tpu.memref_slice %arg5[%dma_wait3A_787, %mul3A_786] : memref<2x10240xi32, #tpu.memory_space<vmem>> -> memref<1x128xi32, #tpu.memory_space<vmem>>
      %dma_wait3A_794 = tpu.memref_squeeze %dma_wait3A_793 : memref<1x128xi32, #tpu.memory_space<vmem>> -> memref<128xi32, #tpu.memory_space<vmem>>
      %dma_wait3A_795 = arith.constant 0 : i32
      %dma_wait3A_796 = arith.constant 0 : i32
      %dma_wait3A_797 = tpu.memref_slice %arg11[%dma_wait3A_795, %dma_wait3A_796] : memref<10000x16xf32, #tpu.memory_space<vmem_shared>> -> memref<10000x16xf32, #tpu.memory_space<vmem_shared>>
      tpu.wait_indirect_dma semaphore(%arg18 : memref<!tpu.dma_semaphore, #tpu.memory_space<semaphore_mem>>) src(%dma_wait3A_797 : memref<10000x16xf32, #tpu.memory_space<vmem_shared>>) dst(%dma_wait3A_792 : memref<128x16xf32, #tpu.memory_space<vmem>>)
      %mul3A_798 = arith.constant 128 : i32
      %mul3A_799 = arith.muli %add3A_767, %mul3A_798 : i32
      %dma_start3A_800 = arith.constant 6 : i32
      %dma_start3A_801 = arith.constant 1 : i32
      %dma_start3A_802 = arith.constant 0 : i32
      %dma_start3A_803 = arith.constant 0 : i32
      %dma_start3A_804 = tpu.memref_slice %arg6[%dma_start3A_800, %dma_start3A_802, %dma_start3A_803] : memref<8x128x16xf32, #tpu.memory_space<vmem>> -> memref<1x128x16xf32, #tpu.memory_space<vmem>>
      %dma_start3A_805 = tpu.memref_squeeze %dma_start3A_804 : memref<1x128x16xf32, #tpu.memory_space<vmem>> -> memref<128x16xf32, #tpu.memory_space<vmem>>
      %dma_start3A_806 = tpu.memref_slice %arg5[%dma_start3A_801, %mul3A_799] : memref<2x10240xi32, #tpu.memory_space<vmem>> -> memref<1x128xi32, #tpu.memory_space<vmem>>
      %dma_start3A_807 = tpu.memref_squeeze %dma_start3A_806 : memref<1x128xi32, #tpu.memory_space<vmem>> -> memref<128xi32, #tpu.memory_space<vmem>>
      %dma_start3A_808 = arith.constant 0 : i32
      %dma_start3A_809 = arith.constant 0 : i32
      %dma_start3A_810 = tpu.memref_slice %arg10[%dma_start3A_808, %dma_start3A_809] : memref<10112x16xf32, #tpu.memory_space<vmem_shared>> -> memref<10112x16xf32, #tpu.memory_space<vmem_shared>>
      tpu.enqueue_indirect_dma source(%dma_start3A_805 : memref<128x16xf32, #tpu.memory_space<vmem>>) target(%dma_start3A_810 : memref<10112x16xf32, #tpu.memory_space<vmem_shared>>) offsets(%dma_start3A_807 : memref<128xi32, #tpu.memory_space<vmem>>) semaphore(%arg26 : memref<!tpu.dma_semaphore, #tpu.memory_space<semaphore_mem>>) {add = true}
      %mul3A_811 = arith.constant 8 : i32
      %mul3A_812 = arith.muli %scan3A_487, %mul3A_811 : i32
      %add3A_813 = arith.constant 7 : i32
      %add3A_814 = arith.addi %mul3A_812, %add3A_813 : i32
      %add3A_815 = arith.constant 8 : i32
      %add3A_816 = arith.addi %add3A_814, %add3A_815 : i32
      %sub3A_817 = arith.constant 1 : i32
      %sub3A_818 = arith.subi %add3A_816, %sub3A_817 : i32
      %lt3A_819 = arith.constant 80 : i32
      %lt3A_820 = arith.cmpi slt, %sub3A_818, %lt3A_819 : i32
      %gt3A_821 = arith.constant 0 : i32
      %gt3A_822 = arith.cmpi sgt, %add3A_814, %gt3A_821 : i32
      %and3A_823 = arith.andi %lt3A_820, %gt3A_822 : i1
      %convert_element_type3A_824 = arith.extui %and3A_823 : i1 to i32
      %cond3A_825 = arith.constant 0 : i32
      %cond3A_826 = arith.cmpi ne, %convert_element_type3A_824, %cond3A_825 : i32
      scf.if %cond3A_826 {
        %sub3A_858 = arith.constant 1 : i32
        %sub3A_859 = arith.subi %add3A_814, %sub3A_858 : i32
        %mul3A_860 = arith.constant 128 : i32
        %mul3A_861 = arith.muli %sub3A_859, %mul3A_860 : i32
        %dma_wait3A_862 = arith.constant 6 : i32
        %dma_wait3A_863 = arith.constant 1 : i32
        %dma_wait3A_864 = arith.constant 0 : i32
        %dma_wait3A_865 = arith.constant 0 : i32
        %dma_wait3A_866 = tpu.memref_slice %arg6[%dma_wait3A_862, %dma_wait3A_864, %dma_wait3A_865] : memref<8x128x16xf32, #tpu.memory_space<vmem>> -> memref<1x128x16xf32, #tpu.memory_space<vmem>>
        %dma_wait3A_867 = tpu.memref_squeeze %dma_wait3A_866 : memref<1x128x16xf32, #tpu.memory_space<vmem>> -> memref<128x16xf32, #tpu.memory_space<vmem>>
        %dma_wait3A_868 = tpu.memref_slice %arg5[%dma_wait3A_863, %mul3A_861] : memref<2x10240xi32, #tpu.memory_space<vmem>> -> memref<1x128xi32, #tpu.memory_space<vmem>>
        %dma_wait3A_869 = tpu.memref_squeeze %dma_wait3A_868 : memref<1x128xi32, #tpu.memory_space<vmem>> -> memref<128xi32, #tpu.memory_space<vmem>>
        %dma_wait3A_870 = arith.constant 0 : i32
        %dma_wait3A_871 = arith.constant 0 : i32
        %dma_wait3A_872 = tpu.memref_slice %arg10[%dma_wait3A_870, %dma_wait3A_871] : memref<10112x16xf32, #tpu.memory_space<vmem_shared>> -> memref<10112x16xf32, #tpu.memory_space<vmem_shared>>
        tpu.wait_indirect_dma semaphore(%arg26 : memref<!tpu.dma_semaphore, #tpu.memory_space<semaphore_mem>>) src(%dma_wait3A_867 : memref<128x16xf32, #tpu.memory_space<vmem>>) dst(%dma_wait3A_872 : memref<10112x16xf32, #tpu.memory_space<vmem_shared>>)
      } else {
      }
      %lt3A_827 = arith.constant 80 : i32
      %lt3A_828 = arith.cmpi slt, %sub3A_818, %lt3A_827 : i32
      %convert_element_type3A_829 = arith.extui %lt3A_828 : i1 to i32
      %cond3A_830 = arith.constant 0 : i32
      %cond3A_831 = arith.cmpi ne, %convert_element_type3A_829, %cond3A_830 : i32
      scf.if %cond3A_831 {
        %mul3A_858 = arith.constant 128 : i32
        %mul3A_859 = arith.muli %sub3A_818, %mul3A_858 : i32
        %dma_start3A_860 = arith.constant 0 : i32
        %dma_start3A_861 = arith.constant 6 : i32
        %dma_start3A_862 = arith.constant 0 : i32
        %dma_start3A_863 = arith.constant 0 : i32
        %dma_start3A_864 = tpu.memref_slice %arg6[%dma_start3A_861, %dma_start3A_862, %dma_start3A_863] : memref<8x128x16xf32, #tpu.memory_space<vmem>> -> memref<1x128x16xf32, #tpu.memory_space<vmem>>
        %dma_start3A_865 = tpu.memref_squeeze %dma_start3A_864 : memref<1x128x16xf32, #tpu.memory_space<vmem>> -> memref<128x16xf32, #tpu.memory_space<vmem>>
        %dma_start3A_866 = tpu.memref_slice %arg5[%dma_start3A_860, %mul3A_859] : memref<2x10240xi32, #tpu.memory_space<vmem>> -> memref<1x128xi32, #tpu.memory_space<vmem>>
        %dma_start3A_867 = tpu.memref_squeeze %dma_start3A_866 : memref<1x128xi32, #tpu.memory_space<vmem>> -> memref<128xi32, #tpu.memory_space<vmem>>
        %dma_start3A_868 = arith.constant 0 : i32
        %dma_start3A_869 = arith.constant 0 : i32
        %dma_start3A_870 = tpu.memref_slice %arg11[%dma_start3A_868, %dma_start3A_869] : memref<10000x16xf32, #tpu.memory_space<vmem_shared>> -> memref<10000x16xf32, #tpu.memory_space<vmem_shared>>
        tpu.enqueue_indirect_dma source(%dma_start3A_870 : memref<10000x16xf32, #tpu.memory_space<vmem_shared>>) target(%dma_start3A_865 : memref<128x16xf32, #tpu.memory_space<vmem>>) offsets(%dma_start3A_867 : memref<128xi32, #tpu.memory_space<vmem>>) semaphore(%arg18 : memref<!tpu.dma_semaphore, #tpu.memory_space<semaphore_mem>>)
      } else {
      }
      %mul3A_832 = arith.constant 128 : i32
      %mul3A_833 = arith.muli %add3A_814, %mul3A_832 : i32
      %dma_wait3A_834 = arith.constant 0 : i32
      %dma_wait3A_835 = arith.constant 7 : i32
      %dma_wait3A_836 = arith.constant 0 : i32
      %dma_wait3A_837 = arith.constant 0 : i32
      %dma_wait3A_838 = tpu.memref_slice %arg6[%dma_wait3A_835, %dma_wait3A_836, %dma_wait3A_837] : memref<8x128x16xf32, #tpu.memory_space<vmem>> -> memref<1x128x16xf32, #tpu.memory_space<vmem>>
      %dma_wait3A_839 = tpu.memref_squeeze %dma_wait3A_838 : memref<1x128x16xf32, #tpu.memory_space<vmem>> -> memref<128x16xf32, #tpu.memory_space<vmem>>
      %dma_wait3A_840 = tpu.memref_slice %arg5[%dma_wait3A_834, %mul3A_833] : memref<2x10240xi32, #tpu.memory_space<vmem>> -> memref<1x128xi32, #tpu.memory_space<vmem>>
      %dma_wait3A_841 = tpu.memref_squeeze %dma_wait3A_840 : memref<1x128xi32, #tpu.memory_space<vmem>> -> memref<128xi32, #tpu.memory_space<vmem>>
      %dma_wait3A_842 = arith.constant 0 : i32
      %dma_wait3A_843 = arith.constant 0 : i32
      %dma_wait3A_844 = tpu.memref_slice %arg11[%dma_wait3A_842, %dma_wait3A_843] : memref<10000x16xf32, #tpu.memory_space<vmem_shared>> -> memref<10000x16xf32, #tpu.memory_space<vmem_shared>>
      tpu.wait_indirect_dma semaphore(%arg19 : memref<!tpu.dma_semaphore, #tpu.memory_space<semaphore_mem>>) src(%dma_wait3A_844 : memref<10000x16xf32, #tpu.memory_space<vmem_shared>>) dst(%dma_wait3A_839 : memref<128x16xf32, #tpu.memory_space<vmem>>)
      %mul3A_845 = arith.constant 128 : i32
      %mul3A_846 = arith.muli %add3A_814, %mul3A_845 : i32
      %dma_start3A_847 = arith.constant 7 : i32
      %dma_start3A_848 = arith.constant 1 : i32
      %dma_start3A_849 = arith.constant 0 : i32
      %dma_start3A_850 = arith.constant 0 : i32
      %dma_start3A_851 = tpu.memref_slice %arg6[%dma_start3A_847, %dma_start3A_849, %dma_start3A_850] : memref<8x128x16xf32, #tpu.memory_space<vmem>> -> memref<1x128x16xf32, #tpu.memory_space<vmem>>
      %dma_start3A_852 = tpu.memref_squeeze %dma_start3A_851 : memref<1x128x16xf32, #tpu.memory_space<vmem>> -> memref<128x16xf32, #tpu.memory_space<vmem>>
      %dma_start3A_853 = tpu.memref_slice %arg5[%dma_start3A_848, %mul3A_846] : memref<2x10240xi32, #tpu.memory_space<vmem>> -> memref<1x128xi32, #tpu.memory_space<vmem>>
      %dma_start3A_854 = tpu.memref_squeeze %dma_start3A_853 : memref<1x128xi32, #tpu.memory_space<vmem>> -> memref<128xi32, #tpu.memory_space<vmem>>
      %dma_start3A_855 = arith.constant 0 : i32
      %dma_start3A_856 = arith.constant 0 : i32
      %dma_start3A_857 = tpu.memref_slice %arg10[%dma_start3A_855, %dma_start3A_856] : memref<10112x16xf32, #tpu.memory_space<vmem_shared>> -> memref<10112x16xf32, #tpu.memory_space<vmem_shared>>
      tpu.enqueue_indirect_dma source(%dma_start3A_852 : memref<128x16xf32, #tpu.memory_space<vmem>>) target(%dma_start3A_857 : memref<10112x16xf32, #tpu.memory_space<vmem_shared>>) offsets(%dma_start3A_854 : memref<128xi32, #tpu.memory_space<vmem>>) semaphore(%arg27 : memref<!tpu.dma_semaphore, #tpu.memory_space<semaphore_mem>>) {add = true}
    }
    %scan3A_389 = arith.constant 10 : i32
    %dma_wait3A_390 = arith.constant 0 : i32
    %dma_wait3A_391 = arith.constant 1 : i32
    %dma_wait3A_392 = arith.constant 0 : i32
    %dma_wait3A_393 = arith.constant 0 : i32
    %dma_wait3A_394 = tpu.memref_slice %arg6[%dma_wait3A_390, %dma_wait3A_392, %dma_wait3A_393] : memref<8x128x16xf32, #tpu.memory_space<vmem>> -> memref<1x128x16xf32, #tpu.memory_space<vmem>>
    %dma_wait3A_395 = tpu.memref_squeeze %dma_wait3A_394 : memref<1x128x16xf32, #tpu.memory_space<vmem>> -> memref<128x16xf32, #tpu.memory_space<vmem>>
    %dma_wait3A_396 = arith.constant 9216 : i32
    %dma_wait3A_397 = tpu.memref_slice %arg5[%dma_wait3A_391, %dma_wait3A_396] : memref<2x10240xi32, #tpu.memory_space<vmem>> -> memref<1x128xi32, #tpu.memory_space<vmem>>
    %dma_wait3A_398 = tpu.memref_squeeze %dma_wait3A_397 : memref<1x128xi32, #tpu.memory_space<vmem>> -> memref<128xi32, #tpu.memory_space<vmem>>
    %dma_wait3A_399 = arith.constant 0 : i32
    %dma_wait3A_400 = arith.constant 0 : i32
    %dma_wait3A_401 = tpu.memref_slice %arg10[%dma_wait3A_399, %dma_wait3A_400] : memref<10112x16xf32, #tpu.memory_space<vmem_shared>> -> memref<10112x16xf32, #tpu.memory_space<vmem_shared>>
    tpu.wait_indirect_dma semaphore(%arg20 : memref<!tpu.dma_semaphore, #tpu.memory_space<semaphore_mem>>) src(%dma_wait3A_395 : memref<128x16xf32, #tpu.memory_space<vmem>>) dst(%dma_wait3A_401 : memref<10112x16xf32, #tpu.memory_space<vmem_shared>>)
    %dma_wait3A_402 = arith.constant 1 : i32
    %dma_wait3A_403 = arith.constant 1 : i32
    %dma_wait3A_404 = arith.constant 0 : i32
    %dma_wait3A_405 = arith.constant 0 : i32
    %dma_wait3A_406 = tpu.memref_slice %arg6[%dma_wait3A_402, %dma_wait3A_404, %dma_wait3A_405] : memref<8x128x16xf32, #tpu.memory_space<vmem>> -> memref<1x128x16xf32, #tpu.memory_space<vmem>>
    %dma_wait3A_407 = tpu.memref_squeeze %dma_wait3A_406 : memref<1x128x16xf32, #tpu.memory_space<vmem>> -> memref<128x16xf32, #tpu.memory_space<vmem>>
    %dma_wait3A_408 = arith.constant 9344 : i32
    %dma_wait3A_409 = tpu.memref_slice %arg5[%dma_wait3A_403, %dma_wait3A_408] : memref<2x10240xi32, #tpu.memory_space<vmem>> -> memref<1x128xi32, #tpu.memory_space<vmem>>
    %dma_wait3A_410 = tpu.memref_squeeze %dma_wait3A_409 : memref<1x128xi32, #tpu.memory_space<vmem>> -> memref<128xi32, #tpu.memory_space<vmem>>
    %dma_wait3A_411 = arith.constant 0 : i32
    %dma_wait3A_412 = arith.constant 0 : i32
    %dma_wait3A_413 = tpu.memref_slice %arg10[%dma_wait3A_411, %dma_wait3A_412] : memref<10112x16xf32, #tpu.memory_space<vmem_shared>> -> memref<10112x16xf32, #tpu.memory_space<vmem_shared>>
    tpu.wait_indirect_dma semaphore(%arg21 : memref<!tpu.dma_semaphore, #tpu.memory_space<semaphore_mem>>) src(%dma_wait3A_407 : memref<128x16xf32, #tpu.memory_space<vmem>>) dst(%dma_wait3A_413 : memref<10112x16xf32, #tpu.memory_space<vmem_shared>>)
    %dma_wait3A_414 = arith.constant 2 : i32
    %dma_wait3A_415 = arith.constant 1 : i32
    %dma_wait3A_416 = arith.constant 0 : i32
    %dma_wait3A_417 = arith.constant 0 : i32
    %dma_wait3A_418 = tpu.memref_slice %arg6[%dma_wait3A_414, %dma_wait3A_416, %dma_wait3A_417] : memref<8x128x16xf32, #tpu.memory_space<vmem>> -> memref<1x128x16xf32, #tpu.memory_space<vmem>>
    %dma_wait3A_419 = tpu.memref_squeeze %dma_wait3A_418 : memref<1x128x16xf32, #tpu.memory_space<vmem>> -> memref<128x16xf32, #tpu.memory_space<vmem>>
    %dma_wait3A_420 = arith.constant 9472 : i32
    %dma_wait3A_421 = tpu.memref_slice %arg5[%dma_wait3A_415, %dma_wait3A_420] : memref<2x10240xi32, #tpu.memory_space<vmem>> -> memref<1x128xi32, #tpu.memory_space<vmem>>
    %dma_wait3A_422 = tpu.memref_squeeze %dma_wait3A_421 : memref<1x128xi32, #tpu.memory_space<vmem>> -> memref<128xi32, #tpu.memory_space<vmem>>
    %dma_wait3A_423 = arith.constant 0 : i32
    %dma_wait3A_424 = arith.constant 0 : i32
    %dma_wait3A_425 = tpu.memref_slice %arg10[%dma_wait3A_423, %dma_wait3A_424] : memref<10112x16xf32, #tpu.memory_space<vmem_shared>> -> memref<10112x16xf32, #tpu.memory_space<vmem_shared>>
    tpu.wait_indirect_dma semaphore(%arg22 : memref<!tpu.dma_semaphore, #tpu.memory_space<semaphore_mem>>) src(%dma_wait3A_419 : memref<128x16xf32, #tpu.memory_space<vmem>>) dst(%dma_wait3A_425 : memref<10112x16xf32, #tpu.memory_space<vmem_shared>>)
    %dma_wait3A_426 = arith.constant 3 : i32
    %dma_wait3A_427 = arith.constant 1 : i32
    %dma_wait3A_428 = arith.constant 0 : i32
    %dma_wait3A_429 = arith.constant 0 : i32
    %dma_wait3A_430 = tpu.memref_slice %arg6[%dma_wait3A_426, %dma_wait3A_428, %dma_wait3A_429] : memref<8x128x16xf32, #tpu.memory_space<vmem>> -> memref<1x128x16xf32, #tpu.memory_space<vmem>>
    %dma_wait3A_431 = tpu.memref_squeeze %dma_wait3A_430 : memref<1x128x16xf32, #tpu.memory_space<vmem>> -> memref<128x16xf32, #tpu.memory_space<vmem>>
    %dma_wait3A_432 = arith.constant 9600 : i32
    %dma_wait3A_433 = tpu.memref_slice %arg5[%dma_wait3A_427, %dma_wait3A_432] : memref<2x10240xi32, #tpu.memory_space<vmem>> -> memref<1x128xi32, #tpu.memory_space<vmem>>
    %dma_wait3A_434 = tpu.memref_squeeze %dma_wait3A_433 : memref<1x128xi32, #tpu.memory_space<vmem>> -> memref<128xi32, #tpu.memory_space<vmem>>
    %dma_wait3A_435 = arith.constant 0 : i32
    %dma_wait3A_436 = arith.constant 0 : i32
    %dma_wait3A_437 = tpu.memref_slice %arg10[%dma_wait3A_435, %dma_wait3A_436] : memref<10112x16xf32, #tpu.memory_space<vmem_shared>> -> memref<10112x16xf32, #tpu.memory_space<vmem_shared>>
    tpu.wait_indirect_dma semaphore(%arg23 : memref<!tpu.dma_semaphore, #tpu.memory_space<semaphore_mem>>) src(%dma_wait3A_431 : memref<128x16xf32, #tpu.memory_space<vmem>>) dst(%dma_wait3A_437 : memref<10112x16xf32, #tpu.memory_space<vmem_shared>>)
    %dma_wait3A_438 = arith.constant 4 : i32
    %dma_wait3A_439 = arith.constant 1 : i32
    %dma_wait3A_440 = arith.constant 0 : i32
    %dma_wait3A_441 = arith.constant 0 : i32
    %dma_wait3A_442 = tpu.memref_slice %arg6[%dma_wait3A_438, %dma_wait3A_440, %dma_wait3A_441] : memref<8x128x16xf32, #tpu.memory_space<vmem>> -> memref<1x128x16xf32, #tpu.memory_space<vmem>>
    %dma_wait3A_443 = tpu.memref_squeeze %dma_wait3A_442 : memref<1x128x16xf32, #tpu.memory_space<vmem>> -> memref<128x16xf32, #tpu.memory_space<vmem>>
    %dma_wait3A_444 = arith.constant 9728 : i32
    %dma_wait3A_445 = tpu.memref_slice %arg5[%dma_wait3A_439, %dma_wait3A_444] : memref<2x10240xi32, #tpu.memory_space<vmem>> -> memref<1x128xi32, #tpu.memory_space<vmem>>
    %dma_wait3A_446 = tpu.memref_squeeze %dma_wait3A_445 : memref<1x128xi32, #tpu.memory_space<vmem>> -> memref<128xi32, #tpu.memory_space<vmem>>
    %dma_wait3A_447 = arith.constant 0 : i32
    %dma_wait3A_448 = arith.constant 0 : i32
    %dma_wait3A_449 = tpu.memref_slice %arg10[%dma_wait3A_447, %dma_wait3A_448] : memref<10112x16xf32, #tpu.memory_space<vmem_shared>> -> memref<10112x16xf32, #tpu.memory_space<vmem_shared>>
    tpu.wait_indirect_dma semaphore(%arg24 : memref<!tpu.dma_semaphore, #tpu.memory_space<semaphore_mem>>) src(%dma_wait3A_443 : memref<128x16xf32, #tpu.memory_space<vmem>>) dst(%dma_wait3A_449 : memref<10112x16xf32, #tpu.memory_space<vmem_shared>>)
    %dma_wait3A_450 = arith.constant 5 : i32
    %dma_wait3A_451 = arith.constant 1 : i32
    %dma_wait3A_452 = arith.constant 0 : i32
    %dma_wait3A_453 = arith.constant 0 : i32
    %dma_wait3A_454 = tpu.memref_slice %arg6[%dma_wait3A_450, %dma_wait3A_452, %dma_wait3A_453] : memref<8x128x16xf32, #tpu.memory_space<vmem>> -> memref<1x128x16xf32, #tpu.memory_space<vmem>>
    %dma_wait3A_455 = tpu.memref_squeeze %dma_wait3A_454 : memref<1x128x16xf32, #tpu.memory_space<vmem>> -> memref<128x16xf32, #tpu.memory_space<vmem>>
    %dma_wait3A_456 = arith.constant 9856 : i32
    %dma_wait3A_457 = tpu.memref_slice %arg5[%dma_wait3A_451, %dma_wait3A_456] : memref<2x10240xi32, #tpu.memory_space<vmem>> -> memref<1x128xi32, #tpu.memory_space<vmem>>
    %dma_wait3A_458 = tpu.memref_squeeze %dma_wait3A_457 : memref<1x128xi32, #tpu.memory_space<vmem>> -> memref<128xi32, #tpu.memory_space<vmem>>
    %dma_wait3A_459 = arith.constant 0 : i32
    %dma_wait3A_460 = arith.constant 0 : i32
    %dma_wait3A_461 = tpu.memref_slice %arg10[%dma_wait3A_459, %dma_wait3A_460] : memref<10112x16xf32, #tpu.memory_space<vmem_shared>> -> memref<10112x16xf32, #tpu.memory_space<vmem_shared>>
    tpu.wait_indirect_dma semaphore(%arg25 : memref<!tpu.dma_semaphore, #tpu.memory_space<semaphore_mem>>) src(%dma_wait3A_455 : memref<128x16xf32, #tpu.memory_space<vmem>>) dst(%dma_wait3A_461 : memref<10112x16xf32, #tpu.memory_space<vmem_shared>>)
    %dma_wait3A_462 = arith.constant 6 : i32
    %dma_wait3A_463 = arith.constant 1 : i32
    %dma_wait3A_464 = arith.constant 0 : i32
    %dma_wait3A_465 = arith.constant 0 : i32
    %dma_wait3A_466 = tpu.memref_slice %arg6[%dma_wait3A_462, %dma_wait3A_464, %dma_wait3A_465] : memref<8x128x16xf32, #tpu.memory_space<vmem>> -> memref<1x128x16xf32, #tpu.memory_space<vmem>>
    %dma_wait3A_467 = tpu.memref_squeeze %dma_wait3A_466 : memref<1x128x16xf32, #tpu.memory_space<vmem>> -> memref<128x16xf32, #tpu.memory_space<vmem>>
    %dma_wait3A_468 = arith.constant 9984 : i32
    %dma_wait3A_469 = tpu.memref_slice %arg5[%dma_wait3A_463, %dma_wait3A_468] : memref<2x10240xi32, #tpu.memory_space<vmem>> -> memref<1x128xi32, #tpu.memory_space<vmem>>
    %dma_wait3A_470 = tpu.memref_squeeze %dma_wait3A_469 : memref<1x128xi32, #tpu.memory_space<vmem>> -> memref<128xi32, #tpu.memory_space<vmem>>
    %dma_wait3A_471 = arith.constant 0 : i32
    %dma_wait3A_472 = arith.constant 0 : i32
    %dma_wait3A_473 = tpu.memref_slice %arg10[%dma_wait3A_471, %dma_wait3A_472] : memref<10112x16xf32, #tpu.memory_space<vmem_shared>> -> memref<10112x16xf32, #tpu.memory_space<vmem_shared>>
    tpu.wait_indirect_dma semaphore(%arg26 : memref<!tpu.dma_semaphore, #tpu.memory_space<semaphore_mem>>) src(%dma_wait3A_467 : memref<128x16xf32, #tpu.memory_space<vmem>>) dst(%dma_wait3A_473 : memref<10112x16xf32, #tpu.memory_space<vmem_shared>>)
    %dma_wait3A_474 = arith.constant 7 : i32
    %dma_wait3A_475 = arith.constant 1 : i32
    %dma_wait3A_476 = arith.constant 0 : i32
    %dma_wait3A_477 = arith.constant 0 : i32
    %dma_wait3A_478 = tpu.memref_slice %arg6[%dma_wait3A_474, %dma_wait3A_476, %dma_wait3A_477] : memref<8x128x16xf32, #tpu.memory_space<vmem>> -> memref<1x128x16xf32, #tpu.memory_space<vmem>>
    %dma_wait3A_479 = tpu.memref_squeeze %dma_wait3A_478 : memref<1x128x16xf32, #tpu.memory_space<vmem>> -> memref<128x16xf32, #tpu.memory_space<vmem>>
    %dma_wait3A_480 = arith.constant 10112 : i32
    %dma_wait3A_481 = tpu.memref_slice %arg5[%dma_wait3A_475, %dma_wait3A_480] : memref<2x10240xi32, #tpu.memory_space<vmem>> -> memref<1x128xi32, #tpu.memory_space<vmem>>
    %dma_wait3A_482 = tpu.memref_squeeze %dma_wait3A_481 : memref<1x128xi32, #tpu.memory_space<vmem>> -> memref<128xi32, #tpu.memory_space<vmem>>
    %dma_wait3A_483 = arith.constant 0 : i32
    %dma_wait3A_484 = arith.constant 0 : i32
    %dma_wait3A_485 = tpu.memref_slice %arg10[%dma_wait3A_483, %dma_wait3A_484] : memref<10112x16xf32, #tpu.memory_space<vmem_shared>> -> memref<10112x16xf32, #tpu.memory_space<vmem_shared>>
    tpu.wait_indirect_dma semaphore(%arg27 : memref<!tpu.dma_semaphore, #tpu.memory_space<semaphore_mem>>) src(%dma_wait3A_479 : memref<128x16xf32, #tpu.memory_space<vmem>>) dst(%dma_wait3A_485 : memref<10112x16xf32, #tpu.memory_space<vmem_shared>>)
    %barrier3A_486 = arith.constant 0 : index
    tpu.barrier barrier_id(%barrier3A_486)
    "tpu.region"() ({
      %run_scoped3A = tpu.sem_alloc : memref<!tpu.dma_semaphore, #tpu.memory_space<semaphore_mem>>
      %dma_start3A_487 = arith.constant 0 : i32
      %dma_start3A_488 = tpu.memref_slice %arg4[%arg0, %mul3A_2, %dma_start3A_487] : memref<2x10112x16xf32, #tpu.memory_space<hbm>> -> memref<1x632x16xf32, #tpu.memory_space<hbm>>
      %dma_start3A_489 = tpu.memref_squeeze %dma_start3A_488 : memref<1x632x16xf32, #tpu.memory_space<hbm>> -> memref<632x16xf32, #tpu.memory_space<hbm>>
      %dma_start3A_490 = arith.constant 0 : i32
      %dma_start3A_491 = tpu.memref_slice %arg10[%mul3A_2, %dma_start3A_490] : memref<10112x16xf32, #tpu.memory_space<vmem_shared>> -> memref<632x16xf32, #tpu.memory_space<vmem_shared>>
      tpu.enqueue_dma source(%dma_start3A_491 : memref<632x16xf32, #tpu.memory_space<vmem_shared>>) target(%dma_start3A_489 : memref<632x16xf32, #tpu.memory_space<hbm>>) target_semaphore(%run_scoped3A : memref<!tpu.dma_semaphore, #tpu.memory_space<semaphore_mem>>)
      %dma_wait3A_492 = arith.constant 0 : i32
      %dma_wait3A_493 = tpu.memref_slice %arg4[%arg0, %mul3A_2, %dma_wait3A_492] : memref<2x10112x16xf32, #tpu.memory_space<hbm>> -> memref<1x632x16xf32, #tpu.memory_space<hbm>>
      %dma_wait3A_494 = tpu.memref_squeeze %dma_wait3A_493 : memref<1x632x16xf32, #tpu.memory_space<hbm>> -> memref<632x16xf32, #tpu.memory_space<hbm>>
      %dma_wait3A_495 = arith.constant 0 : i32
      %dma_wait3A_496 = tpu.memref_slice %arg10[%mul3A_2, %dma_wait3A_495] : memref<10112x16xf32, #tpu.memory_space<vmem_shared>> -> memref<632x16xf32, #tpu.memory_space<vmem_shared>>
      tpu.wait_dma2 semaphore(%run_scoped3A : memref<!tpu.dma_semaphore, #tpu.memory_space<semaphore_mem>>) src(%dma_wait3A_496 : memref<632x16xf32, #tpu.memory_space<vmem_shared>>) dst(%dma_wait3A_494 : memref<632x16xf32, #tpu.memory_space<hbm>>)
      tpu.yield
    }) : () -> ()
    return
  }
}

module attributes {stable_mosaic.version = 14 : i64} {
  func.func @body(%arg0: memref<10000x128xf32, #tpu.memory_space<vmem>>, %arg1: memref<128x16xf32, #tpu.memory_space<vmem>>, %arg2: memref<10000x16xf32, #tpu.memory_space<vmem>>) attributes {dimension_semantics = [], scalar_prefetch = 0 : i64, scratch_operands = 0 : i64, tpu.core_type = #tpu.core_type<tc>} {
    %get3A = arith.constant 0 : index
    %get3A_0 = arith.constant 0 : index
    %get3A_1 = vector.load %arg0[%get3A, %get3A_0] : memref<10000x128xf32, #tpu.memory_space<vmem>>, vector<10000x128xf32>
    %get3A_2 = arith.constant 0 : index
    %get3A_3 = arith.constant 0 : index
    %get3A_4 = vector.load %arg1[%get3A_2, %get3A_3] : memref<128x16xf32, #tpu.memory_space<vmem>>, vector<128x16xf32>
    %dot_general3A = arith.constant dense<0.000000e+00> : vector<10000x16xf32>
    %dot_general3A_5 = tpu.matmul %get3A_1, %get3A_4, %dot_general3A {dimension_numbers = #tpu.dot_dimension_numbers<[1], [0], [0], [1], [0, 0, 1, 1], [], []>, transpose_lhs_hint = false} : vector<10000x128xf32>, vector<128x16xf32>, vector<10000x16xf32> -> vector<10000x16xf32>
    %swap3A = arith.constant 0 : index
    %swap3A_6 = arith.constant 0 : index
    %swap3A_7 = vector.load %arg2[%swap3A, %swap3A_6] : memref<10000x16xf32, #tpu.memory_space<vmem>>, vector<10000x16xf32>
    tpu.vector_store %arg2[%swap3A, %swap3A_6], %dot_general3A_5 {strides = array<i32>} : memref<10000x16xf32, #tpu.memory_space<vmem>>, vector<10000x16xf32>,
    return
  }
}

module attributes {stable_mosaic.version = 14 : i64} {
  func.func @body(%arg0: memref<2x10112x16xf32, #tpu.memory_space<vmem>>, %arg1: memref<16x40xf32, #tpu.memory_space<vmem>>, %arg2: memref<10000x40xf32, #tpu.memory_space<vmem>>) attributes {dimension_semantics = [], scalar_prefetch = 0 : i64, scratch_operands = 0 : i64, tpu.core_type = #tpu.core_type<tc>} {
    %get3A = arith.constant 0 : index
    %get3A_0 = arith.constant 0 : index
    %get3A_1 = arith.constant 0 : index
    %get3A_2 = vector.load %arg0[%get3A, %get3A_0, %get3A_1] : memref<2x10112x16xf32, #tpu.memory_space<vmem>>, vector<1x10112x16xf32>
    %get3A_3 = vector.shape_cast %get3A_2 : vector<1x10112x16xf32> to vector<10112x16xf32>
    %get3A_4 = arith.constant 1 : index
    %get3A_5 = arith.constant 0 : index
    %get3A_6 = arith.constant 0 : index
    %get3A_7 = vector.load %arg0[%get3A_4, %get3A_5, %get3A_6] : memref<2x10112x16xf32, #tpu.memory_space<vmem>>, vector<1x10112x16xf32>
    %get3A_8 = vector.shape_cast %get3A_7 : vector<1x10112x16xf32> to vector<10112x16xf32>
    %add3A = arith.addf %get3A_3, %get3A_8 : vector<10112x16xf32>
    %get3A_9 = arith.constant 0 : index
    %get3A_10 = arith.constant 0 : index
    %get3A_11 = vector.load %arg1[%get3A_9, %get3A_10] : memref<16x40xf32, #tpu.memory_space<vmem>>, vector<16x40xf32>
    %dot_general3A = arith.constant dense<0.000000e+00> : vector<10112x40xf32>
    %dot_general3A_12 = tpu.matmul %add3A, %get3A_11, %dot_general3A {dimension_numbers = #tpu.dot_dimension_numbers<[1], [0], [0], [1], [0, 0, 1, 1], [], []>, transpose_lhs_hint = false} : vector<10112x16xf32>, vector<16x40xf32>, vector<10112x40xf32> -> vector<10112x40xf32>
    %reduce_max3A = arith.constant dense<0xFF800000> : vector<10112xf32>
    %reduce_max3A_13 = vector.multi_reduction <maximumf>, %dot_general3A_12, %reduce_max3A [1] : vector<10112x40xf32> to vector<10112xf32>
    %broadcast_in_dim3A = vector.shape_cast %reduce_max3A_13 : vector<10112xf32> to vector<10112x1xf32>
    %sub3A = vector.broadcast %broadcast_in_dim3A : vector<10112x1xf32> to vector<10112x40xf32>
    %sub3A_14 = arith.subf %dot_general3A_12, %sub3A : vector<10112x40xf32>
    %exp3A = math.exp %sub3A_14 : vector<10112x40xf32>
    %reduce_sum3A = arith.constant dense<0.000000e+00> : vector<10112xf32>
    %reduce_sum3A_15 = vector.multi_reduction <add>, %exp3A, %reduce_sum3A [1] : vector<10112x40xf32> to vector<10112xf32>
    %broadcast_in_dim3A_16 = vector.shape_cast %reduce_sum3A_15 : vector<10112xf32> to vector<10112x1xf32>
    %log3A = math.log %broadcast_in_dim3A_16 : vector<10112x1xf32>
    %add3A_17 = arith.addf %broadcast_in_dim3A, %log3A : vector<10112x1xf32>
    %sub3A_18 = vector.broadcast %add3A_17 : vector<10112x1xf32> to vector<10112x40xf32>
    %sub3A_19 = arith.subf %dot_general3A_12, %sub3A_18 : vector<10112x40xf32>
    %slice3A = vector.extract_strided_slice %sub3A_19 {offsets = [0, 0], sizes = [10000, 40], strides = [1, 1]} : vector<10112x40xf32> to vector<10000x40xf32>
    %swap3A = arith.constant 0 : index
    %swap3A_20 = arith.constant 0 : index
    %swap3A_21 = vector.load %arg2[%swap3A, %swap3A_20] : memref<10000x40xf32, #tpu.memory_space<vmem>>, vector<10000x40xf32>
    tpu.vector_store %arg2[%swap3A, %swap3A_20], %slice3A {strides = array<i32>} : memref<10000x40xf32, #tpu.memory_space<vmem>>, vector<10000x40xf32>,
    return
  }
}

</mosaic_0001>

<sc_bundles>
// kernel: kernel.6.cloned.1.call-start
scs
__scs_entry_jumppad:
0x0: {  	(pc) =	sbr.rel $0x88, $3  }
0x1: {  	(tag) =	ssettag $0x0;
	lr =	simm.s32 $0x1  }
0x2: {  	[smem:$0x3F9D] =	sst lr;
	_ =	strace $0xD0000000  }
0x3: {  	_ = 	snop  }
0x4: {  	_ = 	snop  }
0x5: {  	_ = 	snop  }
0x6: {  	_ = 	snop  }
0x7: {  	_ = 	snop  }
__scs_overlays_trampoline_lowered:
0x8: {  	[smem:$0x3FAC] =	sst s0  }
0x9: {  	[smem:$0x3FAD] =	sst s1  }
0xa: {  	[smem:$0x3FAE] =	sst s2  }
0xb: {  	[smem:$0x3FAF] =	sst s3  }
0xc: {  	[smem:$0x3FB0] =	sst s4  }
0xd: {  	[smem:$0x3FB1] =	sst s5  }
0xe: {  	[smem:$0x3FB2] =	sst s6  }
0xf: {  	[smem:$0x3FB3] =	sst s7  }
0x10: {  	[smem:$0x3FB4] =	sst s8  }
0x11: {  	[smem:$0x3FB5] =	sst s9;
	s0 =	simm.s32 @!p0 $0x0  }
0x12: {  	s1 =	sld [smem:$0x3F9B];
	s0 =	simm.s32 @p0 $0x1  }
0x13: {  	[smem:$0x3FB6] =	sst s0;
	s0 =	simm.s32 @!p1 $0x0  }
0x14: {  	s2 =	sld [smem:$0x3F9A];
	s0 =	simm.s32 @p1 $0x1  }
0x15: {  	[smem:$0x3FB7] =	sst s0;
	s0 =	simm.s32 @!p2 $0x0  }
0x16: {  	s3 =	sld [smem:$0x3FDB];
	s0 =	simm.s32 @p2 $0x1  }
0x17: {  	s4 =	simm.s32 $0x1BF5;
	[smem:$0x3FB9] =	sst s0  }
0x18: {  	s0 =	sld [smem:$0x3F9C];
	_ =	swait.ge [sflag:s4], $0x0  }
0x19: {  	s7 =	sld [smem:$0x3F9D]  }
0x1a: {  	s8 =	sadd.s32 $0xFFFFE003, lr  }
0x1b: {  	s9 =	sadd.s32 $0xFFFFFEF7, lr;
	s5 =	simm.s32 $0xFFFFFFFF;
	p2 =	slt.u32 s8, $0xFFFFF086  }
0x1c: {  	p1 =	slt.u32 s9, $0xF7A;
	s5 =	simm.s32 @!p2 $0x0  }
0x1d: {  	s5 =	simm.s32 @p1 $0x1;
	p0 =	seq.s32 s7, s2  }
0x1e: {  	s7 =	smul.u32 @!p0 $0xF7A, s2;
	p2 =	seq.s32 @!p0 s5, $0x0  }
0x1f: {  	s9 =	smul.u32 $0xF7A, s1;
	s8 =	simm.s32 @!p0 $0x1BF5;
	p2 =	por !p2, p0  }
0x20: {  	[sflag:s8] =	ssyncset.s32 @!p0 $0xFFFFF086;
	s6 =	sadd.s32 @!p0 s3, s7;
	s7 =	simm.s32 @!p0 $0x108  }
0x21: {  	s3 =	sadd.s32 s3, s9;
	s6 =	sadd.s32 @!p0 $0x88, s6;
	s7 =	simm.s32 @p2 $0x1082  }
0x22: {  	[simem:s7], [sflag:s8] =	dma.local @!p0 [hbm:s6], $0xF7A  }
0x23: {  	s9 =	sor.u32 $0xD0000000, s2;
	s6 =	simm.s32 $0x108;
	_ =	swait.ge @!p0 [sflag:s8], $0x0  }
0x24: {  	s3 =	sadd.s32 $0x88, s3;
	s6 =	simm.s32 @!p1 $0x1082;
	[sflag:s4] =	ssyncset.s32 $0xFFFFF086  }
0x25: {  	[simem:s6], [sflag:s4] =	dma.local [hbm:s3], $0xF7A  }
0x26: {  	[smem:$0x3F9D] =	sst s1;
	(tag) =	ssettag s2;
	_ =	strace s9  }
0x27: {  	s1 =	sld [smem:$0x3FAD]  }
0x28: {  	s2 =	sld [smem:$0x3FAE]  }
0x29: {  	s4 =	sld [smem:$0x3FB0]  }
0x2a: {  	p0 =	seq.s32 s5, $0x0;
	s5 =	sld [smem:$0x3FB1]  }
0x2b: {  	s6 =	sld [smem:$0x3FB2]  }
0x2c: {  	s7 =	sld [smem:$0x3FB3]  }
0x2d: {  	s3 =	simm.s32 $0x108;
	s8 =	sld [smem:$0x3FB4]  }
0x2e: {  	s3 =	simm.s32 @!p0 $0x1082;
	s9 =	sld [smem:$0x3FB5]  }
0x2f: {  	lr =	sadd.s32 s0, s3;
	s0 =	sld [smem:$0x3FAC]  }
0x30: {  	s3 =	sld [smem:$0x3FAF]  }
0x31: {  	[smem:$0x3FB8] =	sst s10  }
0x32: {  	s10 =	sld [smem:$0x3FB6];
	_ =	sdelay $0x3  }
0x33: {  	p0 =	seq.s32 s10, $0x1;
	s10 =	sld [smem:$0x3FB8];
	_ =	sdelay $0x3  }
0x34: {  	[smem:$0x3FB8] =	sst s10  }
0x35: {  	s10 =	sld [smem:$0x3FB7];
	_ =	sdelay $0x3  }
0x36: {  	p1 =	seq.s32 s10, $0x1;
	s10 =	sld [smem:$0x3FB8];
	_ =	sdelay $0x3  }
0x37: {  	[smem:$0x3FB8] =	sst s10  }
0x38: {  	s10 =	sld [smem:$0x3FB9]  }
0x39: {  	_ = 	snop;
	(pc) =	sbr.ind lr, $3  }
0x3a: {  	_ = 	snop  }
0x3b: {  	_ = 	snop  }
0x3c: {  	p2 =	seq.s32 s10, $0x1;
	s10 =	sld [smem:$0x3FB8]  }
0x3d: {  	_ =	shalt  }
0x3e: {  	_ =	shalt  }
0x3f: {  	_ =	shalt  }
0x40: {  	_ =	shalt  }
0x41: {  	_ =	shalt  }
0x42: {  	_ =	shalt  }
0x43: {  	_ =	shalt  }
0x44: {  	_ =	shalt  }
0x45: {  	_ =	shalt  }
0x46: {  	_ =	shalt  }
0x47: {  	_ =	shalt  }
0x48: {  	_ =	shalt  }
0x49: {  	_ =	shalt  }
0x4a: {  	_ =	shalt  }
0x4b: {  	_ =	shalt  }
0x4c: {  	_ =	shalt  }
0x4d: {  	_ =	shalt  }
0x4e: {  	_ =	shalt  }
0x4f: {  	_ =	shalt  }
0x50: {  	_ =	shalt  }
0x51: {  	_ =	shalt  }
0x52: {  	_ =	shalt  }
0x53: {  	_ =	shalt  }
0x54: {  	_ =	shalt  }
0x55: {  	_ =	shalt  }
0x56: {  	_ =	shalt  }
0x57: {  	_ =	shalt  }
0x58: {  	_ =	shalt  }
0x59: {  	_ =	shalt  }
0x5a: {  	_ =	shalt  }
0x5b: {  	_ =	shalt  }
0x5c: {  	_ =	shalt  }
0x5d: {  	_ =	shalt  }
0x5e: {  	_ =	shalt  }
0x5f: {  	_ =	shalt  }
0x60: {  	_ =	shalt  }
0x61: {  	_ =	shalt  }
0x62: {  	_ =	shalt  }
0x63: {  	_ =	shalt  }
0x64: {  	_ =	shalt  }
0x65: {  	_ =	shalt  }
0x66: {  	_ =	shalt  }
0x67: {  	_ =	shalt  }
0x68: {  	_ =	shalt  }
0x69: {  	_ =	shalt  }
0x6a: {  	_ =	shalt  }
0x6b: {  	_ =	shalt  }
0x6c: {  	_ =	shalt  }
0x6d: {  	_ =	shalt  }
0x6e: {  	_ =	shalt  }
0x6f: {  	_ =	shalt  }
0x70: {  	_ =	shalt  }
0x71: {  	_ =	shalt  }
0x72: {  	_ =	shalt  }
0x73: {  	_ =	shalt  }
0x74: {  	_ =	shalt  }
0x75: {  	_ =	shalt  }
0x76: {  	_ =	shalt  }
0x77: {  	_ =	shalt  }
0x78: {  	_ =	shalt  }
0x79: {  	_ =	shalt  }
0x7a: {  	_ =	shalt  }
0x7b: {  	_ =	shalt  }
0x7c: {  	_ =	shalt  }
0x7d: {  	_ =	shalt  }
0x7e: {  	_ =	shalt  }
0x7f: {  	_ =	shalt  }
0x80: {  	_ =	shalt  }
0x81: {  	_ =	shalt  }
0x82: {  	_ =	shalt  }
0x83: {  	_ =	shalt  }
0x84: {  	_ =	shalt  }
0x85: {  	_ =	shalt  }
0x86: {  	_ =	shalt  }
0x87: {  	_ =	shalt  }
.Lfunc_end0:
.L_simem_size_0:
called_computation_lowered:
.L_overlay_start_0:
0x88: {  	s2 =	sld [smem:$0x3FD9]  }
0x89: {  	s3 =	sld [smem:$0x3FFE];
	_ =	sdelay $0x1  }
0x8a: {  	s1 =	srdreg.scid  }
0x8b: {  	s0 =	sand.u32 $0x1, s1  }
0x8c: {  	s17 =	sshll.u32 s0, $0xA;
	s2 =	sadd.s32 s3, s2  }
0x8d: {  	s2 =	sadd.s32 s2, s17  }
0x8e: {  	[smem:$0x3FC4] =	sst s2  }
0x8f: {  	_ = 	snop  }
0x90: {  	s2 =	sld [smem:$0x3FD0];
	(tm) =	ssettm $0x1  }
0x91: {  	s18 =	sld [smem:$0x3FFB];
	_ =	sdelay $0x3  }
0x92: {  	_ =	strace s18  }
0x93: {  	s3 =	sld [smem:$0x3FFC];
	_ =	sdelay $0x3  }
0x94: {  	_ =	strace s3  }
0x95: {  	s3 =	sld [smem:$0x3FFD];
	_ =	sdelay $0x3  }
0x96: {  	_ =	strace s3  }
0x97: {  	_ =	strace $0x8FFFFFFF  }
0x98: {  	s19 =	sld [smem:$0x3FDB];
	_ =	sdelay $0x1  }
0x99: {  	s4 =	simm.s32 $_scs_section_size  }
0x9a: {  	s5 =	simm.s32 $_size__tile_overlayer_lowered;
	s6 =	simm.s32 $_tile_overlayer_lowered  }
0x9b: {  	s22 =	simm.s32 $0x1BFF;
	s21 =	sshll.u32 s6, $0x1;
	s3 =	sadd.s32 s4, s19  }
0x9c: {  	s7 =	simm.s32 $0x0;
	s20 =	sshll.u32 s5, $0x1;
	s5 =	sadd.s32 s21, s3  }
0x9d: {  	[timem:s7], [sflag:s22] =	dma.local [hbm:s5], s20  }
0x9e: {  	_ =	swait.ge [sflag:s22], s20  }
0x9f: {  	s4 =	ssub.s32 $0x0, s20;
	[sflag:s22] =	ssyncset.done $0x0  }
0xa0: {  	[sflag:s22] =	ssyncadd.s32 s4;
	_ =	sdelay $0x1  }
0xa1: {  	s23 =	simm.s32 $0x1B8B  }
0xa2: {  	_ =	swait.ge [sflag:s23], $0x1  }
0xa3: {  	[sflag:s23] =	ssyncset.done $0x0  }
0xa4: {  	s25 =	simm.s32 $0x1B8E;
	s24 =	sld [smem:$0x3FFE];
	[sflag:s23] =	ssyncadd.s32 $0xFFFFFFFF  }
0xa5: {  	s26 =	simm.s32 $execute0_lowered;
	[smem:$0x3FD2] =	sst s25  }
0xa6: {  	s5 =	sshll.u32 s26, $0x1;
	_ =	strace $0x80000046;
	[dreg:$0x1] =	wrdreg $0xFFFFFFFF  }
0xa7: {  	s28 =	simm.s32 $_size_execute0_lowered;
	s3 =	sadd.s32 s3, s5;
	[dreg:$0x0] =	wrdreg $0x0  }
0xa8: {  	s5 =	sshll.u32 s28, $0x1;
	[dreg:$0x2] =	wrdreg s3  }
0xa9: {  	[dreg:$0x3] =	wrdreg s5  }
0xaa: {  	[dreg:$0x4] =	wrdreg $0xC0  }
0xab: {  	_ =	task [dreg:s7], $0x5FFFF  }
0xac: {  	[dreg:$0x1] =	wrdreg $0xFFFFFFFF  }
0xad: {  	[dreg:$0x0] =	wrdreg $0x60  }
0xae: {  	[dreg:$0x2] =	wrdreg s2  }
0xaf: {  	[dreg:$0x3] =	wrdreg s24  }
0xb0: {  	[dreg:$0x4] =	wrdreg $0xDF000  }
0xb1: {  	[dreg:$0x5] =	wrdreg $0xB7800  }
0xb2: {  	[dreg:$0x6] =	wrdreg $0x9  }
0xb3: {  	_ =	task.clear_ibuf [dreg:s7], $0x7FFFF;
	_ =	strace $0x90000046  }
0xb4: {  	s29 =	simm.s32 $0x9;
	_ =	strace $0x80000048  }
0xb5: {  	_ =	swait.ge [sflag:s29], $0x1  }
0xb6: {  	[sflag:s29] =	ssyncadd.s32 $0xFFFFFFFF  }
0xb7: {  	_ =	strace $0x90000048  }
0xb8: {  	_ =	sfence  }
0xb9: {  	s30 =	sld [smem:$0x0];
	_ =	sdelay $0x2  }
0xba: {  	s31 =	sshll.u32 s1, $0xD;
	s1 =	sshrl.u32 s1, $0x2  }
0xbb: {  	s3 =	sand.u32 $0x4000, s31;
	s1 =	sadd.s32 s1, s30  }
0xbc: {  	s0 =	sor.u32 s3, s0;
	s1 =	sshll.u32 s1, $0x11  }
0xbd: {  	s0 =	sor.u32 s1, s0  }
0xbe: {  	s0 =	sadd.s32 $0x8F2B, s0  }
0xbf: {  	[sflag:s0] =	ssyncadd.remote.s32 $0x1  }
0xc0: {  	_ =	sfence.sel $0xFFFF  }
0xc1: {  	[dreg:$0x0] =	wrdreg $0xFFFFFFFF;
	(pc) =	sbr.abs _section_cstart, $3  }
0xc2: {  	[dreg:$0x1] =	wrdreg $0xFFFFFFFF  }
0xc3: {  	_ =	task.clear_ibuf [dreg:s7], $0x2FFFF;
	_ =	strace $0x9FFFFFFF  }
0xc4: {  	(tm) =	ssettm $0x7FFFFFFF  }
0xc5: {  	_ =	shalt  }
tec
execute0_lowered:
.L_overlay_start_1:
0x0: {  	(tag) =	ssettag $0x1  }
0x1: {  	s0 =	rddreg [dreg:$0x0]  }
0x2: {  	s1 =	srdreg.scid;
	s4 =	rddreg [dreg:$0x1]  }
0x3: {  	s10 =	stileid.u32;
	s2 =	rddreg [dreg:$0x2];
	s7 =	simm.s32 $0x0  }
0x4: {  	s15 =	simm.s32 $0x1;
	s17 =	simm.s32 $0x3;
	s20 =	simm.s32 $0x80  }
0x5: {  	s29 =	simm.s32 $0x7000;
	s13 =	simm.s32 $0x8800;
	s18 =	simm.s32 $0x5  }
0x6: {  	s1 =	sand.u32 $0x1, s1;
	s3 =	sshll.u32 s10, $0x1;
	s6 =	smul.u32 $0x2780, s10  }
0x7: {  	[smem:$0x7FF] =	sst s7;
	s9 =	smul.u32 $0x2710, s10;
	s24 =	sshll.u32 s10, $0x6  }
0x8: {  	s10 =	simm.s32 $0x5000;
	s5 =	sor.u32 s1, s3;
	s3 =	rddreg [dreg:$0x3]  }
0x9: {  	s21 =	smul.u32 $0x27800, s1;
	_ =	strace $0x80000047;
	s1 =	ssub.s32 $0x2, s1  }
0xa: {  	[dreg:$0x7] =	wrdreg s24;
	s26 =	sor.u32 $0x1C03, s24;
	s24 =	simm.s32 $0x6000  }
0xb: {  	s5 =	smul.u32 $0x2710, s5;
	s8 =	sshrl.u32 s1, $0x1;
	s23 =	sshrl.u32 s9, $0x3  }
0xc: {  	s25 =	sadd.s32 s9, s2;
	[dreg:$0x9] =	wrdreg s26;
	s7 =	sadd.s32 s6, s21  }
0xd: {  	s1 =	ssub.s32 s1, s8;
	s0 =	sadd.s32 s0, s23;
	s31 =	sshrl.u32 s25, $0x3  }
0xe: {  	s23 =	simm.s32 $0x8;
	s5 =	sshrl.u32 s5, $0x3;
	[dreg:$0x8] =	wrdreg s0  }
0xf: {  	s30 =	smax.u32 s1, $0x1;
	[dreg:$0xd] =	wrdreg s31;
	s5 =	sadd.s32 s5, s4  }
0x10: {  	s7 =	sshrl.u32 s7, $0x3;
	[dreg:$0xc] =	wrdreg s30;
	s22 =	sadd.s32 $0xC00, s5  }
0x11: {  	s4 =	sadd.s32 s7, s4;
	s5 =	sadd.s32 $0xA840, s5;
	[dreg:$0x5] =	wrdreg s22  }
0x12: {  	s0 =	simm.s32 $0x8000;
	s28 =	sadd.s32 $0x14600, s4;
	[dreg:$0x6] =	wrdreg s5  }
0x13: {  	s7 =	simm.s32 $0x11;
	s5 =	sadd.s32 s6, s3;
	[dreg:$0xb] =	wrdreg s28  }
0x14: {  	v0 =	vimm.s32 $0x0;
	v1 =	vimm.s32 $0x2710;
	v2 =	vimm.f32 $0.0e+00;
	s4 =	simm.s32 $0x0;
	s22 =	simm.s32 $0x7;
	[dreg:$0xa] =	wrdreg s5  }
.LBB2_1:
0x15: {  	[dreg:$0xe] =	wrdreg s4  }
0x16: {  	s25 =	rddreg [dreg:$0x5]  }
0x17: {  	s26 =	rddreg [dreg:$0x6]  }
0x18: {  	s28 =	rddreg [dreg:$0x8]  }
0x19: {  	s1 =	simm.s32 $0x0;
	s30 =	rddreg [dreg:$0x9]  }
0x1a: {  	[tilespmem:s1], [sflag:$0x1] =	stream.linear.gather [hbm4b:s25+s1], $0x2710, $0x38;
	[tilespmem:$0x10610] =	vst v63  }
0x1b: {  	s6 =	simm.s32 $0x2800;
	s31 =	rddreg [dreg:$0xd]  }
0x1c: {  	[tilespmem:s6], [sflag:$0x2] =	stream.linear.gather [hbm4b:s26+s1], $0x2710, $0x38;
	[tilespmem:$0x10610] =	vst v63  }
0x1d: {  	[spmem:s31], [sflag:s30] =	dma.local [hbm:s28], $0x4E2;
	[tilespmem:$0x2710] =	vst v0  }
0x1e: {  	[tilespmem:$0x4F10] =	vst v1  }
0x1f: {  	[tilespmem:$0x2720] =	vst v0  }
0x20: {  	[tilespmem:$0x4F20] =	vst v1  }
0x21: {  	[tilespmem:$0x2730] =	vst v0  }
0x22: {  	[tilespmem:$0x4F30] =	vst v1  }
0x23: {  	[tilespmem:$0x2740] =	vst v0  }
0x24: {  	[tilespmem:$0x4F40] =	vst v1  }
0x25: {  	[tilespmem:$0x2750] =	vst v0  }
0x26: {  	[tilespmem:$0x4F50] =	vst v1  }
0x27: {  	[tilespmem:$0x2760] =	vst v0  }
0x28: {  	[tilespmem:$0x4F60] =	vst v1  }
0x29: {  	[tilespmem:$0x2770] =	vst v0  }
0x2a: {  	[tilespmem:$0x4F70] =	vst v1  }
0x2b: {  	[tilespmem:$0x2780] =	vst v0  }
0x2c: {  	[tilespmem:$0x4F80] =	vst v1  }
0x2d: {  	[tilespmem:$0x2790] =	vst v0  }
0x2e: {  	[tilespmem:$0x4F90] =	vst v1  }
0x2f: {  	[tilespmem:$0x27A0] =	vst v0  }
0x30: {  	[tilespmem:$0x4FA0] =	vst v1  }
0x31: {  	[tilespmem:$0x27B0] =	vst v0  }
0x32: {  	[tilespmem:$0x4FB0] =	vst v1  }
0x33: {  	[tilespmem:$0x27C0] =	vst v0  }
0x34: {  	[tilespmem:$0x4FC0] =	vst v1  }
0x35: {  	[tilespmem:$0x27D0] =	vst v0  }
0x36: {  	[tilespmem:$0x4FD0] =	vst v1  }
0x37: {  	[tilespmem:$0x27E0] =	vst v0  }
0x38: {  	[tilespmem:$0x4FE0] =	vst v1  }
0x39: {  	[tilespmem:$0x27F0] =	vst v0  }
0x3a: {  	s4 =	simm.s32 $0x0;
	s1 =	simm.s32 $0x40;
	[tilespmem:$0x4FF0] =	vst v1  }
.LBB2_2:
0x3b: {  	p0 =	sne.s32 s1, $0x9DC0;
	[tilespmem:s4+$0x9000] =	vst v2;
	s4 =	smov.u32 s1;
	s1 =	sadd.s32 $0x40, s1  }
.Ltmp0:
0x3c: {  	(pc) =	sbr.rel @p0 .LBB2_2-.Ltmp0, $2  }
0x3d: {  	_ =	sdelay $0x2  }
0x3e: {  	s4 =	sshra.s32 s4, $0x2  }
0x3f: {  	[tilespmem:s4+$0x9000] =	vst v2  }
0x40: {  	_ =	swait.ge [sflag:s15], $0x2710  }
0x41: {  	[sflag:s15] =	ssyncset.done $0x0  }
0x42: {  	s1 =	simm.s32 $0x2;
	[sflag:s15] =	ssyncadd.s32 $0xFFFFD8F0  }
0x43: {  	_ =	swait.ge [sflag:s1], $0x2710  }
0x44: {  	[sflag:s1] =	ssyncset.done $0x0  }
0x45: {  	[sflag:s1] =	ssyncadd.s32 $0xFFFFD8F0  }
0x46: {  	_ =	swait.ge [sflag:s17], $0x4E2  }
0x47: {  	[sflag:s17] =	ssyncset.done $0x0  }
0x48: {  	s6 =	simm.s32 $0x9000;
	[sflag:s17] =	ssyncadd.s32 $0xFFFFFB1E  }
0x49: {  	[spmem:s5] =	stream.linear.scatter [tilespmem:s6], [sflag:$0x11], $0x2780, $0x38;
	[tilespmem:$0x10610] =	vst v63  }
0x4a: {  	_ =	swait.ge [sflag:s7], $0x2780  }
0x4b: {  	[sflag:s7] =	ssyncset.done $0x0  }
0x4c: {  	[sflag:s7] =	ssyncadd.s32 $0xFFFFD880  }
0x4d: {  	s7 =	simm.s32 $0x0;
	[bflag:$0x0] =	sbarrier.arrive $0xFFFF  }
0x4e: {  	[tilespmem:s10], [sflag:$0x1] =	stream.indirect.gather [spmem:s2], $0x10, s7, s20, $0xb8;
	[tilespmem:$0x10610] =	vst v63  }
0x4f: {  	s8 =	simm.s32 $0x5800  }
0x50: {  	[tilespmem:s8], [sflag:$0x2] =	stream.indirect.gather [spmem:s2], $0x10, s20, s20, $0xb8;
	[tilespmem:$0x10610] =	vst v63  }
0x51: {  	s9 =	simm.s32 $0x100  }
0x52: {  	[tilespmem:s24], [sflag:$0x3] =	stream.indirect.gather [spmem:s2], $0x10, s9, s20, $0xb8;
	[tilespmem:$0x10610] =	vst v63  }
0x53: {  	s11 =	simm.s32 $0x180;
	s12 =	simm.s32 $0x6800  }
0x54: {  	[tilespmem:s12], [sflag:$0x4] =	stream.indirect.gather [spmem:s2], $0x10, s11, s20, $0xb8;
	[tilespmem:$0x10610] =	vst v63  }
0x55: {  	s14 =	simm.s32 $0x200  }
0x56: {  	[tilespmem:s29], [sflag:$0x5] =	stream.indirect.gather [spmem:s2], $0x10, s14, s20, $0xb8;
	[tilespmem:$0x10610] =	vst v63  }
0x57: {  	s16 =	simm.s32 $0x280;
	s19 =	simm.s32 $0x7800;
	p0 =	por $0x1, $0x1  }
0x58: {  	[tilespmem:s19], [sflag:$0x6] =	stream.indirect.gather [spmem:s2], $0x10, s16, s20, $0xb8;
	[tilespmem:$0x10610] =	vst v63  }
0x59: {  	s21 =	simm.s32 $0x300;
	s1 =	simm.s32 @!p0 $0x10  }
0x5a: {  	[tilespmem:s0], [sflag:$0x7] =	stream.indirect.gather [spmem:s2], $0x10, s21, s20, $0xb8;
	[tilespmem:$0x10610] =	vst v63  }
0x5b: {  	_ =	swait.ge @!p0 [sflag:s1], $0x800  }
0x5c: {  	[sflag:s1] =	ssyncset.done @!p0 $0x0  }
0x5d: {  	s25 =	simm.s32 $0x380;
	[sflag:s1] =	ssyncadd.s32 @!p0 $0xFFFFF800  }
0x5e: {  	[tilespmem:s13], [sflag:$0x8] =	stream.indirect.gather [spmem:s2], $0x10, s25, s20, $0xb8;
	[tilespmem:$0x10610] =	vst v63  }
0x5f: {  	_ =	swait.ge [sflag:s15], $0x800  }
0x60: {  	p0 =	por $0x0, $0x0;
	[sflag:s15] =	ssyncset.done $0x0  }
0x61: {  	s26 =	simm.s32 $0x2800;
	s4 =	simm.s32 @p0 $0x2;
	[sflag:s15] =	ssyncadd.s32 $0xFFFFF800  }
0x62: {  	[spmem:s3] =	stream.indirect.scatter.add.f32 [tilespmem:s10], [sflag:$0x9], $0x10, s26, s20, $0xb8;
	[tilespmem:$0x10610] =	vst v63  }
0x63: {  	_ =	swait.ge @p0 [sflag:s4], $0x800  }
0x64: {  	s1 =	simm.s32 @p0 $0x2880;
	s8 =	simm.s32 @p0 $0x80;
	[sflag:s4] =	ssyncset.done @p0 $0x0  }
0x65: {  	s7 =	simm.s32 @p0 $0x5800;
	[sflag:s4] =	ssyncadd.s32 @p0 $0xFFFFF800;
	s4 =	simm.s32 @!p0 $0x9  }
0x66: {  	[spmem:s3] =	stream.indirect.scatter.add.f32 @p0 [tilespmem:s7], [sflag:$0xA], $0x10, s1, s8, $0xb8;
	[tilespmem:$0x10610] =	vst v63  }
0x67: {  	_ =	swait.ge @!p0 [sflag:s4], $0x800  }
0x68: {  	s1 =	simm.s32 @!p0 $0x400;
	[sflag:s4] =	ssyncset.done @!p0 $0x0  }
0x69: {  	s7 =	simm.s32 @!p0 $0x80;
	[sflag:s4] =	ssyncadd.s32 @!p0 $0xFFFFF800;
	s4 =	simm.s32 @!p0 $0x5000  }
0x6a: {  	[tilespmem:s4], [sflag:$0x1] =	stream.indirect.gather @!p0 [spmem:s2], $0x10, s1, s7, $0xb8;
	[tilespmem:$0x10610] =	vst v63  }
0x6b: {  	s1 =	simm.s32 @!p0 $0x2  }
0x6c: {  	_ =	swait.ge @!p0 [sflag:s1], $0x800  }
0x6d: {  	[sflag:s1] =	ssyncset.done @!p0 $0x0  }
0x6e: {  	s4 =	simm.s32 @!p0 $0x2880;
	[sflag:s1] =	ssyncadd.s32 @!p0 $0xFFFFF800;
	s1 =	simm.s32 @!p0 $0x5800  }
0x6f: {  	[spmem:s3] =	stream.indirect.scatter.add.f32 @!p0 [tilespmem:s1], [sflag:$0xA], $0x10, s4, s7, $0xb8;
	[tilespmem:$0x10610] =	vst v63  }
0x70: {  	s4 =	simm.s32 @!p0 $0xA  }
0x71: {  	_ =	swait.ge @!p0 [sflag:s4], $0x800  }
0x72: {  	[sflag:s4] =	ssyncset.done @!p0 $0x0  }
0x73: {  	[sflag:s4] =	ssyncadd.s32 @!p0 $0xFFFFF800;
	s4 =	simm.s32 @!p0 $0x480  }
0x74: {  	[tilespmem:s1], [sflag:$0x2] =	stream.indirect.gather @!p0 [spmem:s2], $0x10, s4, s7, $0xb8;
	[tilespmem:$0x10610] =	vst v63  }
0x75: {  	_ =	swait.ge [sflag:s17], $0x800  }
0x76: {  	[sflag:s17] =	ssyncset.done $0x0  }
0x77: {  	s28 =	simm.s32 $0x2900;
	s4 =	simm.s32 @p0 $0x4;
	[sflag:s17] =	ssyncadd.s32 $0xFFFFF800  }
0x78: {  	[spmem:s3] =	stream.indirect.scatter.add.f32 [tilespmem:s24], [sflag:$0xB], $0x10, s28, s20, $0xb8;
	[tilespmem:$0x10610] =	vst v63  }
0x79: {  	_ =	swait.ge @p0 [sflag:s4], $0x800  }
0x7a: {  	[sflag:s4] =	ssyncset.done @p0 $0x0  }
0x7b: {  	s1 =	simm.s32 @p0 $0x2980;
	[sflag:s4] =	ssyncadd.s32 @p0 $0xFFFFF800;
	s4 =	simm.s32 @p0 $0x6800  }
0x7c: {  	[spmem:s3] =	stream.indirect.scatter.add.f32 @p0 [tilespmem:s4], [sflag:$0xC], $0x10, s1, s8, $0xb8;
	[tilespmem:$0x10610] =	vst v63  }
0x7d: {  	s1 =	simm.s32 @!p0 $0xB  }
0x7e: {  	_ =	swait.ge @!p0 [sflag:s1], $0x800  }
0x7f: {  	[sflag:s1] =	ssyncset.done @!p0 $0x0  }
0x80: {  	s4 =	simm.s32 @!p0 $0x500;
	[sflag:s1] =	ssyncadd.s32 @!p0 $0xFFFFF800;
	s1 =	simm.s32 @!p0 $0x6000  }
0x81: {  	[tilespmem:s1], [sflag:$0x3] =	stream.indirect.gather @!p0 [spmem:s2], $0x10, s4, s7, $0xb8;
	[tilespmem:$0x10610] =	vst v63  }
0x82: {  	s1 =	simm.s32 @!p0 $0x4  }
0x83: {  	_ =	swait.ge @!p0 [sflag:s1], $0x800  }
0x84: {  	[sflag:s1] =	ssyncset.done @!p0 $0x0  }
0x85: {  	s4 =	simm.s32 @!p0 $0x2980;
	[sflag:s1] =	ssyncadd.s32 @!p0 $0xFFFFF800;
	s1 =	simm.s32 @!p0 $0x6800  }
0x86: {  	[spmem:s3] =	stream.indirect.scatter.add.f32 @!p0 [tilespmem:s1], [sflag:$0xC], $0x10, s4, s7, $0xb8;
	[tilespmem:$0x10610] =	vst v63  }
0x87: {  	s4 =	simm.s32 @!p0 $0xC  }
0x88: {  	_ =	swait.ge @!p0 [sflag:s4], $0x800  }
0x89: {  	[sflag:s4] =	ssyncset.done @!p0 $0x0  }
0x8a: {  	[sflag:s4] =	ssyncadd.s32 @!p0 $0xFFFFF800;
	s4 =	simm.s32 @!p0 $0x580  }
0x8b: {  	[tilespmem:s1], [sflag:$0x4] =	stream.indirect.gather @!p0 [spmem:s2], $0x10, s4, s7, $0xb8;
	[tilespmem:$0x10610] =	vst v63  }
0x8c: {  	_ =	swait.ge [sflag:s18], $0x800  }
0x8d: {  	[sflag:s18] =	ssyncset.done $0x0  }
0x8e: {  	s30 =	simm.s32 $0x2A00;
	s4 =	simm.s32 @p0 $0x6;
	[sflag:s18] =	ssyncadd.s32 $0xFFFFF800  }
0x8f: {  	[spmem:s3] =	stream.indirect.scatter.add.f32 [tilespmem:s29], [sflag:$0xD], $0x10, s30, s20, $0xb8;
	[tilespmem:$0x10610] =	vst v63  }
0x90: {  	_ =	swait.ge @p0 [sflag:s4], $0x800  }
0x91: {  	[sflag:s4] =	ssyncset.done @p0 $0x0  }
0x92: {  	s1 =	simm.s32 @p0 $0x2A80;
	[sflag:s4] =	ssyncadd.s32 @p0 $0xFFFFF800;
	s4 =	simm.s32 @p0 $0x7800  }
0x93: {  	[spmem:s3] =	stream.indirect.scatter.add.f32 @p0 [tilespmem:s4], [sflag:$0xE], $0x10, s1, s8, $0xb8;
	[tilespmem:$0x10610] =	vst v63  }
0x94: {  	s1 =	simm.s32 @!p0 $0xD  }
0x95: {  	_ =	swait.ge @!p0 [sflag:s1], $0x800  }
0x96: {  	[sflag:s1] =	ssyncset.done @!p0 $0x0  }
0x97: {  	s4 =	simm.s32 @!p0 $0x600;
	[sflag:s1] =	ssyncadd.s32 @!p0 $0xFFFFF800;
	s1 =	simm.s32 @!p0 $0x7000  }
0x98: {  	[tilespmem:s1], [sflag:$0x5] =	stream.indirect.gather @!p0 [spmem:s2], $0x10, s4, s7, $0xb8;
	[tilespmem:$0x10610] =	vst v63  }
0x99: {  	s1 =	simm.s32 @!p0 $0x6  }
0x9a: {  	_ =	swait.ge @!p0 [sflag:s1], $0x800  }
0x9b: {  	[sflag:s1] =	ssyncset.done @!p0 $0x0  }
0x9c: {  	s4 =	simm.s32 @!p0 $0x2A80;
	[sflag:s1] =	ssyncadd.s32 @!p0 $0xFFFFF800;
	s1 =	simm.s32 @!p0 $0x7800  }
0x9d: {  	[spmem:s3] =	stream.indirect.scatter.add.f32 @!p0 [tilespmem:s1], [sflag:$0xE], $0x10, s4, s7, $0xb8;
	[tilespmem:$0x10610] =	vst v63  }
0x9e: {  	s4 =	simm.s32 @!p0 $0xE  }
0x9f: {  	_ =	swait.ge @!p0 [sflag:s4], $0x800  }
0xa0: {  	[sflag:s4] =	ssyncset.done @!p0 $0x0  }
0xa1: {  	[sflag:s4] =	ssyncadd.s32 @!p0 $0xFFFFF800;
	s4 =	simm.s32 @!p0 $0x680  }
0xa2: {  	[tilespmem:s1], [sflag:$0x6] =	stream.indirect.gather @!p0 [spmem:s2], $0x10, s4, s7, $0xb8;
	[tilespmem:$0x10610] =	vst v63  }
0xa3: {  	_ =	swait.ge [sflag:s22], $0x800  }
0xa4: {  	[sflag:s22] =	ssyncset.done $0x0  }
0xa5: {  	s31 =	simm.s32 $0x2B00;
	s4 =	simm.s32 @!p0 $0xF;
	[sflag:s22] =	ssyncadd.s32 $0xFFFFF800  }
0xa6: {  	[spmem:s3] =	stream.indirect.scatter.add.f32 [tilespmem:s0], [sflag:$0xF], $0x10, s31, s20, $0xb8;
	[tilespmem:$0x10610] =	vst v63  }
0xa7: {  	_ =	swait.ge @!p0 [sflag:s4], $0x800  }
0xa8: {  	p1 =	por $0x0, $0x0;
	s9 =	simm.s32 $0x2B80;
	[sflag:s4] =	ssyncset.done @!p0 $0x0  }
0xa9: {  	s1 =	simm.s32 @!p0 $0x700;
	[sflag:s4] =	ssyncadd.s32 @!p0 $0xFFFFF800;
	s4 =	simm.s32 @!p0 $0x8000  }
0xaa: {  	[tilespmem:s4], [sflag:$0x7] =	stream.indirect.gather @!p0 [spmem:s2], $0x10, s1, s7, $0xb8;
	[tilespmem:$0x10610] =	vst v63  }
0xab: {  	s11 =	simm.s32 $0x1000;
	s8 =	simm.s32 $0x2000;
	_ =	swait.ge [sflag:s23], $0x800  }
.LBB2_4:
0xac: {  	s1 =	simm.s32 @!p1 $0x10  }
0xad: {  	[sflag:s23] =	ssyncset.done $0x0;
	s31 =	smov.u32 s8;
	s8 =	sadd.s32 $0x1000, s8  }
0xae: {  	p0 =	sne.s32 s8, $0xA000;
	[sflag:s23] =	ssyncadd.s32 $0xFFFFF800  }
0xaf: {  	[spmem:s3] =	stream.indirect.scatter.add.f32 [tilespmem:s13], [sflag:$0x10], $0x10, s9, s20, $0xb8;
	[tilespmem:$0x10610] =	vst v63  }
0xb0: {  	s12 =	sshra.s32 s11, $0x2;
	_ =	swait.ge @!p1 [sflag:s1], $0x800  }
0xb1: {  	s4 =	sadd.s32 $0x380, s12;
	s9 =	sadd.s32 $0x2B80, s12;
	[sflag:s1] =	ssyncset.done @!p1 $0x0  }
0xb2: {  	[sflag:s1] =	ssyncadd.s32 @!p1 $0xFFFFF800  }
0xb3: {  	[tilespmem:s13], [sflag:$0x8] =	stream.indirect.gather [spmem:s2], $0x10, s4, s20, $0xb8;
	[tilespmem:$0x10610] =	vst v63  }
0xb4: {  	_ =	swait.ge [sflag:s15], $0x800  }
0xb5: {  	s1 =	sadd.s32 $0x2800, s12;
	p1 =	seq.s32 s11, $0x9000;
	[sflag:s15] =	ssyncset.done $0x0  }
0xb6: {  	s4 =	simm.s32 @p1 $0x2;
	s7 =	sshra.s32 @p1 s11, $0x2;
	[sflag:s15] =	ssyncadd.s32 $0xFFFFF800  }
0xb7: {  	[spmem:s3] =	stream.indirect.scatter.add.f32 [tilespmem:s10], [sflag:$0x9], $0x10, s1, s20, $0xb8;
	[tilespmem:$0x10610] =	vst v63  }
0xb8: {  	s11 =	sshra.s32 @!p1 s11, $0x2;
	s1 =	sadd.s32 @p1 $0x2880, s7;
	_ =	swait.ge @p1 [sflag:s4], $0x800  }
0xb9: {  	s16 =	simm.s32 @p1 $0x80;
	s14 =	simm.s32 @p1 $0x5800;
	[sflag:s4] =	ssyncset.done @p1 $0x0  }
0xba: {  	s25 =	sadd.s32 @!p1 $0x400, s11;
	[sflag:s4] =	ssyncadd.s32 @p1 $0xFFFFF800;
	s4 =	simm.s32 @!p1 $0x9  }
0xbb: {  	[spmem:s3] =	stream.indirect.scatter.add.f32 @p1 [tilespmem:s14], [sflag:$0xA], $0x10, s1, s16, $0xb8;
	[tilespmem:$0x10610] =	vst v63  }
0xbc: {  	s26 =	sadd.s32 @!p1 $0x2880, s11;
	s5 =	sadd.s32 @!p1 $0x480, s11;
	_ =	swait.ge @!p1 [sflag:s4], $0x800  }
0xbd: {  	s14 =	simm.s32 @!p1 $0x80;
	s1 =	simm.s32 @!p1 $0x5000;
	[sflag:s4] =	ssyncset.done @!p1 $0x0  }
0xbe: {  	s28 =	simm.s32 @!p1 $0x2;
	s10 =	sadd.s32 @p1 $0x2980, s7;
	[sflag:s4] =	ssyncadd.s32 @!p1 $0xFFFFF800  }
0xbf: {  	[tilespmem:s1], [sflag:$0x1] =	stream.indirect.gather @!p1 [spmem:s2], $0x10, s25, s14, $0xb8;
	[tilespmem:$0x10610] =	vst v63  }
0xc0: {  	s19 =	sadd.s32 @!p1 $0x500, s11;
	s4 =	sadd.s32 @!p1 $0x2980, s11;
	_ =	swait.ge @!p1 [sflag:s28], $0x800  }
0xc1: {  	s6 =	simm.s32 @!p1 $0x5800;
	s1 =	sadd.s32 @!p1 $0x580, s11;
	[sflag:s28] =	ssyncset.done @!p1 $0x0  }
0xc2: {  	s21 =	simm.s32 @!p1 $0xA;
	s30 =	sadd.s32 @p1 $0x2A80, s7;
	[sflag:s28] =	ssyncadd.s32 @!p1 $0xFFFFF800  }
0xc3: {  	[spmem:s3] =	stream.indirect.scatter.add.f32 @!p1 [tilespmem:s6], [sflag:$0xA], $0x10, s26, s14, $0xb8;
	[tilespmem:$0x10610] =	vst v63  }
0xc4: {  	s28 =	sadd.s32 @!p1 $0x600, s11;
	s26 =	sadd.s32 @!p1 $0x2A80, s11;
	_ =	swait.ge @!p1 [sflag:s21], $0x800  }
0xc5: {  	s7 =	sadd.s32 @!p1 $0x700, s11;
	s25 =	sadd.s32 @!p1 $0x680, s11;
	[sflag:s21] =	ssyncset.done @!p1 $0x0  }
0xc6: {  	s11 =	smov.u32 s31;
	[sflag:s21] =	ssyncadd.s32 @!p1 $0xFFFFF800  }
0xc7: {  	[tilespmem:s6], [sflag:$0x2] =	stream.indirect.gather @!p1 [spmem:s2], $0x10, s5, s14, $0xb8;
	[tilespmem:$0x10610] =	vst v63  }
0xc8: {  	_ =	swait.ge [sflag:s17], $0x800  }
0xc9: {  	s5 =	sadd.s32 $0x2900, s12;
	[sflag:s17] =	ssyncset.done $0x0  }
0xca: {  	s6 =	simm.s32 @p1 $0x4;
	[sflag:s17] =	ssyncadd.s32 $0xFFFFF800  }
0xcb: {  	[spmem:s3] =	stream.indirect.scatter.add.f32 [tilespmem:s24], [sflag:$0xB], $0x10, s5, s20, $0xb8;
	[tilespmem:$0x10610] =	vst v63  }
0xcc: {  	_ =	swait.ge @p1 [sflag:s6], $0x800  }
0xcd: {  	s5 =	simm.s32 @p1 $0x6800;
	[sflag:s6] =	ssyncset.done @p1 $0x0  }
0xce: {  	[sflag:s6] =	ssyncadd.s32 @p1 $0xFFFFF800;
	s6 =	simm.s32 @!p1 $0xB  }
0xcf: {  	[spmem:s3] =	stream.indirect.scatter.add.f32 @p1 [tilespmem:s5], [sflag:$0xC], $0x10, s10, s16, $0xb8;
	[tilespmem:$0x10610] =	vst v63  }
0xd0: {  	s10 =	simm.s32 $0x5000  }
0xd1: {  	_ =	swait.ge @!p1 [sflag:s6], $0x800  }
0xd2: {  	s5 =	simm.s32 @!p1 $0x6000;
	[sflag:s6] =	ssyncset.done @!p1 $0x0  }
0xd3: {  	[sflag:s6] =	ssyncadd.s32 @!p1 $0xFFFFF800;
	s6 =	simm.s32 @!p1 $0x4  }
0xd4: {  	[tilespmem:s5], [sflag:$0x3] =	stream.indirect.gather @!p1 [spmem:s2], $0x10, s19, s14, $0xb8;
	[tilespmem:$0x10610] =	vst v63  }
0xd5: {  	_ =	swait.ge @!p1 [sflag:s6], $0x800  }
0xd6: {  	s5 =	simm.s32 @!p1 $0x6800;
	[sflag:s6] =	ssyncset.done @!p1 $0x0  }
0xd7: {  	[sflag:s6] =	ssyncadd.s32 @!p1 $0xFFFFF800;
	s6 =	simm.s32 @!p1 $0xC  }
0xd8: {  	[spmem:s3] =	stream.indirect.scatter.add.f32 @!p1 [tilespmem:s5], [sflag:$0xC], $0x10, s4, s14, $0xb8;
	[tilespmem:$0x10610] =	vst v63  }
0xd9: {  	_ =	swait.ge @!p1 [sflag:s6], $0x800  }
0xda: {  	[sflag:s6] =	ssyncset.done @!p1 $0x0  }
0xdb: {  	[sflag:s6] =	ssyncadd.s32 @!p1 $0xFFFFF800  }
0xdc: {  	[tilespmem:s5], [sflag:$0x4] =	stream.indirect.gather @!p1 [spmem:s2], $0x10, s1, s14, $0xb8;
	[tilespmem:$0x10610] =	vst v63  }
0xdd: {  	_ =	swait.ge [sflag:s18], $0x800  }
0xde: {  	s1 =	sadd.s32 $0x2A00, s12;
	[sflag:s18] =	ssyncset.done $0x0  }
0xdf: {  	s4 =	simm.s32 @p1 $0x6;
	[sflag:s18] =	ssyncadd.s32 $0xFFFFF800  }
0xe0: {  	[spmem:s3] =	stream.indirect.scatter.add.f32 [tilespmem:s29], [sflag:$0xD], $0x10, s1, s20, $0xb8;
	[tilespmem:$0x10610] =	vst v63  }
0xe1: {  	_ =	swait.ge @p1 [sflag:s4], $0x800  }
0xe2: {  	s1 =	simm.s32 @p1 $0x7800;
	[sflag:s4] =	ssyncset.done @p1 $0x0  }
0xe3: {  	[sflag:s4] =	ssyncadd.s32 @p1 $0xFFFFF800;
	s4 =	simm.s32 @!p1 $0xD  }
0xe4: {  	[spmem:s3] =	stream.indirect.scatter.add.f32 @p1 [tilespmem:s1], [sflag:$0xE], $0x10, s30, s16, $0xb8;
	[tilespmem:$0x10610] =	vst v63  }
0xe5: {  	_ =	swait.ge @!p1 [sflag:s4], $0x800  }
0xe6: {  	s1 =	simm.s32 @!p1 $0x7000;
	[sflag:s4] =	ssyncset.done @!p1 $0x0  }
0xe7: {  	[sflag:s4] =	ssyncadd.s32 @!p1 $0xFFFFF800;
	s4 =	simm.s32 @!p1 $0x6  }
0xe8: {  	[tilespmem:s1], [sflag:$0x5] =	stream.indirect.gather @!p1 [spmem:s2], $0x10, s28, s14, $0xb8;
	[tilespmem:$0x10610] =	vst v63  }
0xe9: {  	_ =	swait.ge @!p1 [sflag:s4], $0x800  }
0xea: {  	s1 =	simm.s32 @!p1 $0x7800;
	[sflag:s4] =	ssyncset.done @!p1 $0x0  }
0xeb: {  	[sflag:s4] =	ssyncadd.s32 @!p1 $0xFFFFF800;
	s4 =	simm.s32 @!p1 $0xE  }
0xec: {  	[spmem:s3] =	stream.indirect.scatter.add.f32 @!p1 [tilespmem:s1], [sflag:$0xE], $0x10, s26, s14, $0xb8;
	[tilespmem:$0x10610] =	vst v63  }
0xed: {  	_ =	swait.ge @!p1 [sflag:s4], $0x800  }
0xee: {  	[sflag:s4] =	ssyncset.done @!p1 $0x0  }
0xef: {  	[sflag:s4] =	ssyncadd.s32 @!p1 $0xFFFFF800  }
0xf0: {  	[tilespmem:s1], [sflag:$0x6] =	stream.indirect.gather @!p1 [spmem:s2], $0x10, s25, s14, $0xb8;
	[tilespmem:$0x10610] =	vst v63  }
0xf1: {  	_ =	swait.ge [sflag:s22], $0x800  }
0xf2: {  	s1 =	sadd.s32 $0x2B00, s12;
	[sflag:s22] =	ssyncset.done $0x0  }
0xf3: {  	s4 =	simm.s32 @!p1 $0xF;
	[sflag:s22] =	ssyncadd.s32 $0xFFFFF800  }
0xf4: {  	[spmem:s3] =	stream.indirect.scatter.add.f32 [tilespmem:s0], [sflag:$0xF], $0x10, s1, s20, $0xb8;
	[tilespmem:$0x10610] =	vst v63  }
.Ltmp1:
0xf5: {  	_ =	swait.ge @!p1 [sflag:s4], $0x800;
	(pc) =	sbr.rel @p0 .LBB2_4-.Ltmp1, $4  }
0xf6: {  	s1 =	simm.s32 @!p1 $0x8000;
	[sflag:s4] =	ssyncset.done @!p1 $0x0  }
0xf7: {  	[sflag:s4] =	ssyncadd.s32 @!p1 $0xFFFFF800  }
0xf8: {  	[tilespmem:s1], [sflag:$0x7] =	stream.indirect.gather @!p1 [spmem:s2], $0x10, s7, s14, $0xb8;
	[tilespmem:$0x10610] =	vst v63  }
0xf9: {  	p1 =	seq.s32 s11, $0x0;
	_ =	swait.ge [sflag:s23], $0x800  }
0xfa: {  	[sflag:s23] =	ssyncset.done $0x0  }
0xfb: {  	s1 =	simm.s32 @!p1 $0x10;
	[sflag:s23] =	ssyncadd.s32 $0xFFFFF800  }
0xfc: {  	[spmem:s3] =	stream.indirect.scatter.add.f32 [tilespmem:s13], [sflag:$0x10], $0x10, s9, s20, $0xb8;
	[tilespmem:$0x10610] =	vst v63  }
0xfd: {  	_ =	swait.ge @!p1 [sflag:s1], $0x800  }
0xfe: {  	s7 =	sshra.s32 s11, $0x2;
	[sflag:s1] =	ssyncset.done @!p1 $0x0  }
0xff: {  	s4 =	sadd.s32 $0x380, s7;
	[sflag:s1] =	ssyncadd.s32 @!p1 $0xFFFFF800  }
0x100: {  	[tilespmem:s13], [sflag:$0x8] =	stream.indirect.gather [spmem:s2], $0x10, s4, s20, $0xb8;
	[tilespmem:$0x10610] =	vst v63  }
0x101: {  	_ =	swait.ge [sflag:s15], $0x800  }
0x102: {  	p0 =	seq.s32 s11, $0x9000;
	[sflag:s15] =	ssyncset.done $0x0  }
0x103: {  	s30 =	sadd.s32 $0x2800, s7;
	s4 =	simm.s32 @p0 $0x2;
	[sflag:s15] =	ssyncadd.s32 $0xFFFFF800  }
0x104: {  	[spmem:s3] =	stream.indirect.scatter.add.f32 [tilespmem:s10], [sflag:$0x9], $0x10, s30, s20, $0xb8;
	[tilespmem:$0x10610] =	vst v63  }
0x105: {  	s12 =	sshra.s32 @p0 s11, $0x2;
	_ =	swait.ge @p0 [sflag:s4], $0x800  }
0x106: {  	s14 =	simm.s32 @p0 $0x80;
	s5 =	simm.s32 @p0 $0x5800;
	[sflag:s4] =	ssyncset.done @p0 $0x0  }
0x107: {  	s1 =	sadd.s32 @p0 $0x2880, s12;
	[sflag:s4] =	ssyncadd.s32 @p0 $0xFFFFF800;
	s4 =	simm.s32 @!p0 $0x9  }
0x108: {  	[spmem:s3] =	stream.indirect.scatter.add.f32 @p0 [tilespmem:s5], [sflag:$0xA], $0x10, s1, s14, $0xb8;
	[tilespmem:$0x10610] =	vst v63  }
0x109: {  	_ =	swait.ge @!p0 [sflag:s4], $0x800  }
0x10a: {  	s8 =	sshra.s32 @!p0 s11, $0x2;
	s9 =	simm.s32 @!p0 $0x80;
	[sflag:s4] =	ssyncset.done @!p0 $0x0  }
0x10b: {  	s1 =	sadd.s32 @!p0 $0x400, s8;
	[sflag:s4] =	ssyncadd.s32 @!p0 $0xFFFFF800;
	s4 =	simm.s32 @!p0 $0x5000  }
0x10c: {  	[tilespmem:s4], [sflag:$0x1] =	stream.indirect.gather @!p0 [spmem:s2], $0x10, s1, s9, $0xb8;
	[tilespmem:$0x10610] =	vst v63  }
0x10d: {  	s1 =	simm.s32 @!p0 $0x2  }
0x10e: {  	_ =	swait.ge @!p0 [sflag:s1], $0x800  }
0x10f: {  	[sflag:s1] =	ssyncset.done @!p0 $0x0  }
0x110: {  	s4 =	sadd.s32 @!p0 $0x2880, s8;
	[sflag:s1] =	ssyncadd.s32 @!p0 $0xFFFFF800;
	s1 =	simm.s32 @!p0 $0x5800  }
0x111: {  	[spmem:s3] =	stream.indirect.scatter.add.f32 @!p0 [tilespmem:s1], [sflag:$0xA], $0x10, s4, s9, $0xb8;
	[tilespmem:$0x10610] =	vst v63  }
0x112: {  	s4 =	simm.s32 @!p0 $0xA  }
0x113: {  	_ =	swait.ge @!p0 [sflag:s4], $0x800  }
0x114: {  	[sflag:s4] =	ssyncset.done @!p0 $0x0  }
0x115: {  	[sflag:s4] =	ssyncadd.s32 @!p0 $0xFFFFF800;
	s4 =	sadd.s32 @!p0 $0x480, s8  }
0x116: {  	[tilespmem:s1], [sflag:$0x2] =	stream.indirect.gather @!p0 [spmem:s2], $0x10, s4, s9, $0xb8;
	[tilespmem:$0x10610] =	vst v63  }
0x117: {  	_ =	swait.ge [sflag:s17], $0x800  }
0x118: {  	[sflag:s17] =	ssyncset.done $0x0  }
0x119: {  	s31 =	sadd.s32 $0x2900, s7;
	s4 =	simm.s32 @p0 $0x4;
	[sflag:s17] =	ssyncadd.s32 $0xFFFFF800  }
0x11a: {  	[spmem:s3] =	stream.indirect.scatter.add.f32 [tilespmem:s24], [sflag:$0xB], $0x10, s31, s20, $0xb8;
	[tilespmem:$0x10610] =	vst v63  }
0x11b: {  	_ =	swait.ge @p0 [sflag:s4], $0x800  }
0x11c: {  	[sflag:s4] =	ssyncset.done @p0 $0x0  }
0x11d: {  	s1 =	sadd.s32 @p0 $0x2980, s12;
	[sflag:s4] =	ssyncadd.s32 @p0 $0xFFFFF800;
	s4 =	simm.s32 @p0 $0x6800  }
0x11e: {  	[spmem:s3] =	stream.indirect.scatter.add.f32 @p0 [tilespmem:s4], [sflag:$0xC], $0x10, s1, s14, $0xb8;
	[tilespmem:$0x10610] =	vst v63  }
0x11f: {  	s1 =	simm.s32 @!p0 $0xB  }
0x120: {  	_ =	swait.ge @!p0 [sflag:s1], $0x800  }
0x121: {  	[sflag:s1] =	ssyncset.done @!p0 $0x0  }
0x122: {  	s4 =	sadd.s32 @!p0 $0x500, s8;
	[sflag:s1] =	ssyncadd.s32 @!p0 $0xFFFFF800;
	s1 =	simm.s32 @!p0 $0x6000  }
0x123: {  	[tilespmem:s1], [sflag:$0x3] =	stream.indirect.gather @!p0 [spmem:s2], $0x10, s4, s9, $0xb8;
	[tilespmem:$0x10610] =	vst v63  }
0x124: {  	s1 =	simm.s32 @!p0 $0x4  }
0x125: {  	_ =	swait.ge @!p0 [sflag:s1], $0x800  }
0x126: {  	[sflag:s1] =	ssyncset.done @!p0 $0x0  }
0x127: {  	s4 =	sadd.s32 @!p0 $0x2980, s8;
	[sflag:s1] =	ssyncadd.s32 @!p0 $0xFFFFF800;
	s1 =	simm.s32 @!p0 $0x6800  }
0x128: {  	[spmem:s3] =	stream.indirect.scatter.add.f32 @!p0 [tilespmem:s1], [sflag:$0xC], $0x10, s4, s9, $0xb8;
	[tilespmem:$0x10610] =	vst v63  }
0x129: {  	s4 =	simm.s32 @!p0 $0xC  }
0x12a: {  	_ =	swait.ge @!p0 [sflag:s4], $0x800  }
0x12b: {  	[sflag:s4] =	ssyncset.done @!p0 $0x0  }
0x12c: {  	[sflag:s4] =	ssyncadd.s32 @!p0 $0xFFFFF800;
	s4 =	sadd.s32 @!p0 $0x580, s8  }
0x12d: {  	[tilespmem:s1], [sflag:$0x4] =	stream.indirect.gather @!p0 [spmem:s2], $0x10, s4, s9, $0xb8;
	[tilespmem:$0x10610] =	vst v63  }
0x12e: {  	_ =	swait.ge [sflag:s18], $0x800  }
0x12f: {  	[sflag:s18] =	ssyncset.done $0x0  }
0x130: {  	s5 =	sadd.s32 $0x2A00, s7;
	s1 =	simm.s32 @p0 $0x6;
	[sflag:s18] =	ssyncadd.s32 $0xFFFFF800  }
0x131: {  	[spmem:s3] =	stream.indirect.scatter.add.f32 [tilespmem:s29], [sflag:$0xD], $0x10, s5, s20, $0xb8;
	[tilespmem:$0x10610] =	vst v63  }
0x132: {  	_ =	swait.ge @p0 [sflag:s1], $0x800  }
0x133: {  	[sflag:s1] =	ssyncset.done @p0 $0x0  }
0x134: {  	s4 =	sadd.s32 @p0 $0x2A80, s12;
	[sflag:s1] =	ssyncadd.s32 @p0 $0xFFFFF800;
	s1 =	simm.s32 @p0 $0x7800  }
0x135: {  	[spmem:s3] =	stream.indirect.scatter.add.f32 @p0 [tilespmem:s1], [sflag:$0xE], $0x10, s4, s14, $0xb8;
	[tilespmem:$0x10610] =	vst v63  }
0x136: {  	s1 =	simm.s32 @!p0 $0xD  }
0x137: {  	_ =	swait.ge @!p0 [sflag:s1], $0x800  }
0x138: {  	[sflag:s1] =	ssyncset.done @!p0 $0x0  }
0x139: {  	s4 =	sadd.s32 @!p0 $0x600, s8;
	[sflag:s1] =	ssyncadd.s32 @!p0 $0xFFFFF800;
	s1 =	simm.s32 @!p0 $0x7000  }
0x13a: {  	[tilespmem:s1], [sflag:$0x5] =	stream.indirect.gather @!p0 [spmem:s2], $0x10, s4, s9, $0xb8;
	[tilespmem:$0x10610] =	vst v63  }
0x13b: {  	s1 =	simm.s32 @!p0 $0x6  }
0x13c: {  	_ =	swait.ge @!p0 [sflag:s1], $0x800  }
0x13d: {  	[sflag:s1] =	ssyncset.done @!p0 $0x0  }
0x13e: {  	s4 =	sadd.s32 @!p0 $0x2A80, s8;
	[sflag:s1] =	ssyncadd.s32 @!p0 $0xFFFFF800;
	s1 =	simm.s32 @!p0 $0x7800  }
0x13f: {  	[spmem:s3] =	stream.indirect.scatter.add.f32 @!p0 [tilespmem:s1], [sflag:$0xE], $0x10, s4, s9, $0xb8;
	[tilespmem:$0x10610] =	vst v63  }
0x140: {  	s4 =	simm.s32 @!p0 $0xE  }
0x141: {  	_ =	swait.ge @!p0 [sflag:s4], $0x800  }
0x142: {  	[sflag:s4] =	ssyncset.done @!p0 $0x0  }
0x143: {  	[sflag:s4] =	ssyncadd.s32 @!p0 $0xFFFFF800;
	s4 =	sadd.s32 @!p0 $0x680, s8  }
0x144: {  	[tilespmem:s1], [sflag:$0x6] =	stream.indirect.gather @!p0 [spmem:s2], $0x10, s4, s9, $0xb8;
	[tilespmem:$0x10610] =	vst v63  }
0x145: {  	_ =	swait.ge [sflag:s22], $0x800  }
0x146: {  	[sflag:s22] =	ssyncset.done $0x0  }
0x147: {  	s6 =	sadd.s32 $0x2B00, s7;
	s1 =	simm.s32 @!p0 $0xF;
	[sflag:s22] =	ssyncadd.s32 $0xFFFFF800  }
0x148: {  	[spmem:s3] =	stream.indirect.scatter.add.f32 [tilespmem:s0], [sflag:$0xF], $0x10, s6, s20, $0xb8;
	[tilespmem:$0x10610] =	vst v63  }
0x149: {  	_ =	swait.ge @!p0 [sflag:s1], $0x800  }
0x14a: {  	[sflag:s1] =	ssyncset.done @!p0 $0x0  }
0x14b: {  	s4 =	sadd.s32 @!p0 $0x700, s8;
	[sflag:s1] =	ssyncadd.s32 @!p0 $0xFFFFF800;
	s1 =	simm.s32 @!p0 $0x8000  }
0x14c: {  	[tilespmem:s1], [sflag:$0x7] =	stream.indirect.gather @!p0 [spmem:s2], $0x10, s4, s9, $0xb8;
	[tilespmem:$0x10610] =	vst v63  }
0x14d: {  	_ =	swait.ge [sflag:s23], $0x800  }
0x14e: {  	[sflag:s23] =	ssyncset.done $0x0  }
0x14f: {  	s8 =	sadd.s32 $0x2B80, s7;
	s9 =	simm.s32 $0x9;
	[sflag:s23] =	ssyncadd.s32 $0xFFFFF800  }
0x150: {  	[spmem:s3] =	stream.indirect.scatter.add.f32 [tilespmem:s13], [sflag:$0x10], $0x10, s8, s20, $0xb8;
	[tilespmem:$0x10610] =	vst v63  }
0x151: {  	_ =	swait.ge [sflag:s9], $0x800  }
0x152: {  	[sflag:s9] =	ssyncset.done $0x0  }
0x153: {  	s11 =	simm.s32 $0xA;
	[sflag:s9] =	ssyncadd.s32 $0xFFFFF800  }
0x154: {  	_ =	swait.ge [sflag:s11], $0x800  }
0x155: {  	[sflag:s11] =	ssyncset.done $0x0  }
0x156: {  	s12 =	simm.s32 $0xB;
	[sflag:s11] =	ssyncadd.s32 $0xFFFFF800  }
0x157: {  	_ =	swait.ge [sflag:s12], $0x800  }
0x158: {  	[sflag:s12] =	ssyncset.done $0x0  }
0x159: {  	s14 =	simm.s32 $0xC;
	[sflag:s12] =	ssyncadd.s32 $0xFFFFF800  }
0x15a: {  	_ =	swait.ge [sflag:s14], $0x800  }
0x15b: {  	[sflag:s14] =	ssyncset.done $0x0  }
0x15c: {  	s16 =	simm.s32 $0xD;
	[sflag:s14] =	ssyncadd.s32 $0xFFFFF800  }
0x15d: {  	_ =	swait.ge [sflag:s16], $0x800  }
0x15e: {  	[sflag:s16] =	ssyncset.done $0x0  }
0x15f: {  	s19 =	simm.s32 $0xE;
	[sflag:s16] =	ssyncadd.s32 $0xFFFFF800  }
0x160: {  	_ =	swait.ge [sflag:s19], $0x800  }
0x161: {  	[sflag:s19] =	ssyncset.done $0x0  }
0x162: {  	s21 =	simm.s32 $0xF;
	[sflag:s19] =	ssyncadd.s32 $0xFFFFF800  }
0x163: {  	_ =	swait.ge [sflag:s21], $0x800  }
0x164: {  	[sflag:s21] =	ssyncset.done $0x0  }
0x165: {  	s25 =	simm.s32 $0x10;
	[sflag:s21] =	ssyncadd.s32 $0xFFFFF800  }
0x166: {  	_ =	swait.ge [sflag:s25], $0x800  }
0x167: {  	[sflag:s25] =	ssyncset.done $0x0  }
0x168: {  	[sflag:s25] =	ssyncadd.s32 $0xFFFFF800  }
0x169: {  	[bflag:$0x0] =	sbarrier.arrive $0xFFFF  }
0x16a: {  	s26 =	rddreg [dreg:$0x7]  }
0x16b: {  	s7 =	simm.s32 $0x11;
	s5 =	rddreg [dreg:$0xa]  }
0x16c: {  	s6 =	rddreg [dreg:$0xb];
	s1 =	sor.u32 $0x1C11, s26;
	s28 =	sshrl.u32 s5, $0x3  }
0x16d: {  	[hbm:s6], [sflag:s1] =	dma.local [spmem:s28], $0x4F0  }
0x16e: {  	_ =	swait.ge [sflag:s7], $0x4F0  }
0x16f: {  	s30 =	rddreg [dreg:$0xe]  }
0x170: {  	s31 =	rddreg [dreg:$0xc];
	s4 =	sadd.s32 $0x1, s30  }
0x171: {  	p0 =	sne.s32 s4, s31  }
.Ltmp2:
0x172: {  	_ = 	snop;
	(pc) =	sbr.rel @p0 .LBB2_1-.Ltmp2, $3  }
0x173: {  	_ =	sdelay $0x1  }
0x174: {  	[sflag:s7] =	ssyncset.done $0x0  }
0x175: {  	[sflag:s7] =	ssyncadd.s32 $0xFFFFFB10  }
0x176: {  	_ =	sfence.sel $0x180000  }
0x177: {  	[bflag:$0x0] =	sbarrier.arrive $0xFFFF  }
0x178: {  	_ =	strace $0x90000047  }
0x179: {  	s0 =	stileid.u32;
	[bflag:$0x2] =	sbarrier.arrive $0xFFFF  }
0x17a: {  	p0 =	sne.s32 s0, $0x0;
	s0 =	rddreg [dreg:$0x4]  }
0x17b: {  	s0 =	sadd.s32 @!p0 $0x100000, s0  }
0x17c: {  	[sflag:s0] =	ssyncadd.tile.s32 @!p0 $0x1;
	_ =	shalt  }
.Lfunc_end2:
_tile_overlayer_lowered:
.L_overlay_start_2:
0x17d: {  	(tag) =	ssettag $0x2  }
0x17e: {  	s0 =	rddreg [dreg:$0x0];
	s2 =	stileid.u32  }
0x17f: {  	s1 =	rddreg [dreg:$0x1];
	p0 =	sne.s32 s2, $0x0  }
0x180: {  	s3 =	rddreg [dreg:$0x2];
	[bflag:$0x3] =	sbarrier.arrive $0xFFFF;
	s2 =	simm.s32 @!p0 $0x1C11  }
0x181: {  	[timem:s3], [sflag:s2] =	dma.local @!p0 [hbm:s0], s1  }
0x182: {  	s0 =	simm.s32 @!p0 $0x11  }
0x183: {  	_ =	swait.ge @!p0 [sflag:s0], s1  }
0x184: {  	s1 =	ssub.s32 @!p0 $0x0, s1;
	[sflag:s0] =	ssyncset.done @!p0 $0x0  }
0x185: {  	[sflag:s0] =	ssyncadd.s32 @!p0 s1  }
0x186: {  	[bflag:$0x3] =	sbarrier.arrive $0xFFFF  }
0x187: {  	_ =	shalt  }

// kernel: kernel.9.cloned.1.call-start
scs
__scs_entry_jumppad:
0x0: {  	(pc) =	sbr.rel $0x88, $3  }
0x1: {  	(tag) =	ssettag $0x0;
	lr =	simm.s32 $0x1  }
0x2: {  	[smem:$0x3F9D] =	sst lr;
	_ =	strace $0xD0000000  }
0x3: {  	_ = 	snop  }
0x4: {  	_ = 	snop  }
0x5: {  	_ = 	snop  }
0x6: {  	_ = 	snop  }
0x7: {  	_ = 	snop  }
__scs_overlays_trampoline_lowered:
0x8: {  	[smem:$0x3FAC] =	sst s0  }
0x9: {  	[smem:$0x3FAD] =	sst s1  }
0xa: {  	[smem:$0x3FAE] =	sst s2  }
0xb: {  	[smem:$0x3FAF] =	sst s3  }
0xc: {  	[smem:$0x3FB0] =	sst s4  }
0xd: {  	[smem:$0x3FB1] =	sst s5  }
0xe: {  	[smem:$0x3FB2] =	sst s6  }
0xf: {  	[smem:$0x3FB3] =	sst s7  }
0x10: {  	[smem:$0x3FB4] =	sst s8  }
0x11: {  	[smem:$0x3FB5] =	sst s9;
	s0 =	simm.s32 @!p0 $0x0  }
0x12: {  	s1 =	sld [smem:$0x3F9B];
	s0 =	simm.s32 @p0 $0x1  }
0x13: {  	[smem:$0x3FB6] =	sst s0;
	s0 =	simm.s32 @!p1 $0x0  }
0x14: {  	s2 =	sld [smem:$0x3F9A];
	s0 =	simm.s32 @p1 $0x1  }
0x15: {  	[smem:$0x3FB7] =	sst s0;
	s0 =	simm.s32 @!p2 $0x0  }
0x16: {  	s3 =	sld [smem:$0x3FDB];
	s0 =	simm.s32 @p2 $0x1  }
0x17: {  	s4 =	simm.s32 $0x1BF5;
	[smem:$0x3FB9] =	sst s0  }
0x18: {  	s0 =	sld [smem:$0x3F9C];
	_ =	swait.ge [sflag:s4], $0x0  }
0x19: {  	s7 =	sld [smem:$0x3F9D]  }
0x1a: {  	s8 =	sadd.s32 $0xFFFFE003, lr  }
0x1b: {  	s9 =	sadd.s32 $0xFFFFFEF7, lr;
	s5 =	simm.s32 $0xFFFFFFFF;
	p2 =	slt.u32 s8, $0xFFFFF086  }
0x1c: {  	p1 =	slt.u32 s9, $0xF7A;
	s5 =	simm.s32 @!p2 $0x0  }
0x1d: {  	s5 =	simm.s32 @p1 $0x1;
	p0 =	seq.s32 s7, s2  }
0x1e: {  	s7 =	smul.u32 @!p0 $0xF7A, s2;
	p2 =	seq.s32 @!p0 s5, $0x0  }
0x1f: {  	s9 =	smul.u32 $0xF7A, s1;
	s8 =	simm.s32 @!p0 $0x1BF5;
	p2 =	por !p2, p0  }
0x20: {  	[sflag:s8] =	ssyncset.s32 @!p0 $0xFFFFF086;
	s6 =	sadd.s32 @!p0 s3, s7;
	s7 =	simm.s32 @!p0 $0x108  }
0x21: {  	s3 =	sadd.s32 s3, s9;
	s6 =	sadd.s32 @!p0 $0x88, s6;
	s7 =	simm.s32 @p2 $0x1082  }
0x22: {  	[simem:s7], [sflag:s8] =	dma.local @!p0 [hbm:s6], $0xF7A  }
0x23: {  	s9 =	sor.u32 $0xD0000000, s2;
	s6 =	simm.s32 $0x108;
	_ =	swait.ge @!p0 [sflag:s8], $0x0  }
0x24: {  	s3 =	sadd.s32 $0x88, s3;
	s6 =	simm.s32 @!p1 $0x1082;
	[sflag:s4] =	ssyncset.s32 $0xFFFFF086  }
0x25: {  	[simem:s6], [sflag:s4] =	dma.local [hbm:s3], $0xF7A  }
0x26: {  	[smem:$0x3F9D] =	sst s1;
	(tag) =	ssettag s2;
	_ =	strace s9  }
0x27: {  	s1 =	sld [smem:$0x3FAD]  }
0x28: {  	s2 =	sld [smem:$0x3FAE]  }
0x29: {  	s4 =	sld [smem:$0x3FB0]  }
0x2a: {  	p0 =	seq.s32 s5, $0x0;
	s5 =	sld [smem:$0x3FB1]  }
0x2b: {  	s6 =	sld [smem:$0x3FB2]  }
0x2c: {  	s7 =	sld [smem:$0x3FB3]  }
0x2d: {  	s3 =	simm.s32 $0x108;
	s8 =	sld [smem:$0x3FB4]  }
0x2e: {  	s3 =	simm.s32 @!p0 $0x1082;
	s9 =	sld [smem:$0x3FB5]  }
0x2f: {  	lr =	sadd.s32 s0, s3;
	s0 =	sld [smem:$0x3FAC]  }
0x30: {  	s3 =	sld [smem:$0x3FAF]  }
0x31: {  	[smem:$0x3FB8] =	sst s10  }
0x32: {  	s10 =	sld [smem:$0x3FB6];
	_ =	sdelay $0x3  }
0x33: {  	p0 =	seq.s32 s10, $0x1;
	s10 =	sld [smem:$0x3FB8];
	_ =	sdelay $0x3  }
0x34: {  	[smem:$0x3FB8] =	sst s10  }
0x35: {  	s10 =	sld [smem:$0x3FB7];
	_ =	sdelay $0x3  }
0x36: {  	p1 =	seq.s32 s10, $0x1;
	s10 =	sld [smem:$0x3FB8];
	_ =	sdelay $0x3  }
0x37: {  	[smem:$0x3FB8] =	sst s10  }
0x38: {  	s10 =	sld [smem:$0x3FB9]  }
0x39: {  	_ = 	snop;
	(pc) =	sbr.ind lr, $3  }
0x3a: {  	_ = 	snop  }
0x3b: {  	_ = 	snop  }
0x3c: {  	p2 =	seq.s32 s10, $0x1;
	s10 =	sld [smem:$0x3FB8]  }
0x3d: {  	_ =	shalt  }
0x3e: {  	_ =	shalt  }
0x3f: {  	_ =	shalt  }
0x40: {  	_ =	shalt  }
0x41: {  	_ =	shalt  }
0x42: {  	_ =	shalt  }
0x43: {  	_ =	shalt  }
0x44: {  	_ =	shalt  }
0x45: {  	_ =	shalt  }
0x46: {  	_ =	shalt  }
0x47: {  	_ =	shalt  }
0x48: {  	_ =	shalt  }
0x49: {  	_ =	shalt  }
0x4a: {  	_ =	shalt  }
0x4b: {  	_ =	shalt  }
0x4c: {  	_ =	shalt  }
0x4d: {  	_ =	shalt  }
0x4e: {  	_ =	shalt  }
0x4f: {  	_ =	shalt  }
0x50: {  	_ =	shalt  }
0x51: {  	_ =	shalt  }
0x52: {  	_ =	shalt  }
0x53: {  	_ =	shalt  }
0x54: {  	_ =	shalt  }
0x55: {  	_ =	shalt  }
0x56: {  	_ =	shalt  }
0x57: {  	_ =	shalt  }
0x58: {  	_ =	shalt  }
0x59: {  	_ =	shalt  }
0x5a: {  	_ =	shalt  }
0x5b: {  	_ =	shalt  }
0x5c: {  	_ =	shalt  }
0x5d: {  	_ =	shalt  }
0x5e: {  	_ =	shalt  }
0x5f: {  	_ =	shalt  }
0x60: {  	_ =	shalt  }
0x61: {  	_ =	shalt  }
0x62: {  	_ =	shalt  }
0x63: {  	_ =	shalt  }
0x64: {  	_ =	shalt  }
0x65: {  	_ =	shalt  }
0x66: {  	_ =	shalt  }
0x67: {  	_ =	shalt  }
0x68: {  	_ =	shalt  }
0x69: {  	_ =	shalt  }
0x6a: {  	_ =	shalt  }
0x6b: {  	_ =	shalt  }
0x6c: {  	_ =	shalt  }
0x6d: {  	_ =	shalt  }
0x6e: {  	_ =	shalt  }
0x6f: {  	_ =	shalt  }
0x70: {  	_ =	shalt  }
0x71: {  	_ =	shalt  }
0x72: {  	_ =	shalt  }
0x73: {  	_ =	shalt  }
0x74: {  	_ =	shalt  }
0x75: {  	_ =	shalt  }
0x76: {  	_ =	shalt  }
0x77: {  	_ =	shalt  }
0x78: {  	_ =	shalt  }
0x79: {  	_ =	shalt  }
0x7a: {  	_ =	shalt  }
0x7b: {  	_ =	shalt  }
0x7c: {  	_ =	shalt  }
0x7d: {  	_ =	shalt  }
0x7e: {  	_ =	shalt  }
0x7f: {  	_ =	shalt  }
0x80: {  	_ =	shalt  }
0x81: {  	_ =	shalt  }
0x82: {  	_ =	shalt  }
0x83: {  	_ =	shalt  }
0x84: {  	_ =	shalt  }
0x85: {  	_ =	shalt  }
0x86: {  	_ =	shalt  }
0x87: {  	_ =	shalt  }
.Lfunc_end0:
.L_simem_size_0:
called_computation.1_lowered:
.L_overlay_start_0:
0x88: {  	s2 =	sld [smem:$0x3FD9]  }
0x89: {  	s3 =	sld [smem:$0x3FFE];
	_ =	sdelay $0x1  }
0x8a: {  	s1 =	srdreg.scid  }
0x8b: {  	s0 =	sand.u32 $0x1, s1  }
0x8c: {  	s17 =	sshll.u32 s0, $0xA;
	s2 =	sadd.s32 s3, s2  }
0x8d: {  	s2 =	sadd.s32 s2, s17  }
0x8e: {  	[smem:$0x3FC4] =	sst s2  }
0x8f: {  	_ = 	snop  }
0x90: {  	s2 =	sld [smem:$0x3FD0];
	(tm) =	ssettm $0x1  }
0x91: {  	s18 =	sld [smem:$0x3FFB];
	_ =	sdelay $0x3  }
0x92: {  	_ =	strace s18  }
0x93: {  	s3 =	sld [smem:$0x3FFC];
	_ =	sdelay $0x3  }
0x94: {  	_ =	strace s3  }
0x95: {  	s3 =	sld [smem:$0x3FFD];
	_ =	sdelay $0x3  }
0x96: {  	_ =	strace s3  }
0x97: {  	_ =	strace $0x8FFFFFFF  }
0x98: {  	s19 =	sld [smem:$0x3FDB];
	_ =	sdelay $0x1  }
0x99: {  	s4 =	simm.s32 $_scs_section_size  }
0x9a: {  	s5 =	simm.s32 $_size__tile_overlayer_lowered;
	s6 =	simm.s32 $_tile_overlayer_lowered  }
0x9b: {  	s22 =	simm.s32 $0x1BFF;
	s21 =	sshll.u32 s6, $0x1;
	s3 =	sadd.s32 s4, s19  }
0x9c: {  	s7 =	simm.s32 $0x0;
	s20 =	sshll.u32 s5, $0x1;
	s5 =	sadd.s32 s21, s3  }
0x9d: {  	[timem:s7], [sflag:s22] =	dma.local [hbm:s5], s20  }
0x9e: {  	_ =	swait.ge [sflag:s22], s20  }
0x9f: {  	s4 =	ssub.s32 $0x0, s20;
	[sflag:s22] =	ssyncset.done $0x0  }
0xa0: {  	[sflag:s22] =	ssyncadd.s32 s4;
	_ =	sdelay $0x1  }
0xa1: {  	s23 =	simm.s32 $0x1B8B  }
0xa2: {  	_ =	swait.ge [sflag:s23], $0x1  }
0xa3: {  	[sflag:s23] =	ssyncset.done $0x0  }
0xa4: {  	s25 =	simm.s32 $0x1B8E;
	s24 =	sld [smem:$0x3FFE];
	[sflag:s23] =	ssyncadd.s32 $0xFFFFFFFF  }
0xa5: {  	s26 =	simm.s32 $execute0_lowered;
	[smem:$0x3FD2] =	sst s25  }
0xa6: {  	s5 =	sshll.u32 s26, $0x1;
	_ =	strace $0x80000049;
	[dreg:$0x1] =	wrdreg $0xFFFFFFFF  }
0xa7: {  	s28 =	simm.s32 $_size_execute0_lowered;
	s3 =	sadd.s32 s3, s5;
	[dreg:$0x0] =	wrdreg $0x0  }
0xa8: {  	s5 =	sshll.u32 s28, $0x1;
	[dreg:$0x2] =	wrdreg s3  }
0xa9: {  	[dreg:$0x3] =	wrdreg s5  }
0xaa: {  	[dreg:$0x4] =	wrdreg $0xC0  }
0xab: {  	_ =	task [dreg:s7], $0x5FFFF  }
0xac: {  	[dreg:$0x1] =	wrdreg $0xFFFFFFFF  }
0xad: {  	[dreg:$0x0] =	wrdreg $0x60  }
0xae: {  	[dreg:$0x2] =	wrdreg s24  }
0xaf: {  	[dreg:$0x3] =	wrdreg s2  }
0xb0: {  	[dreg:$0x4] =	wrdreg $0x12E000  }
0xb1: {  	[dreg:$0x5] =	wrdreg $0x106800  }
0xb2: {  	[dreg:$0x6] =	wrdreg $0x9  }
0xb3: {  	_ =	task.clear_ibuf [dreg:s7], $0x7FFFF;
	_ =	strace $0x90000049  }
0xb4: {  	s29 =	simm.s32 $0x9;
	_ =	strace $0x8000004B  }
0xb5: {  	_ =	swait.ge [sflag:s29], $0x1  }
0xb6: {  	[sflag:s29] =	ssyncadd.s32 $0xFFFFFFFF  }
0xb7: {  	_ =	strace $0x9000004B  }
0xb8: {  	_ =	sfence  }
0xb9: {  	s30 =	sld [smem:$0x0];
	_ =	sdelay $0x2  }
0xba: {  	s31 =	sshll.u32 s1, $0xD;
	s1 =	sshrl.u32 s1, $0x2  }
0xbb: {  	s3 =	sand.u32 $0x4000, s31;
	s1 =	sadd.s32 s1, s30  }
0xbc: {  	s0 =	sor.u32 s3, s0;
	s1 =	sshll.u32 s1, $0x11  }
0xbd: {  	s0 =	sor.u32 s1, s0  }
0xbe: {  	s0 =	sadd.s32 $0x8F2B, s0  }
0xbf: {  	[sflag:s0] =	ssyncadd.remote.s32 $0x1  }
0xc0: {  	_ =	sfence.sel $0xFFFF  }
0xc1: {  	[dreg:$0x0] =	wrdreg $0xFFFFFFFF;
	(pc) =	sbr.abs _section_cstart, $3  }
0xc2: {  	[dreg:$0x1] =	wrdreg $0xFFFFFFFF  }
0xc3: {  	_ =	task.clear_ibuf [dreg:s7], $0x2FFFF;
	_ =	strace $0x9FFFFFFF  }
0xc4: {  	(tm) =	ssettm $0x7FFFFFFF  }
0xc5: {  	_ =	shalt  }
tec
execute0_lowered:
.L_overlay_start_1:
0x0: {  	(tag) =	ssettag $0x1  }
0x1: {  	s0 =	rddreg [dreg:$0x0]  }
0x2: {  	s1 =	rddreg [dreg:$0x1]  }
0x3: {  	s2 =	rddreg [dreg:$0x2]  }
0x4: {  	s3 =	rddreg [dreg:$0x3]  }
0x5: {  	s4 =	stileid.u32;
	s5 =	srdreg.scid;
	s7 =	simm.s32 $0x0  }
0x6: {  	s16 =	simm.s32 $0x1;
	s18 =	simm.s32 $0x3;
	s31 =	simm.s32 $0x7000  }
0x7: {  	s28 =	simm.s32 $0x7;
	s29 =	simm.s32 $0x8;
	s5 =	sand.u32 $0x1, s5  }
0x8: {  	s6 =	sshll.u32 s4, $0x1;
	[smem:$0x7FF] =	sst s7;
	s20 =	smul.u32 $0x2710, s4  }
0x9: {  	s10 =	smul.u32 $0x2780, s4;
	s7 =	simm.s32 $0x11;
	s6 =	sor.u32 s5, s6  }
0xa: {  	_ =	strace $0x8000004A;
	s9 =	ssub.s32 $0x2, s5;
	s5 =	smul.u32 $0x27800, s5  }
0xb: {  	s6 =	smul.u32 $0x2710, s6;
	s8 =	sshrl.u32 s20, $0x3;
	s11 =	sshrl.u32 s9, $0x1  }
0xc: {  	s26 =	sadd.s32 s20, s2;
	s4 =	sadd.s32 s10, s3;
	s8 =	sadd.s32 s8, s0  }
0xd: {  	s21 =	ssub.s32 s9, s11;
	s23 =	sadd.s32 s10, s5;
	[dreg:$0x9] =	wrdreg s26  }
0xe: {  	s10 =	simm.s32 $0x5000;
	[dreg:$0xa] =	wrdreg s4;
	s24 =	sadd.s32 $0x14600, s8  }
0xf: {  	s26 =	simm.s32 $0x6000;
	s25 =	sadd.s32 $0x19500, s8;
	[dreg:$0x7] =	wrdreg s24  }
0x10: {  	s6 =	sshrl.u32 s6, $0x3;
	s30 =	smax.u32 s21, $0x1;
	[dreg:$0x8] =	wrdreg s25  }
0x11: {  	s21 =	simm.s32 $0x8000;
	s0 =	sadd.s32 s6, s0;
	[dreg:$0xc] =	wrdreg s30  }
0x12: {  	s6 =	simm.s32 $0xB780;
	s22 =	sadd.s32 $0xC00, s0;
	s0 =	sadd.s32 $0xA840, s0  }
0x13: {  	s24 =	simm.s32 $0x8800;
	[dreg:$0x6] =	wrdreg s0;
	s0 =	sshrl.u32 s23, $0x3  }
0x14: {  	s25 =	simm.s32 $0x5;
	[dreg:$0x5] =	wrdreg s22;
	s0 =	sadd.s32 s1, s0  }
0x15: {  	v0 =	vimm.s32 $0x0;
	v1 =	vimm.s32 $0x2710;
	v2 =	vimm.f32 $0.0e+00;
	s22 =	simm.s32 $0x80;
	s1 =	simm.s32 $0x0;
	[dreg:$0xb] =	wrdreg s0  }
.LBB2_1:
0x16: {  	s0 =	simm.s32 $0x0;
	s17 =	rddreg [dreg:$0x5]  }
0x17: {  	[tilespmem:s0], [sflag:$0x1] =	stream.linear.gather [hbm4b:s17+s0], $0x2710, $0x38;
	[tilespmem:$0x15510] =	vst v63  }
0x18: {  	s19 =	rddreg [dreg:$0x6];
	s5 =	simm.s32 $0x2800  }
0x19: {  	[tilespmem:s5], [sflag:$0x2] =	stream.linear.gather [hbm4b:s19+s0], $0x2710, $0x38;
	[tilespmem:$0x15510] =	vst v63  }
0x1a: {  	s20 =	rddreg [dreg:$0x7]  }
0x1b: {  	[tilespmem:s6], [sflag:$0x3] =	stream.linear.gather [hbm4b:s20+s0], $0x2710, $0x38;
	[tilespmem:$0x15510] =	vst v63  }
0x1c: {  	s23 =	rddreg [dreg:$0x8];
	s30 =	simm.s32 $0xDF00  }
0x1d: {  	[tilespmem:s30], [sflag:$0x4] =	stream.linear.gather [hbm4b:s23+s0], $0x2710, $0x38;
	[tilespmem:$0x15510] =	vst v63  }
0x1e: {  	[tilespmem:$0x2710] =	vst v0  }
0x1f: {  	[tilespmem:$0x4F10] =	vst v1  }
0x20: {  	[tilespmem:$0x2720] =	vst v0  }
0x21: {  	[tilespmem:$0x4F20] =	vst v1  }
0x22: {  	[tilespmem:$0x2730] =	vst v0  }
0x23: {  	[tilespmem:$0x4F30] =	vst v1  }
0x24: {  	[tilespmem:$0x2740] =	vst v0  }
0x25: {  	[tilespmem:$0x4F40] =	vst v1  }
0x26: {  	[tilespmem:$0x2750] =	vst v0  }
0x27: {  	[tilespmem:$0x4F50] =	vst v1  }
0x28: {  	[tilespmem:$0x2760] =	vst v0  }
0x29: {  	[tilespmem:$0x4F60] =	vst v1  }
0x2a: {  	[tilespmem:$0x2770] =	vst v0  }
0x2b: {  	[tilespmem:$0x4F70] =	vst v1  }
0x2c: {  	[tilespmem:$0x2780] =	vst v0  }
0x2d: {  	[tilespmem:$0x4F80] =	vst v1  }
0x2e: {  	[tilespmem:$0x2790] =	vst v0  }
0x2f: {  	[tilespmem:$0x4F90] =	vst v1  }
0x30: {  	[tilespmem:$0x27A0] =	vst v0  }
0x31: {  	[tilespmem:$0x4FA0] =	vst v1  }
0x32: {  	[tilespmem:$0x27B0] =	vst v0  }
0x33: {  	[tilespmem:$0x4FB0] =	vst v1  }
0x34: {  	[tilespmem:$0x27C0] =	vst v0  }
0x35: {  	[tilespmem:$0x4FC0] =	vst v1  }
0x36: {  	[tilespmem:$0x27D0] =	vst v0  }
0x37: {  	[tilespmem:$0x4FD0] =	vst v1  }
0x38: {  	[tilespmem:$0x27E0] =	vst v0  }
0x39: {  	[tilespmem:$0x4FE0] =	vst v1  }
0x3a: {  	[tilespmem:$0x27F0] =	vst v0  }
0x3b: {  	[dreg:$0xd] =	wrdreg s1;
	s1 =	simm.s32 $0x0;
	s0 =	simm.s32 $0x40;
	[tilespmem:$0x4FF0] =	vst v1  }
.LBB2_2:
0x3c: {  	p0 =	sne.s32 s0, $0x9DC0;
	[tilespmem:s1+$0x9000] =	vst v2;
	s1 =	smov.u32 s0;
	s0 =	sadd.s32 $0x40, s0  }
.Ltmp0:
0x3d: {  	(pc) =	sbr.rel @p0 .LBB2_2-.Ltmp0, $2  }
0x3e: {  	_ =	sdelay $0x2  }
0x3f: {  	s1 =	sshra.s32 s1, $0x2  }
0x40: {  	[tilespmem:s1+$0x9000] =	vst v2  }
0x41: {  	_ =	swait.ge [sflag:s16], $0x2710  }
0x42: {  	[sflag:s16] =	ssyncset.done $0x0  }
0x43: {  	s0 =	simm.s32 $0x2;
	[sflag:s16] =	ssyncadd.s32 $0xFFFFD8F0  }
0x44: {  	_ =	swait.ge [sflag:s0], $0x2710  }
0x45: {  	[sflag:s0] =	ssyncset.done $0x0  }
0x46: {  	[sflag:s0] =	ssyncadd.s32 $0xFFFFD8F0  }
0x47: {  	_ =	swait.ge [sflag:s18], $0x2710  }
0x48: {  	[sflag:s18] =	ssyncset.done $0x0  }
0x49: {  	s30 =	simm.s32 $0x4;
	[sflag:s18] =	ssyncadd.s32 $0xFFFFD8F0  }
0x4a: {  	_ =	swait.ge [sflag:s30], $0x2710  }
0x4b: {  	[sflag:s30] =	ssyncset.done $0x0  }
0x4c: {  	s0 =	simm.s32 $0x0;
	[sflag:s30] =	ssyncadd.s32 $0xFFFFD8F0  }
0x4d: {  	s1 =	simm.s32 $0x40;
	v3 =	vld [tilespmem:s0+$0xDF00]  }
.LBB2_4:
0x4e: {  	p0 =	sne.s32 s1, $0x9C00;
	v4 =	vld [tilespmem:s0+$0xB780];
	_ =	sdelay $0x3  }
.Ltmp1:
0x4f: {  	(pc) =	sbr.rel @p0 .LBB2_4-.Ltmp1, $3  }
0x50: {  	v3 =	vadd.f32 v3, v4;
	_ =	sdelay $0x1  }
0x51: {  	s5 =	sshra.s32 s1, $0x2;
	v4 =	vmax.f32 v3, $0.0e+00  }
0x52: {  	s1 =	sadd.s32 $0x40, s1;
	v3 =	vld [tilespmem:s5+$0xDF00];
	[tilespmem:s0+$0xB780] =	vst v4;
	s0 =	smov.u32 s5  }
0x53: {  	v4 =	vld [tilespmem:s0+$0xB780];
	_ =	sdelay $0x4  }
0x54: {  	v3 =	vadd.f32 v3, v4;
	_ =	sdelay $0x1  }
0x55: {  	v3 =	vmax.f32 v3, $0.0e+00  }
0x56: {  	s5 =	rddreg [dreg:$0x9];
	[tilespmem:s0+$0xB780] =	vst v3  }
0x57: {  	[spmem:s5] =	stream.linear.scatter [tilespmem:s6], [sflag:$0x11], $0x2710, $0x38;
	[tilespmem:$0x15510] =	vst v63  }
0x58: {  	_ =	swait.ge [sflag:s7], $0x2710  }
0x59: {  	[sflag:s7] =	ssyncset.done $0x0  }
0x5a: {  	s6 =	simm.s32 $0x9000;
	[sflag:s7] =	ssyncadd.s32 $0xFFFFD8F0  }
0x5b: {  	[spmem:s4] =	stream.linear.scatter [tilespmem:s6], [sflag:$0x11], $0x2780, $0x38;
	[tilespmem:$0x15510] =	vst v63  }
0x5c: {  	_ =	swait.ge [sflag:s7], $0x2780  }
0x5d: {  	[sflag:s7] =	ssyncset.done $0x0  }
0x5e: {  	[sflag:s7] =	ssyncadd.s32 $0xFFFFD880  }
0x5f: {  	s7 =	simm.s32 $0x0;
	[bflag:$0x0] =	sbarrier.arrive $0xFFFF  }
0x60: {  	[tilespmem:s10], [sflag:$0x1] =	stream.indirect.gather [spmem:s2], $0x10, s7, s22, $0xb8;
	[tilespmem:$0x15510] =	vst v63  }
0x61: {  	s8 =	simm.s32 $0x5800  }
0x62: {  	[tilespmem:s8], [sflag:$0x2] =	stream.indirect.gather [spmem:s2], $0x10, s22, s22, $0xb8;
	[tilespmem:$0x15510] =	vst v63  }
0x63: {  	s9 =	simm.s32 $0x100  }
0x64: {  	[tilespmem:s26], [sflag:$0x3] =	stream.indirect.gather [spmem:s2], $0x10, s9, s22, $0xb8;
	[tilespmem:$0x15510] =	vst v63  }
0x65: {  	s11 =	simm.s32 $0x180;
	s1 =	simm.s32 $0x6800  }
0x66: {  	[tilespmem:s1], [sflag:$0x4] =	stream.indirect.gather [spmem:s2], $0x10, s11, s22, $0xb8;
	[tilespmem:$0x15510] =	vst v63  }
0x67: {  	s12 =	simm.s32 $0x200  }
0x68: {  	[tilespmem:s31], [sflag:$0x5] =	stream.indirect.gather [spmem:s2], $0x10, s12, s22, $0xb8;
	[tilespmem:$0x15510] =	vst v63  }
0x69: {  	s13 =	simm.s32 $0x280;
	s14 =	simm.s32 $0x7800;
	p0 =	por $0x1, $0x1  }
0x6a: {  	[tilespmem:s14], [sflag:$0x6] =	stream.indirect.gather [spmem:s2], $0x10, s13, s22, $0xb8;
	[tilespmem:$0x15510] =	vst v63  }
0x6b: {  	s15 =	simm.s32 $0x300;
	s0 =	simm.s32 @!p0 $0x10  }
0x6c: {  	[tilespmem:s21], [sflag:$0x7] =	stream.indirect.gather [spmem:s2], $0x10, s15, s22, $0xb8;
	[tilespmem:$0x15510] =	vst v63  }
0x6d: {  	_ =	swait.ge @!p0 [sflag:s0], $0x800  }
0x6e: {  	[sflag:s0] =	ssyncset.done @!p0 $0x0  }
0x6f: {  	s17 =	simm.s32 $0x380;
	[sflag:s0] =	ssyncadd.s32 @!p0 $0xFFFFF800  }
0x70: {  	[tilespmem:s24], [sflag:$0x8] =	stream.indirect.gather [spmem:s2], $0x10, s17, s22, $0xb8;
	[tilespmem:$0x15510] =	vst v63  }
0x71: {  	_ =	swait.ge [sflag:s16], $0x800  }
0x72: {  	p0 =	por $0x0, $0x0;
	[sflag:s16] =	ssyncset.done $0x0  }
0x73: {  	s19 =	simm.s32 $0x2800;
	s5 =	simm.s32 @p0 $0x2;
	[sflag:s16] =	ssyncadd.s32 $0xFFFFF800  }
0x74: {  	[spmem:s3] =	stream.indirect.scatter.add.f32 [tilespmem:s10], [sflag:$0x9], $0x10, s19, s22, $0xb8;
	[tilespmem:$0x15510] =	vst v63  }
0x75: {  	_ =	swait.ge @p0 [sflag:s5], $0x800  }
0x76: {  	s0 =	simm.s32 @p0 $0x2880;
	s1 =	simm.s32 @p0 $0x80;
	[sflag:s5] =	ssyncset.done @p0 $0x0  }
0x77: {  	s6 =	simm.s32 @p0 $0x5800;
	[sflag:s5] =	ssyncadd.s32 @p0 $0xFFFFF800;
	s5 =	simm.s32 @!p0 $0x9  }
0x78: {  	[spmem:s3] =	stream.indirect.scatter.add.f32 @p0 [tilespmem:s6], [sflag:$0xA], $0x10, s0, s1, $0xb8;
	[tilespmem:$0x15510] =	vst v63  }
0x79: {  	_ =	swait.ge @!p0 [sflag:s5], $0x800  }
0x7a: {  	s6 =	simm.s32 @!p0 $0x400;
	[sflag:s5] =	ssyncset.done @!p0 $0x0  }
0x7b: {  	s0 =	simm.s32 @!p0 $0x80;
	[sflag:s5] =	ssyncadd.s32 @!p0 $0xFFFFF800;
	s5 =	simm.s32 @!p0 $0x5000  }
0x7c: {  	[tilespmem:s5], [sflag:$0x1] =	stream.indirect.gather @!p0 [spmem:s2], $0x10, s6, s0, $0xb8;
	[tilespmem:$0x15510] =	vst v63  }
0x7d: {  	s5 =	simm.s32 @!p0 $0x2  }
0x7e: {  	_ =	swait.ge @!p0 [sflag:s5], $0x800  }
0x7f: {  	[sflag:s5] =	ssyncset.done @!p0 $0x0  }
0x80: {  	s6 =	simm.s32 @!p0 $0x2880;
	[sflag:s5] =	ssyncadd.s32 @!p0 $0xFFFFF800;
	s5 =	simm.s32 @!p0 $0x5800  }
0x81: {  	[spmem:s3] =	stream.indirect.scatter.add.f32 @!p0 [tilespmem:s5], [sflag:$0xA], $0x10, s6, s0, $0xb8;
	[tilespmem:$0x15510] =	vst v63  }
0x82: {  	s6 =	simm.s32 @!p0 $0xA  }
0x83: {  	_ =	swait.ge @!p0 [sflag:s6], $0x800  }
0x84: {  	[sflag:s6] =	ssyncset.done @!p0 $0x0  }
0x85: {  	[sflag:s6] =	ssyncadd.s32 @!p0 $0xFFFFF800;
	s6 =	simm.s32 @!p0 $0x480  }
0x86: {  	[tilespmem:s5], [sflag:$0x2] =	stream.indirect.gather @!p0 [spmem:s2], $0x10, s6, s0, $0xb8;
	[tilespmem:$0x15510] =	vst v63  }
0x87: {  	_ =	swait.ge [sflag:s18], $0x800  }
0x88: {  	[sflag:s18] =	ssyncset.done $0x0  }
0x89: {  	s20 =	simm.s32 $0x2900;
	s6 =	simm.s32 @p0 $0x4;
	[sflag:s18] =	ssyncadd.s32 $0xFFFFF800  }
0x8a: {  	[spmem:s3] =	stream.indirect.scatter.add.f32 [tilespmem:s26], [sflag:$0xB], $0x10, s20, s22, $0xb8;
	[tilespmem:$0x15510] =	vst v63  }
0x8b: {  	_ =	swait.ge @p0 [sflag:s6], $0x800  }
0x8c: {  	[sflag:s6] =	ssyncset.done @p0 $0x0  }
0x8d: {  	s5 =	simm.s32 @p0 $0x2980;
	[sflag:s6] =	ssyncadd.s32 @p0 $0xFFFFF800;
	s6 =	simm.s32 @p0 $0x6800  }
0x8e: {  	[spmem:s3] =	stream.indirect.scatter.add.f32 @p0 [tilespmem:s6], [sflag:$0xC], $0x10, s5, s1, $0xb8;
	[tilespmem:$0x15510] =	vst v63  }
0x8f: {  	s5 =	simm.s32 @!p0 $0xB  }
0x90: {  	_ =	swait.ge @!p0 [sflag:s5], $0x800  }
0x91: {  	[sflag:s5] =	ssyncset.done @!p0 $0x0  }
0x92: {  	s6 =	simm.s32 @!p0 $0x500;
	[sflag:s5] =	ssyncadd.s32 @!p0 $0xFFFFF800;
	s5 =	simm.s32 @!p0 $0x6000  }
0x93: {  	[tilespmem:s5], [sflag:$0x3] =	stream.indirect.gather @!p0 [spmem:s2], $0x10, s6, s0, $0xb8;
	[tilespmem:$0x15510] =	vst v63  }
0x94: {  	s5 =	simm.s32 @!p0 $0x4  }
0x95: {  	_ =	swait.ge @!p0 [sflag:s5], $0x800  }
0x96: {  	[sflag:s5] =	ssyncset.done @!p0 $0x0  }
0x97: {  	s6 =	simm.s32 @!p0 $0x2980;
	[sflag:s5] =	ssyncadd.s32 @!p0 $0xFFFFF800;
	s5 =	simm.s32 @!p0 $0x6800  }
0x98: {  	[spmem:s3] =	stream.indirect.scatter.add.f32 @!p0 [tilespmem:s5], [sflag:$0xC], $0x10, s6, s0, $0xb8;
	[tilespmem:$0x15510] =	vst v63  }
0x99: {  	s6 =	simm.s32 @!p0 $0xC  }
0x9a: {  	_ =	swait.ge @!p0 [sflag:s6], $0x800  }
0x9b: {  	[sflag:s6] =	ssyncset.done @!p0 $0x0  }
0x9c: {  	[sflag:s6] =	ssyncadd.s32 @!p0 $0xFFFFF800;
	s6 =	simm.s32 @!p0 $0x580  }
0x9d: {  	[tilespmem:s5], [sflag:$0x4] =	stream.indirect.gather @!p0 [spmem:s2], $0x10, s6, s0, $0xb8;
	[tilespmem:$0x15510] =	vst v63  }
0x9e: {  	_ =	swait.ge [sflag:s25], $0x800  }
0x9f: {  	[sflag:s25] =	ssyncset.done $0x0  }
0xa0: {  	s23 =	simm.s32 $0x2A00;
	s6 =	simm.s32 @p0 $0x6;
	[sflag:s25] =	ssyncadd.s32 $0xFFFFF800  }
0xa1: {  	[spmem:s3] =	stream.indirect.scatter.add.f32 [tilespmem:s31], [sflag:$0xD], $0x10, s23, s22, $0xb8;
	[tilespmem:$0x15510] =	vst v63  }
0xa2: {  	_ =	swait.ge @p0 [sflag:s6], $0x800  }
0xa3: {  	[sflag:s6] =	ssyncset.done @p0 $0x0  }
0xa4: {  	s5 =	simm.s32 @p0 $0x2A80;
	[sflag:s6] =	ssyncadd.s32 @p0 $0xFFFFF800;
	s6 =	simm.s32 @p0 $0x7800  }
0xa5: {  	[spmem:s3] =	stream.indirect.scatter.add.f32 @p0 [tilespmem:s6], [sflag:$0xE], $0x10, s5, s1, $0xb8;
	[tilespmem:$0x15510] =	vst v63  }
0xa6: {  	s1 =	simm.s32 @!p0 $0xD  }
0xa7: {  	_ =	swait.ge @!p0 [sflag:s1], $0x800  }
0xa8: {  	[sflag:s1] =	ssyncset.done @!p0 $0x0  }
0xa9: {  	s5 =	simm.s32 @!p0 $0x600;
	[sflag:s1] =	ssyncadd.s32 @!p0 $0xFFFFF800;
	s1 =	simm.s32 @!p0 $0x7000  }
0xaa: {  	[tilespmem:s1], [sflag:$0x5] =	stream.indirect.gather @!p0 [spmem:s2], $0x10, s5, s0, $0xb8;
	[tilespmem:$0x15510] =	vst v63  }
0xab: {  	s1 =	simm.s32 @!p0 $0x6  }
0xac: {  	_ =	swait.ge @!p0 [sflag:s1], $0x800  }
0xad: {  	[sflag:s1] =	ssyncset.done @!p0 $0x0  }
0xae: {  	s5 =	simm.s32 @!p0 $0x2A80;
	[sflag:s1] =	ssyncadd.s32 @!p0 $0xFFFFF800;
	s1 =	simm.s32 @!p0 $0x7800  }
0xaf: {  	[spmem:s3] =	stream.indirect.scatter.add.f32 @!p0 [tilespmem:s1], [sflag:$0xE], $0x10, s5, s0, $0xb8;
	[tilespmem:$0x15510] =	vst v63  }
0xb0: {  	s5 =	simm.s32 @!p0 $0xE  }
0xb1: {  	_ =	swait.ge @!p0 [sflag:s5], $0x800  }
0xb2: {  	[sflag:s5] =	ssyncset.done @!p0 $0x0  }
0xb3: {  	[sflag:s5] =	ssyncadd.s32 @!p0 $0xFFFFF800;
	s5 =	simm.s32 @!p0 $0x680  }
0xb4: {  	[tilespmem:s1], [sflag:$0x6] =	stream.indirect.gather @!p0 [spmem:s2], $0x10, s5, s0, $0xb8;
	[tilespmem:$0x15510] =	vst v63  }
0xb5: {  	_ =	swait.ge [sflag:s28], $0x800  }
0xb6: {  	[sflag:s28] =	ssyncset.done $0x0  }
0xb7: {  	s30 =	simm.s32 $0x2B00;
	s5 =	simm.s32 @!p0 $0xF;
	[sflag:s28] =	ssyncadd.s32 $0xFFFFF800  }
0xb8: {  	[spmem:s3] =	stream.indirect.scatter.add.f32 [tilespmem:s21], [sflag:$0xF], $0x10, s30, s22, $0xb8;
	[tilespmem:$0x15510] =	vst v63  }
0xb9: {  	_ =	swait.ge @!p0 [sflag:s5], $0x800  }
0xba: {  	p1 =	por $0x0, $0x0;
	s8 =	simm.s32 $0x2000;
	[sflag:s5] =	ssyncset.done @!p0 $0x0  }
0xbb: {  	s1 =	simm.s32 @!p0 $0x700;
	[sflag:s5] =	ssyncadd.s32 @!p0 $0xFFFFF800;
	s5 =	simm.s32 @!p0 $0x8000  }
0xbc: {  	[tilespmem:s5], [sflag:$0x7] =	stream.indirect.gather @!p0 [spmem:s2], $0x10, s1, s0, $0xb8;
	[tilespmem:$0x15510] =	vst v63  }
0xbd: {  	s9 =	simm.s32 $0x2B80;
	s11 =	simm.s32 $0x1000;
	_ =	swait.ge [sflag:s29], $0x800  }
.LBB2_6:
0xbe: {  	s0 =	simm.s32 @!p1 $0x10  }
0xbf: {  	[sflag:s29] =	ssyncset.done $0x0;
	s5 =	smov.u32 s8;
	s8 =	sadd.s32 $0x1000, s8  }
0xc0: {  	p0 =	sne.s32 s8, $0xA000;
	[sflag:s29] =	ssyncadd.s32 $0xFFFFF800  }
0xc1: {  	[spmem:s3] =	stream.indirect.scatter.add.f32 [tilespmem:s24], [sflag:$0x10], $0x10, s9, s22, $0xb8;
	[tilespmem:$0x15510] =	vst v63  }
0xc2: {  	s12 =	sshra.s32 s11, $0x2;
	_ =	swait.ge @!p1 [sflag:s0], $0x800  }
0xc3: {  	s1 =	sadd.s32 $0x380, s12;
	s9 =	sadd.s32 $0x2B80, s12;
	[sflag:s0] =	ssyncset.done @!p1 $0x0  }
0xc4: {  	[sflag:s0] =	ssyncadd.s32 @!p1 $0xFFFFF800  }
0xc5: {  	[tilespmem:s24], [sflag:$0x8] =	stream.indirect.gather [spmem:s2], $0x10, s1, s22, $0xb8;
	[tilespmem:$0x15510] =	vst v63  }
0xc6: {  	_ =	swait.ge [sflag:s16], $0x800  }
0xc7: {  	s0 =	sadd.s32 $0x2800, s12;
	p1 =	seq.s32 s11, $0x9000;
	[sflag:s16] =	ssyncset.done $0x0  }
0xc8: {  	s1 =	simm.s32 @p1 $0x2;
	s13 =	sshra.s32 @p1 s11, $0x2;
	[sflag:s16] =	ssyncadd.s32 $0xFFFFF800  }
0xc9: {  	[spmem:s3] =	stream.indirect.scatter.add.f32 [tilespmem:s10], [sflag:$0x9], $0x10, s0, s22, $0xb8;
	[tilespmem:$0x15510] =	vst v63  }
0xca: {  	s11 =	sshra.s32 @!p1 s11, $0x2;
	s0 =	sadd.s32 @p1 $0x2880, s13;
	_ =	swait.ge @p1 [sflag:s1], $0x800  }
0xcb: {  	s30 =	simm.s32 @p1 $0x80;
	s6 =	simm.s32 @p1 $0x5800;
	[sflag:s1] =	ssyncset.done @p1 $0x0  }
0xcc: {  	s14 =	sadd.s32 @!p1 $0x400, s11;
	[sflag:s1] =	ssyncadd.s32 @p1 $0xFFFFF800;
	s1 =	simm.s32 @!p1 $0x9  }
0xcd: {  	[spmem:s3] =	stream.indirect.scatter.add.f32 @p1 [tilespmem:s6], [sflag:$0xA], $0x10, s0, s30, $0xb8;
	[tilespmem:$0x15510] =	vst v63  }
0xce: {  	s4 =	sadd.s32 @!p1 $0x480, s11;
	s0 =	sadd.s32 @!p1 $0x2880, s11;
	_ =	swait.ge @!p1 [sflag:s1], $0x800  }
0xcf: {  	s17 =	simm.s32 @!p1 $0x80;
	s6 =	simm.s32 @!p1 $0x5000;
	[sflag:s1] =	ssyncset.done @!p1 $0x0  }
0xd0: {  	s10 =	sadd.s32 @p1 $0x2980, s13;
	[sflag:s1] =	ssyncadd.s32 @!p1 $0xFFFFF800;
	s1 =	simm.s32 @!p1 $0x2  }
0xd1: {  	[tilespmem:s6], [sflag:$0x1] =	stream.indirect.gather @!p1 [spmem:s2], $0x10, s14, s17, $0xb8;
	[tilespmem:$0x15510] =	vst v63  }
0xd2: {  	s20 =	sadd.s32 @!p1 $0x500, s11;
	s6 =	sadd.s32 @!p1 $0x2980, s11;
	_ =	swait.ge @!p1 [sflag:s1], $0x800  }
0xd3: {  	s7 =	simm.s32 @!p1 $0x5800;
	s14 =	sadd.s32 @!p1 $0x580, s11;
	[sflag:s1] =	ssyncset.done @!p1 $0x0  }
0xd4: {  	s23 =	simm.s32 @!p1 $0xA;
	[sflag:s1] =	ssyncadd.s32 @!p1 $0xFFFFF800;
	s1 =	sadd.s32 @p1 $0x2A80, s13  }
0xd5: {  	[spmem:s3] =	stream.indirect.scatter.add.f32 @!p1 [tilespmem:s7], [sflag:$0xA], $0x10, s0, s17, $0xb8;
	[tilespmem:$0x15510] =	vst v63  }
0xd6: {  	s15 =	sadd.s32 @!p1 $0x600, s11;
	s13 =	sadd.s32 @!p1 $0x2A80, s11;
	_ =	swait.ge @!p1 [sflag:s23], $0x800  }
0xd7: {  	s19 =	sadd.s32 @!p1 $0x700, s11;
	s0 =	sadd.s32 @!p1 $0x680, s11;
	[sflag:s23] =	ssyncset.done @!p1 $0x0  }
0xd8: {  	s11 =	smov.u32 s5;
	[sflag:s23] =	ssyncadd.s32 @!p1 $0xFFFFF800  }
0xd9: {  	[tilespmem:s7], [sflag:$0x2] =	stream.indirect.gather @!p1 [spmem:s2], $0x10, s4, s17, $0xb8;
	[tilespmem:$0x15510] =	vst v63  }
0xda: {  	_ =	swait.ge [sflag:s18], $0x800  }
0xdb: {  	s4 =	sadd.s32 $0x2900, s12;
	[sflag:s18] =	ssyncset.done $0x0  }
0xdc: {  	s5 =	simm.s32 @p1 $0x4;
	[sflag:s18] =	ssyncadd.s32 $0xFFFFF800  }
0xdd: {  	[spmem:s3] =	stream.indirect.scatter.add.f32 [tilespmem:s26], [sflag:$0xB], $0x10, s4, s22, $0xb8;
	[tilespmem:$0x15510] =	vst v63  }
0xde: {  	_ =	swait.ge @p1 [sflag:s5], $0x800  }
0xdf: {  	s4 =	simm.s32 @p1 $0x6800;
	[sflag:s5] =	ssyncset.done @p1 $0x0  }
0xe0: {  	[sflag:s5] =	ssyncadd.s32 @p1 $0xFFFFF800;
	s5 =	simm.s32 @!p1 $0xB  }
0xe1: {  	[spmem:s3] =	stream.indirect.scatter.add.f32 @p1 [tilespmem:s4], [sflag:$0xC], $0x10, s10, s30, $0xb8;
	[tilespmem:$0x15510] =	vst v63  }
0xe2: {  	s10 =	simm.s32 $0x5000  }
0xe3: {  	_ =	swait.ge @!p1 [sflag:s5], $0x800  }
0xe4: {  	s4 =	simm.s32 @!p1 $0x6000;
	[sflag:s5] =	ssyncset.done @!p1 $0x0  }
0xe5: {  	[sflag:s5] =	ssyncadd.s32 @!p1 $0xFFFFF800;
	s5 =	simm.s32 @!p1 $0x4  }
0xe6: {  	[tilespmem:s4], [sflag:$0x3] =	stream.indirect.gather @!p1 [spmem:s2], $0x10, s20, s17, $0xb8;
	[tilespmem:$0x15510] =	vst v63  }
0xe7: {  	_ =	swait.ge @!p1 [sflag:s5], $0x800  }
0xe8: {  	s4 =	simm.s32 @!p1 $0x6800;
	[sflag:s5] =	ssyncset.done @!p1 $0x0  }
0xe9: {  	[sflag:s5] =	ssyncadd.s32 @!p1 $0xFFFFF800;
	s5 =	simm.s32 @!p1 $0xC  }
0xea: {  	[spmem:s3] =	stream.indirect.scatter.add.f32 @!p1 [tilespmem:s4], [sflag:$0xC], $0x10, s6, s17, $0xb8;
	[tilespmem:$0x15510] =	vst v63  }
0xeb: {  	_ =	swait.ge @!p1 [sflag:s5], $0x800  }
0xec: {  	[sflag:s5] =	ssyncset.done @!p1 $0x0  }
0xed: {  	[sflag:s5] =	ssyncadd.s32 @!p1 $0xFFFFF800  }
0xee: {  	[tilespmem:s4], [sflag:$0x4] =	stream.indirect.gather @!p1 [spmem:s2], $0x10, s14, s17, $0xb8;
	[tilespmem:$0x15510] =	vst v63  }
0xef: {  	_ =	swait.ge [sflag:s25], $0x800  }
0xf0: {  	s4 =	sadd.s32 $0x2A00, s12;
	[sflag:s25] =	ssyncset.done $0x0  }
0xf1: {  	s5 =	simm.s32 @p1 $0x6;
	[sflag:s25] =	ssyncadd.s32 $0xFFFFF800  }
0xf2: {  	[spmem:s3] =	stream.indirect.scatter.add.f32 [tilespmem:s31], [sflag:$0xD], $0x10, s4, s22, $0xb8;
	[tilespmem:$0x15510] =	vst v63  }
0xf3: {  	_ =	swait.ge @p1 [sflag:s5], $0x800  }
0xf4: {  	s4 =	simm.s32 @p1 $0x7800;
	[sflag:s5] =	ssyncset.done @p1 $0x0  }
0xf5: {  	[sflag:s5] =	ssyncadd.s32 @p1 $0xFFFFF800;
	s5 =	simm.s32 @!p1 $0xD  }
0xf6: {  	[spmem:s3] =	stream.indirect.scatter.add.f32 @p1 [tilespmem:s4], [sflag:$0xE], $0x10, s1, s30, $0xb8;
	[tilespmem:$0x15510] =	vst v63  }
0xf7: {  	_ =	swait.ge @!p1 [sflag:s5], $0x800  }
0xf8: {  	s1 =	simm.s32 @!p1 $0x7000;
	[sflag:s5] =	ssyncset.done @!p1 $0x0  }
0xf9: {  	s4 =	simm.s32 @!p1 $0x6;
	[sflag:s5] =	ssyncadd.s32 @!p1 $0xFFFFF800  }
0xfa: {  	[tilespmem:s1], [sflag:$0x5] =	stream.indirect.gather @!p1 [spmem:s2], $0x10, s15, s17, $0xb8;
	[tilespmem:$0x15510] =	vst v63  }
0xfb: {  	_ =	swait.ge @!p1 [sflag:s4], $0x800  }
0xfc: {  	s1 =	simm.s32 @!p1 $0x7800;
	[sflag:s4] =	ssyncset.done @!p1 $0x0  }
0xfd: {  	[sflag:s4] =	ssyncadd.s32 @!p1 $0xFFFFF800;
	s4 =	simm.s32 @!p1 $0xE  }
0xfe: {  	[spmem:s3] =	stream.indirect.scatter.add.f32 @!p1 [tilespmem:s1], [sflag:$0xE], $0x10, s13, s17, $0xb8;
	[tilespmem:$0x15510] =	vst v63  }
0xff: {  	_ =	swait.ge @!p1 [sflag:s4], $0x800  }
0x100: {  	[sflag:s4] =	ssyncset.done @!p1 $0x0  }
0x101: {  	[sflag:s4] =	ssyncadd.s32 @!p1 $0xFFFFF800  }
0x102: {  	[tilespmem:s1], [sflag:$0x6] =	stream.indirect.gather @!p1 [spmem:s2], $0x10, s0, s17, $0xb8;
	[tilespmem:$0x15510] =	vst v63  }
0x103: {  	_ =	swait.ge [sflag:s28], $0x800  }
0x104: {  	s0 =	sadd.s32 $0x2B00, s12;
	[sflag:s28] =	ssyncset.done $0x0  }
0x105: {  	s1 =	simm.s32 @!p1 $0xF;
	[sflag:s28] =	ssyncadd.s32 $0xFFFFF800  }
0x106: {  	[spmem:s3] =	stream.indirect.scatter.add.f32 [tilespmem:s21], [sflag:$0xF], $0x10, s0, s22, $0xb8;
	[tilespmem:$0x15510] =	vst v63  }
.Ltmp2:
0x107: {  	_ =	swait.ge @!p1 [sflag:s1], $0x800;
	(pc) =	sbr.rel @p0 .LBB2_6-.Ltmp2, $4  }
0x108: {  	s0 =	simm.s32 @!p1 $0x8000;
	[sflag:s1] =	ssyncset.done @!p1 $0x0  }
0x109: {  	[sflag:s1] =	ssyncadd.s32 @!p1 $0xFFFFF800  }
0x10a: {  	[tilespmem:s0], [sflag:$0x7] =	stream.indirect.gather @!p1 [spmem:s2], $0x10, s19, s17, $0xb8;
	[tilespmem:$0x15510] =	vst v63  }
0x10b: {  	p1 =	seq.s32 s11, $0x0;
	_ =	swait.ge [sflag:s29], $0x800  }
0x10c: {  	[sflag:s29] =	ssyncset.done $0x0  }
0x10d: {  	s0 =	simm.s32 @!p1 $0x10;
	[sflag:s29] =	ssyncadd.s32 $0xFFFFF800  }
0x10e: {  	[spmem:s3] =	stream.indirect.scatter.add.f32 [tilespmem:s24], [sflag:$0x10], $0x10, s9, s22, $0xb8;
	[tilespmem:$0x15510] =	vst v63  }
0x10f: {  	_ =	swait.ge @!p1 [sflag:s0], $0x800  }
0x110: {  	s8 =	sshra.s32 s11, $0x2;
	[sflag:s0] =	ssyncset.done @!p1 $0x0  }
0x111: {  	s1 =	sadd.s32 $0x380, s8;
	[sflag:s0] =	ssyncadd.s32 @!p1 $0xFFFFF800  }
0x112: {  	[tilespmem:s24], [sflag:$0x8] =	stream.indirect.gather [spmem:s2], $0x10, s1, s22, $0xb8;
	[tilespmem:$0x15510] =	vst v63  }
0x113: {  	_ =	swait.ge [sflag:s16], $0x800  }
0x114: {  	p0 =	seq.s32 s11, $0x9000;
	[sflag:s16] =	ssyncset.done $0x0  }
0x115: {  	s20 =	sadd.s32 $0x2800, s8;
	s4 =	simm.s32 @p0 $0x2;
	[sflag:s16] =	ssyncadd.s32 $0xFFFFF800  }
0x116: {  	[spmem:s3] =	stream.indirect.scatter.add.f32 [tilespmem:s10], [sflag:$0x9], $0x10, s20, s22, $0xb8;
	[tilespmem:$0x15510] =	vst v63  }
0x117: {  	s5 =	simm.s32 @p0 $0x80;
	_ =	swait.ge @p0 [sflag:s4], $0x800  }
0x118: {  	s6 =	simm.s32 @p0 $0x5800;
	s1 =	sshra.s32 @p0 s11, $0x2;
	[sflag:s4] =	ssyncset.done @p0 $0x0  }
0x119: {  	s0 =	sadd.s32 @p0 $0x2880, s1;
	[sflag:s4] =	ssyncadd.s32 @p0 $0xFFFFF800;
	s4 =	simm.s32 @!p0 $0x9  }
0x11a: {  	[spmem:s3] =	stream.indirect.scatter.add.f32 @p0 [tilespmem:s6], [sflag:$0xA], $0x10, s0, s5, $0xb8;
	[tilespmem:$0x15510] =	vst v63  }
0x11b: {  	_ =	swait.ge @!p0 [sflag:s4], $0x800  }
0x11c: {  	s9 =	simm.s32 @!p0 $0x80;
	s0 =	sshra.s32 @!p0 s11, $0x2;
	[sflag:s4] =	ssyncset.done @!p0 $0x0  }
0x11d: {  	s6 =	sadd.s32 @!p0 $0x400, s0;
	[sflag:s4] =	ssyncadd.s32 @!p0 $0xFFFFF800;
	s4 =	simm.s32 @!p0 $0x5000  }
0x11e: {  	[tilespmem:s4], [sflag:$0x1] =	stream.indirect.gather @!p0 [spmem:s2], $0x10, s6, s9, $0xb8;
	[tilespmem:$0x15510] =	vst v63  }
0x11f: {  	s4 =	simm.s32 @!p0 $0x2  }
0x120: {  	_ =	swait.ge @!p0 [sflag:s4], $0x800  }
0x121: {  	[sflag:s4] =	ssyncset.done @!p0 $0x0  }
0x122: {  	s6 =	sadd.s32 @!p0 $0x2880, s0;
	[sflag:s4] =	ssyncadd.s32 @!p0 $0xFFFFF800;
	s4 =	simm.s32 @!p0 $0x5800  }
0x123: {  	[spmem:s3] =	stream.indirect.scatter.add.f32 @!p0 [tilespmem:s4], [sflag:$0xA], $0x10, s6, s9, $0xb8;
	[tilespmem:$0x15510] =	vst v63  }
0x124: {  	s6 =	simm.s32 @!p0 $0xA  }
0x125: {  	_ =	swait.ge @!p0 [sflag:s6], $0x800  }
0x126: {  	[sflag:s6] =	ssyncset.done @!p0 $0x0  }
0x127: {  	[sflag:s6] =	ssyncadd.s32 @!p0 $0xFFFFF800;
	s6 =	sadd.s32 @!p0 $0x480, s0  }
0x128: {  	[tilespmem:s4], [sflag:$0x2] =	stream.indirect.gather @!p0 [spmem:s2], $0x10, s6, s9, $0xb8;
	[tilespmem:$0x15510] =	vst v63  }
0x129: {  	_ =	swait.ge [sflag:s18], $0x800  }
0x12a: {  	[sflag:s18] =	ssyncset.done $0x0  }
0x12b: {  	s23 =	sadd.s32 $0x2900, s8;
	s6 =	simm.s32 @p0 $0x4;
	[sflag:s18] =	ssyncadd.s32 $0xFFFFF800  }
0x12c: {  	[spmem:s3] =	stream.indirect.scatter.add.f32 [tilespmem:s26], [sflag:$0xB], $0x10, s23, s22, $0xb8;
	[tilespmem:$0x15510] =	vst v63  }
0x12d: {  	_ =	swait.ge @p0 [sflag:s6], $0x800  }
0x12e: {  	[sflag:s6] =	ssyncset.done @p0 $0x0  }
0x12f: {  	s4 =	sadd.s32 @p0 $0x2980, s1;
	[sflag:s6] =	ssyncadd.s32 @p0 $0xFFFFF800;
	s6 =	simm.s32 @p0 $0x6800  }
0x130: {  	[spmem:s3] =	stream.indirect.scatter.add.f32 @p0 [tilespmem:s6], [sflag:$0xC], $0x10, s4, s5, $0xb8;
	[tilespmem:$0x15510] =	vst v63  }
0x131: {  	s4 =	simm.s32 @!p0 $0xB  }
0x132: {  	_ =	swait.ge @!p0 [sflag:s4], $0x800  }
0x133: {  	[sflag:s4] =	ssyncset.done @!p0 $0x0  }
0x134: {  	s6 =	sadd.s32 @!p0 $0x500, s0;
	[sflag:s4] =	ssyncadd.s32 @!p0 $0xFFFFF800;
	s4 =	simm.s32 @!p0 $0x6000  }
0x135: {  	[tilespmem:s4], [sflag:$0x3] =	stream.indirect.gather @!p0 [spmem:s2], $0x10, s6, s9, $0xb8;
	[tilespmem:$0x15510] =	vst v63  }
0x136: {  	s4 =	simm.s32 @!p0 $0x4  }
0x137: {  	_ =	swait.ge @!p0 [sflag:s4], $0x800  }
0x138: {  	[sflag:s4] =	ssyncset.done @!p0 $0x0  }
0x139: {  	s6 =	sadd.s32 @!p0 $0x2980, s0;
	[sflag:s4] =	ssyncadd.s32 @!p0 $0xFFFFF800;
	s4 =	simm.s32 @!p0 $0x6800  }
0x13a: {  	[spmem:s3] =	stream.indirect.scatter.add.f32 @!p0 [tilespmem:s4], [sflag:$0xC], $0x10, s6, s9, $0xb8;
	[tilespmem:$0x15510] =	vst v63  }
0x13b: {  	s6 =	simm.s32 @!p0 $0xC  }
0x13c: {  	_ =	swait.ge @!p0 [sflag:s6], $0x800  }
0x13d: {  	[sflag:s6] =	ssyncset.done @!p0 $0x0  }
0x13e: {  	[sflag:s6] =	ssyncadd.s32 @!p0 $0xFFFFF800;
	s6 =	sadd.s32 @!p0 $0x580, s0  }
0x13f: {  	[tilespmem:s4], [sflag:$0x4] =	stream.indirect.gather @!p0 [spmem:s2], $0x10, s6, s9, $0xb8;
	[tilespmem:$0x15510] =	vst v63  }
0x140: {  	_ =	swait.ge [sflag:s25], $0x800  }
0x141: {  	[sflag:s25] =	ssyncset.done $0x0  }
0x142: {  	s30 =	sadd.s32 $0x2A00, s8;
	s4 =	simm.s32 @p0 $0x6;
	[sflag:s25] =	ssyncadd.s32 $0xFFFFF800  }
0x143: {  	[spmem:s3] =	stream.indirect.scatter.add.f32 [tilespmem:s31], [sflag:$0xD], $0x10, s30, s22, $0xb8;
	[tilespmem:$0x15510] =	vst v63  }
0x144: {  	_ =	swait.ge @p0 [sflag:s4], $0x800  }
0x145: {  	[sflag:s4] =	ssyncset.done @p0 $0x0  }
0x146: {  	s1 =	sadd.s32 @p0 $0x2A80, s1;
	[sflag:s4] =	ssyncadd.s32 @p0 $0xFFFFF800;
	s4 =	simm.s32 @p0 $0x7800  }
0x147: {  	[spmem:s3] =	stream.indirect.scatter.add.f32 @p0 [tilespmem:s4], [sflag:$0xE], $0x10, s1, s5, $0xb8;
	[tilespmem:$0x15510] =	vst v63  }
0x148: {  	s1 =	simm.s32 @!p0 $0xD  }
0x149: {  	_ =	swait.ge @!p0 [sflag:s1], $0x800  }
0x14a: {  	[sflag:s1] =	ssyncset.done @!p0 $0x0  }
0x14b: {  	s4 =	sadd.s32 @!p0 $0x600, s0;
	[sflag:s1] =	ssyncadd.s32 @!p0 $0xFFFFF800;
	s1 =	simm.s32 @!p0 $0x7000  }
0x14c: {  	[tilespmem:s1], [sflag:$0x5] =	stream.indirect.gather @!p0 [spmem:s2], $0x10, s4, s9, $0xb8;
	[tilespmem:$0x15510] =	vst v63  }
0x14d: {  	s1 =	simm.s32 @!p0 $0x6  }
0x14e: {  	_ =	swait.ge @!p0 [sflag:s1], $0x800  }
0x14f: {  	[sflag:s1] =	ssyncset.done @!p0 $0x0  }
0x150: {  	s4 =	sadd.s32 @!p0 $0x2A80, s0;
	[sflag:s1] =	ssyncadd.s32 @!p0 $0xFFFFF800;
	s1 =	simm.s32 @!p0 $0x7800  }
0x151: {  	[spmem:s3] =	stream.indirect.scatter.add.f32 @!p0 [tilespmem:s1], [sflag:$0xE], $0x10, s4, s9, $0xb8;
	[tilespmem:$0x15510] =	vst v63  }
0x152: {  	s4 =	simm.s32 @!p0 $0xE  }
0x153: {  	_ =	swait.ge @!p0 [sflag:s4], $0x800  }
0x154: {  	[sflag:s4] =	ssyncset.done @!p0 $0x0  }
0x155: {  	[sflag:s4] =	ssyncadd.s32 @!p0 $0xFFFFF800;
	s4 =	sadd.s32 @!p0 $0x680, s0  }
0x156: {  	[tilespmem:s1], [sflag:$0x6] =	stream.indirect.gather @!p0 [spmem:s2], $0x10, s4, s9, $0xb8;
	[tilespmem:$0x15510] =	vst v63  }
0x157: {  	_ =	swait.ge [sflag:s28], $0x800  }
0x158: {  	[sflag:s28] =	ssyncset.done $0x0  }
0x159: {  	s5 =	sadd.s32 $0x2B00, s8;
	s1 =	simm.s32 @!p0 $0xF;
	[sflag:s28] =	ssyncadd.s32 $0xFFFFF800  }
0x15a: {  	[spmem:s3] =	stream.indirect.scatter.add.f32 [tilespmem:s21], [sflag:$0xF], $0x10, s5, s22, $0xb8;
	[tilespmem:$0x15510] =	vst v63  }
0x15b: {  	_ =	swait.ge @!p0 [sflag:s1], $0x800  }
0x15c: {  	[sflag:s1] =	ssyncset.done @!p0 $0x0  }
0x15d: {  	s0 =	sadd.s32 @!p0 $0x700, s0;
	[sflag:s1] =	ssyncadd.s32 @!p0 $0xFFFFF800;
	s1 =	simm.s32 @!p0 $0x8000  }
0x15e: {  	[tilespmem:s1], [sflag:$0x7] =	stream.indirect.gather @!p0 [spmem:s2], $0x10, s0, s9, $0xb8;
	[tilespmem:$0x15510] =	vst v63  }
0x15f: {  	_ =	swait.ge [sflag:s29], $0x800  }
0x160: {  	[sflag:s29] =	ssyncset.done $0x0  }
0x161: {  	s7 =	simm.s32 $0x9;
	s6 =	sadd.s32 $0x2B80, s8;
	[sflag:s29] =	ssyncadd.s32 $0xFFFFF800  }
0x162: {  	[spmem:s3] =	stream.indirect.scatter.add.f32 [tilespmem:s24], [sflag:$0x10], $0x10, s6, s22, $0xb8;
	[tilespmem:$0x15510] =	vst v63  }
0x163: {  	_ =	swait.ge [sflag:s7], $0x800  }
0x164: {  	[sflag:s7] =	ssyncset.done $0x0  }
0x165: {  	s8 =	simm.s32 $0xA;
	[sflag:s7] =	ssyncadd.s32 $0xFFFFF800  }
0x166: {  	_ =	swait.ge [sflag:s8], $0x800  }
0x167: {  	[sflag:s8] =	ssyncset.done $0x0  }
0x168: {  	s9 =	simm.s32 $0xB;
	[sflag:s8] =	ssyncadd.s32 $0xFFFFF800  }
0x169: {  	_ =	swait.ge [sflag:s9], $0x800  }
0x16a: {  	[sflag:s9] =	ssyncset.done $0x0  }
0x16b: {  	s11 =	simm.s32 $0xC;
	[sflag:s9] =	ssyncadd.s32 $0xFFFFF800  }
0x16c: {  	_ =	swait.ge [sflag:s11], $0x800  }
0x16d: {  	[sflag:s11] =	ssyncset.done $0x0  }
0x16e: {  	s12 =	simm.s32 $0xD;
	[sflag:s11] =	ssyncadd.s32 $0xFFFFF800  }
0x16f: {  	_ =	swait.ge [sflag:s12], $0x800  }
0x170: {  	[sflag:s12] =	ssyncset.done $0x0  }
0x171: {  	s13 =	simm.s32 $0xE;
	[sflag:s12] =	ssyncadd.s32 $0xFFFFF800  }
0x172: {  	_ =	swait.ge [sflag:s13], $0x800  }
0x173: {  	[sflag:s13] =	ssyncset.done $0x0  }
0x174: {  	s14 =	simm.s32 $0xF;
	[sflag:s13] =	ssyncadd.s32 $0xFFFFF800  }
0x175: {  	_ =	swait.ge [sflag:s14], $0x800  }
0x176: {  	[sflag:s14] =	ssyncset.done $0x0  }
0x177: {  	s15 =	simm.s32 $0x10;
	[sflag:s14] =	ssyncadd.s32 $0xFFFFF800  }
0x178: {  	_ =	swait.ge [sflag:s15], $0x800  }
0x179: {  	[sflag:s15] =	ssyncset.done $0x0  }
0x17a: {  	s17 =	stileid.u32;
	[sflag:s15] =	ssyncadd.s32 $0xFFFFF800  }
0x17b: {  	s0 =	sshll.u32 s17, $0x6;
	[bflag:$0x0] =	sbarrier.arrive $0xFFFF  }
0x17c: {  	s0 =	sor.u32 $0x1C11, s0;
	s4 =	rddreg [dreg:$0xa]  }
0x17d: {  	s7 =	simm.s32 $0x11;
	s20 =	rddreg [dreg:$0xb];
	s19 =	sshrl.u32 s4, $0x3  }
0x17e: {  	[hbm:s20], [sflag:s0] =	dma.local [spmem:s19], $0x4F0  }
0x17f: {  	_ =	swait.ge [sflag:s7], $0x4F0  }
0x180: {  	s23 =	rddreg [dreg:$0xd]  }
0x181: {  	s30 =	rddreg [dreg:$0xc];
	s1 =	sadd.s32 $0x1, s23  }
0x182: {  	p0 =	sne.s32 s1, s30  }
.Ltmp3:
0x183: {  	_ = 	snop;
	(pc) =	sbr.rel @p0 .LBB2_1-.Ltmp3, $3  }
0x184: {  	_ =	sdelay $0x1  }
0x185: {  	[sflag:s7] =	ssyncset.done $0x0  }
0x186: {  	s6 =	simm.s32 $0xB780;
	[sflag:s7] =	ssyncadd.s32 $0xFFFFFB10  }
0x187: {  	_ =	sfence.sel $0x180000  }
0x188: {  	[bflag:$0x0] =	sbarrier.arrive $0xFFFF  }
0x189: {  	_ =	strace $0x9000004A  }
0x18a: {  	s0 =	stileid.u32;
	[bflag:$0x2] =	sbarrier.arrive $0xFFFF  }
0x18b: {  	p0 =	sne.s32 s0, $0x0;
	s0 =	rddreg [dreg:$0x4]  }
0x18c: {  	s0 =	sadd.s32 @!p0 $0x100000, s0  }
0x18d: {  	[sflag:s0] =	ssyncadd.tile.s32 @!p0 $0x1;
	_ =	shalt  }
.Lfunc_end2:
_tile_overlayer_lowered:
.L_overlay_start_2:
0x18e: {  	(tag) =	ssettag $0x2  }
0x18f: {  	s0 =	rddreg [dreg:$0x0];
	s2 =	stileid.u32  }
0x190: {  	s1 =	rddreg [dreg:$0x1];
	p0 =	sne.s32 s2, $0x0  }
0x191: {  	s3 =	rddreg [dreg:$0x2];
	[bflag:$0x3] =	sbarrier.arrive $0xFFFF;
	s2 =	simm.s32 @!p0 $0x1C11  }
0x192: {  	[timem:s3], [sflag:s2] =	dma.local @!p0 [hbm:s0], s1  }
0x193: {  	s0 =	simm.s32 @!p0 $0x11  }
0x194: {  	_ =	swait.ge @!p0 [sflag:s0], s1  }
0x195: {  	s1 =	ssub.s32 @!p0 $0x0, s1;
	[sflag:s0] =	ssyncset.done @!p0 $0x0  }
0x196: {  	[sflag:s0] =	ssyncadd.s32 @!p0 s1  }
0x197: {  	[bflag:$0x3] =	sbarrier.arrive $0xFFFF  }
0x198: {  	_ =	shalt  }

</sc_bundles>
